<compile_context>
chip_gen: v7x
topology: tpu7x:2x2x1
jax: 0.10.2.dev20260603
libtpu: 0.0.44.dev20260713+nightly
codegen_flags: <defaults>
</compile_context>

<pallas_src>
import functools

import jax
import jax.numpy as jnp
from jax import lax
from jax.experimental import pallas as pl
from jax.experimental.pallas import tpu as pltpu
from jax.experimental.pallas import tpu_sc as plsc

_SEQ = 200
_D = 64
_LANES = 16
_SCALE = 8.0

_info = plsc.get_sparse_core_info()
_NC = _info.num_cores
_NS = _info.num_subcores
_NW = _NC * _NS


def _build_sc_gather(BATCH: int, V: int):
    ST = _SEQ // 8
    BT = BATCH // 128
    DT = _D // 8
    assert BT == _NW

    mesh = plsc.VectorSubcoreMesh(core_axis_name="c", subcore_axis_name="s")

    @functools.partial(
        pl.kernel,
        out_type=jax.ShapeDtypeStruct((_SEQ, DT, BT, 8, 128), jnp.float32),
        mesh=mesh,
        scratch_types=[
            pltpu.VMEM((512,), jnp.int32),
            pltpu.VMEM((512,), jnp.int32),
            pltpu.VMEM((_SEQ, _D), jnp.float32),
            pltpu.VMEM((512, _D), jnp.float32),
            pltpu.VMEM((512, _D), jnp.float32),
            pltpu.VMEM((2, DT, 8, 129), jnp.float32),
            pltpu.VMEM((2, DT, 8, 129), jnp.float32),
            pltpu.SemaphoreType.DMA,
            pltpu.SemaphoreType.DMA,
            pltpu.SemaphoreType.DMA,
            pltpu.SemaphoreType.DMA,
            pltpu.SemaphoreType.DMA,
            pltpu.SemaphoreType.DMA,
        ],
        compiler_params=pltpu.CompilerParams(
            use_tc_tiling_on_sc=False, needs_layout_passes=False),
    )
    def sc_kernel(idx4_hbm, ttab_hbm, ptab_hbm, out_hbm,
                  idx0, idx1, pos_v, rows0, rows1, stg0, stg1,
                  sg0, sg1, so0, so1, si0, si1):
        idx_v = (idx0, idx1)
        rows_v = (rows0, rows1)
        stg_v = (stg0, stg1)
        sg = (sg0, sg1)
        so = (so0, so1)
        si = (si0, si1)

        bt = lax.axis_index("s") * _NC + lax.axis_index("c")
        pltpu.sync_copy(ptab_hbm, pos_v)

        iota = lax.iota(jnp.int32, _LANES)
        di_vec = iota & 7
        dt_vecs = [(iota >> 3) + 2 * dj for dj in range(_D // _LANES)]

        def idx_copy(g, pb):
            return pltpu.make_async_copy(
                idx4_hbm.at[bt, pl.ds(g * 512, 512)], idx_v[pb], si[pb])

        def gather(p):
            return pltpu.make_async_copy(
                ttab_hbm.at[idx_v[p]], rows_v[p], sg[p])

        def out_copy(s, p):
            return pltpu.make_async_copy(
                stg_v[p].at[:, :, :, pl.ds(0, 128)],
                out_hbm.at[pl.ds(s, 2), :, bt], so[p])

        n_g = _SEQ // 4
        pltpu.sync_copy(idx4_hbm.at[bt, pl.ds(0, 512)], idx_v[0])
        gather(0).start()
        idx_copy(1, 1).start()

        def gg_body(gg, carry):
            for pg in range(2):
                g = gg * 2 + pg
                gather(pg).wait()
                @pl.when(g + 1 < n_g)
                def _():
                    idx_copy(g + 1, 1 - pg).wait()
                    gather(1 - pg).start()
                @pl.when(g + 2 < n_g)
                def _():
                    idx_copy(g + 2, pg).start()

                rows = rows_v[pg]
                for sub in range(2):
                    s = g * 4 + sub * 2
                    po = sub
                    @pl.when(g > 0)
                    def _():
                        out_copy(s, po).wait()
                    for half in range(2):
                        stg = stg_v[po].at[half]
                        pvs = [pos_v[s + half, pl.ds(dj * _LANES, _LANES)]
                               for dj in range(_D // _LANES)]

                        @plsc.parallel_loop(0, 128, unroll=8)
                        def _(bi, _off=sub * 256 + half * 128,
                              _stg=stg, _pvs=pvs):
                            bi_vec = jnp.broadcast_to(bi, (_LANES,))
                            for dj in range(_D // _LANES):
                                v = rows[_off + bi,
                                         pl.ds(dj * _LANES, _LANES)]
                                plsc.store_scatter(
                                    _stg, [dt_vecs[dj], di_vec, bi_vec],
                                    v * _SCALE + _pvs[dj])
                    out_copy(s, po).start()
            return carry

        lax.fori_loop(0, n_g // 2, gg_body, 0, unroll=False)
        out_copy(_SEQ - 4, 0).wait()
        out_copy(_SEQ - 2, 1).wait()

    return sc_kernel


@jax.jit
def kernel(inputs, token_table, position_table):
    batch, seq = inputs.shape
    v, d = token_table.shape
    st, bt = seq // 8, batch // 128
    idx4 = (inputs.T.reshape(st, 8, bt, 128).transpose(2, 0, 1, 3)
            .reshape(bt, seq * 128).astype(jnp.int32))
    fn = _build_sc_gather(batch, v)
    out5 = fn(idx4, token_table, position_table)
    out = out5.transpose(0, 1, 3, 2, 4).reshape(seq, d, batch)
    return out.transpose(2, 0, 1)

# --- scband reference (transcript-rebuilt; emitter-appended) ---
"""Pipeline reference for scband-positional-embedding-57501022158849 (READ-ONLY COPY).

The authoritative reference and input builder live on the scoring server;
editing this copy changes nothing except your own understanding.
"""

import jax, jax.numpy as jnp
import numpy as np

SEQUENCE_LENGTH = 200
VOCAB_SIZE = 100000
EMBED_DIM = 64
BATCH = 4096

def setup_inputs(seed: int = 0) -> dict:
    key = jax.random.key(seed)
    k1, k2, k3 = jax.random.split(key, 3)
    inputs = jax.random.randint(k1, (BATCH, SEQUENCE_LENGTH), 0, VOCAB_SIZE, dtype=jnp.int64 if jax.config.read('jax_enable_x64') else jnp.int32)
    token_table = jax.random.normal(k2, (VOCAB_SIZE, EMBED_DIM), dtype=jnp.float32) * 0.05
    position_table = jax.random.normal(k3, (SEQUENCE_LENGTH, EMBED_DIM), dtype=jnp.float32) * 0.05
    return {"inputs": inputs, "token_table": token_table, "position_table": position_table}

def reference(inputs, token_table, position_table):
    embed_scale = jnp.sqrt(jnp.asarray(EMBED_DIM, dtype=jnp.float32))
    # token embedding lookup (gather)
    embedded_tokens = jnp.take(token_table, inputs, axis=0)
    embedded_tokens = embedded_tokens * embed_scale
    # positional embedding lookup
    length = inputs.shape[-1]
    positions = jnp.arange(0, length, 1)
    embedded_positions = jnp.take(position_table, positions, axis=0)
    return embedded_tokens + embedded_positions

if __name__ == "__main__":
    import jax
    _d = setup_inputs()
    print(jax.jit(kernel)(*tuple(_d.values())))

</pallas_src>

<mosaic_0001>
#map = affine_map<(d0, d1) -> (0, 0)>
#map1 = affine_map<(d0, d1) -> (0, 0, 0, 0, 0)>
module attributes {stable_mosaic.version = 14 : i64} {
  func.func @sc_kernel(%arg0: i32, %arg1: i32, %arg2: memref<32x25600xi32, #tpu.memory_space<hbm>>, %arg3: memref<100000x64xf32, #tpu.memory_space<hbm>>, %arg4: memref<200x64xf32, #tpu.memory_space<hbm>>, %arg5: memref<200x8x32x8x128xf32, #tpu.memory_space<hbm>>, %arg6: memref<512xi32, #tpu.memory_space<vmem>>, %arg7: memref<512xi32, #tpu.memory_space<vmem>>, %arg8: memref<200x64xf32, #tpu.memory_space<vmem>>, %arg9: memref<512x64xf32, #tpu.memory_space<vmem>>, %arg10: memref<512x64xf32, #tpu.memory_space<vmem>>, %arg11: memref<2x8x8x129xf32, #tpu.memory_space<vmem>>, %arg12: memref<2x8x8x129xf32, #tpu.memory_space<vmem>>, %arg13: memref<!tpu.dma_semaphore, #tpu.memory_space<semaphore_mem>>, %arg14: memref<!tpu.dma_semaphore, #tpu.memory_space<semaphore_mem>>, %arg15: memref<!tpu.dma_semaphore, #tpu.memory_space<semaphore_mem>>, %arg16: memref<!tpu.dma_semaphore, #tpu.memory_space<semaphore_mem>>, %arg17: memref<!tpu.dma_semaphore, #tpu.memory_space<semaphore_mem>>, %arg18: memref<!tpu.dma_semaphore, #tpu.memory_space<semaphore_mem>>) attributes {dimension_semantics = [#tpu.dimension_semantics<core_parallel>, #tpu.dimension_semantics<subcore_parallel>], iteration_bounds = array<i64: 2, 16>, scalar_prefetch = 0 : i64, scratch_operands = 13 : i64, tpu.core_type = #tpu.core_type<sc_vector_subcore>, window_params = [{transform_indices = #map}, {transform_indices = #map}, {transform_indices = #map}, {transform_indices = #map1}]} {
    %mul3A = arith.constant 2 : i32
    %mul3A_0 = arith.muli %arg1, %mul3A : i32
    %add3A = arith.addi %mul3A_0, %arg0 : i32
    "tpu.region"() ({
      %run_scoped3A = tpu.sem_alloc : memref<!tpu.dma_semaphore, #tpu.memory_space<semaphore_mem>>
      tpu.enqueue_dma source(%arg4 : memref<200x64xf32, #tpu.memory_space<hbm>>) target(%arg8 : memref<200x64xf32, #tpu.memory_space<vmem>>) target_semaphore(%run_scoped3A : memref<!tpu.dma_semaphore, #tpu.memory_space<semaphore_mem>>)
      tpu.wait_dma2 semaphore(%run_scoped3A : memref<!tpu.dma_semaphore, #tpu.memory_space<semaphore_mem>>) src(%arg4 : memref<200x64xf32, #tpu.memory_space<hbm>>) dst(%arg8 : memref<200x64xf32, #tpu.memory_space<vmem>>)
      tpu.yield
    }) : () -> ()
    %iota3A = tpu.iota {dimensions = array<i32: 0>} : vector<16xi32>
    %and3A = arith.constant 7 : i32
    %and3A_1 = vector.broadcast %and3A : i32 to vector<16xi32>
    %and3A_2 = arith.andi %iota3A, %and3A_1 : vector<16xi32>
    %shift_right_arithmetic3A = arith.constant 3 : i32
    %shift_right_arithmetic3A_3 = vector.broadcast %shift_right_arithmetic3A : i32 to vector<16xi32>
    %shift_right_arithmetic3A_4 = arith.shrsi %iota3A, %shift_right_arithmetic3A_3 : vector<16xi32>
    %add3A_5 = arith.constant 0 : i32
    %add3A_6 = vector.broadcast %add3A_5 : i32 to vector<16xi32>
    %add3A_7 = arith.addi %shift_right_arithmetic3A_4, %add3A_6 : vector<16xi32>
    %shift_right_arithmetic3A_8 = arith.constant 3 : i32
    %shift_right_arithmetic3A_9 = vector.broadcast %shift_right_arithmetic3A_8 : i32 to vector<16xi32>
    %shift_right_arithmetic3A_10 = arith.shrsi %iota3A, %shift_right_arithmetic3A_9 : vector<16xi32>
    %add3A_11 = arith.constant 2 : i32
    %add3A_12 = vector.broadcast %add3A_11 : i32 to vector<16xi32>
    %add3A_13 = arith.addi %shift_right_arithmetic3A_10, %add3A_12 : vector<16xi32>
    %shift_right_arithmetic3A_14 = arith.constant 3 : i32
    %shift_right_arithmetic3A_15 = vector.broadcast %shift_right_arithmetic3A_14 : i32 to vector<16xi32>
    %shift_right_arithmetic3A_16 = arith.shrsi %iota3A, %shift_right_arithmetic3A_15 : vector<16xi32>
    %add3A_17 = arith.constant 4 : i32
    %add3A_18 = vector.broadcast %add3A_17 : i32 to vector<16xi32>
    %add3A_19 = arith.addi %shift_right_arithmetic3A_16, %add3A_18 : vector<16xi32>
    %shift_right_arithmetic3A_20 = arith.constant 3 : i32
    %shift_right_arithmetic3A_21 = vector.broadcast %shift_right_arithmetic3A_20 : i32 to vector<16xi32>
    %shift_right_arithmetic3A_22 = arith.shrsi %iota3A, %shift_right_arithmetic3A_21 : vector<16xi32>
    %add3A_23 = arith.constant 6 : i32
    %add3A_24 = vector.broadcast %add3A_23 : i32 to vector<16xi32>
    %add3A_25 = arith.addi %shift_right_arithmetic3A_22, %add3A_24 : vector<16xi32>
    "tpu.region"() ({
      %run_scoped3A = tpu.sem_alloc : memref<!tpu.dma_semaphore, #tpu.memory_space<semaphore_mem>>
      %dma_start3A_82 = arith.constant 0 : i32
      %dma_start3A_83 = tpu.memref_slice %arg2[%add3A, %dma_start3A_82] : memref<32x25600xi32, #tpu.memory_space<hbm>> -> memref<1x512xi32, #tpu.memory_space<hbm>>
      %dma_start3A_84 = tpu.memref_squeeze %dma_start3A_83 : memref<1x512xi32, #tpu.memory_space<hbm>> -> memref<512xi32, #tpu.memory_space<hbm>>
      %dma_start3A_85 = arith.constant 0 : i32
      %dma_start3A_86 = tpu.memref_slice %arg2[%add3A, %dma_start3A_85] : memref<32x25600xi32, #tpu.memory_space<hbm>> -> memref<1x512xi32, #tpu.memory_space<hbm>>
      %dma_start3A_87 = tpu.memref_squeeze %dma_start3A_86 : memref<1x512xi32, #tpu.memory_space<hbm>> -> memref<512xi32, #tpu.memory_space<hbm>>
      tpu.enqueue_dma source(%dma_start3A_87 : memref<512xi32, #tpu.memory_space<hbm>>) target(%arg6 : memref<512xi32, #tpu.memory_space<vmem>>) target_semaphore(%run_scoped3A : memref<!tpu.dma_semaphore, #tpu.memory_space<semaphore_mem>>)
      %dma_wait3A_88 = arith.constant 0 : i32
      %dma_wait3A_89 = tpu.memref_slice %arg2[%add3A, %dma_wait3A_88] : memref<32x25600xi32, #tpu.memory_space<hbm>> -> memref<1x512xi32, #tpu.memory_space<hbm>>
      %dma_wait3A_90 = tpu.memref_squeeze %dma_wait3A_89 : memref<1x512xi32, #tpu.memory_space<hbm>> -> memref<512xi32, #tpu.memory_space<hbm>>
      %dma_wait3A_91 = arith.constant 0 : i32
      %dma_wait3A_92 = tpu.memref_slice %arg2[%add3A, %dma_wait3A_91] : memref<32x25600xi32, #tpu.memory_space<hbm>> -> memref<1x512xi32, #tpu.memory_space<hbm>>
      %dma_wait3A_93 = tpu.memref_squeeze %dma_wait3A_92 : memref<1x512xi32, #tpu.memory_space<hbm>> -> memref<512xi32, #tpu.memory_space<hbm>>
      tpu.wait_dma2 semaphore(%run_scoped3A : memref<!tpu.dma_semaphore, #tpu.memory_space<semaphore_mem>>) src(%dma_wait3A_93 : memref<512xi32, #tpu.memory_space<hbm>>) dst(%arg6 : memref<512xi32, #tpu.memory_space<vmem>>)
      tpu.yield
    }) : () -> ()
    %dma_start3A = arith.constant 0 : i32
    %dma_start3A_26 = arith.constant 0 : i32
    %dma_start3A_27 = tpu.memref_slice %arg3[%dma_start3A, %dma_start3A_26] : memref<100000x64xf32, #tpu.memory_space<hbm>> -> memref<100000x64xf32, #tpu.memory_space<hbm>>
    tpu.enqueue_indirect_dma source(%dma_start3A_27 : memref<100000x64xf32, #tpu.memory_space<hbm>>) target(%arg9 : memref<512x64xf32, #tpu.memory_space<vmem>>) offsets(%arg6 : memref<512xi32, #tpu.memory_space<vmem>>) semaphore(%arg13 : memref<!tpu.dma_semaphore, #tpu.memory_space<semaphore_mem>>)
    %dma_start3A_28 = arith.constant 512 : i32
    %dma_start3A_29 = tpu.memref_slice %arg2[%add3A, %dma_start3A_28] : memref<32x25600xi32, #tpu.memory_space<hbm>> -> memref<1x512xi32, #tpu.memory_space<hbm>>
    %dma_start3A_30 = tpu.memref_squeeze %dma_start3A_29 : memref<1x512xi32, #tpu.memory_space<hbm>> -> memref<512xi32, #tpu.memory_space<hbm>>
    %dma_start3A_31 = arith.constant 512 : i32
    %dma_start3A_32 = tpu.memref_slice %arg2[%add3A, %dma_start3A_31] : memref<32x25600xi32, #tpu.memory_space<hbm>> -> memref<1x512xi32, #tpu.memory_space<hbm>>
    %dma_start3A_33 = tpu.memref_squeeze %dma_start3A_32 : memref<1x512xi32, #tpu.memory_space<hbm>> -> memref<512xi32, #tpu.memory_space<hbm>>
    tpu.enqueue_dma source(%dma_start3A_33 : memref<512xi32, #tpu.memory_space<hbm>>) target(%arg7 : memref<512xi32, #tpu.memory_space<vmem>>) target_semaphore(%arg18 : memref<!tpu.dma_semaphore, #tpu.memory_space<semaphore_mem>>)
    %scan3A = arith.constant 0 : i32
    %scan3A_34 = arith.constant 0 : i32
    %scan3A_35 = arith.constant 25 : i32
    %scan3A_36 = arith.addi %scan3A_34, %scan3A_35 : i32
    %scan3A_37 = arith.constant 1 : i32
    scf.for %scan3A_82 = %scan3A_34 to %scan3A_36 step %scan3A_37  : i32 {
      %mul3A_83 = arith.constant 2 : i32
      %mul3A_84 = arith.muli %scan3A_82, %mul3A_83 : i32
      %add3A_85 = arith.constant 0 : i32
      %add3A_86 = arith.addi %mul3A_84, %add3A_85 : i32
      %dma_wait3A_87 = arith.constant 0 : i32
      %dma_wait3A_88 = arith.constant 0 : i32
      %dma_wait3A_89 = tpu.memref_slice %arg3[%dma_wait3A_87, %dma_wait3A_88] : memref<100000x64xf32, #tpu.memory_space<hbm>> -> memref<100000x64xf32, #tpu.memory_space<hbm>>
      tpu.wait_indirect_dma semaphore(%arg13 : memref<!tpu.dma_semaphore, #tpu.memory_space<semaphore_mem>>) src(%dma_wait3A_89 : memref<100000x64xf32, #tpu.memory_space<hbm>>) dst(%arg9 : memref<512x64xf32, #tpu.memory_space<vmem>>)
      %add3A_90 = arith.constant 1 : i32
      %add3A_91 = arith.addi %add3A_86, %add3A_90 : i32
      %lt3A = arith.constant 50 : i32
      %lt3A_92 = arith.cmpi slt, %add3A_91, %lt3A : i32
      %convert_element_type3A = arith.extui %lt3A_92 : i1 to i32
      %cond3A = arith.constant 0 : i32
      %cond3A_93 = arith.cmpi ne, %convert_element_type3A, %cond3A : i32
      scf.if %cond3A_93 {
        %add3A_427 = arith.constant 1 : i32
        %add3A_428 = arith.addi %add3A_86, %add3A_427 : i32
        %mul3A_429 = arith.constant 512 : i32
        %mul3A_430 = arith.muli %add3A_428, %mul3A_429 : i32
        %dma_wait3A_431 = tpu.memref_slice %arg2[%add3A, %mul3A_430] : memref<32x25600xi32, #tpu.memory_space<hbm>> -> memref<1x512xi32, #tpu.memory_space<hbm>>
        %dma_wait3A_432 = tpu.memref_squeeze %dma_wait3A_431 : memref<1x512xi32, #tpu.memory_space<hbm>> -> memref<512xi32, #tpu.memory_space<hbm>>
        %dma_wait3A_433 = tpu.memref_slice %arg2[%add3A, %mul3A_430] : memref<32x25600xi32, #tpu.memory_space<hbm>> -> memref<1x512xi32, #tpu.memory_space<hbm>>
        %dma_wait3A_434 = tpu.memref_squeeze %dma_wait3A_433 : memref<1x512xi32, #tpu.memory_space<hbm>> -> memref<512xi32, #tpu.memory_space<hbm>>
        tpu.wait_dma2 semaphore(%arg18 : memref<!tpu.dma_semaphore, #tpu.memory_space<semaphore_mem>>) src(%dma_wait3A_434 : memref<512xi32, #tpu.memory_space<hbm>>) dst(%arg7 : memref<512xi32, #tpu.memory_space<vmem>>)
        %dma_start3A_435 = arith.constant 0 : i32
        %dma_start3A_436 = arith.constant 0 : i32
        %dma_start3A_437 = tpu.memref_slice %arg3[%dma_start3A_435, %dma_start3A_436] : memref<100000x64xf32, #tpu.memory_space<hbm>> -> memref<100000x64xf32, #tpu.memory_space<hbm>>
        tpu.enqueue_indirect_dma source(%dma_start3A_437 : memref<100000x64xf32, #tpu.memory_space<hbm>>) target(%arg10 : memref<512x64xf32, #tpu.memory_space<vmem>>) offsets(%arg7 : memref<512xi32, #tpu.memory_space<vmem>>) semaphore(%arg14 : memref<!tpu.dma_semaphore, #tpu.memory_space<semaphore_mem>>)
      } else {
      }
      %add3A_94 = arith.constant 2 : i32
      %add3A_95 = arith.addi %add3A_86, %add3A_94 : i32
      %lt3A_96 = arith.constant 50 : i32
      %lt3A_97 = arith.cmpi slt, %add3A_95, %lt3A_96 : i32
      %convert_element_type3A_98 = arith.extui %lt3A_97 : i1 to i32
      %cond3A_99 = arith.constant 0 : i32
      %cond3A_100 = arith.cmpi ne, %convert_element_type3A_98, %cond3A_99 : i32
      scf.if %cond3A_100 {
        %add3A_427 = arith.constant 2 : i32
        %add3A_428 = arith.addi %add3A_86, %add3A_427 : i32
        %mul3A_429 = arith.constant 512 : i32
        %mul3A_430 = arith.muli %add3A_428, %mul3A_429 : i32
        %dma_start3A_431 = tpu.memref_slice %arg2[%add3A, %mul3A_430] : memref<32x25600xi32, #tpu.memory_space<hbm>> -> memref<1x512xi32, #tpu.memory_space<hbm>>
        %dma_start3A_432 = tpu.memref_squeeze %dma_start3A_431 : memref<1x512xi32, #tpu.memory_space<hbm>> -> memref<512xi32, #tpu.memory_space<hbm>>
        %dma_start3A_433 = tpu.memref_slice %arg2[%add3A, %mul3A_430] : memref<32x25600xi32, #tpu.memory_space<hbm>> -> memref<1x512xi32, #tpu.memory_space<hbm>>
        %dma_start3A_434 = tpu.memref_squeeze %dma_start3A_433 : memref<1x512xi32, #tpu.memory_space<hbm>> -> memref<512xi32, #tpu.memory_space<hbm>>
        tpu.enqueue_dma source(%dma_start3A_434 : memref<512xi32, #tpu.memory_space<hbm>>) target(%arg6 : memref<512xi32, #tpu.memory_space<vmem>>) target_semaphore(%arg17 : memref<!tpu.dma_semaphore, #tpu.memory_space<semaphore_mem>>)
      } else {
      }
      %mul3A_101 = arith.constant 4 : i32
      %mul3A_102 = arith.muli %add3A_86, %mul3A_101 : i32
      %add3A_103 = arith.constant 0 : i32
      %add3A_104 = arith.addi %mul3A_102, %add3A_103 : i32
      %gt3A = arith.constant 0 : i32
      %gt3A_105 = arith.cmpi sgt, %add3A_86, %gt3A : i32
      %convert_element_type3A_106 = arith.extui %gt3A_105 : i1 to i32
      %cond3A_107 = arith.constant 0 : i32
      %cond3A_108 = arith.cmpi ne, %convert_element_type3A_106, %cond3A_107 : i32
      scf.if %cond3A_108 {
        %dma_wait3A_427 = arith.constant 0 : i32
        %dma_wait3A_428 = arith.constant 0 : i32
        %dma_wait3A_429 = arith.constant 0 : i32
        %dma_wait3A_430 = arith.constant 0 : i32
        %dma_wait3A_431 = tpu.memref_slice %arg11[%dma_wait3A_427, %dma_wait3A_428, %dma_wait3A_429, %dma_wait3A_430] : memref<2x8x8x129xf32, #tpu.memory_space<vmem>> -> memref<2x8x8x128xf32, #tpu.memory_space<vmem>>
        %dma_wait3A_432 = arith.constant 0 : i32
        %dma_wait3A_433 = arith.constant 0 : i32
        %dma_wait3A_434 = arith.constant 0 : i32
        %dma_wait3A_435 = tpu.memref_slice %arg5[%add3A_104, %dma_wait3A_432, %add3A, %dma_wait3A_433, %dma_wait3A_434] : memref<200x8x32x8x128xf32, #tpu.memory_space<hbm>> -> memref<2x8x1x8x128xf32, #tpu.memory_space<hbm>>
        %dma_wait3A_436 = tpu.memref_squeeze %dma_wait3A_435 : memref<2x8x1x8x128xf32, #tpu.memory_space<hbm>> -> memref<2x8x8x128xf32, #tpu.memory_space<hbm>>
        %dma_wait3A_437 = arith.constant 0 : i32
        %dma_wait3A_438 = arith.constant 0 : i32
        %dma_wait3A_439 = arith.constant 0 : i32
        %dma_wait3A_440 = tpu.memref_slice %arg5[%add3A_104, %dma_wait3A_437, %add3A, %dma_wait3A_438, %dma_wait3A_439] : memref<200x8x32x8x128xf32, #tpu.memory_space<hbm>> -> memref<2x8x1x8x128xf32, #tpu.memory_space<hbm>>
        %dma_wait3A_441 = tpu.memref_squeeze %dma_wait3A_440 : memref<2x8x1x8x128xf32, #tpu.memory_space<hbm>> -> memref<2x8x8x128xf32, #tpu.memory_space<hbm>>
        %dma_wait3A_442 = arith.constant 0 : i32
        %dma_wait3A_443 = arith.constant 0 : i32
        %dma_wait3A_444 = arith.constant 0 : i32
        %dma_wait3A_445 = arith.constant 0 : i32
        %dma_wait3A_446 = tpu.memref_slice %arg11[%dma_wait3A_442, %dma_wait3A_443, %dma_wait3A_444, %dma_wait3A_445] : memref<2x8x8x129xf32, #tpu.memory_space<vmem>> -> memref<2x8x8x128xf32, #tpu.memory_space<vmem>>
        tpu.wait_dma2 semaphore(%arg15 : memref<!tpu.dma_semaphore, #tpu.memory_space<semaphore_mem>>) src(%dma_wait3A_446 : memref<2x8x8x128xf32, #tpu.memory_space<vmem>>) dst(%dma_wait3A_441 : memref<2x8x8x128xf32, #tpu.memory_space<hbm>>)
      } else {
      }
      %add3A_109 = arith.constant 0 : i32
      %add3A_110 = arith.addi %add3A_104, %add3A_109 : i32
      %get3A = arith.index_cast %add3A_110 : i32 to index
      %get3A_111 = arith.constant 0 : index
      %get3A_112 = tpu.vector_load %arg8[%get3A, %get3A_111] {strides = array<i32>} : memref<200x64xf32, #tpu.memory_space<vmem>>, vector<16xf32>,
      %add3A_113 = arith.constant 0 : i32
      %add3A_114 = arith.addi %add3A_104, %add3A_113 : i32
      %get3A_115 = arith.index_cast %add3A_114 : i32 to index
      %get3A_116 = arith.constant 16 : index
      %get3A_117 = tpu.vector_load %arg8[%get3A_115, %get3A_116] {strides = array<i32>} : memref<200x64xf32, #tpu.memory_space<vmem>>, vector<16xf32>,
      %add3A_118 = arith.constant 0 : i32
      %add3A_119 = arith.addi %add3A_104, %add3A_118 : i32
      %get3A_120 = arith.index_cast %add3A_119 : i32 to index
      %get3A_121 = arith.constant 32 : index
      %get3A_122 = tpu.vector_load %arg8[%get3A_120, %get3A_121] {strides = array<i32>} : memref<200x64xf32, #tpu.memory_space<vmem>>, vector<16xf32>,
      %add3A_123 = arith.constant 0 : i32
      %add3A_124 = arith.addi %add3A_104, %add3A_123 : i32
      %get3A_125 = arith.index_cast %add3A_124 : i32 to index
      %get3A_126 = arith.constant 48 : index
      %get3A_127 = tpu.vector_load %arg8[%get3A_125, %get3A_126] {strides = array<i32>} : memref<200x64xf32, #tpu.memory_space<vmem>>, vector<16xf32>,
      %parallel_loop3A = arith.constant 0 : i32
      %parallel_loop3A_128 = arith.constant 128 : i32
      %parallel_loop3A_129 = arith.constant 1 : i32
      %parallel_loop3A_130 = arith.constant 0 : i32
      scf.for %parallel_loop3A_427 = %parallel_loop3A to %parallel_loop3A_128 step %parallel_loop3A_129  : i32 {
        %parallel_loop3A_428 = vector.broadcast %parallel_loop3A_427 : i32 to vector<16xi32>
        %parallel_loop3A_429 = arith.constant 0 : i32
        %parallel_loop3A_430 = arith.addi %parallel_loop3A_429, %parallel_loop3A_427 : i32
        %parallel_loop3A_431 = arith.index_cast %parallel_loop3A_430 : i32 to index
        %parallel_loop3A_432 = arith.constant 0 : index
        %parallel_loop3A_433 = tpu.vector_load %arg9[%parallel_loop3A_431, %parallel_loop3A_432] {strides = array<i32>} : memref<512x64xf32, #tpu.memory_space<vmem>>, vector<16xf32>,
        %parallel_loop3A_434 = arith.constant 8.000000e+00 : f32
        %parallel_loop3A_435 = vector.broadcast %parallel_loop3A_434 : f32 to vector<16xf32>
        %parallel_loop3A_436 = arith.mulf %parallel_loop3A_433, %parallel_loop3A_435 : vector<16xf32>
        %parallel_loop3A_437 = arith.addf %parallel_loop3A_436, %get3A_112 : vector<16xf32>
        %parallel_loop3A_438 = arith.constant 0 : i32
        %parallel_loop3A_439 = arith.constant 0 : i32
        %parallel_loop3A_440 = arith.constant 0 : i32
        %parallel_loop3A_441 = tpu.memref_slice %arg11[%parallel_loop3A_130, %parallel_loop3A_438, %parallel_loop3A_439, %parallel_loop3A_440] : memref<2x8x8x129xf32, #tpu.memory_space<vmem>> -> memref<1x8x8x129xf32, #tpu.memory_space<vmem>>
        %parallel_loop3A_442 = tpu.memref_squeeze %parallel_loop3A_441 : memref<1x8x8x129xf32, #tpu.memory_space<vmem>> -> memref<8x8x129xf32, #tpu.memory_space<vmem>>
        tpu.vector_store_idx %parallel_loop3A_442[%add3A_7, %and3A_2, %parallel_loop3A_428], %parallel_loop3A_437 : memref<8x8x129xf32, #tpu.memory_space<vmem>>[vector<16xi32>, vector<16xi32>, vector<16xi32>], vector<16xf32>,
        %parallel_loop3A_443 = arith.constant 0 : i32
        %parallel_loop3A_444 = arith.addi %parallel_loop3A_443, %parallel_loop3A_427 : i32
        %parallel_loop3A_445 = arith.index_cast %parallel_loop3A_444 : i32 to index
        %parallel_loop3A_446 = arith.constant 16 : index
        %parallel_loop3A_447 = tpu.vector_load %arg9[%parallel_loop3A_445, %parallel_loop3A_446] {strides = array<i32>} : memref<512x64xf32, #tpu.memory_space<vmem>>, vector<16xf32>,
        %parallel_loop3A_448 = arith.constant 8.000000e+00 : f32
        %parallel_loop3A_449 = vector.broadcast %parallel_loop3A_448 : f32 to vector<16xf32>
        %parallel_loop3A_450 = arith.mulf %parallel_loop3A_447, %parallel_loop3A_449 : vector<16xf32>
        %parallel_loop3A_451 = arith.addf %parallel_loop3A_450, %get3A_117 : vector<16xf32>
        %parallel_loop3A_452 = arith.constant 0 : i32
        %parallel_loop3A_453 = arith.constant 0 : i32
        %parallel_loop3A_454 = arith.constant 0 : i32
        %parallel_loop3A_455 = tpu.memref_slice %arg11[%parallel_loop3A_130, %parallel_loop3A_452, %parallel_loop3A_453, %parallel_loop3A_454] : memref<2x8x8x129xf32, #tpu.memory_space<vmem>> -> memref<1x8x8x129xf32, #tpu.memory_space<vmem>>
        %parallel_loop3A_456 = tpu.memref_squeeze %parallel_loop3A_455 : memref<1x8x8x129xf32, #tpu.memory_space<vmem>> -> memref<8x8x129xf32, #tpu.memory_space<vmem>>
        tpu.vector_store_idx %parallel_loop3A_456[%add3A_13, %and3A_2, %parallel_loop3A_428], %parallel_loop3A_451 : memref<8x8x129xf32, #tpu.memory_space<vmem>>[vector<16xi32>, vector<16xi32>, vector<16xi32>], vector<16xf32>,
        %parallel_loop3A_457 = arith.constant 0 : i32
        %parallel_loop3A_458 = arith.addi %parallel_loop3A_457, %parallel_loop3A_427 : i32
        %parallel_loop3A_459 = arith.index_cast %parallel_loop3A_458 : i32 to index
        %parallel_loop3A_460 = arith.constant 32 : index
        %parallel_loop3A_461 = tpu.vector_load %arg9[%parallel_loop3A_459, %parallel_loop3A_460] {strides = array<i32>} : memref<512x64xf32, #tpu.memory_space<vmem>>, vector<16xf32>,
        %parallel_loop3A_462 = arith.constant 8.000000e+00 : f32
        %parallel_loop3A_463 = vector.broadcast %parallel_loop3A_462 : f32 to vector<16xf32>
        %parallel_loop3A_464 = arith.mulf %parallel_loop3A_461, %parallel_loop3A_463 : vector<16xf32>
        %parallel_loop3A_465 = arith.addf %parallel_loop3A_464, %get3A_122 : vector<16xf32>
        %parallel_loop3A_466 = arith.constant 0 : i32
        %parallel_loop3A_467 = arith.constant 0 : i32
        %parallel_loop3A_468 = arith.constant 0 : i32
        %parallel_loop3A_469 = tpu.memref_slice %arg11[%parallel_loop3A_130, %parallel_loop3A_466, %parallel_loop3A_467, %parallel_loop3A_468] : memref<2x8x8x129xf32, #tpu.memory_space<vmem>> -> memref<1x8x8x129xf32, #tpu.memory_space<vmem>>
        %parallel_loop3A_470 = tpu.memref_squeeze %parallel_loop3A_469 : memref<1x8x8x129xf32, #tpu.memory_space<vmem>> -> memref<8x8x129xf32, #tpu.memory_space<vmem>>
        tpu.vector_store_idx %parallel_loop3A_470[%add3A_19, %and3A_2, %parallel_loop3A_428], %parallel_loop3A_465 : memref<8x8x129xf32, #tpu.memory_space<vmem>>[vector<16xi32>, vector<16xi32>, vector<16xi32>], vector<16xf32>,
        %parallel_loop3A_471 = arith.constant 0 : i32
        %parallel_loop3A_472 = arith.addi %parallel_loop3A_471, %parallel_loop3A_427 : i32
        %parallel_loop3A_473 = arith.index_cast %parallel_loop3A_472 : i32 to index
        %parallel_loop3A_474 = arith.constant 48 : index
        %parallel_loop3A_475 = tpu.vector_load %arg9[%parallel_loop3A_473, %parallel_loop3A_474] {strides = array<i32>} : memref<512x64xf32, #tpu.memory_space<vmem>>, vector<16xf32>,
        %parallel_loop3A_476 = arith.constant 8.000000e+00 : f32
        %parallel_loop3A_477 = vector.broadcast %parallel_loop3A_476 : f32 to vector<16xf32>
        %parallel_loop3A_478 = arith.mulf %parallel_loop3A_475, %parallel_loop3A_477 : vector<16xf32>
        %parallel_loop3A_479 = arith.addf %parallel_loop3A_478, %get3A_127 : vector<16xf32>
        %parallel_loop3A_480 = arith.constant 0 : i32
        %parallel_loop3A_481 = arith.constant 0 : i32
        %parallel_loop3A_482 = arith.constant 0 : i32
        %parallel_loop3A_483 = tpu.memref_slice %arg11[%parallel_loop3A_130, %parallel_loop3A_480, %parallel_loop3A_481, %parallel_loop3A_482] : memref<2x8x8x129xf32, #tpu.memory_space<vmem>> -> memref<1x8x8x129xf32, #tpu.memory_space<vmem>>
        %parallel_loop3A_484 = tpu.memref_squeeze %parallel_loop3A_483 : memref<1x8x8x129xf32, #tpu.memory_space<vmem>> -> memref<8x8x129xf32, #tpu.memory_space<vmem>>
        tpu.vector_store_idx %parallel_loop3A_484[%add3A_25, %and3A_2, %parallel_loop3A_428], %parallel_loop3A_479 : memref<8x8x129xf32, #tpu.memory_space<vmem>>[vector<16xi32>, vector<16xi32>, vector<16xi32>], vector<16xf32>,
      } {sc.loop_unroll_factor = 8 : i64, sc.parallel_access}
      %add3A_131 = arith.constant 1 : i32
      %add3A_132 = arith.addi %add3A_104, %add3A_131 : i32
      %get3A_133 = arith.index_cast %add3A_132 : i32 to index
      %get3A_134 = arith.constant 0 : index
      %get3A_135 = tpu.vector_load %arg8[%get3A_133, %get3A_134] {strides = array<i32>} : memref<200x64xf32, #tpu.memory_space<vmem>>, vector<16xf32>,
      %add3A_136 = arith.constant 1 : i32
      %add3A_137 = arith.addi %add3A_104, %add3A_136 : i32
      %get3A_138 = arith.index_cast %add3A_137 : i32 to index
      %get3A_139 = arith.constant 16 : index
      %get3A_140 = tpu.vector_load %arg8[%get3A_138, %get3A_139] {strides = array<i32>} : memref<200x64xf32, #tpu.memory_space<vmem>>, vector<16xf32>,
      %add3A_141 = arith.constant 1 : i32
      %add3A_142 = arith.addi %add3A_104, %add3A_141 : i32
      %get3A_143 = arith.index_cast %add3A_142 : i32 to index
      %get3A_144 = arith.constant 32 : index
      %get3A_145 = tpu.vector_load %arg8[%get3A_143, %get3A_144] {strides = array<i32>} : memref<200x64xf32, #tpu.memory_space<vmem>>, vector<16xf32>,
      %add3A_146 = arith.constant 1 : i32
      %add3A_147 = arith.addi %add3A_104, %add3A_146 : i32
      %get3A_148 = arith.index_cast %add3A_147 : i32 to index
      %get3A_149 = arith.constant 48 : index
      %get3A_150 = tpu.vector_load %arg8[%get3A_148, %get3A_149] {strides = array<i32>} : memref<200x64xf32, #tpu.memory_space<vmem>>, vector<16xf32>,
      %parallel_loop3A_151 = arith.constant 0 : i32
      %parallel_loop3A_152 = arith.constant 128 : i32
      %parallel_loop3A_153 = arith.constant 1 : i32
      %parallel_loop3A_154 = arith.constant 1 : i32
      scf.for %parallel_loop3A_427 = %parallel_loop3A_151 to %parallel_loop3A_152 step %parallel_loop3A_153  : i32 {
        %parallel_loop3A_428 = vector.broadcast %parallel_loop3A_427 : i32 to vector<16xi32>
        %parallel_loop3A_429 = arith.constant 128 : i32
        %parallel_loop3A_430 = arith.addi %parallel_loop3A_429, %parallel_loop3A_427 : i32
        %parallel_loop3A_431 = arith.index_cast %parallel_loop3A_430 : i32 to index
        %parallel_loop3A_432 = arith.constant 0 : index
        %parallel_loop3A_433 = tpu.vector_load %arg9[%parallel_loop3A_431, %parallel_loop3A_432] {strides = array<i32>} : memref<512x64xf32, #tpu.memory_space<vmem>>, vector<16xf32>,
        %parallel_loop3A_434 = arith.constant 8.000000e+00 : f32
        %parallel_loop3A_435 = vector.broadcast %parallel_loop3A_434 : f32 to vector<16xf32>
        %parallel_loop3A_436 = arith.mulf %parallel_loop3A_433, %parallel_loop3A_435 : vector<16xf32>
        %parallel_loop3A_437 = arith.addf %parallel_loop3A_436, %get3A_135 : vector<16xf32>
        %parallel_loop3A_438 = arith.constant 0 : i32
        %parallel_loop3A_439 = arith.constant 0 : i32
        %parallel_loop3A_440 = arith.constant 0 : i32
        %parallel_loop3A_441 = tpu.memref_slice %arg11[%parallel_loop3A_154, %parallel_loop3A_438, %parallel_loop3A_439, %parallel_loop3A_440] : memref<2x8x8x129xf32, #tpu.memory_space<vmem>> -> memref<1x8x8x129xf32, #tpu.memory_space<vmem>>
        %parallel_loop3A_442 = tpu.memref_squeeze %parallel_loop3A_441 : memref<1x8x8x129xf32, #tpu.memory_space<vmem>> -> memref<8x8x129xf32, #tpu.memory_space<vmem>>
        tpu.vector_store_idx %parallel_loop3A_442[%add3A_7, %and3A_2, %parallel_loop3A_428], %parallel_loop3A_437 : memref<8x8x129xf32, #tpu.memory_space<vmem>>[vector<16xi32>, vector<16xi32>, vector<16xi32>], vector<16xf32>,
        %parallel_loop3A_443 = arith.constant 128 : i32
        %parallel_loop3A_444 = arith.addi %parallel_loop3A_443, %parallel_loop3A_427 : i32
        %parallel_loop3A_445 = arith.index_cast %parallel_loop3A_444 : i32 to index
        %parallel_loop3A_446 = arith.constant 16 : index
        %parallel_loop3A_447 = tpu.vector_load %arg9[%parallel_loop3A_445, %parallel_loop3A_446] {strides = array<i32>} : memref<512x64xf32, #tpu.memory_space<vmem>>, vector<16xf32>,
        %parallel_loop3A_448 = arith.constant 8.000000e+00 : f32
        %parallel_loop3A_449 = vector.broadcast %parallel_loop3A_448 : f32 to vector<16xf32>
        %parallel_loop3A_450 = arith.mulf %parallel_loop3A_447, %parallel_loop3A_449 : vector<16xf32>
        %parallel_loop3A_451 = arith.addf %parallel_loop3A_450, %get3A_140 : vector<16xf32>
        %parallel_loop3A_452 = arith.constant 0 : i32
        %parallel_loop3A_453 = arith.constant 0 : i32
        %parallel_loop3A_454 = arith.constant 0 : i32
        %parallel_loop3A_455 = tpu.memref_slice %arg11[%parallel_loop3A_154, %parallel_loop3A_452, %parallel_loop3A_453, %parallel_loop3A_454] : memref<2x8x8x129xf32, #tpu.memory_space<vmem>> -> memref<1x8x8x129xf32, #tpu.memory_space<vmem>>
        %parallel_loop3A_456 = tpu.memref_squeeze %parallel_loop3A_455 : memref<1x8x8x129xf32, #tpu.memory_space<vmem>> -> memref<8x8x129xf32, #tpu.memory_space<vmem>>
        tpu.vector_store_idx %parallel_loop3A_456[%add3A_13, %and3A_2, %parallel_loop3A_428], %parallel_loop3A_451 : memref<8x8x129xf32, #tpu.memory_space<vmem>>[vector<16xi32>, vector<16xi32>, vector<16xi32>], vector<16xf32>,
        %parallel_loop3A_457 = arith.constant 128 : i32
        %parallel_loop3A_458 = arith.addi %parallel_loop3A_457, %parallel_loop3A_427 : i32
        %parallel_loop3A_459 = arith.index_cast %parallel_loop3A_458 : i32 to index
        %parallel_loop3A_460 = arith.constant 32 : index
        %parallel_loop3A_461 = tpu.vector_load %arg9[%parallel_loop3A_459, %parallel_loop3A_460] {strides = array<i32>} : memref<512x64xf32, #tpu.memory_space<vmem>>, vector<16xf32>,
        %parallel_loop3A_462 = arith.constant 8.000000e+00 : f32
        %parallel_loop3A_463 = vector.broadcast %parallel_loop3A_462 : f32 to vector<16xf32>
        %parallel_loop3A_464 = arith.mulf %parallel_loop3A_461, %parallel_loop3A_463 : vector<16xf32>
        %parallel_loop3A_465 = arith.addf %parallel_loop3A_464, %get3A_145 : vector<16xf32>
        %parallel_loop3A_466 = arith.constant 0 : i32
        %parallel_loop3A_467 = arith.constant 0 : i32
        %parallel_loop3A_468 = arith.constant 0 : i32
        %parallel_loop3A_469 = tpu.memref_slice %arg11[%parallel_loop3A_154, %parallel_loop3A_466, %parallel_loop3A_467, %parallel_loop3A_468] : memref<2x8x8x129xf32, #tpu.memory_space<vmem>> -> memref<1x8x8x129xf32, #tpu.memory_space<vmem>>
        %parallel_loop3A_470 = tpu.memref_squeeze %parallel_loop3A_469 : memref<1x8x8x129xf32, #tpu.memory_space<vmem>> -> memref<8x8x129xf32, #tpu.memory_space<vmem>>
        tpu.vector_store_idx %parallel_loop3A_470[%add3A_19, %and3A_2, %parallel_loop3A_428], %parallel_loop3A_465 : memref<8x8x129xf32, #tpu.memory_space<vmem>>[vector<16xi32>, vector<16xi32>, vector<16xi32>], vector<16xf32>,
        %parallel_loop3A_471 = arith.constant 128 : i32
        %parallel_loop3A_472 = arith.addi %parallel_loop3A_471, %parallel_loop3A_427 : i32
        %parallel_loop3A_473 = arith.index_cast %parallel_loop3A_472 : i32 to index
        %parallel_loop3A_474 = arith.constant 48 : index
        %parallel_loop3A_475 = tpu.vector_load %arg9[%parallel_loop3A_473, %parallel_loop3A_474] {strides = array<i32>} : memref<512x64xf32, #tpu.memory_space<vmem>>, vector<16xf32>,
        %parallel_loop3A_476 = arith.constant 8.000000e+00 : f32
        %parallel_loop3A_477 = vector.broadcast %parallel_loop3A_476 : f32 to vector<16xf32>
        %parallel_loop3A_478 = arith.mulf %parallel_loop3A_475, %parallel_loop3A_477 : vector<16xf32>
        %parallel_loop3A_479 = arith.addf %parallel_loop3A_478, %get3A_150 : vector<16xf32>
        %parallel_loop3A_480 = arith.constant 0 : i32
        %parallel_loop3A_481 = arith.constant 0 : i32
        %parallel_loop3A_482 = arith.constant 0 : i32
        %parallel_loop3A_483 = tpu.memref_slice %arg11[%parallel_loop3A_154, %parallel_loop3A_480, %parallel_loop3A_481, %parallel_loop3A_482] : memref<2x8x8x129xf32, #tpu.memory_space<vmem>> -> memref<1x8x8x129xf32, #tpu.memory_space<vmem>>
        %parallel_loop3A_484 = tpu.memref_squeeze %parallel_loop3A_483 : memref<1x8x8x129xf32, #tpu.memory_space<vmem>> -> memref<8x8x129xf32, #tpu.memory_space<vmem>>
        tpu.vector_store_idx %parallel_loop3A_484[%add3A_25, %and3A_2, %parallel_loop3A_428], %parallel_loop3A_479 : memref<8x8x129xf32, #tpu.memory_space<vmem>>[vector<16xi32>, vector<16xi32>, vector<16xi32>], vector<16xf32>,
      } {sc.loop_unroll_factor = 8 : i64, sc.parallel_access}
      %dma_start3A_155 = arith.constant 0 : i32
      %dma_start3A_156 = arith.constant 0 : i32
      %dma_start3A_157 = arith.constant 0 : i32
      %dma_start3A_158 = arith.constant 0 : i32
      %dma_start3A_159 = tpu.memref_slice %arg11[%dma_start3A_155, %dma_start3A_156, %dma_start3A_157, %dma_start3A_158] : memref<2x8x8x129xf32, #tpu.memory_space<vmem>> -> memref<2x8x8x128xf32, #tpu.memory_space<vmem>>
      %dma_start3A_160 = arith.constant 0 : i32
      %dma_start3A_161 = arith.constant 0 : i32
      %dma_start3A_162 = arith.constant 0 : i32
      %dma_start3A_163 = tpu.memref_slice %arg5[%add3A_104, %dma_start3A_160, %add3A, %dma_start3A_161, %dma_start3A_162] : memref<200x8x32x8x128xf32, #tpu.memory_space<hbm>> -> memref<2x8x1x8x128xf32, #tpu.memory_space<hbm>>
      %dma_start3A_164 = tpu.memref_squeeze %dma_start3A_163 : memref<2x8x1x8x128xf32, #tpu.memory_space<hbm>> -> memref<2x8x8x128xf32, #tpu.memory_space<hbm>>
      %dma_start3A_165 = arith.constant 0 : i32
      %dma_start3A_166 = arith.constant 0 : i32
      %dma_start3A_167 = arith.constant 0 : i32
      %dma_start3A_168 = tpu.memref_slice %arg5[%add3A_104, %dma_start3A_165, %add3A, %dma_start3A_166, %dma_start3A_167] : memref<200x8x32x8x128xf32, #tpu.memory_space<hbm>> -> memref<2x8x1x8x128xf32, #tpu.memory_space<hbm>>
      %dma_start3A_169 = tpu.memref_squeeze %dma_start3A_168 : memref<2x8x1x8x128xf32, #tpu.memory_space<hbm>> -> memref<2x8x8x128xf32, #tpu.memory_space<hbm>>
      %dma_start3A_170 = arith.constant 0 : i32
      %dma_start3A_171 = arith.constant 0 : i32
      %dma_start3A_172 = arith.constant 0 : i32
      %dma_start3A_173 = arith.constant 0 : i32
      %dma_start3A_174 = tpu.memref_slice %arg11[%dma_start3A_170, %dma_start3A_171, %dma_start3A_172, %dma_start3A_173] : memref<2x8x8x129xf32, #tpu.memory_space<vmem>> -> memref<2x8x8x128xf32, #tpu.memory_space<vmem>>
      tpu.enqueue_dma source(%dma_start3A_174 : memref<2x8x8x128xf32, #tpu.memory_space<vmem>>) target(%dma_start3A_169 : memref<2x8x8x128xf32, #tpu.memory_space<hbm>>) target_semaphore(%arg15 : memref<!tpu.dma_semaphore, #tpu.memory_space<semaphore_mem>>)
      %mul3A_175 = arith.constant 4 : i32
      %mul3A_176 = arith.muli %add3A_86, %mul3A_175 : i32
      %add3A_177 = arith.constant 2 : i32
      %add3A_178 = arith.addi %mul3A_176, %add3A_177 : i32
      %gt3A_179 = arith.constant 0 : i32
      %gt3A_180 = arith.cmpi sgt, %add3A_86, %gt3A_179 : i32
      %convert_element_type3A_181 = arith.extui %gt3A_180 : i1 to i32
      %cond3A_182 = arith.constant 0 : i32
      %cond3A_183 = arith.cmpi ne, %convert_element_type3A_181, %cond3A_182 : i32
      scf.if %cond3A_183 {
        %dma_wait3A_427 = arith.constant 0 : i32
        %dma_wait3A_428 = arith.constant 0 : i32
        %dma_wait3A_429 = arith.constant 0 : i32
        %dma_wait3A_430 = arith.constant 0 : i32
        %dma_wait3A_431 = tpu.memref_slice %arg12[%dma_wait3A_427, %dma_wait3A_428, %dma_wait3A_429, %dma_wait3A_430] : memref<2x8x8x129xf32, #tpu.memory_space<vmem>> -> memref<2x8x8x128xf32, #tpu.memory_space<vmem>>
        %dma_wait3A_432 = arith.constant 0 : i32
        %dma_wait3A_433 = arith.constant 0 : i32
        %dma_wait3A_434 = arith.constant 0 : i32
        %dma_wait3A_435 = tpu.memref_slice %arg5[%add3A_178, %dma_wait3A_432, %add3A, %dma_wait3A_433, %dma_wait3A_434] : memref<200x8x32x8x128xf32, #tpu.memory_space<hbm>> -> memref<2x8x1x8x128xf32, #tpu.memory_space<hbm>>
        %dma_wait3A_436 = tpu.memref_squeeze %dma_wait3A_435 : memref<2x8x1x8x128xf32, #tpu.memory_space<hbm>> -> memref<2x8x8x128xf32, #tpu.memory_space<hbm>>
        %dma_wait3A_437 = arith.constant 0 : i32
        %dma_wait3A_438 = arith.constant 0 : i32
        %dma_wait3A_439 = arith.constant 0 : i32
        %dma_wait3A_440 = tpu.memref_slice %arg5[%add3A_178, %dma_wait3A_437, %add3A, %dma_wait3A_438, %dma_wait3A_439] : memref<200x8x32x8x128xf32, #tpu.memory_space<hbm>> -> memref<2x8x1x8x128xf32, #tpu.memory_space<hbm>>
        %dma_wait3A_441 = tpu.memref_squeeze %dma_wait3A_440 : memref<2x8x1x8x128xf32, #tpu.memory_space<hbm>> -> memref<2x8x8x128xf32, #tpu.memory_space<hbm>>
        %dma_wait3A_442 = arith.constant 0 : i32
        %dma_wait3A_443 = arith.constant 0 : i32
        %dma_wait3A_444 = arith.constant 0 : i32
        %dma_wait3A_445 = arith.constant 0 : i32
        %dma_wait3A_446 = tpu.memref_slice %arg12[%dma_wait3A_442, %dma_wait3A_443, %dma_wait3A_444, %dma_wait3A_445] : memref<2x8x8x129xf32, #tpu.memory_space<vmem>> -> memref<2x8x8x128xf32, #tpu.memory_space<vmem>>
        tpu.wait_dma2 semaphore(%arg16 : memref<!tpu.dma_semaphore, #tpu.memory_space<semaphore_mem>>) src(%dma_wait3A_446 : memref<2x8x8x128xf32, #tpu.memory_space<vmem>>) dst(%dma_wait3A_441 : memref<2x8x8x128xf32, #tpu.memory_space<hbm>>)
      } else {
      }
      %add3A_184 = arith.constant 0 : i32
      %add3A_185 = arith.addi %add3A_178, %add3A_184 : i32
      %get3A_186 = arith.index_cast %add3A_185 : i32 to index
      %get3A_187 = arith.constant 0 : index
      %get3A_188 = tpu.vector_load %arg8[%get3A_186, %get3A_187] {strides = array<i32>} : memref<200x64xf32, #tpu.memory_space<vmem>>, vector<16xf32>,
      %add3A_189 = arith.constant 0 : i32
      %add3A_190 = arith.addi %add3A_178, %add3A_189 : i32
      %get3A_191 = arith.index_cast %add3A_190 : i32 to index
      %get3A_192 = arith.constant 16 : index
      %get3A_193 = tpu.vector_load %arg8[%get3A_191, %get3A_192] {strides = array<i32>} : memref<200x64xf32, #tpu.memory_space<vmem>>, vector<16xf32>,
      %add3A_194 = arith.constant 0 : i32
      %add3A_195 = arith.addi %add3A_178, %add3A_194 : i32
      %get3A_196 = arith.index_cast %add3A_195 : i32 to index
      %get3A_197 = arith.constant 32 : index
      %get3A_198 = tpu.vector_load %arg8[%get3A_196, %get3A_197] {strides = array<i32>} : memref<200x64xf32, #tpu.memory_space<vmem>>, vector<16xf32>,
      %add3A_199 = arith.constant 0 : i32
      %add3A_200 = arith.addi %add3A_178, %add3A_199 : i32
      %get3A_201 = arith.index_cast %add3A_200 : i32 to index
      %get3A_202 = arith.constant 48 : index
      %get3A_203 = tpu.vector_load %arg8[%get3A_201, %get3A_202] {strides = array<i32>} : memref<200x64xf32, #tpu.memory_space<vmem>>, vector<16xf32>,
      %parallel_loop3A_204 = arith.constant 0 : i32
      %parallel_loop3A_205 = arith.constant 128 : i32
      %parallel_loop3A_206 = arith.constant 1 : i32
      %parallel_loop3A_207 = arith.constant 0 : i32
      scf.for %parallel_loop3A_427 = %parallel_loop3A_204 to %parallel_loop3A_205 step %parallel_loop3A_206  : i32 {
        %parallel_loop3A_428 = vector.broadcast %parallel_loop3A_427 : i32 to vector<16xi32>
        %parallel_loop3A_429 = arith.constant 256 : i32
        %parallel_loop3A_430 = arith.addi %parallel_loop3A_429, %parallel_loop3A_427 : i32
        %parallel_loop3A_431 = arith.index_cast %parallel_loop3A_430 : i32 to index
        %parallel_loop3A_432 = arith.constant 0 : index
        %parallel_loop3A_433 = tpu.vector_load %arg9[%parallel_loop3A_431, %parallel_loop3A_432] {strides = array<i32>} : memref<512x64xf32, #tpu.memory_space<vmem>>, vector<16xf32>,
        %parallel_loop3A_434 = arith.constant 8.000000e+00 : f32
        %parallel_loop3A_435 = vector.broadcast %parallel_loop3A_434 : f32 to vector<16xf32>
        %parallel_loop3A_436 = arith.mulf %parallel_loop3A_433, %parallel_loop3A_435 : vector<16xf32>
        %parallel_loop3A_437 = arith.addf %parallel_loop3A_436, %get3A_188 : vector<16xf32>
        %parallel_loop3A_438 = arith.constant 0 : i32
        %parallel_loop3A_439 = arith.constant 0 : i32
        %parallel_loop3A_440 = arith.constant 0 : i32
        %parallel_loop3A_441 = tpu.memref_slice %arg12[%parallel_loop3A_207, %parallel_loop3A_438, %parallel_loop3A_439, %parallel_loop3A_440] : memref<2x8x8x129xf32, #tpu.memory_space<vmem>> -> memref<1x8x8x129xf32, #tpu.memory_space<vmem>>
        %parallel_loop3A_442 = tpu.memref_squeeze %parallel_loop3A_441 : memref<1x8x8x129xf32, #tpu.memory_space<vmem>> -> memref<8x8x129xf32, #tpu.memory_space<vmem>>
        tpu.vector_store_idx %parallel_loop3A_442[%add3A_7, %and3A_2, %parallel_loop3A_428], %parallel_loop3A_437 : memref<8x8x129xf32, #tpu.memory_space<vmem>>[vector<16xi32>, vector<16xi32>, vector<16xi32>], vector<16xf32>,
        %parallel_loop3A_443 = arith.constant 256 : i32
        %parallel_loop3A_444 = arith.addi %parallel_loop3A_443, %parallel_loop3A_427 : i32
        %parallel_loop3A_445 = arith.index_cast %parallel_loop3A_444 : i32 to index
        %parallel_loop3A_446 = arith.constant 16 : index
        %parallel_loop3A_447 = tpu.vector_load %arg9[%parallel_loop3A_445, %parallel_loop3A_446] {strides = array<i32>} : memref<512x64xf32, #tpu.memory_space<vmem>>, vector<16xf32>,
        %parallel_loop3A_448 = arith.constant 8.000000e+00 : f32
        %parallel_loop3A_449 = vector.broadcast %parallel_loop3A_448 : f32 to vector<16xf32>
        %parallel_loop3A_450 = arith.mulf %parallel_loop3A_447, %parallel_loop3A_449 : vector<16xf32>
        %parallel_loop3A_451 = arith.addf %parallel_loop3A_450, %get3A_193 : vector<16xf32>
        %parallel_loop3A_452 = arith.constant 0 : i32
        %parallel_loop3A_453 = arith.constant 0 : i32
        %parallel_loop3A_454 = arith.constant 0 : i32
        %parallel_loop3A_455 = tpu.memref_slice %arg12[%parallel_loop3A_207, %parallel_loop3A_452, %parallel_loop3A_453, %parallel_loop3A_454] : memref<2x8x8x129xf32, #tpu.memory_space<vmem>> -> memref<1x8x8x129xf32, #tpu.memory_space<vmem>>
        %parallel_loop3A_456 = tpu.memref_squeeze %parallel_loop3A_455 : memref<1x8x8x129xf32, #tpu.memory_space<vmem>> -> memref<8x8x129xf32, #tpu.memory_space<vmem>>
        tpu.vector_store_idx %parallel_loop3A_456[%add3A_13, %and3A_2, %parallel_loop3A_428], %parallel_loop3A_451 : memref<8x8x129xf32, #tpu.memory_space<vmem>>[vector<16xi32>, vector<16xi32>, vector<16xi32>], vector<16xf32>,
        %parallel_loop3A_457 = arith.constant 256 : i32
        %parallel_loop3A_458 = arith.addi %parallel_loop3A_457, %parallel_loop3A_427 : i32
        %parallel_loop3A_459 = arith.index_cast %parallel_loop3A_458 : i32 to index
        %parallel_loop3A_460 = arith.constant 32 : index
        %parallel_loop3A_461 = tpu.vector_load %arg9[%parallel_loop3A_459, %parallel_loop3A_460] {strides = array<i32>} : memref<512x64xf32, #tpu.memory_space<vmem>>, vector<16xf32>,
        %parallel_loop3A_462 = arith.constant 8.000000e+00 : f32
        %parallel_loop3A_463 = vector.broadcast %parallel_loop3A_462 : f32 to vector<16xf32>
        %parallel_loop3A_464 = arith.mulf %parallel_loop3A_461, %parallel_loop3A_463 : vector<16xf32>
        %parallel_loop3A_465 = arith.addf %parallel_loop3A_464, %get3A_198 : vector<16xf32>
        %parallel_loop3A_466 = arith.constant 0 : i32
        %parallel_loop3A_467 = arith.constant 0 : i32
        %parallel_loop3A_468 = arith.constant 0 : i32
        %parallel_loop3A_469 = tpu.memref_slice %arg12[%parallel_loop3A_207, %parallel_loop3A_466, %parallel_loop3A_467, %parallel_loop3A_468] : memref<2x8x8x129xf32, #tpu.memory_space<vmem>> -> memref<1x8x8x129xf32, #tpu.memory_space<vmem>>
        %parallel_loop3A_470 = tpu.memref_squeeze %parallel_loop3A_469 : memref<1x8x8x129xf32, #tpu.memory_space<vmem>> -> memref<8x8x129xf32, #tpu.memory_space<vmem>>
        tpu.vector_store_idx %parallel_loop3A_470[%add3A_19, %and3A_2, %parallel_loop3A_428], %parallel_loop3A_465 : memref<8x8x129xf32, #tpu.memory_space<vmem>>[vector<16xi32>, vector<16xi32>, vector<16xi32>], vector<16xf32>,
        %parallel_loop3A_471 = arith.constant 256 : i32
        %parallel_loop3A_472 = arith.addi %parallel_loop3A_471, %parallel_loop3A_427 : i32
        %parallel_loop3A_473 = arith.index_cast %parallel_loop3A_472 : i32 to index
        %parallel_loop3A_474 = arith.constant 48 : index
        %parallel_loop3A_475 = tpu.vector_load %arg9[%parallel_loop3A_473, %parallel_loop3A_474] {strides = array<i32>} : memref<512x64xf32, #tpu.memory_space<vmem>>, vector<16xf32>,
        %parallel_loop3A_476 = arith.constant 8.000000e+00 : f32
        %parallel_loop3A_477 = vector.broadcast %parallel_loop3A_476 : f32 to vector<16xf32>
        %parallel_loop3A_478 = arith.mulf %parallel_loop3A_475, %parallel_loop3A_477 : vector<16xf32>
        %parallel_loop3A_479 = arith.addf %parallel_loop3A_478, %get3A_203 : vector<16xf32>
        %parallel_loop3A_480 = arith.constant 0 : i32
        %parallel_loop3A_481 = arith.constant 0 : i32
        %parallel_loop3A_482 = arith.constant 0 : i32
        %parallel_loop3A_483 = tpu.memref_slice %arg12[%parallel_loop3A_207, %parallel_loop3A_480, %parallel_loop3A_481, %parallel_loop3A_482] : memref<2x8x8x129xf32, #tpu.memory_space<vmem>> -> memref<1x8x8x129xf32, #tpu.memory_space<vmem>>
        %parallel_loop3A_484 = tpu.memref_squeeze %parallel_loop3A_483 : memref<1x8x8x129xf32, #tpu.memory_space<vmem>> -> memref<8x8x129xf32, #tpu.memory_space<vmem>>
        tpu.vector_store_idx %parallel_loop3A_484[%add3A_25, %and3A_2, %parallel_loop3A_428], %parallel_loop3A_479 : memref<8x8x129xf32, #tpu.memory_space<vmem>>[vector<16xi32>, vector<16xi32>, vector<16xi32>], vector<16xf32>,
      } {sc.loop_unroll_factor = 8 : i64, sc.parallel_access}
      %add3A_208 = arith.constant 1 : i32
      %add3A_209 = arith.addi %add3A_178, %add3A_208 : i32
      %get3A_210 = arith.index_cast %add3A_209 : i32 to index
      %get3A_211 = arith.constant 0 : index
      %get3A_212 = tpu.vector_load %arg8[%get3A_210, %get3A_211] {strides = array<i32>} : memref<200x64xf32, #tpu.memory_space<vmem>>, vector<16xf32>,
      %add3A_213 = arith.constant 1 : i32
      %add3A_214 = arith.addi %add3A_178, %add3A_213 : i32
      %get3A_215 = arith.index_cast %add3A_214 : i32 to index
      %get3A_216 = arith.constant 16 : index
      %get3A_217 = tpu.vector_load %arg8[%get3A_215, %get3A_216] {strides = array<i32>} : memref<200x64xf32, #tpu.memory_space<vmem>>, vector<16xf32>,
      %add3A_218 = arith.constant 1 : i32
      %add3A_219 = arith.addi %add3A_178, %add3A_218 : i32
      %get3A_220 = arith.index_cast %add3A_219 : i32 to index
      %get3A_221 = arith.constant 32 : index
      %get3A_222 = tpu.vector_load %arg8[%get3A_220, %get3A_221] {strides = array<i32>} : memref<200x64xf32, #tpu.memory_space<vmem>>, vector<16xf32>,
      %add3A_223 = arith.constant 1 : i32
      %add3A_224 = arith.addi %add3A_178, %add3A_223 : i32
      %get3A_225 = arith.index_cast %add3A_224 : i32 to index
      %get3A_226 = arith.constant 48 : index
      %get3A_227 = tpu.vector_load %arg8[%get3A_225, %get3A_226] {strides = array<i32>} : memref<200x64xf32, #tpu.memory_space<vmem>>, vector<16xf32>,
      %parallel_loop3A_228 = arith.constant 0 : i32
      %parallel_loop3A_229 = arith.constant 128 : i32
      %parallel_loop3A_230 = arith.constant 1 : i32
      %parallel_loop3A_231 = arith.constant 1 : i32
      scf.for %parallel_loop3A_427 = %parallel_loop3A_228 to %parallel_loop3A_229 step %parallel_loop3A_230  : i32 {
        %parallel_loop3A_428 = vector.broadcast %parallel_loop3A_427 : i32 to vector<16xi32>
        %parallel_loop3A_429 = arith.constant 384 : i32
        %parallel_loop3A_430 = arith.addi %parallel_loop3A_429, %parallel_loop3A_427 : i32
        %parallel_loop3A_431 = arith.index_cast %parallel_loop3A_430 : i32 to index
        %parallel_loop3A_432 = arith.constant 0 : index
        %parallel_loop3A_433 = tpu.vector_load %arg9[%parallel_loop3A_431, %parallel_loop3A_432] {strides = array<i32>} : memref<512x64xf32, #tpu.memory_space<vmem>>, vector<16xf32>,
        %parallel_loop3A_434 = arith.constant 8.000000e+00 : f32
        %parallel_loop3A_435 = vector.broadcast %parallel_loop3A_434 : f32 to vector<16xf32>
        %parallel_loop3A_436 = arith.mulf %parallel_loop3A_433, %parallel_loop3A_435 : vector<16xf32>
        %parallel_loop3A_437 = arith.addf %parallel_loop3A_436, %get3A_212 : vector<16xf32>
        %parallel_loop3A_438 = arith.constant 0 : i32
        %parallel_loop3A_439 = arith.constant 0 : i32
        %parallel_loop3A_440 = arith.constant 0 : i32
        %parallel_loop3A_441 = tpu.memref_slice %arg12[%parallel_loop3A_231, %parallel_loop3A_438, %parallel_loop3A_439, %parallel_loop3A_440] : memref<2x8x8x129xf32, #tpu.memory_space<vmem>> -> memref<1x8x8x129xf32, #tpu.memory_space<vmem>>
        %parallel_loop3A_442 = tpu.memref_squeeze %parallel_loop3A_441 : memref<1x8x8x129xf32, #tpu.memory_space<vmem>> -> memref<8x8x129xf32, #tpu.memory_space<vmem>>
        tpu.vector_store_idx %parallel_loop3A_442[%add3A_7, %and3A_2, %parallel_loop3A_428], %parallel_loop3A_437 : memref<8x8x129xf32, #tpu.memory_space<vmem>>[vector<16xi32>, vector<16xi32>, vector<16xi32>], vector<16xf32>,
        %parallel_loop3A_443 = arith.constant 384 : i32
        %parallel_loop3A_444 = arith.addi %parallel_loop3A_443, %parallel_loop3A_427 : i32
        %parallel_loop3A_445 = arith.index_cast %parallel_loop3A_444 : i32 to index
        %parallel_loop3A_446 = arith.constant 16 : index
        %parallel_loop3A_447 = tpu.vector_load %arg9[%parallel_loop3A_445, %parallel_loop3A_446] {strides = array<i32>} : memref<512x64xf32, #tpu.memory_space<vmem>>, vector<16xf32>,
        %parallel_loop3A_448 = arith.constant 8.000000e+00 : f32
        %parallel_loop3A_449 = vector.broadcast %parallel_loop3A_448 : f32 to vector<16xf32>
        %parallel_loop3A_450 = arith.mulf %parallel_loop3A_447, %parallel_loop3A_449 : vector<16xf32>
        %parallel_loop3A_451 = arith.addf %parallel_loop3A_450, %get3A_217 : vector<16xf32>
        %parallel_loop3A_452 = arith.constant 0 : i32
        %parallel_loop3A_453 = arith.constant 0 : i32
        %parallel_loop3A_454 = arith.constant 0 : i32
        %parallel_loop3A_455 = tpu.memref_slice %arg12[%parallel_loop3A_231, %parallel_loop3A_452, %parallel_loop3A_453, %parallel_loop3A_454] : memref<2x8x8x129xf32, #tpu.memory_space<vmem>> -> memref<1x8x8x129xf32, #tpu.memory_space<vmem>>
        %parallel_loop3A_456 = tpu.memref_squeeze %parallel_loop3A_455 : memref<1x8x8x129xf32, #tpu.memory_space<vmem>> -> memref<8x8x129xf32, #tpu.memory_space<vmem>>
        tpu.vector_store_idx %parallel_loop3A_456[%add3A_13, %and3A_2, %parallel_loop3A_428], %parallel_loop3A_451 : memref<8x8x129xf32, #tpu.memory_space<vmem>>[vector<16xi32>, vector<16xi32>, vector<16xi32>], vector<16xf32>,
        %parallel_loop3A_457 = arith.constant 384 : i32
        %parallel_loop3A_458 = arith.addi %parallel_loop3A_457, %parallel_loop3A_427 : i32
        %parallel_loop3A_459 = arith.index_cast %parallel_loop3A_458 : i32 to index
        %parallel_loop3A_460 = arith.constant 32 : index
        %parallel_loop3A_461 = tpu.vector_load %arg9[%parallel_loop3A_459, %parallel_loop3A_460] {strides = array<i32>} : memref<512x64xf32, #tpu.memory_space<vmem>>, vector<16xf32>,
        %parallel_loop3A_462 = arith.constant 8.000000e+00 : f32
        %parallel_loop3A_463 = vector.broadcast %parallel_loop3A_462 : f32 to vector<16xf32>
        %parallel_loop3A_464 = arith.mulf %parallel_loop3A_461, %parallel_loop3A_463 : vector<16xf32>
        %parallel_loop3A_465 = arith.addf %parallel_loop3A_464, %get3A_222 : vector<16xf32>
        %parallel_loop3A_466 = arith.constant 0 : i32
        %parallel_loop3A_467 = arith.constant 0 : i32
        %parallel_loop3A_468 = arith.constant 0 : i32
        %parallel_loop3A_469 = tpu.memref_slice %arg12[%parallel_loop3A_231, %parallel_loop3A_466, %parallel_loop3A_467, %parallel_loop3A_468] : memref<2x8x8x129xf32, #tpu.memory_space<vmem>> -> memref<1x8x8x129xf32, #tpu.memory_space<vmem>>
        %parallel_loop3A_470 = tpu.memref_squeeze %parallel_loop3A_469 : memref<1x8x8x129xf32, #tpu.memory_space<vmem>> -> memref<8x8x129xf32, #tpu.memory_space<vmem>>
        tpu.vector_store_idx %parallel_loop3A_470[%add3A_19, %and3A_2, %parallel_loop3A_428], %parallel_loop3A_465 : memref<8x8x129xf32, #tpu.memory_space<vmem>>[vector<16xi32>, vector<16xi32>, vector<16xi32>], vector<16xf32>,
        %parallel_loop3A_471 = arith.constant 384 : i32
        %parallel_loop3A_472 = arith.addi %parallel_loop3A_471, %parallel_loop3A_427 : i32
        %parallel_loop3A_473 = arith.index_cast %parallel_loop3A_472 : i32 to index
        %parallel_loop3A_474 = arith.constant 48 : index
        %parallel_loop3A_475 = tpu.vector_load %arg9[%parallel_loop3A_473, %parallel_loop3A_474] {strides = array<i32>} : memref<512x64xf32, #tpu.memory_space<vmem>>, vector<16xf32>,
        %parallel_loop3A_476 = arith.constant 8.000000e+00 : f32
        %parallel_loop3A_477 = vector.broadcast %parallel_loop3A_476 : f32 to vector<16xf32>
        %parallel_loop3A_478 = arith.mulf %parallel_loop3A_475, %parallel_loop3A_477 : vector<16xf32>
        %parallel_loop3A_479 = arith.addf %parallel_loop3A_478, %get3A_227 : vector<16xf32>
        %parallel_loop3A_480 = arith.constant 0 : i32
        %parallel_loop3A_481 = arith.constant 0 : i32
        %parallel_loop3A_482 = arith.constant 0 : i32
        %parallel_loop3A_483 = tpu.memref_slice %arg12[%parallel_loop3A_231, %parallel_loop3A_480, %parallel_loop3A_481, %parallel_loop3A_482] : memref<2x8x8x129xf32, #tpu.memory_space<vmem>> -> memref<1x8x8x129xf32, #tpu.memory_space<vmem>>
        %parallel_loop3A_484 = tpu.memref_squeeze %parallel_loop3A_483 : memref<1x8x8x129xf32, #tpu.memory_space<vmem>> -> memref<8x8x129xf32, #tpu.memory_space<vmem>>
        tpu.vector_store_idx %parallel_loop3A_484[%add3A_25, %and3A_2, %parallel_loop3A_428], %parallel_loop3A_479 : memref<8x8x129xf32, #tpu.memory_space<vmem>>[vector<16xi32>, vector<16xi32>, vector<16xi32>], vector<16xf32>,
      } {sc.loop_unroll_factor = 8 : i64, sc.parallel_access}
      %dma_start3A_232 = arith.constant 0 : i32
      %dma_start3A_233 = arith.constant 0 : i32
      %dma_start3A_234 = arith.constant 0 : i32
      %dma_start3A_235 = arith.constant 0 : i32
      %dma_start3A_236 = tpu.memref_slice %arg12[%dma_start3A_232, %dma_start3A_233, %dma_start3A_234, %dma_start3A_235] : memref<2x8x8x129xf32, #tpu.memory_space<vmem>> -> memref<2x8x8x128xf32, #tpu.memory_space<vmem>>
      %dma_start3A_237 = arith.constant 0 : i32
      %dma_start3A_238 = arith.constant 0 : i32
      %dma_start3A_239 = arith.constant 0 : i32
      %dma_start3A_240 = tpu.memref_slice %arg5[%add3A_178, %dma_start3A_237, %add3A, %dma_start3A_238, %dma_start3A_239] : memref<200x8x32x8x128xf32, #tpu.memory_space<hbm>> -> memref<2x8x1x8x128xf32, #tpu.memory_space<hbm>>
      %dma_start3A_241 = tpu.memref_squeeze %dma_start3A_240 : memref<2x8x1x8x128xf32, #tpu.memory_space<hbm>> -> memref<2x8x8x128xf32, #tpu.memory_space<hbm>>
      %dma_start3A_242 = arith.constant 0 : i32
      %dma_start3A_243 = arith.constant 0 : i32
      %dma_start3A_244 = arith.constant 0 : i32
      %dma_start3A_245 = tpu.memref_slice %arg5[%add3A_178, %dma_start3A_242, %add3A, %dma_start3A_243, %dma_start3A_244] : memref<200x8x32x8x128xf32, #tpu.memory_space<hbm>> -> memref<2x8x1x8x128xf32, #tpu.memory_space<hbm>>
      %dma_start3A_246 = tpu.memref_squeeze %dma_start3A_245 : memref<2x8x1x8x128xf32, #tpu.memory_space<hbm>> -> memref<2x8x8x128xf32, #tpu.memory_space<hbm>>
      %dma_start3A_247 = arith.constant 0 : i32
      %dma_start3A_248 = arith.constant 0 : i32
      %dma_start3A_249 = arith.constant 0 : i32
      %dma_start3A_250 = arith.constant 0 : i32
      %dma_start3A_251 = tpu.memref_slice %arg12[%dma_start3A_247, %dma_start3A_248, %dma_start3A_249, %dma_start3A_250] : memref<2x8x8x129xf32, #tpu.memory_space<vmem>> -> memref<2x8x8x128xf32, #tpu.memory_space<vmem>>
      tpu.enqueue_dma source(%dma_start3A_251 : memref<2x8x8x128xf32, #tpu.memory_space<vmem>>) target(%dma_start3A_246 : memref<2x8x8x128xf32, #tpu.memory_space<hbm>>) target_semaphore(%arg16 : memref<!tpu.dma_semaphore, #tpu.memory_space<semaphore_mem>>)
      %mul3A_252 = arith.constant 2 : i32
      %mul3A_253 = arith.muli %scan3A_82, %mul3A_252 : i32
      %add3A_254 = arith.constant 1 : i32
      %add3A_255 = arith.addi %mul3A_253, %add3A_254 : i32
      %dma_wait3A_256 = arith.constant 0 : i32
      %dma_wait3A_257 = arith.constant 0 : i32
      %dma_wait3A_258 = tpu.memref_slice %arg3[%dma_wait3A_256, %dma_wait3A_257] : memref<100000x64xf32, #tpu.memory_space<hbm>> -> memref<100000x64xf32, #tpu.memory_space<hbm>>
      tpu.wait_indirect_dma semaphore(%arg14 : memref<!tpu.dma_semaphore, #tpu.memory_space<semaphore_mem>>) src(%dma_wait3A_258 : memref<100000x64xf32, #tpu.memory_space<hbm>>) dst(%arg10 : memref<512x64xf32, #tpu.memory_space<vmem>>)
      %add3A_259 = arith.constant 1 : i32
      %add3A_260 = arith.addi %add3A_255, %add3A_259 : i32
      %lt3A_261 = arith.constant 50 : i32
      %lt3A_262 = arith.cmpi slt, %add3A_260, %lt3A_261 : i32
      %convert_element_type3A_263 = arith.extui %lt3A_262 : i1 to i32
      %cond3A_264 = arith.constant 0 : i32
      %cond3A_265 = arith.cmpi ne, %convert_element_type3A_263, %cond3A_264 : i32
      scf.if %cond3A_265 {
        %add3A_427 = arith.constant 1 : i32
        %add3A_428 = arith.addi %add3A_255, %add3A_427 : i32
        %mul3A_429 = arith.constant 512 : i32
        %mul3A_430 = arith.muli %add3A_428, %mul3A_429 : i32
        %dma_wait3A_431 = tpu.memref_slice %arg2[%add3A, %mul3A_430] : memref<32x25600xi32, #tpu.memory_space<hbm>> -> memref<1x512xi32, #tpu.memory_space<hbm>>
        %dma_wait3A_432 = tpu.memref_squeeze %dma_wait3A_431 : memref<1x512xi32, #tpu.memory_space<hbm>> -> memref<512xi32, #tpu.memory_space<hbm>>
        %dma_wait3A_433 = tpu.memref_slice %arg2[%add3A, %mul3A_430] : memref<32x25600xi32, #tpu.memory_space<hbm>> -> memref<1x512xi32, #tpu.memory_space<hbm>>
        %dma_wait3A_434 = tpu.memref_squeeze %dma_wait3A_433 : memref<1x512xi32, #tpu.memory_space<hbm>> -> memref<512xi32, #tpu.memory_space<hbm>>
        tpu.wait_dma2 semaphore(%arg17 : memref<!tpu.dma_semaphore, #tpu.memory_space<semaphore_mem>>) src(%dma_wait3A_434 : memref<512xi32, #tpu.memory_space<hbm>>) dst(%arg6 : memref<512xi32, #tpu.memory_space<vmem>>)
        %dma_start3A_435 = arith.constant 0 : i32
        %dma_start3A_436 = arith.constant 0 : i32
        %dma_start3A_437 = tpu.memref_slice %arg3[%dma_start3A_435, %dma_start3A_436] : memref<100000x64xf32, #tpu.memory_space<hbm>> -> memref<100000x64xf32, #tpu.memory_space<hbm>>
        tpu.enqueue_indirect_dma source(%dma_start3A_437 : memref<100000x64xf32, #tpu.memory_space<hbm>>) target(%arg9 : memref<512x64xf32, #tpu.memory_space<vmem>>) offsets(%arg6 : memref<512xi32, #tpu.memory_space<vmem>>) semaphore(%arg13 : memref<!tpu.dma_semaphore, #tpu.memory_space<semaphore_mem>>)
      } else {
      }
      %add3A_266 = arith.constant 2 : i32
      %add3A_267 = arith.addi %add3A_255, %add3A_266 : i32
      %lt3A_268 = arith.constant 50 : i32
      %lt3A_269 = arith.cmpi slt, %add3A_267, %lt3A_268 : i32
      %convert_element_type3A_270 = arith.extui %lt3A_269 : i1 to i32
      %cond3A_271 = arith.constant 0 : i32
      %cond3A_272 = arith.cmpi ne, %convert_element_type3A_270, %cond3A_271 : i32
      scf.if %cond3A_272 {
        %add3A_427 = arith.constant 2 : i32
        %add3A_428 = arith.addi %add3A_255, %add3A_427 : i32
        %mul3A_429 = arith.constant 512 : i32
        %mul3A_430 = arith.muli %add3A_428, %mul3A_429 : i32
        %dma_start3A_431 = tpu.memref_slice %arg2[%add3A, %mul3A_430] : memref<32x25600xi32, #tpu.memory_space<hbm>> -> memref<1x512xi32, #tpu.memory_space<hbm>>
        %dma_start3A_432 = tpu.memref_squeeze %dma_start3A_431 : memref<1x512xi32, #tpu.memory_space<hbm>> -> memref<512xi32, #tpu.memory_space<hbm>>
        %dma_start3A_433 = tpu.memref_slice %arg2[%add3A, %mul3A_430] : memref<32x25600xi32, #tpu.memory_space<hbm>> -> memref<1x512xi32, #tpu.memory_space<hbm>>
        %dma_start3A_434 = tpu.memref_squeeze %dma_start3A_433 : memref<1x512xi32, #tpu.memory_space<hbm>> -> memref<512xi32, #tpu.memory_space<hbm>>
        tpu.enqueue_dma source(%dma_start3A_434 : memref<512xi32, #tpu.memory_space<hbm>>) target(%arg7 : memref<512xi32, #tpu.memory_space<vmem>>) target_semaphore(%arg18 : memref<!tpu.dma_semaphore, #tpu.memory_space<semaphore_mem>>)
      } else {
      }
      %mul3A_273 = arith.constant 4 : i32
      %mul3A_274 = arith.muli %add3A_255, %mul3A_273 : i32
      %add3A_275 = arith.constant 0 : i32
      %add3A_276 = arith.addi %mul3A_274, %add3A_275 : i32
      %gt3A_277 = arith.constant 0 : i32
      %gt3A_278 = arith.cmpi sgt, %add3A_255, %gt3A_277 : i32
      %convert_element_type3A_279 = arith.extui %gt3A_278 : i1 to i32
      %cond3A_280 = arith.constant 0 : i32
      %cond3A_281 = arith.cmpi ne, %convert_element_type3A_279, %cond3A_280 : i32
      scf.if %cond3A_281 {
        %dma_wait3A_427 = arith.constant 0 : i32
        %dma_wait3A_428 = arith.constant 0 : i32
        %dma_wait3A_429 = arith.constant 0 : i32
        %dma_wait3A_430 = arith.constant 0 : i32
        %dma_wait3A_431 = tpu.memref_slice %arg11[%dma_wait3A_427, %dma_wait3A_428, %dma_wait3A_429, %dma_wait3A_430] : memref<2x8x8x129xf32, #tpu.memory_space<vmem>> -> memref<2x8x8x128xf32, #tpu.memory_space<vmem>>
        %dma_wait3A_432 = arith.constant 0 : i32
        %dma_wait3A_433 = arith.constant 0 : i32
        %dma_wait3A_434 = arith.constant 0 : i32
        %dma_wait3A_435 = tpu.memref_slice %arg5[%add3A_276, %dma_wait3A_432, %add3A, %dma_wait3A_433, %dma_wait3A_434] : memref<200x8x32x8x128xf32, #tpu.memory_space<hbm>> -> memref<2x8x1x8x128xf32, #tpu.memory_space<hbm>>
        %dma_wait3A_436 = tpu.memref_squeeze %dma_wait3A_435 : memref<2x8x1x8x128xf32, #tpu.memory_space<hbm>> -> memref<2x8x8x128xf32, #tpu.memory_space<hbm>>
        %dma_wait3A_437 = arith.constant 0 : i32
        %dma_wait3A_438 = arith.constant 0 : i32
        %dma_wait3A_439 = arith.constant 0 : i32
        %dma_wait3A_440 = tpu.memref_slice %arg5[%add3A_276, %dma_wait3A_437, %add3A, %dma_wait3A_438, %dma_wait3A_439] : memref<200x8x32x8x128xf32, #tpu.memory_space<hbm>> -> memref<2x8x1x8x128xf32, #tpu.memory_space<hbm>>
        %dma_wait3A_441 = tpu.memref_squeeze %dma_wait3A_440 : memref<2x8x1x8x128xf32, #tpu.memory_space<hbm>> -> memref<2x8x8x128xf32, #tpu.memory_space<hbm>>
        %dma_wait3A_442 = arith.constant 0 : i32
        %dma_wait3A_443 = arith.constant 0 : i32
        %dma_wait3A_444 = arith.constant 0 : i32
        %dma_wait3A_445 = arith.constant 0 : i32
        %dma_wait3A_446 = tpu.memref_slice %arg11[%dma_wait3A_442, %dma_wait3A_443, %dma_wait3A_444, %dma_wait3A_445] : memref<2x8x8x129xf32, #tpu.memory_space<vmem>> -> memref<2x8x8x128xf32, #tpu.memory_space<vmem>>
        tpu.wait_dma2 semaphore(%arg15 : memref<!tpu.dma_semaphore, #tpu.memory_space<semaphore_mem>>) src(%dma_wait3A_446 : memref<2x8x8x128xf32, #tpu.memory_space<vmem>>) dst(%dma_wait3A_441 : memref<2x8x8x128xf32, #tpu.memory_space<hbm>>)
      } else {
      }
      %add3A_282 = arith.constant 0 : i32
      %add3A_283 = arith.addi %add3A_276, %add3A_282 : i32
      %get3A_284 = arith.index_cast %add3A_283 : i32 to index
      %get3A_285 = arith.constant 0 : index
      %get3A_286 = tpu.vector_load %arg8[%get3A_284, %get3A_285] {strides = array<i32>} : memref<200x64xf32, #tpu.memory_space<vmem>>, vector<16xf32>,
      %add3A_287 = arith.constant 0 : i32
      %add3A_288 = arith.addi %add3A_276, %add3A_287 : i32
      %get3A_289 = arith.index_cast %add3A_288 : i32 to index
      %get3A_290 = arith.constant 16 : index
      %get3A_291 = tpu.vector_load %arg8[%get3A_289, %get3A_290] {strides = array<i32>} : memref<200x64xf32, #tpu.memory_space<vmem>>, vector<16xf32>,
      %add3A_292 = arith.constant 0 : i32
      %add3A_293 = arith.addi %add3A_276, %add3A_292 : i32
      %get3A_294 = arith.index_cast %add3A_293 : i32 to index
      %get3A_295 = arith.constant 32 : index
      %get3A_296 = tpu.vector_load %arg8[%get3A_294, %get3A_295] {strides = array<i32>} : memref<200x64xf32, #tpu.memory_space<vmem>>, vector<16xf32>,
      %add3A_297 = arith.constant 0 : i32
      %add3A_298 = arith.addi %add3A_276, %add3A_297 : i32
      %get3A_299 = arith.index_cast %add3A_298 : i32 to index
      %get3A_300 = arith.constant 48 : index
      %get3A_301 = tpu.vector_load %arg8[%get3A_299, %get3A_300] {strides = array<i32>} : memref<200x64xf32, #tpu.memory_space<vmem>>, vector<16xf32>,
      %parallel_loop3A_302 = arith.constant 0 : i32
      %parallel_loop3A_303 = arith.constant 128 : i32
      %parallel_loop3A_304 = arith.constant 1 : i32
      %parallel_loop3A_305 = arith.constant 0 : i32
      scf.for %parallel_loop3A_427 = %parallel_loop3A_302 to %parallel_loop3A_303 step %parallel_loop3A_304  : i32 {
        %parallel_loop3A_428 = vector.broadcast %parallel_loop3A_427 : i32 to vector<16xi32>
        %parallel_loop3A_429 = arith.constant 0 : i32
        %parallel_loop3A_430 = arith.addi %parallel_loop3A_429, %parallel_loop3A_427 : i32
        %parallel_loop3A_431 = arith.index_cast %parallel_loop3A_430 : i32 to index
        %parallel_loop3A_432 = arith.constant 0 : index
        %parallel_loop3A_433 = tpu.vector_load %arg10[%parallel_loop3A_431, %parallel_loop3A_432] {strides = array<i32>} : memref<512x64xf32, #tpu.memory_space<vmem>>, vector<16xf32>,
        %parallel_loop3A_434 = arith.constant 8.000000e+00 : f32
        %parallel_loop3A_435 = vector.broadcast %parallel_loop3A_434 : f32 to vector<16xf32>
        %parallel_loop3A_436 = arith.mulf %parallel_loop3A_433, %parallel_loop3A_435 : vector<16xf32>
        %parallel_loop3A_437 = arith.addf %parallel_loop3A_436, %get3A_286 : vector<16xf32>
        %parallel_loop3A_438 = arith.constant 0 : i32
        %parallel_loop3A_439 = arith.constant 0 : i32
        %parallel_loop3A_440 = arith.constant 0 : i32
        %parallel_loop3A_441 = tpu.memref_slice %arg11[%parallel_loop3A_305, %parallel_loop3A_438, %parallel_loop3A_439, %parallel_loop3A_440] : memref<2x8x8x129xf32, #tpu.memory_space<vmem>> -> memref<1x8x8x129xf32, #tpu.memory_space<vmem>>
        %parallel_loop3A_442 = tpu.memref_squeeze %parallel_loop3A_441 : memref<1x8x8x129xf32, #tpu.memory_space<vmem>> -> memref<8x8x129xf32, #tpu.memory_space<vmem>>
        tpu.vector_store_idx %parallel_loop3A_442[%add3A_7, %and3A_2, %parallel_loop3A_428], %parallel_loop3A_437 : memref<8x8x129xf32, #tpu.memory_space<vmem>>[vector<16xi32>, vector<16xi32>, vector<16xi32>], vector<16xf32>,
        %parallel_loop3A_443 = arith.constant 0 : i32
        %parallel_loop3A_444 = arith.addi %parallel_loop3A_443, %parallel_loop3A_427 : i32
        %parallel_loop3A_445 = arith.index_cast %parallel_loop3A_444 : i32 to index
        %parallel_loop3A_446 = arith.constant 16 : index
        %parallel_loop3A_447 = tpu.vector_load %arg10[%parallel_loop3A_445, %parallel_loop3A_446] {strides = array<i32>} : memref<512x64xf32, #tpu.memory_space<vmem>>, vector<16xf32>,
        %parallel_loop3A_448 = arith.constant 8.000000e+00 : f32
        %parallel_loop3A_449 = vector.broadcast %parallel_loop3A_448 : f32 to vector<16xf32>
        %parallel_loop3A_450 = arith.mulf %parallel_loop3A_447, %parallel_loop3A_449 : vector<16xf32>
        %parallel_loop3A_451 = arith.addf %parallel_loop3A_450, %get3A_291 : vector<16xf32>
        %parallel_loop3A_452 = arith.constant 0 : i32
        %parallel_loop3A_453 = arith.constant 0 : i32
        %parallel_loop3A_454 = arith.constant 0 : i32
        %parallel_loop3A_455 = tpu.memref_slice %arg11[%parallel_loop3A_305, %parallel_loop3A_452, %parallel_loop3A_453, %parallel_loop3A_454] : memref<2x8x8x129xf32, #tpu.memory_space<vmem>> -> memref<1x8x8x129xf32, #tpu.memory_space<vmem>>
        %parallel_loop3A_456 = tpu.memref_squeeze %parallel_loop3A_455 : memref<1x8x8x129xf32, #tpu.memory_space<vmem>> -> memref<8x8x129xf32, #tpu.memory_space<vmem>>
        tpu.vector_store_idx %parallel_loop3A_456[%add3A_13, %and3A_2, %parallel_loop3A_428], %parallel_loop3A_451 : memref<8x8x129xf32, #tpu.memory_space<vmem>>[vector<16xi32>, vector<16xi32>, vector<16xi32>], vector<16xf32>,
        %parallel_loop3A_457 = arith.constant 0 : i32
        %parallel_loop3A_458 = arith.addi %parallel_loop3A_457, %parallel_loop3A_427 : i32
        %parallel_loop3A_459 = arith.index_cast %parallel_loop3A_458 : i32 to index
        %parallel_loop3A_460 = arith.constant 32 : index
        %parallel_loop3A_461 = tpu.vector_load %arg10[%parallel_loop3A_459, %parallel_loop3A_460] {strides = array<i32>} : memref<512x64xf32, #tpu.memory_space<vmem>>, vector<16xf32>,
        %parallel_loop3A_462 = arith.constant 8.000000e+00 : f32
        %parallel_loop3A_463 = vector.broadcast %parallel_loop3A_462 : f32 to vector<16xf32>
        %parallel_loop3A_464 = arith.mulf %parallel_loop3A_461, %parallel_loop3A_463 : vector<16xf32>
        %parallel_loop3A_465 = arith.addf %parallel_loop3A_464, %get3A_296 : vector<16xf32>
        %parallel_loop3A_466 = arith.constant 0 : i32
        %parallel_loop3A_467 = arith.constant 0 : i32
        %parallel_loop3A_468 = arith.constant 0 : i32
        %parallel_loop3A_469 = tpu.memref_slice %arg11[%parallel_loop3A_305, %parallel_loop3A_466, %parallel_loop3A_467, %parallel_loop3A_468] : memref<2x8x8x129xf32, #tpu.memory_space<vmem>> -> memref<1x8x8x129xf32, #tpu.memory_space<vmem>>
        %parallel_loop3A_470 = tpu.memref_squeeze %parallel_loop3A_469 : memref<1x8x8x129xf32, #tpu.memory_space<vmem>> -> memref<8x8x129xf32, #tpu.memory_space<vmem>>
        tpu.vector_store_idx %parallel_loop3A_470[%add3A_19, %and3A_2, %parallel_loop3A_428], %parallel_loop3A_465 : memref<8x8x129xf32, #tpu.memory_space<vmem>>[vector<16xi32>, vector<16xi32>, vector<16xi32>], vector<16xf32>,
        %parallel_loop3A_471 = arith.constant 0 : i32
        %parallel_loop3A_472 = arith.addi %parallel_loop3A_471, %parallel_loop3A_427 : i32
        %parallel_loop3A_473 = arith.index_cast %parallel_loop3A_472 : i32 to index
        %parallel_loop3A_474 = arith.constant 48 : index
        %parallel_loop3A_475 = tpu.vector_load %arg10[%parallel_loop3A_473, %parallel_loop3A_474] {strides = array<i32>} : memref<512x64xf32, #tpu.memory_space<vmem>>, vector<16xf32>,
        %parallel_loop3A_476 = arith.constant 8.000000e+00 : f32
        %parallel_loop3A_477 = vector.broadcast %parallel_loop3A_476 : f32 to vector<16xf32>
        %parallel_loop3A_478 = arith.mulf %parallel_loop3A_475, %parallel_loop3A_477 : vector<16xf32>
        %parallel_loop3A_479 = arith.addf %parallel_loop3A_478, %get3A_301 : vector<16xf32>
        %parallel_loop3A_480 = arith.constant 0 : i32
        %parallel_loop3A_481 = arith.constant 0 : i32
        %parallel_loop3A_482 = arith.constant 0 : i32
        %parallel_loop3A_483 = tpu.memref_slice %arg11[%parallel_loop3A_305, %parallel_loop3A_480, %parallel_loop3A_481, %parallel_loop3A_482] : memref<2x8x8x129xf32, #tpu.memory_space<vmem>> -> memref<1x8x8x129xf32, #tpu.memory_space<vmem>>
        %parallel_loop3A_484 = tpu.memref_squeeze %parallel_loop3A_483 : memref<1x8x8x129xf32, #tpu.memory_space<vmem>> -> memref<8x8x129xf32, #tpu.memory_space<vmem>>
        tpu.vector_store_idx %parallel_loop3A_484[%add3A_25, %and3A_2, %parallel_loop3A_428], %parallel_loop3A_479 : memref<8x8x129xf32, #tpu.memory_space<vmem>>[vector<16xi32>, vector<16xi32>, vector<16xi32>], vector<16xf32>,
      } {sc.loop_unroll_factor = 8 : i64, sc.parallel_access}
      %add3A_306 = arith.constant 1 : i32
      %add3A_307 = arith.addi %add3A_276, %add3A_306 : i32
      %get3A_308 = arith.index_cast %add3A_307 : i32 to index
      %get3A_309 = arith.constant 0 : index
      %get3A_310 = tpu.vector_load %arg8[%get3A_308, %get3A_309] {strides = array<i32>} : memref<200x64xf32, #tpu.memory_space<vmem>>, vector<16xf32>,
      %add3A_311 = arith.constant 1 : i32
      %add3A_312 = arith.addi %add3A_276, %add3A_311 : i32
      %get3A_313 = arith.index_cast %add3A_312 : i32 to index
      %get3A_314 = arith.constant 16 : index
      %get3A_315 = tpu.vector_load %arg8[%get3A_313, %get3A_314] {strides = array<i32>} : memref<200x64xf32, #tpu.memory_space<vmem>>, vector<16xf32>,
      %add3A_316 = arith.constant 1 : i32
      %add3A_317 = arith.addi %add3A_276, %add3A_316 : i32
      %get3A_318 = arith.index_cast %add3A_317 : i32 to index
      %get3A_319 = arith.constant 32 : index
      %get3A_320 = tpu.vector_load %arg8[%get3A_318, %get3A_319] {strides = array<i32>} : memref<200x64xf32, #tpu.memory_space<vmem>>, vector<16xf32>,
      %add3A_321 = arith.constant 1 : i32
      %add3A_322 = arith.addi %add3A_276, %add3A_321 : i32
      %get3A_323 = arith.index_cast %add3A_322 : i32 to index
      %get3A_324 = arith.constant 48 : index
      %get3A_325 = tpu.vector_load %arg8[%get3A_323, %get3A_324] {strides = array<i32>} : memref<200x64xf32, #tpu.memory_space<vmem>>, vector<16xf32>,
      %parallel_loop3A_326 = arith.constant 0 : i32
      %parallel_loop3A_327 = arith.constant 128 : i32
      %parallel_loop3A_328 = arith.constant 1 : i32
      %parallel_loop3A_329 = arith.constant 1 : i32
      scf.for %parallel_loop3A_427 = %parallel_loop3A_326 to %parallel_loop3A_327 step %parallel_loop3A_328  : i32 {
        %parallel_loop3A_428 = vector.broadcast %parallel_loop3A_427 : i32 to vector<16xi32>
        %parallel_loop3A_429 = arith.constant 128 : i32
        %parallel_loop3A_430 = arith.addi %parallel_loop3A_429, %parallel_loop3A_427 : i32
        %parallel_loop3A_431 = arith.index_cast %parallel_loop3A_430 : i32 to index
        %parallel_loop3A_432 = arith.constant 0 : index
        %parallel_loop3A_433 = tpu.vector_load %arg10[%parallel_loop3A_431, %parallel_loop3A_432] {strides = array<i32>} : memref<512x64xf32, #tpu.memory_space<vmem>>, vector<16xf32>,
        %parallel_loop3A_434 = arith.constant 8.000000e+00 : f32
        %parallel_loop3A_435 = vector.broadcast %parallel_loop3A_434 : f32 to vector<16xf32>
        %parallel_loop3A_436 = arith.mulf %parallel_loop3A_433, %parallel_loop3A_435 : vector<16xf32>
        %parallel_loop3A_437 = arith.addf %parallel_loop3A_436, %get3A_310 : vector<16xf32>
        %parallel_loop3A_438 = arith.constant 0 : i32
        %parallel_loop3A_439 = arith.constant 0 : i32
        %parallel_loop3A_440 = arith.constant 0 : i32
        %parallel_loop3A_441 = tpu.memref_slice %arg11[%parallel_loop3A_329, %parallel_loop3A_438, %parallel_loop3A_439, %parallel_loop3A_440] : memref<2x8x8x129xf32, #tpu.memory_space<vmem>> -> memref<1x8x8x129xf32, #tpu.memory_space<vmem>>
        %parallel_loop3A_442 = tpu.memref_squeeze %parallel_loop3A_441 : memref<1x8x8x129xf32, #tpu.memory_space<vmem>> -> memref<8x8x129xf32, #tpu.memory_space<vmem>>
        tpu.vector_store_idx %parallel_loop3A_442[%add3A_7, %and3A_2, %parallel_loop3A_428], %parallel_loop3A_437 : memref<8x8x129xf32, #tpu.memory_space<vmem>>[vector<16xi32>, vector<16xi32>, vector<16xi32>], vector<16xf32>,
        %parallel_loop3A_443 = arith.constant 128 : i32
        %parallel_loop3A_444 = arith.addi %parallel_loop3A_443, %parallel_loop3A_427 : i32
        %parallel_loop3A_445 = arith.index_cast %parallel_loop3A_444 : i32 to index
        %parallel_loop3A_446 = arith.constant 16 : index
        %parallel_loop3A_447 = tpu.vector_load %arg10[%parallel_loop3A_445, %parallel_loop3A_446] {strides = array<i32>} : memref<512x64xf32, #tpu.memory_space<vmem>>, vector<16xf32>,
        %parallel_loop3A_448 = arith.constant 8.000000e+00 : f32
        %parallel_loop3A_449 = vector.broadcast %parallel_loop3A_448 : f32 to vector<16xf32>
        %parallel_loop3A_450 = arith.mulf %parallel_loop3A_447, %parallel_loop3A_449 : vector<16xf32>
        %parallel_loop3A_451 = arith.addf %parallel_loop3A_450, %get3A_315 : vector<16xf32>
        %parallel_loop3A_452 = arith.constant 0 : i32
        %parallel_loop3A_453 = arith.constant 0 : i32
        %parallel_loop3A_454 = arith.constant 0 : i32
        %parallel_loop3A_455 = tpu.memref_slice %arg11[%parallel_loop3A_329, %parallel_loop3A_452, %parallel_loop3A_453, %parallel_loop3A_454] : memref<2x8x8x129xf32, #tpu.memory_space<vmem>> -> memref<1x8x8x129xf32, #tpu.memory_space<vmem>>
        %parallel_loop3A_456 = tpu.memref_squeeze %parallel_loop3A_455 : memref<1x8x8x129xf32, #tpu.memory_space<vmem>> -> memref<8x8x129xf32, #tpu.memory_space<vmem>>
        tpu.vector_store_idx %parallel_loop3A_456[%add3A_13, %and3A_2, %parallel_loop3A_428], %parallel_loop3A_451 : memref<8x8x129xf32, #tpu.memory_space<vmem>>[vector<16xi32>, vector<16xi32>, vector<16xi32>], vector<16xf32>,
        %parallel_loop3A_457 = arith.constant 128 : i32
        %parallel_loop3A_458 = arith.addi %parallel_loop3A_457, %parallel_loop3A_427 : i32
        %parallel_loop3A_459 = arith.index_cast %parallel_loop3A_458 : i32 to index
        %parallel_loop3A_460 = arith.constant 32 : index
        %parallel_loop3A_461 = tpu.vector_load %arg10[%parallel_loop3A_459, %parallel_loop3A_460] {strides = array<i32>} : memref<512x64xf32, #tpu.memory_space<vmem>>, vector<16xf32>,
        %parallel_loop3A_462 = arith.constant 8.000000e+00 : f32
        %parallel_loop3A_463 = vector.broadcast %parallel_loop3A_462 : f32 to vector<16xf32>
        %parallel_loop3A_464 = arith.mulf %parallel_loop3A_461, %parallel_loop3A_463 : vector<16xf32>
        %parallel_loop3A_465 = arith.addf %parallel_loop3A_464, %get3A_320 : vector<16xf32>
        %parallel_loop3A_466 = arith.constant 0 : i32
        %parallel_loop3A_467 = arith.constant 0 : i32
        %parallel_loop3A_468 = arith.constant 0 : i32
        %parallel_loop3A_469 = tpu.memref_slice %arg11[%parallel_loop3A_329, %parallel_loop3A_466, %parallel_loop3A_467, %parallel_loop3A_468] : memref<2x8x8x129xf32, #tpu.memory_space<vmem>> -> memref<1x8x8x129xf32, #tpu.memory_space<vmem>>
        %parallel_loop3A_470 = tpu.memref_squeeze %parallel_loop3A_469 : memref<1x8x8x129xf32, #tpu.memory_space<vmem>> -> memref<8x8x129xf32, #tpu.memory_space<vmem>>
        tpu.vector_store_idx %parallel_loop3A_470[%add3A_19, %and3A_2, %parallel_loop3A_428], %parallel_loop3A_465 : memref<8x8x129xf32, #tpu.memory_space<vmem>>[vector<16xi32>, vector<16xi32>, vector<16xi32>], vector<16xf32>,
        %parallel_loop3A_471 = arith.constant 128 : i32
        %parallel_loop3A_472 = arith.addi %parallel_loop3A_471, %parallel_loop3A_427 : i32
        %parallel_loop3A_473 = arith.index_cast %parallel_loop3A_472 : i32 to index
        %parallel_loop3A_474 = arith.constant 48 : index
        %parallel_loop3A_475 = tpu.vector_load %arg10[%parallel_loop3A_473, %parallel_loop3A_474] {strides = array<i32>} : memref<512x64xf32, #tpu.memory_space<vmem>>, vector<16xf32>,
        %parallel_loop3A_476 = arith.constant 8.000000e+00 : f32
        %parallel_loop3A_477 = vector.broadcast %parallel_loop3A_476 : f32 to vector<16xf32>
        %parallel_loop3A_478 = arith.mulf %parallel_loop3A_475, %parallel_loop3A_477 : vector<16xf32>
        %parallel_loop3A_479 = arith.addf %parallel_loop3A_478, %get3A_325 : vector<16xf32>
        %parallel_loop3A_480 = arith.constant 0 : i32
        %parallel_loop3A_481 = arith.constant 0 : i32
        %parallel_loop3A_482 = arith.constant 0 : i32
        %parallel_loop3A_483 = tpu.memref_slice %arg11[%parallel_loop3A_329, %parallel_loop3A_480, %parallel_loop3A_481, %parallel_loop3A_482] : memref<2x8x8x129xf32, #tpu.memory_space<vmem>> -> memref<1x8x8x129xf32, #tpu.memory_space<vmem>>
        %parallel_loop3A_484 = tpu.memref_squeeze %parallel_loop3A_483 : memref<1x8x8x129xf32, #tpu.memory_space<vmem>> -> memref<8x8x129xf32, #tpu.memory_space<vmem>>
        tpu.vector_store_idx %parallel_loop3A_484[%add3A_25, %and3A_2, %parallel_loop3A_428], %parallel_loop3A_479 : memref<8x8x129xf32, #tpu.memory_space<vmem>>[vector<16xi32>, vector<16xi32>, vector<16xi32>], vector<16xf32>,
      } {sc.loop_unroll_factor = 8 : i64, sc.parallel_access}
      %dma_start3A_330 = arith.constant 0 : i32
      %dma_start3A_331 = arith.constant 0 : i32
      %dma_start3A_332 = arith.constant 0 : i32
      %dma_start3A_333 = arith.constant 0 : i32
      %dma_start3A_334 = tpu.memref_slice %arg11[%dma_start3A_330, %dma_start3A_331, %dma_start3A_332, %dma_start3A_333] : memref<2x8x8x129xf32, #tpu.memory_space<vmem>> -> memref<2x8x8x128xf32, #tpu.memory_space<vmem>>
      %dma_start3A_335 = arith.constant 0 : i32
      %dma_start3A_336 = arith.constant 0 : i32
      %dma_start3A_337 = arith.constant 0 : i32
      %dma_start3A_338 = tpu.memref_slice %arg5[%add3A_276, %dma_start3A_335, %add3A, %dma_start3A_336, %dma_start3A_337] : memref<200x8x32x8x128xf32, #tpu.memory_space<hbm>> -> memref<2x8x1x8x128xf32, #tpu.memory_space<hbm>>
      %dma_start3A_339 = tpu.memref_squeeze %dma_start3A_338 : memref<2x8x1x8x128xf32, #tpu.memory_space<hbm>> -> memref<2x8x8x128xf32, #tpu.memory_space<hbm>>
      %dma_start3A_340 = arith.constant 0 : i32
      %dma_start3A_341 = arith.constant 0 : i32
      %dma_start3A_342 = arith.constant 0 : i32
      %dma_start3A_343 = tpu.memref_slice %arg5[%add3A_276, %dma_start3A_340, %add3A, %dma_start3A_341, %dma_start3A_342] : memref<200x8x32x8x128xf32, #tpu.memory_space<hbm>> -> memref<2x8x1x8x128xf32, #tpu.memory_space<hbm>>
      %dma_start3A_344 = tpu.memref_squeeze %dma_start3A_343 : memref<2x8x1x8x128xf32, #tpu.memory_space<hbm>> -> memref<2x8x8x128xf32, #tpu.memory_space<hbm>>
      %dma_start3A_345 = arith.constant 0 : i32
      %dma_start3A_346 = arith.constant 0 : i32
      %dma_start3A_347 = arith.constant 0 : i32
      %dma_start3A_348 = arith.constant 0 : i32
      %dma_start3A_349 = tpu.memref_slice %arg11[%dma_start3A_345, %dma_start3A_346, %dma_start3A_347, %dma_start3A_348] : memref<2x8x8x129xf32, #tpu.memory_space<vmem>> -> memref<2x8x8x128xf32, #tpu.memory_space<vmem>>
      tpu.enqueue_dma source(%dma_start3A_349 : memref<2x8x8x128xf32, #tpu.memory_space<vmem>>) target(%dma_start3A_344 : memref<2x8x8x128xf32, #tpu.memory_space<hbm>>) target_semaphore(%arg15 : memref<!tpu.dma_semaphore, #tpu.memory_space<semaphore_mem>>)
      %mul3A_350 = arith.constant 4 : i32
      %mul3A_351 = arith.muli %add3A_255, %mul3A_350 : i32
      %add3A_352 = arith.constant 2 : i32
      %add3A_353 = arith.addi %mul3A_351, %add3A_352 : i32
      %gt3A_354 = arith.constant 0 : i32
      %gt3A_355 = arith.cmpi sgt, %add3A_255, %gt3A_354 : i32
      %convert_element_type3A_356 = arith.extui %gt3A_355 : i1 to i32
      %cond3A_357 = arith.constant 0 : i32
      %cond3A_358 = arith.cmpi ne, %convert_element_type3A_356, %cond3A_357 : i32
      scf.if %cond3A_358 {
        %dma_wait3A_427 = arith.constant 0 : i32
        %dma_wait3A_428 = arith.constant 0 : i32
        %dma_wait3A_429 = arith.constant 0 : i32
        %dma_wait3A_430 = arith.constant 0 : i32
        %dma_wait3A_431 = tpu.memref_slice %arg12[%dma_wait3A_427, %dma_wait3A_428, %dma_wait3A_429, %dma_wait3A_430] : memref<2x8x8x129xf32, #tpu.memory_space<vmem>> -> memref<2x8x8x128xf32, #tpu.memory_space<vmem>>
        %dma_wait3A_432 = arith.constant 0 : i32
        %dma_wait3A_433 = arith.constant 0 : i32
        %dma_wait3A_434 = arith.constant 0 : i32
        %dma_wait3A_435 = tpu.memref_slice %arg5[%add3A_353, %dma_wait3A_432, %add3A, %dma_wait3A_433, %dma_wait3A_434] : memref<200x8x32x8x128xf32, #tpu.memory_space<hbm>> -> memref<2x8x1x8x128xf32, #tpu.memory_space<hbm>>
        %dma_wait3A_436 = tpu.memref_squeeze %dma_wait3A_435 : memref<2x8x1x8x128xf32, #tpu.memory_space<hbm>> -> memref<2x8x8x128xf32, #tpu.memory_space<hbm>>
        %dma_wait3A_437 = arith.constant 0 : i32
        %dma_wait3A_438 = arith.constant 0 : i32
        %dma_wait3A_439 = arith.constant 0 : i32
        %dma_wait3A_440 = tpu.memref_slice %arg5[%add3A_353, %dma_wait3A_437, %add3A, %dma_wait3A_438, %dma_wait3A_439] : memref<200x8x32x8x128xf32, #tpu.memory_space<hbm>> -> memref<2x8x1x8x128xf32, #tpu.memory_space<hbm>>
        %dma_wait3A_441 = tpu.memref_squeeze %dma_wait3A_440 : memref<2x8x1x8x128xf32, #tpu.memory_space<hbm>> -> memref<2x8x8x128xf32, #tpu.memory_space<hbm>>
        %dma_wait3A_442 = arith.constant 0 : i32
        %dma_wait3A_443 = arith.constant 0 : i32
        %dma_wait3A_444 = arith.constant 0 : i32
        %dma_wait3A_445 = arith.constant 0 : i32
        %dma_wait3A_446 = tpu.memref_slice %arg12[%dma_wait3A_442, %dma_wait3A_443, %dma_wait3A_444, %dma_wait3A_445] : memref<2x8x8x129xf32, #tpu.memory_space<vmem>> -> memref<2x8x8x128xf32, #tpu.memory_space<vmem>>
        tpu.wait_dma2 semaphore(%arg16 : memref<!tpu.dma_semaphore, #tpu.memory_space<semaphore_mem>>) src(%dma_wait3A_446 : memref<2x8x8x128xf32, #tpu.memory_space<vmem>>) dst(%dma_wait3A_441 : memref<2x8x8x128xf32, #tpu.memory_space<hbm>>)
      } else {
      }
      %add3A_359 = arith.constant 0 : i32
      %add3A_360 = arith.addi %add3A_353, %add3A_359 : i32
      %get3A_361 = arith.index_cast %add3A_360 : i32 to index
      %get3A_362 = arith.constant 0 : index
      %get3A_363 = tpu.vector_load %arg8[%get3A_361, %get3A_362] {strides = array<i32>} : memref<200x64xf32, #tpu.memory_space<vmem>>, vector<16xf32>,
      %add3A_364 = arith.constant 0 : i32
      %add3A_365 = arith.addi %add3A_353, %add3A_364 : i32
      %get3A_366 = arith.index_cast %add3A_365 : i32 to index
      %get3A_367 = arith.constant 16 : index
      %get3A_368 = tpu.vector_load %arg8[%get3A_366, %get3A_367] {strides = array<i32>} : memref<200x64xf32, #tpu.memory_space<vmem>>, vector<16xf32>,
      %add3A_369 = arith.constant 0 : i32
      %add3A_370 = arith.addi %add3A_353, %add3A_369 : i32
      %get3A_371 = arith.index_cast %add3A_370 : i32 to index
      %get3A_372 = arith.constant 32 : index
      %get3A_373 = tpu.vector_load %arg8[%get3A_371, %get3A_372] {strides = array<i32>} : memref<200x64xf32, #tpu.memory_space<vmem>>, vector<16xf32>,
      %add3A_374 = arith.constant 0 : i32
      %add3A_375 = arith.addi %add3A_353, %add3A_374 : i32
      %get3A_376 = arith.index_cast %add3A_375 : i32 to index
      %get3A_377 = arith.constant 48 : index
      %get3A_378 = tpu.vector_load %arg8[%get3A_376, %get3A_377] {strides = array<i32>} : memref<200x64xf32, #tpu.memory_space<vmem>>, vector<16xf32>,
      %parallel_loop3A_379 = arith.constant 0 : i32
      %parallel_loop3A_380 = arith.constant 128 : i32
      %parallel_loop3A_381 = arith.constant 1 : i32
      %parallel_loop3A_382 = arith.constant 0 : i32
      scf.for %parallel_loop3A_427 = %parallel_loop3A_379 to %parallel_loop3A_380 step %parallel_loop3A_381  : i32 {
        %parallel_loop3A_428 = vector.broadcast %parallel_loop3A_427 : i32 to vector<16xi32>
        %parallel_loop3A_429 = arith.constant 256 : i32
        %parallel_loop3A_430 = arith.addi %parallel_loop3A_429, %parallel_loop3A_427 : i32
        %parallel_loop3A_431 = arith.index_cast %parallel_loop3A_430 : i32 to index
        %parallel_loop3A_432 = arith.constant 0 : index
        %parallel_loop3A_433 = tpu.vector_load %arg10[%parallel_loop3A_431, %parallel_loop3A_432] {strides = array<i32>} : memref<512x64xf32, #tpu.memory_space<vmem>>, vector<16xf32>,
        %parallel_loop3A_434 = arith.constant 8.000000e+00 : f32
        %parallel_loop3A_435 = vector.broadcast %parallel_loop3A_434 : f32 to vector<16xf32>
        %parallel_loop3A_436 = arith.mulf %parallel_loop3A_433, %parallel_loop3A_435 : vector<16xf32>
        %parallel_loop3A_437 = arith.addf %parallel_loop3A_436, %get3A_363 : vector<16xf32>
        %parallel_loop3A_438 = arith.constant 0 : i32
        %parallel_loop3A_439 = arith.constant 0 : i32
        %parallel_loop3A_440 = arith.constant 0 : i32
        %parallel_loop3A_441 = tpu.memref_slice %arg12[%parallel_loop3A_382, %parallel_loop3A_438, %parallel_loop3A_439, %parallel_loop3A_440] : memref<2x8x8x129xf32, #tpu.memory_space<vmem>> -> memref<1x8x8x129xf32, #tpu.memory_space<vmem>>
        %parallel_loop3A_442 = tpu.memref_squeeze %parallel_loop3A_441 : memref<1x8x8x129xf32, #tpu.memory_space<vmem>> -> memref<8x8x129xf32, #tpu.memory_space<vmem>>
        tpu.vector_store_idx %parallel_loop3A_442[%add3A_7, %and3A_2, %parallel_loop3A_428], %parallel_loop3A_437 : memref<8x8x129xf32, #tpu.memory_space<vmem>>[vector<16xi32>, vector<16xi32>, vector<16xi32>], vector<16xf32>,
        %parallel_loop3A_443 = arith.constant 256 : i32
        %parallel_loop3A_444 = arith.addi %parallel_loop3A_443, %parallel_loop3A_427 : i32
        %parallel_loop3A_445 = arith.index_cast %parallel_loop3A_444 : i32 to index
        %parallel_loop3A_446 = arith.constant 16 : index
        %parallel_loop3A_447 = tpu.vector_load %arg10[%parallel_loop3A_445, %parallel_loop3A_446] {strides = array<i32>} : memref<512x64xf32, #tpu.memory_space<vmem>>, vector<16xf32>,
        %parallel_loop3A_448 = arith.constant 8.000000e+00 : f32
        %parallel_loop3A_449 = vector.broadcast %parallel_loop3A_448 : f32 to vector<16xf32>
        %parallel_loop3A_450 = arith.mulf %parallel_loop3A_447, %parallel_loop3A_449 : vector<16xf32>
        %parallel_loop3A_451 = arith.addf %parallel_loop3A_450, %get3A_368 : vector<16xf32>
        %parallel_loop3A_452 = arith.constant 0 : i32
        %parallel_loop3A_453 = arith.constant 0 : i32
        %parallel_loop3A_454 = arith.constant 0 : i32
        %parallel_loop3A_455 = tpu.memref_slice %arg12[%parallel_loop3A_382, %parallel_loop3A_452, %parallel_loop3A_453, %parallel_loop3A_454] : memref<2x8x8x129xf32, #tpu.memory_space<vmem>> -> memref<1x8x8x129xf32, #tpu.memory_space<vmem>>
        %parallel_loop3A_456 = tpu.memref_squeeze %parallel_loop3A_455 : memref<1x8x8x129xf32, #tpu.memory_space<vmem>> -> memref<8x8x129xf32, #tpu.memory_space<vmem>>
        tpu.vector_store_idx %parallel_loop3A_456[%add3A_13, %and3A_2, %parallel_loop3A_428], %parallel_loop3A_451 : memref<8x8x129xf32, #tpu.memory_space<vmem>>[vector<16xi32>, vector<16xi32>, vector<16xi32>], vector<16xf32>,
        %parallel_loop3A_457 = arith.constant 256 : i32
        %parallel_loop3A_458 = arith.addi %parallel_loop3A_457, %parallel_loop3A_427 : i32
        %parallel_loop3A_459 = arith.index_cast %parallel_loop3A_458 : i32 to index
        %parallel_loop3A_460 = arith.constant 32 : index
        %parallel_loop3A_461 = tpu.vector_load %arg10[%parallel_loop3A_459, %parallel_loop3A_460] {strides = array<i32>} : memref<512x64xf32, #tpu.memory_space<vmem>>, vector<16xf32>,
        %parallel_loop3A_462 = arith.constant 8.000000e+00 : f32
        %parallel_loop3A_463 = vector.broadcast %parallel_loop3A_462 : f32 to vector<16xf32>
        %parallel_loop3A_464 = arith.mulf %parallel_loop3A_461, %parallel_loop3A_463 : vector<16xf32>
        %parallel_loop3A_465 = arith.addf %parallel_loop3A_464, %get3A_373 : vector<16xf32>
        %parallel_loop3A_466 = arith.constant 0 : i32
        %parallel_loop3A_467 = arith.constant 0 : i32
        %parallel_loop3A_468 = arith.constant 0 : i32
        %parallel_loop3A_469 = tpu.memref_slice %arg12[%parallel_loop3A_382, %parallel_loop3A_466, %parallel_loop3A_467, %parallel_loop3A_468] : memref<2x8x8x129xf32, #tpu.memory_space<vmem>> -> memref<1x8x8x129xf32, #tpu.memory_space<vmem>>
        %parallel_loop3A_470 = tpu.memref_squeeze %parallel_loop3A_469 : memref<1x8x8x129xf32, #tpu.memory_space<vmem>> -> memref<8x8x129xf32, #tpu.memory_space<vmem>>
        tpu.vector_store_idx %parallel_loop3A_470[%add3A_19, %and3A_2, %parallel_loop3A_428], %parallel_loop3A_465 : memref<8x8x129xf32, #tpu.memory_space<vmem>>[vector<16xi32>, vector<16xi32>, vector<16xi32>], vector<16xf32>,
        %parallel_loop3A_471 = arith.constant 256 : i32
        %parallel_loop3A_472 = arith.addi %parallel_loop3A_471, %parallel_loop3A_427 : i32
        %parallel_loop3A_473 = arith.index_cast %parallel_loop3A_472 : i32 to index
        %parallel_loop3A_474 = arith.constant 48 : index
        %parallel_loop3A_475 = tpu.vector_load %arg10[%parallel_loop3A_473, %parallel_loop3A_474] {strides = array<i32>} : memref<512x64xf32, #tpu.memory_space<vmem>>, vector<16xf32>,
        %parallel_loop3A_476 = arith.constant 8.000000e+00 : f32
        %parallel_loop3A_477 = vector.broadcast %parallel_loop3A_476 : f32 to vector<16xf32>
        %parallel_loop3A_478 = arith.mulf %parallel_loop3A_475, %parallel_loop3A_477 : vector<16xf32>
        %parallel_loop3A_479 = arith.addf %parallel_loop3A_478, %get3A_378 : vector<16xf32>
        %parallel_loop3A_480 = arith.constant 0 : i32
        %parallel_loop3A_481 = arith.constant 0 : i32
        %parallel_loop3A_482 = arith.constant 0 : i32
        %parallel_loop3A_483 = tpu.memref_slice %arg12[%parallel_loop3A_382, %parallel_loop3A_480, %parallel_loop3A_481, %parallel_loop3A_482] : memref<2x8x8x129xf32, #tpu.memory_space<vmem>> -> memref<1x8x8x129xf32, #tpu.memory_space<vmem>>
        %parallel_loop3A_484 = tpu.memref_squeeze %parallel_loop3A_483 : memref<1x8x8x129xf32, #tpu.memory_space<vmem>> -> memref<8x8x129xf32, #tpu.memory_space<vmem>>
        tpu.vector_store_idx %parallel_loop3A_484[%add3A_25, %and3A_2, %parallel_loop3A_428], %parallel_loop3A_479 : memref<8x8x129xf32, #tpu.memory_space<vmem>>[vector<16xi32>, vector<16xi32>, vector<16xi32>], vector<16xf32>,
      } {sc.loop_unroll_factor = 8 : i64, sc.parallel_access}
      %add3A_383 = arith.constant 1 : i32
      %add3A_384 = arith.addi %add3A_353, %add3A_383 : i32
      %get3A_385 = arith.index_cast %add3A_384 : i32 to index
      %get3A_386 = arith.constant 0 : index
      %get3A_387 = tpu.vector_load %arg8[%get3A_385, %get3A_386] {strides = array<i32>} : memref<200x64xf32, #tpu.memory_space<vmem>>, vector<16xf32>,
      %add3A_388 = arith.constant 1 : i32
      %add3A_389 = arith.addi %add3A_353, %add3A_388 : i32
      %get3A_390 = arith.index_cast %add3A_389 : i32 to index
      %get3A_391 = arith.constant 16 : index
      %get3A_392 = tpu.vector_load %arg8[%get3A_390, %get3A_391] {strides = array<i32>} : memref<200x64xf32, #tpu.memory_space<vmem>>, vector<16xf32>,
      %add3A_393 = arith.constant 1 : i32
      %add3A_394 = arith.addi %add3A_353, %add3A_393 : i32
      %get3A_395 = arith.index_cast %add3A_394 : i32 to index
      %get3A_396 = arith.constant 32 : index
      %get3A_397 = tpu.vector_load %arg8[%get3A_395, %get3A_396] {strides = array<i32>} : memref<200x64xf32, #tpu.memory_space<vmem>>, vector<16xf32>,
      %add3A_398 = arith.constant 1 : i32
      %add3A_399 = arith.addi %add3A_353, %add3A_398 : i32
      %get3A_400 = arith.index_cast %add3A_399 : i32 to index
      %get3A_401 = arith.constant 48 : index
      %get3A_402 = tpu.vector_load %arg8[%get3A_400, %get3A_401] {strides = array<i32>} : memref<200x64xf32, #tpu.memory_space<vmem>>, vector<16xf32>,
      %parallel_loop3A_403 = arith.constant 0 : i32
      %parallel_loop3A_404 = arith.constant 128 : i32
      %parallel_loop3A_405 = arith.constant 1 : i32
      %parallel_loop3A_406 = arith.constant 1 : i32
      scf.for %parallel_loop3A_427 = %parallel_loop3A_403 to %parallel_loop3A_404 step %parallel_loop3A_405  : i32 {
        %parallel_loop3A_428 = vector.broadcast %parallel_loop3A_427 : i32 to vector<16xi32>
        %parallel_loop3A_429 = arith.constant 384 : i32
        %parallel_loop3A_430 = arith.addi %parallel_loop3A_429, %parallel_loop3A_427 : i32
        %parallel_loop3A_431 = arith.index_cast %parallel_loop3A_430 : i32 to index
        %parallel_loop3A_432 = arith.constant 0 : index
        %parallel_loop3A_433 = tpu.vector_load %arg10[%parallel_loop3A_431, %parallel_loop3A_432] {strides = array<i32>} : memref<512x64xf32, #tpu.memory_space<vmem>>, vector<16xf32>,
        %parallel_loop3A_434 = arith.constant 8.000000e+00 : f32
        %parallel_loop3A_435 = vector.broadcast %parallel_loop3A_434 : f32 to vector<16xf32>
        %parallel_loop3A_436 = arith.mulf %parallel_loop3A_433, %parallel_loop3A_435 : vector<16xf32>
        %parallel_loop3A_437 = arith.addf %parallel_loop3A_436, %get3A_387 : vector<16xf32>
        %parallel_loop3A_438 = arith.constant 0 : i32
        %parallel_loop3A_439 = arith.constant 0 : i32
        %parallel_loop3A_440 = arith.constant 0 : i32
        %parallel_loop3A_441 = tpu.memref_slice %arg12[%parallel_loop3A_406, %parallel_loop3A_438, %parallel_loop3A_439, %parallel_loop3A_440] : memref<2x8x8x129xf32, #tpu.memory_space<vmem>> -> memref<1x8x8x129xf32, #tpu.memory_space<vmem>>
        %parallel_loop3A_442 = tpu.memref_squeeze %parallel_loop3A_441 : memref<1x8x8x129xf32, #tpu.memory_space<vmem>> -> memref<8x8x129xf32, #tpu.memory_space<vmem>>
        tpu.vector_store_idx %parallel_loop3A_442[%add3A_7, %and3A_2, %parallel_loop3A_428], %parallel_loop3A_437 : memref<8x8x129xf32, #tpu.memory_space<vmem>>[vector<16xi32>, vector<16xi32>, vector<16xi32>], vector<16xf32>,
        %parallel_loop3A_443 = arith.constant 384 : i32
        %parallel_loop3A_444 = arith.addi %parallel_loop3A_443, %parallel_loop3A_427 : i32
        %parallel_loop3A_445 = arith.index_cast %parallel_loop3A_444 : i32 to index
        %parallel_loop3A_446 = arith.constant 16 : index
        %parallel_loop3A_447 = tpu.vector_load %arg10[%parallel_loop3A_445, %parallel_loop3A_446] {strides = array<i32>} : memref<512x64xf32, #tpu.memory_space<vmem>>, vector<16xf32>,
        %parallel_loop3A_448 = arith.constant 8.000000e+00 : f32
        %parallel_loop3A_449 = vector.broadcast %parallel_loop3A_448 : f32 to vector<16xf32>
        %parallel_loop3A_450 = arith.mulf %parallel_loop3A_447, %parallel_loop3A_449 : vector<16xf32>
        %parallel_loop3A_451 = arith.addf %parallel_loop3A_450, %get3A_392 : vector<16xf32>
        %parallel_loop3A_452 = arith.constant 0 : i32
        %parallel_loop3A_453 = arith.constant 0 : i32
        %parallel_loop3A_454 = arith.constant 0 : i32
        %parallel_loop3A_455 = tpu.memref_slice %arg12[%parallel_loop3A_406, %parallel_loop3A_452, %parallel_loop3A_453, %parallel_loop3A_454] : memref<2x8x8x129xf32, #tpu.memory_space<vmem>> -> memref<1x8x8x129xf32, #tpu.memory_space<vmem>>
        %parallel_loop3A_456 = tpu.memref_squeeze %parallel_loop3A_455 : memref<1x8x8x129xf32, #tpu.memory_space<vmem>> -> memref<8x8x129xf32, #tpu.memory_space<vmem>>
        tpu.vector_store_idx %parallel_loop3A_456[%add3A_13, %and3A_2, %parallel_loop3A_428], %parallel_loop3A_451 : memref<8x8x129xf32, #tpu.memory_space<vmem>>[vector<16xi32>, vector<16xi32>, vector<16xi32>], vector<16xf32>,
        %parallel_loop3A_457 = arith.constant 384 : i32
        %parallel_loop3A_458 = arith.addi %parallel_loop3A_457, %parallel_loop3A_427 : i32
        %parallel_loop3A_459 = arith.index_cast %parallel_loop3A_458 : i32 to index
        %parallel_loop3A_460 = arith.constant 32 : index
        %parallel_loop3A_461 = tpu.vector_load %arg10[%parallel_loop3A_459, %parallel_loop3A_460] {strides = array<i32>} : memref<512x64xf32, #tpu.memory_space<vmem>>, vector<16xf32>,
        %parallel_loop3A_462 = arith.constant 8.000000e+00 : f32
        %parallel_loop3A_463 = vector.broadcast %parallel_loop3A_462 : f32 to vector<16xf32>
        %parallel_loop3A_464 = arith.mulf %parallel_loop3A_461, %parallel_loop3A_463 : vector<16xf32>
        %parallel_loop3A_465 = arith.addf %parallel_loop3A_464, %get3A_397 : vector<16xf32>
        %parallel_loop3A_466 = arith.constant 0 : i32
        %parallel_loop3A_467 = arith.constant 0 : i32
        %parallel_loop3A_468 = arith.constant 0 : i32
        %parallel_loop3A_469 = tpu.memref_slice %arg12[%parallel_loop3A_406, %parallel_loop3A_466, %parallel_loop3A_467, %parallel_loop3A_468] : memref<2x8x8x129xf32, #tpu.memory_space<vmem>> -> memref<1x8x8x129xf32, #tpu.memory_space<vmem>>
        %parallel_loop3A_470 = tpu.memref_squeeze %parallel_loop3A_469 : memref<1x8x8x129xf32, #tpu.memory_space<vmem>> -> memref<8x8x129xf32, #tpu.memory_space<vmem>>
        tpu.vector_store_idx %parallel_loop3A_470[%add3A_19, %and3A_2, %parallel_loop3A_428], %parallel_loop3A_465 : memref<8x8x129xf32, #tpu.memory_space<vmem>>[vector<16xi32>, vector<16xi32>, vector<16xi32>], vector<16xf32>,
        %parallel_loop3A_471 = arith.constant 384 : i32
        %parallel_loop3A_472 = arith.addi %parallel_loop3A_471, %parallel_loop3A_427 : i32
        %parallel_loop3A_473 = arith.index_cast %parallel_loop3A_472 : i32 to index
        %parallel_loop3A_474 = arith.constant 48 : index
        %parallel_loop3A_475 = tpu.vector_load %arg10[%parallel_loop3A_473, %parallel_loop3A_474] {strides = array<i32>} : memref<512x64xf32, #tpu.memory_space<vmem>>, vector<16xf32>,
        %parallel_loop3A_476 = arith.constant 8.000000e+00 : f32
        %parallel_loop3A_477 = vector.broadcast %parallel_loop3A_476 : f32 to vector<16xf32>
        %parallel_loop3A_478 = arith.mulf %parallel_loop3A_475, %parallel_loop3A_477 : vector<16xf32>
        %parallel_loop3A_479 = arith.addf %parallel_loop3A_478, %get3A_402 : vector<16xf32>
        %parallel_loop3A_480 = arith.constant 0 : i32
        %parallel_loop3A_481 = arith.constant 0 : i32
        %parallel_loop3A_482 = arith.constant 0 : i32
        %parallel_loop3A_483 = tpu.memref_slice %arg12[%parallel_loop3A_406, %parallel_loop3A_480, %parallel_loop3A_481, %parallel_loop3A_482] : memref<2x8x8x129xf32, #tpu.memory_space<vmem>> -> memref<1x8x8x129xf32, #tpu.memory_space<vmem>>
        %parallel_loop3A_484 = tpu.memref_squeeze %parallel_loop3A_483 : memref<1x8x8x129xf32, #tpu.memory_space<vmem>> -> memref<8x8x129xf32, #tpu.memory_space<vmem>>
        tpu.vector_store_idx %parallel_loop3A_484[%add3A_25, %and3A_2, %parallel_loop3A_428], %parallel_loop3A_479 : memref<8x8x129xf32, #tpu.memory_space<vmem>>[vector<16xi32>, vector<16xi32>, vector<16xi32>], vector<16xf32>,
      } {sc.loop_unroll_factor = 8 : i64, sc.parallel_access}
      %dma_start3A_407 = arith.constant 0 : i32
      %dma_start3A_408 = arith.constant 0 : i32
      %dma_start3A_409 = arith.constant 0 : i32
      %dma_start3A_410 = arith.constant 0 : i32
      %dma_start3A_411 = tpu.memref_slice %arg12[%dma_start3A_407, %dma_start3A_408, %dma_start3A_409, %dma_start3A_410] : memref<2x8x8x129xf32, #tpu.memory_space<vmem>> -> memref<2x8x8x128xf32, #tpu.memory_space<vmem>>
      %dma_start3A_412 = arith.constant 0 : i32
      %dma_start3A_413 = arith.constant 0 : i32
      %dma_start3A_414 = arith.constant 0 : i32
      %dma_start3A_415 = tpu.memref_slice %arg5[%add3A_353, %dma_start3A_412, %add3A, %dma_start3A_413, %dma_start3A_414] : memref<200x8x32x8x128xf32, #tpu.memory_space<hbm>> -> memref<2x8x1x8x128xf32, #tpu.memory_space<hbm>>
      %dma_start3A_416 = tpu.memref_squeeze %dma_start3A_415 : memref<2x8x1x8x128xf32, #tpu.memory_space<hbm>> -> memref<2x8x8x128xf32, #tpu.memory_space<hbm>>
      %dma_start3A_417 = arith.constant 0 : i32
      %dma_start3A_418 = arith.constant 0 : i32
      %dma_start3A_419 = arith.constant 0 : i32
      %dma_start3A_420 = tpu.memref_slice %arg5[%add3A_353, %dma_start3A_417, %add3A, %dma_start3A_418, %dma_start3A_419] : memref<200x8x32x8x128xf32, #tpu.memory_space<hbm>> -> memref<2x8x1x8x128xf32, #tpu.memory_space<hbm>>
      %dma_start3A_421 = tpu.memref_squeeze %dma_start3A_420 : memref<2x8x1x8x128xf32, #tpu.memory_space<hbm>> -> memref<2x8x8x128xf32, #tpu.memory_space<hbm>>
      %dma_start3A_422 = arith.constant 0 : i32
      %dma_start3A_423 = arith.constant 0 : i32
      %dma_start3A_424 = arith.constant 0 : i32
      %dma_start3A_425 = arith.constant 0 : i32
      %dma_start3A_426 = tpu.memref_slice %arg12[%dma_start3A_422, %dma_start3A_423, %dma_start3A_424, %dma_start3A_425] : memref<2x8x8x129xf32, #tpu.memory_space<vmem>> -> memref<2x8x8x128xf32, #tpu.memory_space<vmem>>
      tpu.enqueue_dma source(%dma_start3A_426 : memref<2x8x8x128xf32, #tpu.memory_space<vmem>>) target(%dma_start3A_421 : memref<2x8x8x128xf32, #tpu.memory_space<hbm>>) target_semaphore(%arg16 : memref<!tpu.dma_semaphore, #tpu.memory_space<semaphore_mem>>)
    }
    %scan3A_38 = arith.constant 25 : i32
    %dma_wait3A = arith.constant 0 : i32
    %dma_wait3A_39 = arith.constant 0 : i32
    %dma_wait3A_40 = arith.constant 0 : i32
    %dma_wait3A_41 = arith.constant 0 : i32
    %dma_wait3A_42 = tpu.memref_slice %arg11[%dma_wait3A, %dma_wait3A_39, %dma_wait3A_40, %dma_wait3A_41] : memref<2x8x8x129xf32, #tpu.memory_space<vmem>> -> memref<2x8x8x128xf32, #tpu.memory_space<vmem>>
    %dma_wait3A_43 = arith.constant 196 : i32
    %dma_wait3A_44 = arith.constant 0 : i32
    %dma_wait3A_45 = arith.constant 0 : i32
    %dma_wait3A_46 = arith.constant 0 : i32
    %dma_wait3A_47 = tpu.memref_slice %arg5[%dma_wait3A_43, %dma_wait3A_44, %add3A, %dma_wait3A_45, %dma_wait3A_46] : memref<200x8x32x8x128xf32, #tpu.memory_space<hbm>> -> memref<2x8x1x8x128xf32, #tpu.memory_space<hbm>>
    %dma_wait3A_48 = tpu.memref_squeeze %dma_wait3A_47 : memref<2x8x1x8x128xf32, #tpu.memory_space<hbm>> -> memref<2x8x8x128xf32, #tpu.memory_space<hbm>>
    %dma_wait3A_49 = arith.constant 196 : i32
    %dma_wait3A_50 = arith.constant 0 : i32
    %dma_wait3A_51 = arith.constant 0 : i32
    %dma_wait3A_52 = arith.constant 0 : i32
    %dma_wait3A_53 = tpu.memref_slice %arg5[%dma_wait3A_49, %dma_wait3A_50, %add3A, %dma_wait3A_51, %dma_wait3A_52] : memref<200x8x32x8x128xf32, #tpu.memory_space<hbm>> -> memref<2x8x1x8x128xf32, #tpu.memory_space<hbm>>
    %dma_wait3A_54 = tpu.memref_squeeze %dma_wait3A_53 : memref<2x8x1x8x128xf32, #tpu.memory_space<hbm>> -> memref<2x8x8x128xf32, #tpu.memory_space<hbm>>
    %dma_wait3A_55 = arith.constant 0 : i32
    %dma_wait3A_56 = arith.constant 0 : i32
    %dma_wait3A_57 = arith.constant 0 : i32
    %dma_wait3A_58 = arith.constant 0 : i32
    %dma_wait3A_59 = tpu.memref_slice %arg11[%dma_wait3A_55, %dma_wait3A_56, %dma_wait3A_57, %dma_wait3A_58] : memref<2x8x8x129xf32, #tpu.memory_space<vmem>> -> memref<2x8x8x128xf32, #tpu.memory_space<vmem>>
    tpu.wait_dma2 semaphore(%arg15 : memref<!tpu.dma_semaphore, #tpu.memory_space<semaphore_mem>>) src(%dma_wait3A_59 : memref<2x8x8x128xf32, #tpu.memory_space<vmem>>) dst(%dma_wait3A_54 : memref<2x8x8x128xf32, #tpu.memory_space<hbm>>)
    %dma_wait3A_60 = arith.constant 0 : i32
    %dma_wait3A_61 = arith.constant 0 : i32
    %dma_wait3A_62 = arith.constant 0 : i32
    %dma_wait3A_63 = arith.constant 0 : i32
    %dma_wait3A_64 = tpu.memref_slice %arg12[%dma_wait3A_60, %dma_wait3A_61, %dma_wait3A_62, %dma_wait3A_63] : memref<2x8x8x129xf32, #tpu.memory_space<vmem>> -> memref<2x8x8x128xf32, #tpu.memory_space<vmem>>
    %dma_wait3A_65 = arith.constant 198 : i32
    %dma_wait3A_66 = arith.constant 0 : i32
    %dma_wait3A_67 = arith.constant 0 : i32
    %dma_wait3A_68 = arith.constant 0 : i32
    %dma_wait3A_69 = tpu.memref_slice %arg5[%dma_wait3A_65, %dma_wait3A_66, %add3A, %dma_wait3A_67, %dma_wait3A_68] : memref<200x8x32x8x128xf32, #tpu.memory_space<hbm>> -> memref<2x8x1x8x128xf32, #tpu.memory_space<hbm>>
    %dma_wait3A_70 = tpu.memref_squeeze %dma_wait3A_69 : memref<2x8x1x8x128xf32, #tpu.memory_space<hbm>> -> memref<2x8x8x128xf32, #tpu.memory_space<hbm>>
    %dma_wait3A_71 = arith.constant 198 : i32
    %dma_wait3A_72 = arith.constant 0 : i32
    %dma_wait3A_73 = arith.constant 0 : i32
    %dma_wait3A_74 = arith.constant 0 : i32
    %dma_wait3A_75 = tpu.memref_slice %arg5[%dma_wait3A_71, %dma_wait3A_72, %add3A, %dma_wait3A_73, %dma_wait3A_74] : memref<200x8x32x8x128xf32, #tpu.memory_space<hbm>> -> memref<2x8x1x8x128xf32, #tpu.memory_space<hbm>>
    %dma_wait3A_76 = tpu.memref_squeeze %dma_wait3A_75 : memref<2x8x1x8x128xf32, #tpu.memory_space<hbm>> -> memref<2x8x8x128xf32, #tpu.memory_space<hbm>>
    %dma_wait3A_77 = arith.constant 0 : i32
    %dma_wait3A_78 = arith.constant 0 : i32
    %dma_wait3A_79 = arith.constant 0 : i32
    %dma_wait3A_80 = arith.constant 0 : i32
    %dma_wait3A_81 = tpu.memref_slice %arg12[%dma_wait3A_77, %dma_wait3A_78, %dma_wait3A_79, %dma_wait3A_80] : memref<2x8x8x129xf32, #tpu.memory_space<vmem>> -> memref<2x8x8x128xf32, #tpu.memory_space<vmem>>
    tpu.wait_dma2 semaphore(%arg16 : memref<!tpu.dma_semaphore, #tpu.memory_space<semaphore_mem>>) src(%dma_wait3A_81 : memref<2x8x8x128xf32, #tpu.memory_space<vmem>>) dst(%dma_wait3A_76 : memref<2x8x8x128xf32, #tpu.memory_space<hbm>>)
    return
  }
}

</mosaic_0001>

<sc_bundles>
// kernel: kernel.3.cloned.1.call-start
scs
__scs_entry_jumppad:
0x0: {  	(pc) =	sbr.rel $0x88, $3  }
0x1: {  	(tag) =	ssettag $0x0;
	lr =	simm.s32 $0x1  }
0x2: {  	[smem:$0x3F9E] =	sst lr;
	_ =	strace $0xD0000000  }
0x3: {  	_ = 	snop  }
0x4: {  	_ = 	snop  }
0x5: {  	_ = 	snop  }
0x6: {  	_ = 	snop  }
0x7: {  	_ = 	snop  }
__scs_overlays_trampoline_lowered:
0x8: {  	[smem:$0x3FAD] =	sst s0  }
0x9: {  	[smem:$0x3FAE] =	sst s1  }
0xa: {  	[smem:$0x3FAF] =	sst s2  }
0xb: {  	[smem:$0x3FB0] =	sst s3  }
0xc: {  	[smem:$0x3FB1] =	sst s4  }
0xd: {  	[smem:$0x3FB2] =	sst s5  }
0xe: {  	[smem:$0x3FB3] =	sst s6  }
0xf: {  	[smem:$0x3FB4] =	sst s7  }
0x10: {  	[smem:$0x3FB5] =	sst s8  }
0x11: {  	[smem:$0x3FB6] =	sst s9;
	s0 =	simm.s32 @!p0 $0x0  }
0x12: {  	s1 =	sld [smem:$0x3F9C];
	s0 =	simm.s32 @p0 $0x1  }
0x13: {  	[smem:$0x3FB7] =	sst s0;
	s0 =	simm.s32 @!p1 $0x0  }
0x14: {  	s2 =	sld [smem:$0x3F9B];
	s0 =	simm.s32 @p1 $0x1  }
0x15: {  	[smem:$0x3FB8] =	sst s0;
	s0 =	simm.s32 @!p2 $0x0  }
0x16: {  	s3 =	sld [smem:$0x3FDB];
	s0 =	simm.s32 @p2 $0x1  }
0x17: {  	s4 =	simm.s32 $0x1BF5;
	[smem:$0x3FBA] =	sst s0  }
0x18: {  	s0 =	sld [smem:$0x3F9D];
	_ =	swait.ge [sflag:s4], $0x0  }
0x19: {  	s7 =	sld [smem:$0x3F9E]  }
0x1a: {  	s8 =	sadd.s32 $0xFFFFE003, lr  }
0x1b: {  	s9 =	sadd.s32 $0xFFFFFEF7, lr;
	s5 =	simm.s32 $0xFFFFFFFF;
	p2 =	slt.u32 s8, $0xFFFFF086  }
0x1c: {  	p1 =	slt.u32 s9, $0xF7A;
	s5 =	simm.s32 @!p2 $0x0  }
0x1d: {  	s5 =	simm.s32 @p1 $0x1;
	p0 =	seq.s32 s7, s2  }
0x1e: {  	s7 =	smul.u32 @!p0 $0xF7A, s2;
	p2 =	seq.s32 @!p0 s5, $0x0  }
0x1f: {  	s9 =	smul.u32 $0xF7A, s1;
	s8 =	simm.s32 @!p0 $0x1BF5;
	p2 =	por !p2, p0  }
0x20: {  	[sflag:s8] =	ssyncset.s32 @!p0 $0xFFFFF086;
	s6 =	sadd.s32 @!p0 s3, s7;
	s7 =	simm.s32 @!p0 $0x108  }
0x21: {  	s3 =	sadd.s32 s3, s9;
	s6 =	sadd.s32 @!p0 $0x88, s6;
	s7 =	simm.s32 @p2 $0x1082  }
0x22: {  	[simem:s7], [sflag:s8] =	dma.local @!p0 [hbm:s6], $0xF7A  }
0x23: {  	s9 =	sor.u32 $0xD0000000, s2;
	s6 =	simm.s32 $0x108;
	_ =	swait.ge @!p0 [sflag:s8], $0x0  }
0x24: {  	s3 =	sadd.s32 $0x88, s3;
	s6 =	simm.s32 @!p1 $0x1082;
	[sflag:s4] =	ssyncset.s32 $0xFFFFF086  }
0x25: {  	[simem:s6], [sflag:s4] =	dma.local [hbm:s3], $0xF7A  }
0x26: {  	[smem:$0x3F9E] =	sst s1;
	(tag) =	ssettag s2;
	_ =	strace s9  }
0x27: {  	s1 =	sld [smem:$0x3FAE]  }
0x28: {  	s2 =	sld [smem:$0x3FAF]  }
0x29: {  	s4 =	sld [smem:$0x3FB1]  }
0x2a: {  	p0 =	seq.s32 s5, $0x0;
	s5 =	sld [smem:$0x3FB2]  }
0x2b: {  	s6 =	sld [smem:$0x3FB3]  }
0x2c: {  	s7 =	sld [smem:$0x3FB4]  }
0x2d: {  	s3 =	simm.s32 $0x108;
	s8 =	sld [smem:$0x3FB5]  }
0x2e: {  	s3 =	simm.s32 @!p0 $0x1082;
	s9 =	sld [smem:$0x3FB6]  }
0x2f: {  	lr =	sadd.s32 s0, s3;
	s0 =	sld [smem:$0x3FAD]  }
0x30: {  	s3 =	sld [smem:$0x3FB0]  }
0x31: {  	[smem:$0x3FB9] =	sst s10  }
0x32: {  	s10 =	sld [smem:$0x3FB7];
	_ =	sdelay $0x3  }
0x33: {  	p0 =	seq.s32 s10, $0x1;
	s10 =	sld [smem:$0x3FB9];
	_ =	sdelay $0x3  }
0x34: {  	[smem:$0x3FB9] =	sst s10  }
0x35: {  	s10 =	sld [smem:$0x3FB8];
	_ =	sdelay $0x3  }
0x36: {  	p1 =	seq.s32 s10, $0x1;
	s10 =	sld [smem:$0x3FB9];
	_ =	sdelay $0x3  }
0x37: {  	[smem:$0x3FB9] =	sst s10  }
0x38: {  	s10 =	sld [smem:$0x3FBA]  }
0x39: {  	_ = 	snop;
	(pc) =	sbr.ind lr, $3  }
0x3a: {  	_ = 	snop  }
0x3b: {  	_ = 	snop  }
0x3c: {  	p2 =	seq.s32 s10, $0x1;
	s10 =	sld [smem:$0x3FB9]  }
0x3d: {  	_ =	shalt  }
0x3e: {  	_ =	shalt  }
0x3f: {  	_ =	shalt  }
0x40: {  	_ =	shalt  }
0x41: {  	_ =	shalt  }
0x42: {  	_ =	shalt  }
0x43: {  	_ =	shalt  }
0x44: {  	_ =	shalt  }
0x45: {  	_ =	shalt  }
0x46: {  	_ =	shalt  }
0x47: {  	_ =	shalt  }
0x48: {  	_ =	shalt  }
0x49: {  	_ =	shalt  }
0x4a: {  	_ =	shalt  }
0x4b: {  	_ =	shalt  }
0x4c: {  	_ =	shalt  }
0x4d: {  	_ =	shalt  }
0x4e: {  	_ =	shalt  }
0x4f: {  	_ =	shalt  }
0x50: {  	_ =	shalt  }
0x51: {  	_ =	shalt  }
0x52: {  	_ =	shalt  }
0x53: {  	_ =	shalt  }
0x54: {  	_ =	shalt  }
0x55: {  	_ =	shalt  }
0x56: {  	_ =	shalt  }
0x57: {  	_ =	shalt  }
0x58: {  	_ =	shalt  }
0x59: {  	_ =	shalt  }
0x5a: {  	_ =	shalt  }
0x5b: {  	_ =	shalt  }
0x5c: {  	_ =	shalt  }
0x5d: {  	_ =	shalt  }
0x5e: {  	_ =	shalt  }
0x5f: {  	_ =	shalt  }
0x60: {  	_ =	shalt  }
0x61: {  	_ =	shalt  }
0x62: {  	_ =	shalt  }
0x63: {  	_ =	shalt  }
0x64: {  	_ =	shalt  }
0x65: {  	_ =	shalt  }
0x66: {  	_ =	shalt  }
0x67: {  	_ =	shalt  }
0x68: {  	_ =	shalt  }
0x69: {  	_ =	shalt  }
0x6a: {  	_ =	shalt  }
0x6b: {  	_ =	shalt  }
0x6c: {  	_ =	shalt  }
0x6d: {  	_ =	shalt  }
0x6e: {  	_ =	shalt  }
0x6f: {  	_ =	shalt  }
0x70: {  	_ =	shalt  }
0x71: {  	_ =	shalt  }
0x72: {  	_ =	shalt  }
0x73: {  	_ =	shalt  }
0x74: {  	_ =	shalt  }
0x75: {  	_ =	shalt  }
0x76: {  	_ =	shalt  }
0x77: {  	_ =	shalt  }
0x78: {  	_ =	shalt  }
0x79: {  	_ =	shalt  }
0x7a: {  	_ =	shalt  }
0x7b: {  	_ =	shalt  }
0x7c: {  	_ =	shalt  }
0x7d: {  	_ =	shalt  }
0x7e: {  	_ =	shalt  }
0x7f: {  	_ =	shalt  }
0x80: {  	_ =	shalt  }
0x81: {  	_ =	shalt  }
0x82: {  	_ =	shalt  }
0x83: {  	_ =	shalt  }
0x84: {  	_ =	shalt  }
0x85: {  	_ =	shalt  }
0x86: {  	_ =	shalt  }
0x87: {  	_ =	shalt  }
.Lfunc_end0:
.L_simem_size_0:
called_computation_lowered:
.L_overlay_start_0:
0x88: {  	s2 =	sld [smem:$0x3FD9]  }
0x89: {  	s3 =	sld [smem:$0x3FFE];
	_ =	sdelay $0x1  }
0x8a: {  	s1 =	srdreg.scid  }
0x8b: {  	s0 =	sand.u32 $0x1, s1  }
0x8c: {  	s17 =	sshll.u32 s0, $0xA;
	s2 =	sadd.s32 s3, s2  }
0x8d: {  	s2 =	sadd.s32 s2, s17  }
0x8e: {  	[smem:$0x3FC5] =	sst s2  }
0x8f: {  	_ = 	snop  }
0x90: {  	s2 =	sld [smem:$0x3FD0];
	(tm) =	ssettm $0x1  }
0x91: {  	s18 =	sld [smem:$0x3FFB];
	_ =	sdelay $0x3  }
0x92: {  	_ =	strace s18  }
0x93: {  	s3 =	sld [smem:$0x3FFC];
	_ =	sdelay $0x3  }
0x94: {  	_ =	strace s3  }
0x95: {  	s3 =	sld [smem:$0x3FFD];
	_ =	sdelay $0x3  }
0x96: {  	_ =	strace s3  }
0x97: {  	_ =	strace $0x8FFFFFFF  }
0x98: {  	s19 =	sld [smem:$0x3FDB];
	_ =	sdelay $0x1  }
0x99: {  	s4 =	simm.s32 $_scs_section_size  }
0x9a: {  	s5 =	simm.s32 $_size__tile_overlayer_lowered;
	s6 =	simm.s32 $_tile_overlayer_lowered  }
0x9b: {  	s22 =	simm.s32 $0x1BFF;
	s21 =	sshll.u32 s6, $0x1;
	s3 =	sadd.s32 s4, s19  }
0x9c: {  	s7 =	simm.s32 $0x0;
	s20 =	sshll.u32 s5, $0x1;
	s5 =	sadd.s32 s21, s3  }
0x9d: {  	[timem:s7], [sflag:s22] =	dma.local [hbm:s5], s20  }
0x9e: {  	_ =	swait.ge [sflag:s22], s20  }
0x9f: {  	s4 =	ssub.s32 $0x0, s20;
	[sflag:s22] =	ssyncset.done $0x0  }
0xa0: {  	[sflag:s22] =	ssyncadd.s32 s4;
	_ =	sdelay $0x1  }
0xa1: {  	s23 =	simm.s32 $0x1B8B  }
0xa2: {  	_ =	swait.ge [sflag:s23], $0x1  }
0xa3: {  	[sflag:s23] =	ssyncset.done $0x0  }
0xa4: {  	s25 =	simm.s32 $0x1B8E;
	s24 =	sld [smem:$0x3FFE];
	[sflag:s23] =	ssyncadd.s32 $0xFFFFFFFF  }
0xa5: {  	s26 =	simm.s32 $execute0_lowered;
	[smem:$0x3FD2] =	sst s25  }
0xa6: {  	s5 =	sshll.u32 s26, $0x1;
	_ =	strace $0x80000046;
	[dreg:$0x1] =	wrdreg $0xFFFFFFFF  }
0xa7: {  	s28 =	simm.s32 $_size_execute0_lowered;
	s3 =	sadd.s32 s3, s5;
	[dreg:$0x0] =	wrdreg $0x0  }
0xa8: {  	s5 =	sshll.u32 s28, $0x1;
	[dreg:$0x2] =	wrdreg s3  }
0xa9: {  	[dreg:$0x3] =	wrdreg s5  }
0xaa: {  	[dreg:$0x4] =	wrdreg $0xC0  }
0xab: {  	_ =	task [dreg:s7], $0x5FFFF  }
0xac: {  	[dreg:$0x1] =	wrdreg $0xFFFFFFFF  }
0xad: {  	[dreg:$0x0] =	wrdreg $0x60  }
0xae: {  	[dreg:$0x2] =	wrdreg s24  }
0xaf: {  	[dreg:$0x3] =	wrdreg s2  }
0xb0: {  	[dreg:$0x4] =	wrdreg $0x9  }
0xb1: {  	_ =	task.clear_ibuf [dreg:s7], $0x5FFFF;
	_ =	strace $0x90000046  }
0xb2: {  	s29 =	simm.s32 $0x9;
	_ =	strace $0x80000048  }
0xb3: {  	_ =	swait.ge [sflag:s29], $0x1  }
0xb4: {  	[sflag:s29] =	ssyncadd.s32 $0xFFFFFFFF  }
0xb5: {  	_ =	strace $0x90000048  }
0xb6: {  	_ =	sfence  }
0xb7: {  	s30 =	sld [smem:$0x0];
	_ =	sdelay $0x2  }
0xb8: {  	s31 =	sshll.u32 s1, $0xD;
	s1 =	sshrl.u32 s1, $0x2  }
0xb9: {  	s3 =	sand.u32 $0x4000, s31;
	s1 =	sadd.s32 s1, s30  }
0xba: {  	s0 =	sor.u32 s3, s0;
	s1 =	sshll.u32 s1, $0x11  }
0xbb: {  	s0 =	sor.u32 s1, s0  }
0xbc: {  	s0 =	sadd.s32 $0x8F2B, s0  }
0xbd: {  	[sflag:s0] =	ssyncadd.remote.s32 $0x1  }
0xbe: {  	_ =	sfence.sel $0xFFFF  }
0xbf: {  	[dreg:$0x0] =	wrdreg $0xFFFFFFFF;
	(pc) =	sbr.abs _section_cstart, $3  }
0xc0: {  	[dreg:$0x1] =	wrdreg $0xFFFFFFFF  }
0xc1: {  	_ =	task.clear_ibuf [dreg:s7], $0x2FFFF;
	_ =	strace $0x9FFFFFFF  }
0xc2: {  	(tm) =	ssettm $0x7FFFFFFF  }
0xc3: {  	_ =	shalt  }
tec
execute0_lowered:
.L_overlay_start_1:
0x0: {  	(tag) =	ssettag $0x1  }
0x1: {  	s3 =	stileid.u32;
	v0 =	vlaneseq.u32  }
0x2: {  	s0 =	rddreg [dreg:$0x0];
	s4 =	sshll.u32 s3, $0x1;
	v3 =	vmul.u32 $0x88, v0;
	s3 =	simm.s32 $0x0  }
0x3: {  	v1 =	vimm.s32 $0x0;
	vm0 =	vcmask $0x300;
	[smem:$0x7FF] =	sst s3  }
0x4: {  	s2 =	rddreg [dreg:$0x1];
	v1 =	vsel vm0, $0x3, v1;
	_ =	strace $0x80000047;
	[tilespmem:$0x1FE30] =	vst v3  }
0x5: {  	v0 =	vadd.s32 $0x1984, v3;
	[tilespmem:$0x1FF90] =	vst v1  }
0x6: {  	v2 =	vadd.s32 $0x1987, v3;
	[tilespmem:$0x1FDF0] =	vst v0  }
0x7: {  	v4 =	vadd.s32 $0x880, v3;
	[tilespmem:$0x1FE20] =	vst v2  }
0x8: {  	v5 =	vadd.s32 $0x1100, v3;
	[tilespmem:$0x1FE40] =	vst v4  }
0x9: {  	v6 =	vadd.s32 $0x1980, v3;
	[tilespmem:$0x1FE50] =	vst v5  }
0xa: {  	v7 =	vor.u32 $0x1, v3;
	[tilespmem:$0x1FE60] =	vst v6  }
0xb: {  	v8 =	vadd.s32 $0x881, v3;
	[tilespmem:$0x1FE70] =	vst v7  }
0xc: {  	v9 =	vadd.s32 $0x1101, v3;
	[tilespmem:$0x1FE80] =	vst v8  }
0xd: {  	v10 =	vadd.s32 $0x1981, v3;
	[tilespmem:$0x1FE90] =	vst v9  }
0xe: {  	v11 =	vor.u32 $0x2, v3;
	[tilespmem:$0x1FEA0] =	vst v10  }
0xf: {  	v27 =	vadd.s32 $0x882, v3;
	[tilespmem:$0x1FEB0] =	vst v11  }
0x10: {  	v13 =	vadd.s32 $0x1102, v3;
	[tilespmem:$0x1FEC0] =	vst v27  }
0x11: {  	v14 =	vadd.s32 $0x1982, v3;
	[tilespmem:$0x1FED0] =	vst v13  }
0x12: {  	v16 =	vor.u32 $0x3, v3;
	[tilespmem:$0x1FEE0] =	vst v14  }
0x13: {  	v17 =	vadd.s32 $0x883, v3;
	[tilespmem:$0x1FEF0] =	vst v16  }
0x14: {  	v18 =	vadd.s32 $0x1103, v3;
	[tilespmem:$0x1FF00] =	vst v17  }
0x15: {  	v15 =	vadd.s32 $0x1983, v3;
	[tilespmem:$0x1FF10] =	vst v18  }
0x16: {  	v20 =	vor.u32 $0x4, v3;
	[tilespmem:$0x1FF20] =	vst v15  }
0x17: {  	v21 =	vadd.s32 $0x884, v3;
	[tilespmem:$0x1FF30] =	vst v20  }
0x18: {  	v22 =	vadd.s32 $0x1104, v3;
	[tilespmem:$0x1FF40] =	vst v21  }
0x19: {  	s1 =	srdreg.scid;
	v24 =	vor.u32 $0x5, v3;
	[tilespmem:$0x1FF50] =	vst v22  }
0x1a: {  	s14 =	simm.s32 $0x7;
	s15 =	simm.s32 $0x200;
	s17 =	simm.s32 $0x1;
	v25 =	vadd.s32 $0x885, v3;
	[tilespmem:$0x1FF60] =	vst v24  }
0x1b: {  	s18 =	simm.s32 $0x6;
	s19 =	simm.s32 $0xB600;
	s20 =	simm.s32 $0x13600;
	v26 =	vadd.s32 $0x1105, v3;
	[tilespmem:$0x1FF70] =	vst v25  }
0x1c: {  	s21 =	simm.s32 $0x15800;
	s22 =	simm.s32 $0x17A00;
	s23 =	simm.s32 $0x19C00;
	v23 =	vor.u32 $0x6, v3;
	[tilespmem:$0x1FF80] =	vst v26  }
0x1d: {  	s24 =	simm.s32 $0x2;
	s1 =	sand.u32 $0x1, s1;
	s5 =	sadd.s32 $0x19C00, s0;
	v12 =	vadd.s32 $0x886, v3;
	[tilespmem:$0x1FFA0] =	vst v23  }
0x1e: {  	s6 =	sor.u32 s1, s4;
	s4 =	sadd.s32 $0xC00, s0;
	s1 =	ssub.s32 $0x2, s1;
	v28 =	vadd.s32 $0x1106, v3;
	[tilespmem:$0x1FFB0] =	vst v12  }
0x1f: {  	s0 =	sadd.s32 $0x400, s0;
	s8 =	smul.u32 $0x6400, s6;
	s30 =	sshrl.u32 s1, $0x1;
	v31 =	vor.u32 $0x7, v3;
	[tilespmem:$0x1FFC0] =	vst v28  }
0x20: {  	s25 =	simm.s32 $0x3;
	[dreg:$0x3] =	wrdreg s0;
	v29 =	vadd.s32 $0x1107, v3;
	s0 =	ssub.s32 s1, s30;
	[tilespmem:$0x1FFD0] =	vst v31  }
0x21: {  	s26 =	simm.s32 $0x4;
	v0 =	vadd.s32 $0x1985, v3;
	[tilespmem:$0x1FFF0] =	vst v29;
	s7 =	sshrl.u32 s8, $0x3;
	s0 =	smax.u32 s0, $0x1  }
0x22: {  	s28 =	simm.s32 $0x0;
	[tilespmem:$0x1FE00] =	vst v0;
	v0 =	vadd.s32 $0x1986, v3;
	s7 =	sadd.s32 s4, s7;
	[dreg:$0x6] =	wrdreg s0  }
0x23: {  	s10 =	sshll.u32 s6, $0xA;
	[tilespmem:$0x1FE10] =	vst v0;
	v0 =	vadd.s32 $0x887, v3;
	[dreg:$0x4] =	wrdreg s7;
	s31 =	sadd.s32 $0x40, s7  }
0x24: {  	s9 =	sadd.s32 $0x400, s8;
	s11 =	sadd.s32 $0x600, s8;
	[tilespmem:$0x1FFE0] =	vst v0;
	[dreg:$0x5] =	wrdreg s31  }
.LBB2_1:
0x25: {  	s0 =	rddreg [dreg:$0x3];
	s1 =	simm.s32 $0x400  }
0x26: {  	[tilespmem:s1], [sflag:$0x7] =	stream.linear.gather [hbm4b:s0+s3], $0x3200, $0x38;
	[tilespmem:$0x1BE00] =	vst v63  }
0x27: {  	_ =	swait.ge [sflag:s14], $0x3200  }
0x28: {  	[sflag:s14] =	ssyncset.done $0x0  }
0x29: {  	s16 =	rddreg [dreg:$0x4];
	[sflag:s14] =	ssyncadd.s32 $0xFFFFCE00  }
0x2a: {  	[tilespmem:s3], [sflag:$0x7] =	stream.linear.gather [hbm4b:s16+s3], $0x200, $0x38;
	[tilespmem:$0x1BE00] =	vst v63  }
0x2b: {  	_ =	swait.ge [sflag:s14], $0x200  }
0x2c: {  	[sflag:s14] =	ssyncset.done $0x0  }
0x2d: {  	s30 =	simm.s32 $0x3600;
	[sflag:s14] =	ssyncadd.s32 $0xFFFFFE00  }
0x2e: {  	[tilespmem:s30], [sflag:$0x1] =	stream.indirect.gather [hbm4b:s5+s15], $0x40, s3, s15, $0xb8;
	[tilespmem:$0x1BE00] =	vst v63  }
0x2f: {  	s29 =	simm.s32 $0x0;
	s31 =	rddreg [dreg:$0x5]  }
0x30: {  	[tilespmem:s15], [sflag:$0x6] =	stream.linear.gather [hbm4b:s31+s3], $0x200, $0x38;
	[tilespmem:$0x1BE00] =	vst v63  }
.LBB2_2:
0x31: {  	_ =	swait.ge [sflag:s17], $0x8000  }
0x32: {  	p0 =	seq.s32 s29, $0x18;
	[sflag:s17] =	ssyncset.done $0x0  }
0x33: {  	p1 =	seq.s32 @!p0 s29, $0x0;
	[sflag:s17] =	ssyncadd.s32 $0xFFFF8000  }
0x34: {  	s31 =	sshll.u32 @!p0 s29, $0xA;
	p1 =	por p0, !p1;
	_ =	swait.ge [sflag:s18], $0x200  }
.Ltmp0:
0x35: {  	s0 =	sadd.s32 @!p0 s31, s9;
	[sflag:s18] =	ssyncset.done $0x0;
	(pc) =	sbr.rel @!p1 .LBB2_3-.Ltmp0, $4  }
0x36: {  	s0 =	sshrl.u32 @!p0 s0, $0x3;
	[sflag:s18] =	ssyncadd.s32 $0xFFFFFE00  }
0x37: {  	[tilespmem:s19], [sflag:$0x2] =	stream.indirect.gather [hbm4b:s5+s15], $0x40, s15, s15, $0xb8;
	[tilespmem:$0x1BE00] =	vst v63  }
0x38: {  	s1 =	simm.s32 @!p0 $0x0;
	s0 =	sadd.s32 @!p0 s4, s0  }
0x39: {  	[tilespmem:s1], [sflag:$0x5] =	stream.linear.gather @!p0 [hbm4b:s0+s1], $0x200, $0x38;
	[tilespmem:$0x1BE00] =	vst v63  }
.Ltmp1:
0x3a: {  	(pc) =	sbr.rel .LBB2_5-.Ltmp1, $4  }
0x3b: {  	_ = 	snop  }
0x3c: {  	s0 =	sshll.u32 @!p0 s29, $0x3;
	_ =	swait.ge [sflag:s25], $0x4000  }
0x3d: {  	s0 =	simm.s32 @p0 $0xC0;
	[sflag:s25] =	ssyncset.done $0x0  }
0x3e: {  	p1 =	por $0x0, $0x0;
	[sflag:s25] =	ssyncadd.s32 $0xFFFFC000;
	s1 =	sor.u32 $0x2, s0  }
.LBB2_3:
0x3f: {  	s1 =	simm.s32 @!p0 $0x2;
	p1 =	por @!p0 $0x1, $0x1  }
.LBB2_5:
0x40: {  	s0 =	simm.s32 $0x0;
	s16 =	simm.s32 $0x1;
	s6 =	simm.s32 $0x2  }
0x41: {  	s7 =	simm.s32 $0x3;
	s12 =	simm.s32 $0x4;
	s13 =	simm.s32 $0x5;
	v33 =	vmov s0;
	v34 =	vmov s16;
	v37 =	vmov s6  }
0x42: {  	s8 =	sshll.u32 s29, $0x9;
	v38 =	vmov s7;
	v39 =	vmov s12;
	s16 =	simm.s32 $0x6;
	v40 =	vmov s13  }
0x43: {  	s0 =	sand.u32 $0x3FFFFE00, s8;
	v33 =	vshrl.u32 v33, $0x3;
	v41 =	vmov s16;
	v42 =	vshrl.u32 v34, $0x3  }
0x44: {  	s7 =	simm.s32 $0x7;
	v36 =	vld [tilespmem:s0+$0x400];
	v37 =	vshrl.u32 v37, $0x3;
	v38 =	vshrl.u32 v38, $0x3;
	v39 =	vshrl.u32 v39, $0x3  }
0x45: {  	s13 =	simm.s32 $0x3700;
	v35 =	vld [tilespmem:s0+$0x410];
	v40 =	vshrl.u32 v40, $0x3;
	v43 =	vmov s7;
	v33 =	vshll.u32 v33, v1  }
0x46: {  	v47 =	vld [tilespmem:s13+$0xFFFFFF00];
	v41 =	vshrl.u32 v41, $0x3;
	v42 =	vshll.u32 v42, v1;
	v37 =	vshll.u32 v37, v1  }
0x47: {  	v46 =	vld [tilespmem:s13+$0xC0];
	v44 =	vshrl.u32 v43, $0x3;
	v38 =	vshll.u32 v38, v1;
	v39 =	vshll.u32 v39, v1  }
0x48: {  	v48 =	vld [tilespmem:s13+$0xFFFFFF40];
	v43 =	vbroadcast v33, $0x0;
	v60 =	vshll.u32 v44, v1;
	v44 =	vbroadcast v42, $0x0  }
0x49: {  	v49 =	vld [tilespmem:s13+$0xFFFFFF80];
	v40 =	vshll.u32 v40, v1;
	v42 =	vbroadcast v37, $0x0;
	v45 =	vbroadcast v60, $0x0  }
0x4a: {  	v62 =	vld [tilespmem:s13+$0xFFFFFFC0];
	v61 =	vshll.u32 v41, v1;
	v41 =	vbroadcast v38, $0x0;
	v51 =	vadd.s32 v3, v43  }
0x4b: {  	v52 =	vld [tilespmem:s13+$0x0];
	v39 =	vbroadcast v39, $0x0;
	v50 =	vadd.s32 v31, v45;
	v47 =	vmul.f32 $8.000000000e+00, v47  }
0x4c: {  	v34 =	vld [tilespmem:s0+$0x420];
	v40 =	vbroadcast v40, $0x0;
	v53 =	vadd.s32 v7, v44;
	v46 =	vmul.f32 $8.000000000e+00, v46  }
0x4d: {  	v54 =	vld [tilespmem:s13+$0x40];
	v55 =	vadd.s32 v11, v42;
	v48 =	vmul.f32 $8.000000000e+00, v48;
	v47 =	vadd.f32 v47, v36  }
0x4e: {  	v56 =	vld [tilespmem:s13+$0x80];
	v57 =	vadd.s32 v16, v41;
	v49 =	vmul.f32 $8.000000000e+00, v49;
	v46 =	vadd.f32 v46, v36  }
0x4f: {  	v33 =	vld [tilespmem:s0+$0x430];
	v58 =	vadd.s32 v20, v39;
	v37 =	vmul.f32 $8.000000000e+00, v62;
	v48 =	vadd.f32 v48, v36;
	[tilespmem:v51+s20+$0x0] =	vst.idx.msk $0xffff, v47  }
0x50: {  	v2 =	vbroadcast v61, $0x0;
	v32 =	vmul.f32 $8.000000000e+00, v52;
	v63 =	vadd.f32 v49, v36;
	[tilespmem:v50+s20+$0x0] =	vst.idx.msk $0xffff, v46;
	v51 =	vld [tilespmem:s13+$0xFFFFFF10]  }
0x51: {  	v49 =	vadd.s32 v24, v40;
	v37 =	vadd.f32 v37, v36;
	[tilespmem:v53+s20+$0x0] =	vst.idx.msk $0xffff, v48;
	v50 =	vld [tilespmem:s13+$0xD0]  }
0x52: {  	v59 =	vmul.f32 $8.000000000e+00, v54;
	v52 =	vadd.s32 v23, v2;
	v61 =	vadd.f32 v32, v36;
	[tilespmem:v55+s20+$0x0] =	vst.idx.msk $0xffff, v63;
	v54 =	vld [tilespmem:s13+$0xFFFFFF50]  }
0x53: {  	v62 =	vmul.f32 $8.000000000e+00, v56;
	[tilespmem:v57+s20+$0x0] =	vst.idx.msk $0xffff, v37;
	v55 =	vld [tilespmem:s13+$0xFFFFFF90]  }
0x54: {  	s8 =	simm.s32 $0x8;
	v63 =	vadd.f32 v59, v36;
	[tilespmem:v58+s20+$0x0] =	vst.idx.msk $0xffff, v61;
	v56 =	vld [tilespmem:s13+$0xFFFFFFD0]  }
0x55: {  	v60 =	vmov s8;
	v32 =	vadd.f32 v62, v36;
	v47 =	vadd.s32 v0, v45;
	v59 =	vld [tilespmem:s13+$0x10]  }
0x56: {  	v62 =	vadd.s32 v21, v39;
	v58 =	vadd.s32 v4, v43;
	[tilespmem:v49+s20+$0x0] =	vst.idx.msk $0xffff, v63;
	v37 =	vmul.f32 $8.000000000e+00, v50  }
0x57: {  	v53 =	vshrl.u32 v60, $0x3;
	[tilespmem:v52+s20+$0x0] =	vst.idx.msk $0xffff, v32;
	v60 =	vld [tilespmem:s13+$0x50];
	v50 =	vmul.f32 $8.000000000e+00, v51;
	v51 =	vadd.s32 v8, v44  }
0x58: {  	v52 =	vadd.s32 v27, v42;
	v32 =	vmul.f32 $8.000000000e+00, v54;
	v54 =	vld [tilespmem:s13+$0x90];
	v37 =	vadd.f32 v37, v35  }
0x59: {  	v61 =	vadd.s32 v17, v41;
	v55 =	vmul.f32 $8.000000000e+00, v55;
	v50 =	vadd.f32 v50, v35  }
0x5a: {  	v56 =	vmul.f32 $8.000000000e+00, v56;
	v38 =	vmul.f32 $8.000000000e+00, v59;
	v46 =	vadd.f32 v32, v35;
	[tilespmem:v47+s20+$0x0] =	vst.idx.msk $0xffff, v37  }
0x5b: {  	v32 =	vadd.f32 v55, v35;
	[tilespmem:v58+s20+$0x0] =	vst.idx.msk $0xffff, v50;
	v50 =	vadd.s32 v25, v40;
	v55 =	vld [tilespmem:s13+$0xE0]  }
0x5c: {  	v47 =	vadd.f32 v38, v35;
	v58 =	vld [tilespmem:s13+$0xFFFFFF20];
	[tilespmem:v51+s20+$0x0] =	vst.idx.msk $0xffff, v46;
	v46 =	vadd.f32 v56, v35  }
0x5d: {  	s12 =	simm.s32 $0x9;
	[tilespmem:v52+s20+$0x0] =	vst.idx.msk $0xffff, v32;
	v32 =	vmul.f32 $8.000000000e+00, v54;
	v51 =	vmul.f32 $8.000000000e+00, v60;
	v56 =	vadd.s32 v12, v2;
	v60 =	vld [tilespmem:s13+$0xFFFFFF60]  }
0x5e: {  	s16 =	simm.s32 $0xA;
	v48 =	vmov s12;
	v52 =	vadd.s32 v29, v45;
	v54 =	vld [tilespmem:s13+$0xFFFFFFA0];
	[tilespmem:v61+s20+$0x0] =	vst.idx.msk $0xffff, v46  }
0x5f: {  	v57 =	vmov s16;
	[tilespmem:v62+s20+$0x0] =	vst.idx.msk $0xffff, v47;
	v32 =	vadd.f32 v32, v35;
	v38 =	vadd.f32 v51, v35;
	v61 =	vld [tilespmem:s13+$0xFFFFFFE0]  }
0x60: {  	v62 =	vshrl.u32 v48, $0x3;
	v48 =	vadd.s32 v5, v43;
	v63 =	vld [tilespmem:s13+$0x20];
	v46 =	vmul.f32 $8.000000000e+00, v55  }
0x61: {  	[tilespmem:v50+s20+$0x0] =	vst.idx.msk $0xffff, v38;
	v50 =	vshrl.u32 v57, $0x3;
	v57 =	vadd.s32 v9, v44;
	v38 =	vmul.f32 $8.000000000e+00, v58  }
0x62: {  	[tilespmem:v56+s20+$0x0] =	vst.idx.msk $0xffff, v32;
	v56 =	vadd.s32 v13, v42;
	v32 =	vmul.f32 $8.000000000e+00, v60;
	v46 =	vadd.f32 v46, v34  }
0x63: {  	v54 =	vmul.f32 $8.000000000e+00, v54;
	v55 =	vadd.f32 v38, v34;
	v38 =	vadd.s32 v18, v41  }
0x64: {  	[tilespmem:v52+s20+$0x0] =	vst.idx.msk $0xffff, v46;
	v46 =	vadd.f32 v32, v34;
	v32 =	vmul.f32 $8.000000000e+00, v61;
	v52 =	vadd.s32 v22, v39  }
0x65: {  	[tilespmem:v48+s20+$0x0] =	vst.idx.msk $0xffff, v55;
	v48 =	vadd.f32 v54, v34;
	v54 =	vmul.f32 $8.000000000e+00, v63  }
0x66: {  	[tilespmem:v57+s20+$0x0] =	vst.idx.msk $0xffff, v46;
	v32 =	vadd.f32 v32, v34  }
0x67: {  	[tilespmem:v56+s20+$0x0] =	vst.idx.msk $0xffff, v48;
	v54 =	vadd.f32 v54, v34  }
0x68: {  	v58 =	vld [tilespmem:s13+$0x60];
	[tilespmem:v38+s20+$0x0] =	vst.idx.msk $0xffff, v32  }
0x69: {  	v60 =	vld [tilespmem:s13+$0xA0];
	[tilespmem:v52+s20+$0x0] =	vst.idx.msk $0xffff, v54  }
0x6a: {  	v19 =	vld [tilespmem:$0x1FE20]  }
0x6b: {  	v61 =	vld [tilespmem:s13+$0xF0]  }
0x6c: {  	v55 =	vadd.s32 v26, v40;
	v57 =	vld [tilespmem:s13+$0xFFFFFF30]  }
0x6d: {  	v58 =	vmul.f32 $8.000000000e+00, v58  }
0x6e: {  	v63 =	vadd.s32 v28, v2  }
0x6f: {  	v60 =	vmul.f32 $8.000000000e+00, v60;
	v32 =	vadd.f32 v58, v34;
	v45 =	vadd.s32 v19, v45  }
0x70: {  	v58 =	vadd.s32 v6, v43;
	v54 =	vshll.u32 v62, v1;
	v62 =	vmul.f32 $8.000000000e+00, v61  }
0x71: {  	v56 =	vld [tilespmem:s13+$0xFFFFFF70];
	v52 =	vadd.f32 v60, v34;
	[tilespmem:v55+s20+$0x0] =	vst.idx.msk $0xffff, v32;
	v32 =	vmul.f32 $8.000000000e+00, v57  }
0x72: {  	v61 =	vadd.f32 v62, v33  }
0x73: {  	v55 =	vshll.u32 v50, v1;
	[tilespmem:v63+s20+$0x0] =	vst.idx.msk $0xffff, v52;
	v50 =	vadd.f32 v32, v33  }
0x74: {  	v38 =	vld [tilespmem:s13+$0xFFFFFFB0];
	[tilespmem:v45+s20+$0x0] =	vst.idx.msk $0xffff, v61  }
0x75: {  	v44 =	vadd.s32 v10, v44;
	v32 =	vld [tilespmem:$0x1FDF0];
	[tilespmem:v58+s20+$0x0] =	vst.idx.msk $0xffff, v50  }
0x76: {  	v30 =	vmov v0;
	s16 =	simm.s32 $0xE;
	v56 =	vmul.f32 $8.000000000e+00, v56;
	v0 =	vld [tilespmem:$0x1FE00]  }
0x77: {  	s8 =	simm.s32 $0xC;
	v51 =	vmov s16  }
0x78: {  	v59 =	vmov s8;
	v46 =	vshrl.u32 v51, $0x3;
	v51 =	vld [tilespmem:s13+$0xFFFFFFF0];
	v62 =	vadd.f32 v56, v33  }
0x79: {  	v47 =	vshrl.u32 v59, $0x3;
	v59 =	vld [tilespmem:s13+$0x30];
	v38 =	vmul.f32 $8.000000000e+00, v38  }
0x7a: {  	v60 =	vld [tilespmem:s13+$0x70];
	[tilespmem:v44+s20+$0x0] =	vst.idx.msk $0xffff, v62  }
0x7b: {  	s7 =	simm.s32 $0xB;
	v56 =	vadd.f32 v38, v33;
	v38 =	vadd.s32 v0, v40;
	v0 =	vld [tilespmem:$0x1FE10]  }
0x7c: {  	s12 =	simm.s32 $0xD;
	v49 =	vmov s7  }
0x7d: {  	v37 =	vshll.u32 v53, v1;
	v53 =	vmov s12;
	v63 =	vmul.f32 $8.000000000e+00, v51  }
0x7e: {  	v48 =	vshrl.u32 v49, $0x3;
	v49 =	vshrl.u32 v53, $0x3;
	v53 =	vadd.s32 v14, v42  }
0x7f: {  	v43 =	vadd.s32 v15, v41;
	v51 =	vmul.f32 $8.000000000e+00, v59;
	v52 =	vadd.f32 v63, v33  }
0x80: {  	s30 =	sshllo.u32 s29, $0x1;
	s6 =	simm.s32 $0xF;
	s16 =	simm.s32 $0x10;
	v41 =	vld [tilespmem:s13+$0xB0];
	v42 =	vadd.s32 v32, v39;
	v40 =	vmul.f32 $8.000000000e+00, v60;
	v39 =	vadd.s32 v0, v2  }
.LBB2_6:
0x81: {  	_ = 	snop  }
0x82: {  	v44 =	vmov s6;
	s13 =	sadd.s32 $0x200, s13;
	v48 =	vshll.u32 v48, v1;
	v47 =	vshll.u32 v47, v1  }
0x83: {  	v49 =	vshll.u32 v49, v1;
	[tilespmem:v53+s20+$0x0] =	vst.idx.msk $0xffff, v56;
	v45 =	vadd.f32 v51, v33;
	v58 =	vld [tilespmem:s13+$0xC0];
	v44 =	vshrl.u32 v44, $0x3  }
0x84: {  	[tilespmem:v43+s20+$0x0] =	vst.idx.msk $0xffff, v52;
	v59 =	vld [tilespmem:s13+$0xFFFFFF00];
	v43 =	vbroadcast v55, $0x0;
	v60 =	vshll.u32 v44, v1;
	v44 =	vbroadcast v54, $0x0  }
0x85: {  	v40 =	vadd.f32 v40, v33;
	v62 =	vld [tilespmem:s13+$0xFFFFFF40];
	[tilespmem:v42+s20+$0x0] =	vst.idx.msk $0xffff, v45;
	v45 =	vbroadcast v60, $0x0;
	v50 =	vmul.f32 $8.000000000e+00, v41  }
0x86: {  	v46 =	vshll.u32 v46, v1;
	v42 =	vbroadcast v48, $0x0;
	v41 =	vbroadcast v37, $0x0;
	v37 =	vld [tilespmem:s13+$0xFFFFFF80]  }
0x87: {  	v53 =	vld [tilespmem:s13+$0xFFFFFFC0];
	[tilespmem:v38+s20+$0x0] =	vst.idx.msk $0xffff, v40;
	v40 =	vbroadcast v47, $0x0;
	v47 =	vadd.s32 v31, v45;
	v61 =	vadd.f32 v50, v33  }
0x88: {  	v38 =	vbroadcast v49, $0x0;
	v54 =	vld [tilespmem:s13+$0x0];
	v48 =	vadd.s32 v3, v41;
	v49 =	vmul.f32 $8.000000000e+00, v58  }
0x89: {  	v52 =	vadd.s32 v7, v44;
	v60 =	vld [tilespmem:s13+$0x40];
	v57 =	vadd.s32 v16, v42;
	v63 =	vmul.f32 $8.000000000e+00, v59;
	[tilespmem:v39+s20+$0x0] =	vst.idx.msk $0xffff, v61  }
0x8a: {  	v61 =	vmul.f32 $8.000000000e+00, v62;
	v62 =	vadd.s32 v11, v43;
	v49 =	vadd.f32 v49, v36;
	v56 =	vld [tilespmem:s13+$0x80]  }
0x8b: {  	v58 =	vadd.s32 v20, v40;
	v51 =	vadd.f32 v63, v36;
	v37 =	vmul.f32 $8.000000000e+00, v37  }
0x8c: {  	v53 =	vmul.f32 $8.000000000e+00, v53;
	v39 =	vbroadcast v46, $0x0;
	v46 =	vadd.f32 v61, v36;
	[tilespmem:v47+s20+$0x0] =	vst.idx.msk $0xffff, v49  }
0x8d: {  	v63 =	vmul.f32 $8.000000000e+00, v54;
	[tilespmem:v48+s20+$0x0] =	vst.idx.msk $0xffff, v51;
	v37 =	vadd.f32 v37, v36;
	v48 =	vadd.s32 v24, v38;
	v49 =	vld [tilespmem:s13+$0xD0]  }
0x8e: {  	v59 =	vadd.f32 v53, v36;
	v60 =	vmul.f32 $8.000000000e+00, v60;
	v53 =	vadd.s32 v23, v39;
	v51 =	vld [tilespmem:s13+$0xFFFFFF10];
	[tilespmem:v52+s20+$0x0] =	vst.idx.msk $0xffff, v46  }
0x8f: {  	v55 =	vld [tilespmem:s13+$0xFFFFFF50];
	[tilespmem:v62+s20+$0x0] =	vst.idx.msk $0xffff, v37;
	v62 =	vadd.f32 v63, v36;
	v63 =	vmul.f32 $8.000000000e+00, v56  }
0x90: {  	[tilespmem:v57+s20+$0x0] =	vst.idx.msk $0xffff, v59;
	v60 =	vadd.f32 v60, v36;
	v54 =	vld [tilespmem:s13+$0xFFFFFF90]  }
0x91: {  	v47 =	vadd.s32 v30, v45;
	v56 =	vld [tilespmem:s13+$0xFFFFFFD0];
	[tilespmem:v58+s20+$0x0] =	vst.idx.msk $0xffff, v62;
	v37 =	vadd.f32 v63, v36  }
0x92: {  	v61 =	vmov s16;
	v58 =	vadd.s32 v4, v41;
	v59 =	vld [tilespmem:s13+$0x10];
	[tilespmem:v48+s20+$0x0] =	vst.idx.msk $0xffff, v60;
	v46 =	vmul.f32 $8.000000000e+00, v49  }
0x93: {  	v50 =	vshrl.u32 v61, $0x3;
	v49 =	vmul.f32 $8.000000000e+00, v51;
	v51 =	vadd.s32 v8, v44;
	v60 =	vld [tilespmem:s13+$0x50];
	[tilespmem:v53+s20+$0x0] =	vst.idx.msk $0xffff, v37  }
0x94: {  	v37 =	vmul.f32 $8.000000000e+00, v55;
	v53 =	vadd.s32 v27, v43;
	v46 =	vadd.f32 v46, v35;
	v55 =	vld [tilespmem:s13+$0x90]  }
0x95: {  	v61 =	vadd.s32 v17, v42;
	v49 =	vadd.f32 v49, v35;
	v54 =	vmul.f32 $8.000000000e+00, v54  }
0x96: {  	v62 =	vadd.s32 v21, v40;
	v56 =	vmul.f32 $8.000000000e+00, v56;
	v37 =	vadd.f32 v37, v35;
	[tilespmem:v47+s20+$0x0] =	vst.idx.msk $0xffff, v46  }
0x97: {  	[tilespmem:v58+s20+$0x0] =	vst.idx.msk $0xffff, v49;
	v46 =	vadd.f32 v54, v35;
	v47 =	vmul.f32 $8.000000000e+00, v59;
	v49 =	vadd.s32 v25, v38;
	v54 =	vld [tilespmem:s13+$0xE0]  }
0x98: {  	v58 =	vld [tilespmem:s13+$0xFFFFFF20];
	[tilespmem:v51+s20+$0x0] =	vst.idx.msk $0xffff, v37;
	v51 =	vadd.f32 v56, v35;
	v56 =	vmul.f32 $8.000000000e+00, v60  }
0x99: {  	v59 =	vadd.s32 v12, v39;
	v63 =	vld [tilespmem:s13+$0xFFFFFF60];
	[tilespmem:v53+s20+$0x0] =	vst.idx.msk $0xffff, v46;
	v46 =	vadd.f32 v47, v35;
	v47 =	vmul.f32 $8.000000000e+00, v55  }
0x9a: {  	v53 =	vld [tilespmem:s13+$0xFFFFFFA0];
	[tilespmem:v61+s20+$0x0] =	vst.idx.msk $0xffff, v51;
	v51 =	vadd.f32 v56, v35  }
0x9b: {  	s8 =	sadd.s32 $0x2, s16;
	v56 =	vld [tilespmem:s13+$0xFFFFFFE0];
	[tilespmem:v62+s20+$0x0] =	vst.idx.msk $0xffff, v46;
	v46 =	vadd.f32 v47, v35;
	v47 =	vadd.s32 v29, v45  }
0x9c: {  	v57 =	vmov s8;
	v61 =	vadd.s32 v5, v41;
	[tilespmem:v49+s20+$0x0] =	vst.idx.msk $0xffff, v51;
	v49 =	vmul.f32 $8.000000000e+00, v54  }
0x9d: {  	v51 =	vshrl.u32 v57, $0x3;
	v57 =	vadd.s32 v9, v44;
	v54 =	vmul.f32 $8.000000000e+00, v58;
	v58 =	vld [tilespmem:s13+$0x60]  }
0x9e: {  	[tilespmem:v59+s20+$0x0] =	vst.idx.msk $0xffff, v46;
	v46 =	vmul.f32 $8.000000000e+00, v63;
	v49 =	vadd.f32 v49, v34  }
0x9f: {  	v0 =	vadd.s32 v18, v42;
	v54 =	vadd.f32 v54, v34;
	v53 =	vmul.f32 $8.000000000e+00, v53  }
0xa0: {  	v46 =	vadd.f32 v46, v34;
	v56 =	vmul.f32 $8.000000000e+00, v56;
	[tilespmem:v47+s20+$0x0] =	vst.idx.msk $0xffff, v49  }
0xa1: {  	[tilespmem:v61+s20+$0x0] =	vst.idx.msk $0xffff, v54;
	v47 =	vadd.f32 v53, v34;
	v53 =	vadd.s32 v26, v38;
	v61 =	vld [tilespmem:s13+$0xF0]  }
0xa2: {  	[tilespmem:v57+s20+$0x0] =	vst.idx.msk $0xffff, v46;
	v46 =	vadd.f32 v56, v34;
	v54 =	vmul.f32 $8.000000000e+00, v58  }
0xa3: {  	v62 =	vld [tilespmem:s13+$0x20]  }
0xa4: {  	v59 =	vadd.s32 v13, v43;
	[tilespmem:v0+s20+$0x0] =	vst.idx.msk $0xffff, v46;
	v0 =	vadd.f32 v54, v34  }
0xa5: {  	v45 =	vadd.s32 v19, v45  }
0xa6: {  	[tilespmem:v53+s20+$0x0] =	vst.idx.msk $0xffff, v0;
	v0 =	vmul.f32 $8.000000000e+00, v61  }
0xa7: {  	s7 =	sadd.s32 $0x1, s16;
	v2 =	vadd.s32 v22, v40;
	v63 =	vld [tilespmem:s13+$0xA0]  }
0xa8: {  	v52 =	vmov s7;
	v49 =	vmul.f32 $8.000000000e+00, v62;
	v62 =	vld [tilespmem:s13+$0xFFFFFF30];
	v0 =	vadd.f32 v0, v33  }
0xa9: {  	s8 =	sadd.s32 $0x5, s16;
	v52 =	vshrl.u32 v52, $0x3;
	v57 =	vld [tilespmem:s13+$0xFFFFFF70];
	[tilespmem:v59+s20+$0x0] =	vst.idx.msk $0xffff, v47  }
0xaa: {  	s7 =	sadd.s32 $0x4, s16;
	v37 =	vshll.u32 v50, v1;
	v50 =	vmov s8;
	v58 =	vadd.f32 v49, v34;
	[tilespmem:v45+s20+$0x0] =	vst.idx.msk $0xffff, v0;
	v0 =	vld [tilespmem:$0x1FE00]  }
0xab: {  	s12 =	sadd.s32 $0x3, s16;
	v60 =	vmov s7;
	v56 =	vadd.s32 v28, v39;
	v49 =	vshrl.u32 v50, $0x3;
	v50 =	vld [tilespmem:s13+$0xFFFFFFB0]  }
0xac: {  	v48 =	vmov s12;
	v47 =	vshrl.u32 v60, $0x3;
	v59 =	vmul.f32 $8.000000000e+00, v63;
	v60 =	vld [tilespmem:s13+$0xFFFFFFF0];
	[tilespmem:v2+s20+$0x0] =	vst.idx.msk $0xffff, v58  }
0xad: {  	v48 =	vshrl.u32 v48, $0x3;
	v54 =	vshll.u32 v52, v1;
	v58 =	vld [tilespmem:s13+$0x30]  }
0xae: {  	s12 =	sadd.s32 $0x6, s16;
	v52 =	vadd.s32 v6, v41;
	v2 =	vadd.f32 v59, v34;
	v61 =	vmul.f32 $8.000000000e+00, v62;
	v62 =	vld [tilespmem:s13+$0x70]  }
0xaf: {  	p2 =	slt.u32 s16, $0x78;
	v55 =	vmov s12;
	v44 =	vadd.s32 v10, v44;
	v38 =	vadd.s32 v0, v38;
	v0 =	vld [tilespmem:$0x1FE10]  }
.Ltmp2:
0xb0: {  	v46 =	vshrl.u32 v55, $0x3;
	v55 =	vshll.u32 v51, v1;
	[tilespmem:v56+s20+$0x0] =	vst.idx.msk $0xffff, v2;
	v2 =	vmul.f32 $8.000000000e+00, v57;
	(pc) =	sbr.rel @p2 .LBB2_6-.Ltmp2, $4  }
0xb1: {  	v53 =	vadd.s32 v14, v43;
	v51 =	vadd.f32 v61, v33;
	v50 =	vmul.f32 $8.000000000e+00, v50  }
0xb2: {  	v43 =	vadd.s32 v15, v42;
	v2 =	vadd.f32 v2, v33;
	v63 =	vmul.f32 $8.000000000e+00, v60  }
0xb3: {  	v42 =	vadd.s32 v32, v40;
	[tilespmem:v52+s20+$0x0] =	vst.idx.msk $0xffff, v51;
	v56 =	vadd.f32 v50, v33;
	v51 =	vmul.f32 $8.000000000e+00, v58  }
0xb4: {  	s6 =	sadd.s32 $0x7, s16;
	s16 =	sadd.s32 $0x8, s16;
	v41 =	vld [tilespmem:s13+$0xB0];
	[tilespmem:v44+s20+$0x0] =	vst.idx.msk $0xffff, v2;
	v52 =	vadd.f32 v63, v33;
	v40 =	vmul.f32 $8.000000000e+00, v62;
	v39 =	vadd.s32 v0, v39  }
0xb5: {  	v0 =	vmov s6;
	s8 =	sadd.s32 $0x200, s13  }
0xb6: {  	v44 =	vshll.u32 v48, v1;
	v48 =	vbroadcast v37, $0x0;
	v2 =	vld [tilespmem:s8+$0xC0];
	v0 =	vshrl.u32 v0, $0x3  }
0xb7: {  	v63 =	vshll.u32 v47, v1;
	v45 =	vbroadcast v55, $0x0;
	v62 =	vld [tilespmem:s8+$0xFFFFFF00];
	v0 =	vshll.u32 v0, v1  }
0xb8: {  	v58 =	vshll.u32 v49, v1;
	v57 =	vld [tilespmem:s8+$0xFFFFFF40];
	v44 =	vbroadcast v44, $0x0;
	v50 =	vbroadcast v0, $0x0  }
0xb9: {  	v49 =	vbroadcast v54, $0x0;
	v54 =	vshll.u32 v46, v1;
	v47 =	vld [tilespmem:s8+$0xFFFFFF80];
	[tilespmem:$0x1FD40] =	vst v45;
	v1 =	vbroadcast v58, $0x0  }
0xba: {  	v55 =	vld [tilespmem:s8+$0xFFFFFFC0];
	[tilespmem:$0x1FD50] =	vst v44;
	v59 =	vadd.s32 v31, v50  }
0xbb: {  	v46 =	vbroadcast v63, $0x0;
	v60 =	vadd.s32 v3, v48;
	v61 =	vld [tilespmem:s8+$0x0];
	[tilespmem:$0x1FD60] =	vst v1;
	v2 =	vmul.f32 $8.000000000e+00, v2  }
0xbc: {  	v0 =	vbroadcast v54, $0x0;
	v63 =	vld [tilespmem:s8+$0x40];
	v37 =	vmul.f32 $8.000000000e+00, v62;
	v62 =	vadd.s32 v7, v49  }
0xbd: {  	v54 =	vmul.f32 $8.000000000e+00, v57;
	v57 =	vadd.s32 v11, v45;
	v45 =	vld [tilespmem:s8+$0x80];
	v2 =	vadd.f32 v2, v36  }
0xbe: {  	v47 =	vmul.f32 $8.000000000e+00, v47;
	v58 =	vadd.f32 v37, v36;
	v37 =	vadd.s32 v16, v44  }
0xbf: {  	v54 =	vadd.f32 v54, v36;
	v55 =	vmul.f32 $8.000000000e+00, v55;
	v44 =	vadd.s32 v20, v46;
	[tilespmem:v59+s20+$0x0] =	vst.idx.msk $0xffff, v2  }
0xc0: {  	v47 =	vadd.f32 v47, v36;
	[tilespmem:v60+s20+$0x0] =	vst.idx.msk $0xffff, v58;
	v2 =	vmul.f32 $8.000000000e+00, v61;
	v58 =	vadd.s32 v24, v1;
	v59 =	vld [tilespmem:s8+$0xD0]  }
0xc1: {  	v61 =	vadd.s32 v23, v0;
	v60 =	vld [tilespmem:s8+$0xFFFFFF10];
	[tilespmem:v62+s20+$0x0] =	vst.idx.msk $0xffff, v54;
	v54 =	vadd.f32 v55, v36;
	v55 =	vmul.f32 $8.000000000e+00, v63  }
0xc2: {  	v1 =	vmov v0;
	[tilespmem:v57+s20+$0x0] =	vst.idx.msk $0xffff, v47;
	v0 =	vadd.f32 v2, v36;
	v2 =	vmul.f32 $8.000000000e+00, v45  }
0xc3: {  	v62 =	vld [tilespmem:s8+$0xFFFFFF50];
	[tilespmem:v37+s20+$0x0] =	vst.idx.msk $0xffff, v54;
	v63 =	vadd.f32 v55, v36  }
0xc4: {  	[tilespmem:v44+s20+$0x0] =	vst.idx.msk $0xffff, v0;
	v0 =	vadd.f32 v2, v36;
	v2 =	vadd.s32 v30, v50  }
0xc5: {  	v36 =	vadd.s32 v4, v48;
	[tilespmem:v58+s20+$0x0] =	vst.idx.msk $0xffff, v63;
	v37 =	vmul.f32 $8.000000000e+00, v59  }
0xc6: {  	v45 =	vld [tilespmem:s8+$0xFFFFFF90];
	v47 =	vmul.f32 $8.000000000e+00, v60;
	[tilespmem:v61+s20+$0x0] =	vst.idx.msk $0xffff, v0  }
0xc7: {  	v61 =	vld [tilespmem:$0x1FD40];
	[tilespmem:v53+s20+$0x0] =	vst.idx.msk $0xffff, v56;
	v37 =	vadd.f32 v37, v35  }
0xc8: {  	v57 =	vadd.s32 v8, v49;
	v63 =	vmovc v49;
	v0 =	vmul.f32 $8.000000000e+00, v62;
	v62 =	vadd.f32 v47, v35;
	v49 =	vld [tilespmem:$0x1FD50]  }
0xc9: {  	v54 =	vld [tilespmem:s8+$0xFFFFFFD0];
	[tilespmem:v2+s20+$0x0] =	vst.idx.msk $0xffff, v37  }
0xca: {  	v44 =	vld [tilespmem:s8+$0x10];
	[tilespmem:v36+s20+$0x0] =	vst.idx.msk $0xffff, v62  }
0xcb: {  	v62 =	vld [tilespmem:$0x1FD60]  }
0xcc: {  	v58 =	vld [tilespmem:s8+$0x50];
	v59 =	vadd.s32 v27, v61  }
0xcd: {  	v60 =	vld [tilespmem:s8+$0x90];
	v45 =	vmul.f32 $8.000000000e+00, v45;
	v55 =	vadd.s32 v17, v49  }
0xce: {  	v56 =	vadd.s32 v21, v46;
	v0 =	vadd.f32 v0, v35;
	v54 =	vmul.f32 $8.000000000e+00, v54  }
0xcf: {  	v2 =	vadd.f32 v45, v35;
	v36 =	vmul.f32 $8.000000000e+00, v44;
	v45 =	vld [tilespmem:s8+$0xFFFFFF20]  }
0xd0: {  	v44 =	vld [tilespmem:s8+$0xE0];
	[tilespmem:v57+s20+$0x0] =	vst.idx.msk $0xffff, v0;
	v0 =	vadd.f32 v54, v35;
	v37 =	vadd.s32 v25, v62  }
0xd1: {  	v53 =	vmul.f32 $8.000000000e+00, v58;
	v54 =	vadd.s32 v12, v1;
	v57 =	vld [tilespmem:s8+$0xFFFFFF60];
	[tilespmem:v59+s20+$0x0] =	vst.idx.msk $0xffff, v2;
	v2 =	vadd.f32 v36, v35  }
0xd2: {  	v47 =	vmul.f32 $8.000000000e+00, v60;
	v58 =	vld [tilespmem:s8+$0xFFFFFFA0];
	[tilespmem:v55+s20+$0x0] =	vst.idx.msk $0xffff, v0  }
0xd3: {  	v36 =	vadd.s32 v5, v48;
	v0 =	vadd.f32 v53, v35;
	v53 =	vld [tilespmem:s8+$0xFFFFFFE0];
	[tilespmem:v56+s20+$0x0] =	vst.idx.msk $0xffff, v2  }
0xd4: {  	[tilespmem:v43+s20+$0x0] =	vst.idx.msk $0xffff, v52;
	v2 =	vadd.f32 v47, v35;
	v35 =	vadd.s32 v29, v50;
	v56 =	vmul.f32 $8.000000000e+00, v45;
	v55 =	vld [tilespmem:s8+$0x20]  }
0xd5: {  	v60 =	vadd.f32 v51, v33;
	v45 =	vadd.s32 v9, v63;
	[tilespmem:v37+s20+$0x0] =	vst.idx.msk $0xffff, v0;
	v0 =	vmul.f32 $8.000000000e+00, v44  }
0xd6: {  	v43 =	vadd.s32 v13, v61;
	[tilespmem:v54+s20+$0x0] =	vst.idx.msk $0xffff, v2;
	v2 =	vmul.f32 $8.000000000e+00, v57;
	v59 =	vadd.f32 v56, v34;
	v51 =	vld [tilespmem:s8+$0x60]  }
0xd7: {  	[tilespmem:v42+s20+$0x0] =	vst.idx.msk $0xffff, v60;
	v44 =	vadd.s32 v18, v49;
	v52 =	vld [tilespmem:s8+$0xA0];
	v0 =	vadd.f32 v0, v34;
	v60 =	vmul.f32 $8.000000000e+00, v58  }
0xd8: {  	v57 =	vadd.s32 v22, v46;
	v2 =	vadd.f32 v2, v34;
	[tilespmem:v36+s20+$0x0] =	vst.idx.msk $0xffff, v59;
	v53 =	vmul.f32 $8.000000000e+00, v53  }
0xd9: {  	v42 =	vld [tilespmem:s8+$0xFFFFFF30];
	[tilespmem:v35+s20+$0x0] =	vst.idx.msk $0xffff, v0;
	v0 =	vadd.f32 v60, v34;
	v58 =	vmul.f32 $8.000000000e+00, v55  }
0xda: {  	v41 =	vmul.f32 $8.000000000e+00, v41;
	v36 =	vadd.s32 v26, v62;
	[tilespmem:v45+s20+$0x0] =	vst.idx.msk $0xffff, v2;
	v37 =	vld [tilespmem:s8+$0xF0];
	v2 =	vadd.f32 v53, v34  }
0xdb: {  	v60 =	vld [tilespmem:s8+$0xFFFFFF70];
	v59 =	vmul.f32 $8.000000000e+00, v51;
	v51 =	vadd.s32 v28, v1;
	[tilespmem:v43+s20+$0x0] =	vst.idx.msk $0xffff, v0;
	v0 =	vadd.f32 v58, v34  }
0xdc: {  	v55 =	vmul.f32 $8.000000000e+00, v52;
	v58 =	vadd.s32 v6, v48;
	v48 =	vadd.f32 v41, v33;
	[tilespmem:v44+s20+$0x0] =	vst.idx.msk $0xffff, v2  }
0xdd: {  	v2 =	vadd.f32 v59, v34;
	[tilespmem:v57+s20+$0x0] =	vst.idx.msk $0xffff, v0  }
0xde: {  	v56 =	vadd.s32 v19, v50;
	v0 =	vadd.f32 v55, v34;
	v50 =	vmul.f32 $8.000000000e+00, v42;
	[tilespmem:v39+s20+$0x0] =	vst.idx.msk $0xffff, v48  }
0xdf: {  	v41 =	vadd.s32 v10, v63;
	v57 =	vadd.f32 v40, v33;
	[tilespmem:v36+s20+$0x0] =	vst.idx.msk $0xffff, v2;
	v2 =	vmul.f32 $8.000000000e+00, v37  }
0xe0: {  	v43 =	vld [tilespmem:s8+$0xFFFFFFB0];
	[tilespmem:v51+s20+$0x0] =	vst.idx.msk $0xffff, v0;
	v0 =	vmul.f32 $8.000000000e+00, v60;
	v60 =	vadd.f32 v50, v33  }
0xe1: {  	v44 =	vld [tilespmem:s8+$0xFFFFFFF0];
	[tilespmem:v38+s20+$0x0] =	vst.idx.msk $0xffff, v57;
	v2 =	vadd.f32 v2, v33  }
0xe2: {  	v59 =	vld [tilespmem:s8+$0x30];
	v0 =	vadd.f32 v0, v33;
	[tilespmem:v58+s20+$0x0] =	vst.idx.msk $0xffff, v60  }
0xe3: {  	v52 =	vld [tilespmem:s8+$0x70];
	[tilespmem:v56+s20+$0x0] =	vst.idx.msk $0xffff, v2  }
0xe4: {  	v56 =	vld [tilespmem:$0x1FE00];
	[tilespmem:v41+s20+$0x0] =	vst.idx.msk $0xffff, v0  }
0xe5: {  	v54 =	vld [tilespmem:$0x1FE10]  }
0xe6: {  	v35 =	vadd.s32 v14, v61;
	v38 =	vld [tilespmem:s8+$0xB0]  }
0xe7: {  	v63 =	vadd.s32 v15, v49;
	v61 =	vmul.f32 $8.000000000e+00, v43  }
0xe8: {  	v49 =	vadd.s32 v32, v46;
	v48 =	vmul.f32 $8.000000000e+00, v44  }
0xe9: {  	v2 =	vadd.f32 v61, v33;
	v50 =	vmul.f32 $8.000000000e+00, v59;
	v51 =	vadd.s32 v56, v62  }
0xea: {  	v0 =	vadd.f32 v48, v33;
	v57 =	vmul.f32 $8.000000000e+00, v52;
	v58 =	vadd.s32 v54, v1  }
0xeb: {  	[tilespmem:v35+s20+$0x0] =	vst.idx.msk $0xffff, v2;
	v2 =	vadd.f32 v50, v33;
	v59 =	vmul.f32 $8.000000000e+00, v38  }
0xec: {  	[tilespmem:v63+s20+$0x0] =	vst.idx.msk $0xffff, v0;
	v0 =	vadd.f32 v57, v33  }
0xed: {  	[tilespmem:v49+s20+$0x0] =	vst.idx.msk $0xffff, v2;
	v2 =	vadd.f32 v59, v33  }
0xee: {  	[tilespmem:v51+s20+$0x0] =	vst.idx.msk $0xffff, v0  }
0xef: {  	[tilespmem:v58+s20+$0x0] =	vst.idx.msk $0xffff, v2  }
0xf0: {  	s8 =	simm.s32 $0x0;
	v35 =	vld [tilespmem:s0+$0x440]  }
0xf1: {  	s12 =	simm.s32 $0x57F0;
	v0 =	vmov s8;
	v36 =	vld [tilespmem:s0+$0x450]  }
0xf2: {  	v0 =	vshrl.u32 v0, $0x3;
	v2 =	vld [tilespmem:s12+$0xFFFFFFD0]  }
0xf3: {  	v60 =	vld [tilespmem:s12+$0xFFFFFE10];
	v0 =	vshll.u32 v0, $0x3  }
0xf4: {  	v38 =	vbroadcast v0, $0x0;
	v0 =	vld [tilespmem:s12+$0xFFFFFE50]  }
0xf5: {  	v39 =	vld [tilespmem:s12+$0xFFFFFE90]  }
0xf6: {  	v40 =	vld [tilespmem:s12+$0xFFFFFED0];
	v61 =	vadd.s32 v31, v38  }
0xf7: {  	v63 =	vld [tilespmem:s12+$0xFFFFFF10];
	v62 =	vadd.s32 v3, v38;
	v2 =	vmul.f32 $8.000000000e+00, v2  }
0xf8: {  	v34 =	vld [tilespmem:s0+$0x460];
	v52 =	vadd.s32 v7, v38;
	v37 =	vmul.f32 $8.000000000e+00, v60  }
0xf9: {  	v55 =	vld [tilespmem:s12+$0xFFFFFF50];
	v53 =	vadd.s32 v11, v38;
	v0 =	vmul.f32 $8.000000000e+00, v0;
	v2 =	vadd.f32 v2, v35  }
0xfa: {  	v58 =	vld [tilespmem:s12+$0xFFFFFF90];
	v57 =	vadd.s32 v16, v38;
	v39 =	vmul.f32 $8.000000000e+00, v39;
	v37 =	vadd.f32 v37, v35  }
0xfb: {  	v33 =	vld [tilespmem:s0+$0x470];
	v59 =	vadd.s32 v20, v38;
	v40 =	vmul.f32 $8.000000000e+00, v40;
	v0 =	vadd.f32 v0, v35;
	[tilespmem:v61+s21+$0x0] =	vst.idx.msk $0xffff, v2  }
0xfc: {  	v60 =	vmul.f32 $8.000000000e+00, v63;
	[tilespmem:v62+s21+$0x0] =	vst.idx.msk $0xffff, v37;
	v2 =	vadd.f32 v39, v35;
	v61 =	vld [tilespmem:s12+$0xFFFFFFE0]  }
0xfd: {  	v62 =	vadd.s32 v24, v38;
	v42 =	vld [tilespmem:s12+$0xFFFFFE20];
	[tilespmem:v52+s21+$0x0] =	vst.idx.msk $0xffff, v0;
	v0 =	vadd.f32 v40, v35  }
0xfe: {  	v63 =	vadd.s32 v23, v38;
	v52 =	vmul.f32 $8.000000000e+00, v55;
	v44 =	vld [tilespmem:s12+$0xFFFFFE60];
	[tilespmem:v53+s21+$0x0] =	vst.idx.msk $0xffff, v2;
	v2 =	vadd.f32 v60, v35  }
0xff: {  	v53 =	vmul.f32 $8.000000000e+00, v58;
	v45 =	vld [tilespmem:s12+$0xFFFFFEA0];
	[tilespmem:v57+s21+$0x0] =	vst.idx.msk $0xffff, v0  }
0x100: {  	v0 =	vadd.f32 v52, v35;
	v55 =	vld [tilespmem:s12+$0xFFFFFEE0];
	[tilespmem:v59+s21+$0x0] =	vst.idx.msk $0xffff, v2;
	v2 =	vadd.s32 v30, v38  }
0x101: {  	v57 =	vadd.s32 v4, v38;
	v37 =	vadd.f32 v53, v35;
	v58 =	vld [tilespmem:s12+$0xFFFFFF20];
	v39 =	vmul.f32 $8.000000000e+00, v61  }
0x102: {  	v59 =	vadd.s32 v8, v38;
	[tilespmem:v62+s21+$0x0] =	vst.idx.msk $0xffff, v0;
	v0 =	vmul.f32 $8.000000000e+00, v42  }
0x103: {  	v60 =	vadd.s32 v27, v38;
	v61 =	vld [tilespmem:s12+$0xFFFFFF60];
	[tilespmem:v63+s21+$0x0] =	vst.idx.msk $0xffff, v37;
	v62 =	vmul.f32 $8.000000000e+00, v44;
	v39 =	vadd.f32 v39, v36  }
0x104: {  	v63 =	vadd.s32 v17, v38;
	v52 =	vld [tilespmem:s12+$0xFFFFFFA0];
	v0 =	vadd.f32 v0, v36;
	v45 =	vmul.f32 $8.000000000e+00, v45  }
0x105: {  	v53 =	vadd.s32 v21, v38;
	v37 =	vadd.f32 v62, v36;
	v43 =	vmul.f32 $8.000000000e+00, v55;
	[tilespmem:v2+s21+$0x0] =	vst.idx.msk $0xffff, v39  }
0x106: {  	[tilespmem:v57+s21+$0x0] =	vst.idx.msk $0xffff, v0;
	v0 =	vadd.f32 v45, v36;
	v2 =	vmul.f32 $8.000000000e+00, v58;
	v39 =	vld [tilespmem:s12+$0xFFFFFFF0]  }
0x107: {  	v55 =	vadd.s32 v25, v38;
	[tilespmem:v59+s21+$0x0] =	vst.idx.msk $0xffff, v37;
	v57 =	vadd.f32 v43, v36  }
0x108: {  	v58 =	vadd.s32 v12, v38;
	v46 =	vld [tilespmem:s12+$0xFFFFFE30];
	v42 =	vmul.f32 $8.000000000e+00, v61;
	[tilespmem:v60+s21+$0x0] =	vst.idx.msk $0xffff, v0;
	v0 =	vadd.f32 v2, v36  }
0x109: {  	v44 =	vmul.f32 $8.000000000e+00, v52;
	v60 =	vld [tilespmem:s12+$0xFFFFFEB0];
	[tilespmem:v63+s21+$0x0] =	vst.idx.msk $0xffff, v57  }
0x10a: {  	v59 =	vld [tilespmem:s12+$0xFFFFFE70];
	v61 =	vadd.f32 v42, v36;
	[tilespmem:v53+s21+$0x0] =	vst.idx.msk $0xffff, v0;
	v0 =	vadd.s32 v29, v38  }
0x10b: {  	v40 =	vld [tilespmem:s12+$0xFFFFFEF0];
	v44 =	vadd.f32 v44, v36;
	v39 =	vmul.f32 $8.000000000e+00, v39  }
0x10c: {  	v42 =	vadd.s32 v13, v38;
	v49 =	vld [tilespmem:s12+$0xFFFFFF30];
	[tilespmem:v55+s21+$0x0] =	vst.idx.msk $0xffff, v61  }
0x10d: {  	v63 =	vld [tilespmem:s12+$0xFFFFFF70];
	[tilespmem:v58+s21+$0x0] =	vst.idx.msk $0xffff, v44;
	v58 =	vadd.s32 v6, v38;
	v39 =	vadd.f32 v39, v34  }
0x10e: {  	v57 =	vld [tilespmem:s12+$0xFFFFFFB0];
	[tilespmem:$0x1FDC0] =	vst v58;
	v48 =	vmul.f32 $8.000000000e+00, v60  }
0x10f: {  	v2 =	vadd.s32 v5, v38;
	[tilespmem:v0+s21+$0x0] =	vst.idx.msk $0xffff, v39;
	v0 =	vadd.s32 v10, v38  }
0x110: {  	v62 =	vmul.f32 $8.000000000e+00, v46;
	[tilespmem:$0x1FDD0] =	vst v0;
	v0 =	vadd.f32 v48, v34;
	_ =	sdelay $0x1  }
0x111: {  	v41 =	vadd.s32 v9, v38;
	v37 =	vadd.f32 v62, v34;
	[tilespmem:v42+s21+$0x0] =	vst.idx.msk $0xffff, v0  }
0x112: {  	v55 =	vmul.f32 $8.000000000e+00, v59;
	v0 =	vld [tilespmem:s12+$0xFFFFFEC0]  }
0x113: {  	[tilespmem:v2+s21+$0x0] =	vst.idx.msk $0xffff, v37;
	v2 =	vmul.f32 $8.000000000e+00, v49  }
0x114: {  	v59 =	vadd.f32 v55, v34  }
0x115: {  	v50 =	vadd.s32 v18, v38;
	v48 =	vld [tilespmem:s12+$0x0];
	v43 =	vadd.f32 v2, v34;
	v2 =	vmul.f32 $8.000000000e+00, v57  }
0x116: {  	v51 =	vadd.s32 v22, v38;
	v1 =	vadd.s32 v28, v38;
	[tilespmem:v41+s21+$0x0] =	vst.idx.msk $0xffff, v59;
	v60 =	vld [tilespmem:s12+$0xFFFFFE40]  }
0x117: {  	s16 =	simm.s32 $0x8;
	v52 =	vadd.s32 v26, v38;
	v58 =	vadd.s32 v19, v38;
	v62 =	vld [tilespmem:s12+$0xFFFFFE80];
	[tilespmem:$0x1FD70] =	vst v0;
	v0 =	vadd.f32 v2, v34  }
0x118: {  	s13 =	simm.s32 $0x59F0;
	v40 =	vmul.f32 $8.000000000e+00, v40;
	v61 =	vmul.f32 $8.000000000e+00, v63;
	v63 =	vmov s16  }
0x119: {  	v39 =	vadd.s32 v15, v38;
	v42 =	vadd.s32 v32, v38;
	v32 =	vshrl.u32 v63, $0x3;
	v47 =	vld [tilespmem:s13+$0xFFFFFFD0];
	[tilespmem:$0x1FD80] =	vst v0  }
0x11a: {  	v53 =	vadd.f32 v40, v34;
	v41 =	vadd.s32 v56, v38;
	v45 =	vshll.u32 v32, $0x3;
	v56 =	vld [tilespmem:s13+$0xFFFFFE10]  }
0x11b: {  	v40 =	vadd.s32 v54, v38;
	v37 =	vadd.s32 v14, v38;
	v38 =	vbroadcast v45, $0x0;
	v57 =	vld [tilespmem:s13+$0xFFFFFE50]  }
0x11c: {  	v49 =	vld [tilespmem:s13+$0xFFFFFE90]  }
0x11d: {  	v63 =	vadd.s32 v31, v38;
	v19 =	vmul.f32 $8.000000000e+00, v62;
	v62 =	vld [tilespmem:s13+$0xFFFFFED0]  }
0x11e: {  	v55 =	vadd.f32 v61, v34;
	v0 =	vld [tilespmem:s13+$0xFFFFFF10];
	[tilespmem:v50+s21+$0x0] =	vst.idx.msk $0xffff, v53;
	v47 =	vmul.f32 $8.000000000e+00, v47  }
0x11f: {  	[tilespmem:v51+s21+$0x0] =	vst.idx.msk $0xffff, v43;
	v51 =	vld [tilespmem:s13+$0xFFFFFF90]  }
0x120: {  	v59 =	vadd.s32 v8, v38;
	[tilespmem:v52+s21+$0x0] =	vst.idx.msk $0xffff, v55;
	v55 =	vld [tilespmem:s12+$0xFFFFFF00];
	v47 =	vadd.f32 v47, v35  }
0x121: {  	v32 =	vmul.f32 $8.000000000e+00, v60;
	v60 =	vmul.f32 $8.000000000e+00, v56;
	v56 =	vld [tilespmem:s13+$0xFFFFFF50];
	[tilespmem:$0x1FD90] =	vst v59  }
0x122: {  	[tilespmem:v63+s21+$0x0] =	vst.idx.msk $0xffff, v47;
	v63 =	vld [tilespmem:s12+$0xFFFFFF40]  }
0x123: {  	v46 =	vadd.s32 v3, v38  }
0x124: {  	v61 =	vadd.s32 v7, v38  }
0x125: {  	v2 =	vadd.s32 v11, v38;
	v43 =	vmul.f32 $8.000000000e+00, v57  }
0x126: {  	v44 =	vadd.s32 v16, v38;
	v49 =	vmul.f32 $8.000000000e+00, v49;
	v50 =	vadd.f32 v60, v35  }
0x127: {  	v62 =	vmul.f32 $8.000000000e+00, v62;
	v43 =	vadd.f32 v43, v35;
	[tilespmem:$0x1FDA0] =	vst v63  }
0x128: {  	v52 =	vadd.f32 v49, v35;
	[tilespmem:v46+s21+$0x0] =	vst.idx.msk $0xffff, v50  }
0x129: {  	[tilespmem:v61+s21+$0x0] =	vst.idx.msk $0xffff, v43;
	v43 =	vadd.f32 v62, v35  }
0x12a: {  	[tilespmem:v2+s21+$0x0] =	vst.idx.msk $0xffff, v52  }
0x12b: {  	[tilespmem:v44+s21+$0x0] =	vst.idx.msk $0xffff, v43  }
0x12c: {  	v2 =	vld [tilespmem:$0x1FD70];
	_ =	sdelay $0x2  }
0x12d: {  	v53 =	vadd.s32 v20, v38  }
0x12e: {  	v45 =	vadd.s32 v24, v38;
	v0 =	vmul.f32 $8.000000000e+00, v0;
	v47 =	vld [tilespmem:s13+$0xFFFFFFE0]  }
0x12f: {  	v50 =	vmul.f32 $8.000000000e+00, v56;
	v49 =	vld [tilespmem:s13+$0xFFFFFE20];
	v2 =	vmul.f32 $8.000000000e+00, v2  }
0x130: {  	v57 =	vadd.s32 v23, v38;
	v0 =	vadd.f32 v0, v35;
	v56 =	vld [tilespmem:s13+$0xFFFFFE60]  }
0x131: {  	v62 =	vmul.f32 $8.000000000e+00, v51;
	v51 =	vld [tilespmem:s13+$0xFFFFFEA0];
	v43 =	vadd.f32 v50, v35;
	[tilespmem:$0x1FDB0] =	vst v2  }
0x132: {  	[tilespmem:v53+s21+$0x0] =	vst.idx.msk $0xffff, v0  }
0x133: {  	v2 =	vadd.s32 v9, v38;
	v50 =	vld [tilespmem:s13+$0xFFFFFEE0];
	v0 =	vadd.f32 v62, v35;
	[tilespmem:v45+s21+$0x0] =	vst.idx.msk $0xffff, v43  }
0x134: {  	v52 =	vld [tilespmem:s13+$0xFFFFFF20];
	[tilespmem:$0x1FDE0] =	vst v2  }
0x135: {  	[tilespmem:v57+s21+$0x0] =	vst.idx.msk $0xffff, v0  }
0x136: {  	v48 =	vmul.f32 $8.000000000e+00, v48;
	v0 =	vld [tilespmem:$0x1FD80]  }
0x137: {  	v53 =	vadd.s32 v30, v38  }
0x138: {  	v48 =	vadd.f32 v48, v33;
	v60 =	vadd.s32 v4, v38;
	v45 =	vmul.f32 $8.000000000e+00, v47  }
0x139: {  	v49 =	vmul.f32 $8.000000000e+00, v49  }
0x13a: {  	v45 =	vadd.f32 v45, v36;
	[tilespmem:v58+s21+$0x0] =	vst.idx.msk $0xffff, v48  }
0x13b: {  	[tilespmem:v1+s21+$0x0] =	vst.idx.msk $0xffff, v0;
	v0 =	vadd.f32 v49, v36  }
0x13c: {  	[tilespmem:v53+s21+$0x0] =	vst.idx.msk $0xffff, v45  }
0x13d: {  	[tilespmem:v60+s21+$0x0] =	vst.idx.msk $0xffff, v0  }
0x13e: {  	v1 =	vld [tilespmem:$0x1FD90];
	_ =	sdelay $0x3  }
0x13f: {  	v56 =	vmul.f32 $8.000000000e+00, v56;
	v43 =	vld [tilespmem:s13+$0xFFFFFF60]  }
0x140: {  	v63 =	vadd.s32 v27, v38  }
0x141: {  	v61 =	vadd.s32 v17, v38;
	v51 =	vmul.f32 $8.000000000e+00, v51;
	v56 =	vadd.f32 v56, v36  }
0x142: {  	v59 =	vadd.s32 v21, v38;
	v2 =	vmul.f32 $8.000000000e+00, v50  }
0x143: {  	v54 =	vadd.s32 v25, v38;
	v57 =	vld [tilespmem:s13+$0xFFFFFFA0];
	v0 =	vadd.f32 v51, v36;
	v60 =	vmul.f32 $8.000000000e+00, v52;
	[tilespmem:v1+s21+$0x0] =	vst.idx.msk $0xffff, v56  }
0x144: {  	v2 =	vadd.f32 v2, v36;
	v43 =	vmul.f32 $8.000000000e+00, v43;
	v1 =	vld [tilespmem:$0x1FDA0]  }
0x145: {  	v51 =	vadd.f32 v60, v36;
	[tilespmem:v63+s21+$0x0] =	vst.idx.msk $0xffff, v0  }
0x146: {  	v43 =	vadd.f32 v43, v36;
	[tilespmem:v61+s21+$0x0] =	vst.idx.msk $0xffff, v2  }
0x147: {  	[tilespmem:v59+s21+$0x0] =	vst.idx.msk $0xffff, v51  }
0x148: {  	v62 =	vmul.f32 $8.000000000e+00, v55;
	v55 =	vadd.s32 v12, v38;
	[tilespmem:v54+s21+$0x0] =	vst.idx.msk $0xffff, v43  }
0x149: {  	v57 =	vmul.f32 $8.000000000e+00, v57;
	v56 =	vmul.f32 $8.000000000e+00, v1;
	v1 =	vld [tilespmem:$0x1FDB0];
	_ =	sdelay $0x1  }
0x14a: {  	v60 =	vadd.f32 v32, v33;
	v32 =	vadd.f32 v57, v36;
	_ =	sdelay $0x1  }
0x14b: {  	[tilespmem:v55+s21+$0x0] =	vst.idx.msk $0xffff, v32  }
0x14c: {  	v54 =	vadd.f32 v1, v33;
	v1 =	vld [tilespmem:$0x1FDC0];
	_ =	sdelay $0x5  }
0x14d: {  	v52 =	vld [tilespmem:s13+$0xFFFFFFF0]  }
0x14e: {  	v53 =	vld [tilespmem:s13+$0xFFFFFE30]  }
0x14f: {  	[tilespmem:v1+s21+$0x0] =	vst.idx.msk $0xffff, v60  }
0x150: {  	v1 =	vld [tilespmem:$0x1FDD0]  }
0x151: {  	v57 =	vadd.s32 v29, v38  }
0x152: {  	v30 =	vadd.s32 v5, v38;
	v43 =	vmul.f32 $8.000000000e+00, v52  }
0x153: {  	v44 =	vld [tilespmem:s12+$0xFFFFFF80];
	v32 =	vmul.f32 $8.000000000e+00, v53  }
0x154: {  	v45 =	vld [tilespmem:s12+$0xFFFFFFC0];
	v52 =	vadd.f32 v62, v33;
	v62 =	vadd.f32 v43, v34  }
0x155: {  	v0 =	vld [tilespmem:s13+$0xFFFFFE70];
	v55 =	vadd.f32 v32, v34  }
0x156: {  	v61 =	vadd.f32 v19, v33;
	v58 =	vld [tilespmem:s13+$0xFFFFFEB0];
	[tilespmem:v57+s21+$0x0] =	vst.idx.msk $0xffff, v62  }
0x157: {  	v59 =	vld [tilespmem:s13+$0xFFFFFEF0];
	[tilespmem:v30+s21+$0x0] =	vst.idx.msk $0xffff, v55  }
0x158: {  	[tilespmem:v1+s21+$0x0] =	vst.idx.msk $0xffff, v61  }
0x159: {  	v46 =	vadd.s32 v18, v38;
	v47 =	vadd.s32 v13, v38;
	v1 =	vld [tilespmem:$0x1FDE0]  }
0x15a: {  	v48 =	vadd.s32 v22, v38;
	v50 =	vadd.s32 v28, v38;
	v44 =	vmul.f32 $8.000000000e+00, v44  }
0x15b: {  	v20 =	vmovc v11;
	v49 =	vadd.s32 v26, v38;
	v45 =	vmul.f32 $8.000000000e+00, v45;
	v63 =	vld [tilespmem:s13+$0xFFFFFF30];
	v0 =	vmul.f32 $8.000000000e+00, v0  }
0x15c: {  	v23 =	vmovc v14;
	v12 =	vmovc v8;
	v2 =	vld [tilespmem:s13+$0xFFFFFF70];
	v53 =	vadd.f32 v56, v33;
	v56 =	vmul.f32 $8.000000000e+00, v58;
	v32 =	vmul.f32 $8.000000000e+00, v59  }
0x15d: {  	v45 =	vadd.f32 v45, v33;
	v51 =	vadd.f32 v44, v33;
	v44 =	vadd.s32 v10, v38;
	v19 =	vmovc v27  }
0x15e: {  	v27 =	vmovc v15;
	v43 =	vadd.s32 v6, v38;
	v0 =	vadd.f32 v0, v34;
	v60 =	vadd.f32 v56, v34  }
0x15f: {  	v58 =	vld [tilespmem:s13+$0xFFFFFFB0];
	v56 =	vadd.s32 v15, v38;
	v15 =	vmovc v6;
	v55 =	vadd.s32 v14, v38;
	v62 =	vadd.f32 v32, v34  }
0x160: {  	v30 =	vmovc v22;
	v22 =	vmovc v13;
	v13 =	vmov v4;
	v14 =	vmov v5;
	v32 =	vmov v24;
	v59 =	vld [tilespmem:s13+$0x0]  }
0x161: {  	s6 =	simm.s32 $0x59F0;
	v24 =	vmovc v16;
	v16 =	vmovc v7;
	v57 =	vld [tilespmem:s13+$0xFFFFFE40];
	v61 =	vmul.f32 $8.000000000e+00, v63;
	v63 =	vmul.f32 $8.000000000e+00, v2;
	[tilespmem:v1+s21+$0x0] =	vst.idx.msk $0xffff, v0;
	v1 =	vmov v9  }
.LBB2_8:
0x162: {  	v3 =	vld [tilespmem:$0x1FDF0];
	_ =	sdelay $0x4  }
0x163: {  	[tilespmem:v47+s21+$0x0] =	vst.idx.msk $0xffff, v60;
	v60 =	vadd.s32 v3, v38;
	v3 =	vld [tilespmem:$0x1FE00];
	_ =	sdelay $0x1  }
0x164: {  	v0 =	vld [tilespmem:s13+$0xFFFFFE80]  }
0x165: {  	s13 =	sadd.s32 $0x200, s13;
	v4 =	vld [tilespmem:$0x1FE10]  }
0x166: {  	v2 =	vadd.f32 v61, v34;
	v9 =	vld [tilespmem:s13+$0xFFFFFFD0]  }
0x167: {  	[tilespmem:v46+s21+$0x0] =	vst.idx.msk $0xffff, v62;
	v8 =	vadd.f32 v63, v34;
	v11 =	vmul.f32 $8.000000000e+00, v58;
	v62 =	vadd.s32 v3, v38;
	v3 =	vld [tilespmem:$0x1FE20]  }
0x168: {  	v61 =	vld [tilespmem:s6+$0xFFFFFEC0];
	[tilespmem:v48+s21+$0x0] =	vst.idx.msk $0xffff, v2  }
0x169: {  	s16 =	sadd.s32 $0x8, s16;
	[tilespmem:v49+s21+$0x0] =	vst.idx.msk $0xffff, v8;
	v8 =	vld [tilespmem:$0x1FE30];
	v2 =	vadd.f32 v11, v34  }
0x16a: {  	v7 =	vmov s16;
	v11 =	vld [tilespmem:s13+$0xFFFFFE10]  }
0x16b: {  	v5 =	vshrl.u32 v7, $0x3;
	[tilespmem:v50+s21+$0x0] =	vst.idx.msk $0xffff, v2;
	v2 =	vld [tilespmem:s13+$0xFFFFFE90]  }
0x16c: {  	[tilespmem:v37+s21+$0x0] =	vst.idx.msk $0xffff, v54;
	v54 =	vld [tilespmem:s13+$0xFFFFFED0];
	v10 =	vadd.s32 v3, v38;
	v3 =	vshll.u32 v5, $0x3  }
0x16d: {  	v63 =	vmovc v39;
	v7 =	vmul.f32 $8.000000000e+00, v59;
	v4 =	vadd.s32 v4, v38;
	v38 =	vbroadcast v3, $0x0;
	v3 =	vld [tilespmem:s13+$0xFFFFFE50]  }
0x16e: {  	v6 =	vld [tilespmem:$0x1FF30];
	v58 =	vmul.f32 $8.000000000e+00, v9  }
0x16f: {  	v46 =	vadd.f32 v7, v33;
	v7 =	vld [tilespmem:$0x1FFA0];
	v37 =	vmov v55;
	v55 =	vadd.s32 v31, v38  }
0x170: {  	v39 =	vmovc v56;
	v58 =	vadd.f32 v58, v35;
	v9 =	vmul.f32 $8.000000000e+00, v11;
	v5 =	vld [tilespmem:s13+$0xFFFFFF10];
	v49 =	vadd.s32 v8, v38  }
0x171: {  	v56 =	vmul.f32 $8.000000000e+00, v57;
	v11 =	vld [tilespmem:s13+$0xFFFFFF90];
	[tilespmem:v42+s21+$0x0] =	vst.idx.msk $0xffff, v53;
	v50 =	vadd.s32 v16, v38;
	v57 =	vadd.s32 v20, v38  }
0x172: {  	[tilespmem:v63+s21+$0x0] =	vst.idx.msk $0xffff, v52;
	v8 =	vadd.f32 v9, v35;
	v9 =	vmul.f32 $8.000000000e+00, v54;
	v54 =	vld [tilespmem:s6+$0xFFFFFF40];
	v3 =	vmul.f32 $8.000000000e+00, v3  }
0x173: {  	v2 =	vmul.f32 $8.000000000e+00, v2;
	[tilespmem:v10+s21+$0x0] =	vst.idx.msk $0xffff, v46;
	v10 =	vld [tilespmem:s13+$0xFFFFFF50]  }
0x174: {  	v47 =	vadd.s32 v6, v38;
	v46 =	vld [tilespmem:s6+$0xFFFFFF00];
	v3 =	vadd.f32 v3, v35;
	[tilespmem:v55+s21+$0x0] =	vst.idx.msk $0xffff, v58  }
0x175: {  	v2 =	vadd.f32 v2, v35;
	v59 =	vadd.s32 v24, v38;
	v5 =	vmul.f32 $8.000000000e+00, v5;
	[tilespmem:v49+s21+$0x0] =	vst.idx.msk $0xffff, v8;
	v42 =	vld [tilespmem:s13+$0xFFFFFFE0]  }
0x176: {  	v0 =	vmul.f32 $8.000000000e+00, v0;
	v63 =	vadd.s32 v7, v38;
	v49 =	vld [tilespmem:s13+$0xFFFFFE20];
	[tilespmem:v50+s21+$0x0] =	vst.idx.msk $0xffff, v3  }
0x177: {  	v11 =	vmul.f32 $8.000000000e+00, v11;
	v6 =	vadd.s32 v32, v38;
	[tilespmem:v57+s21+$0x0] =	vst.idx.msk $0xffff, v2;
	v2 =	vadd.f32 v5, v35;
	v48 =	vld [tilespmem:s13+$0xFFFFFE60]  }
0x178: {  	[tilespmem:v41+s21+$0x0] =	vst.idx.msk $0xffff, v51;
	v41 =	vld [tilespmem:$0x1FFE0];
	v3 =	vadd.f32 v9, v35;
	v10 =	vmul.f32 $8.000000000e+00, v10  }
0x179: {  	v0 =	vadd.f32 v0, v33;
	v52 =	vld [tilespmem:s13+$0xFFFFFEA0];
	[tilespmem:v47+s21+$0x0] =	vst.idx.msk $0xffff, v2;
	v2 =	vadd.f32 v11, v35  }
0x17a: {  	v53 =	vadd.s32 v13, v38;
	v9 =	vld [tilespmem:s13+$0xFFFFFF20];
	[tilespmem:v59+s21+$0x0] =	vst.idx.msk $0xffff, v3;
	v3 =	vadd.f32 v10, v35  }
0x17b: {  	v51 =	vadd.s32 v12, v38;
	v59 =	vmul.f32 $8.000000000e+00, v61;
	[tilespmem:v63+s21+$0x0] =	vst.idx.msk $0xffff, v2;
	v61 =	vld [tilespmem:s13+$0xFFFFFEE0];
	v49 =	vmul.f32 $8.000000000e+00, v49  }
0x17c: {  	v55 =	vadd.s32 v19, v38;
	[tilespmem:v6+s21+$0x0] =	vst.idx.msk $0xffff, v3;
	v3 =	vld [tilespmem:$0x1FFB0];
	v42 =	vmul.f32 $8.000000000e+00, v42;
	v2 =	vmul.f32 $8.000000000e+00, v48  }
0x17d: {  	v58 =	vadd.s32 v17, v38;
	v63 =	vld [tilespmem:s13+$0xFFFFFFA0];
	[tilespmem:v40+s21+$0x0] =	vst.idx.msk $0xffff, v45;
	v40 =	vadd.f32 v49, v36  }
0x17e: {  	v50 =	vadd.s32 v41, v38;
	v45 =	vmul.f32 $8.000000000e+00, v52;
	v2 =	vadd.f32 v2, v36  }
0x17f: {  	v5 =	vadd.s32 v21, v38;
	v57 =	vadd.s32 v25, v38;
	v11 =	vld [tilespmem:s13+$0xFFFFFF60];
	v6 =	vadd.f32 v42, v36  }
0x180: {  	v45 =	vadd.f32 v45, v36;
	v42 =	vmov v60;
	v60 =	vmul.f32 $8.000000000e+00, v61;
	[tilespmem:v51+s21+$0x0] =	vst.idx.msk $0xffff, v2  }
0x181: {  	v9 =	vmul.f32 $8.000000000e+00, v9;
	[tilespmem:v53+s21+$0x0] =	vst.idx.msk $0xffff, v40;
	v3 =	vadd.s32 v3, v38;
	v40 =	vmov v4;
	v4 =	vld [tilespmem:s13+$0xFFFFFE70]  }
0x182: {  	v8 =	vadd.s32 v14, v38;
	v52 =	vld [tilespmem:s6+$0xFFFFFF80];
	[tilespmem:v55+s21+$0x0] =	vst.idx.msk $0xffff, v45;
	v45 =	vmul.f32 $8.000000000e+00, v63;
	v2 =	vadd.f32 v60, v36  }
0x183: {  	v7 =	vmul.f32 $8.000000000e+00, v46;
	v47 =	vadd.s32 v22, v38;
	[tilespmem:v50+s21+$0x0] =	vst.idx.msk $0xffff, v6;
	v6 =	vld [tilespmem:s6+$0xFFFFFFC0];
	v9 =	vadd.f32 v9, v36  }
0x184: {  	v46 =	vadd.s32 v18, v38;
	v53 =	vld [tilespmem:s13+$0xFFFFFFF0];
	v11 =	vmul.f32 $8.000000000e+00, v11;
	[tilespmem:v58+s21+$0x0] =	vst.idx.msk $0xffff, v2;
	v58 =	vadd.f32 v45, v36  }
0x185: {  	v10 =	vadd.s32 v1, v38;
	v48 =	vadd.s32 v30, v38;
	v61 =	vld [tilespmem:s13+$0xFFFFFE30];
	[tilespmem:v5+s21+$0x0] =	vst.idx.msk $0xffff, v9  }
0x186: {  	v55 =	vadd.f32 v56, v33;
	v56 =	vld [tilespmem:s13+$0xFFFFFEB0];
	v2 =	vadd.f32 v11, v36;
	[tilespmem:v3+s21+$0x0] =	vst.idx.msk $0xffff, v58;
	v3 =	vmul.f32 $8.000000000e+00, v4  }
0x187: {  	v49 =	vadd.s32 v26, v38;
	v50 =	vadd.s32 v28, v38;
	[tilespmem:v44+s21+$0x0] =	vst.idx.msk $0xffff, v0;
	v60 =	vld [tilespmem:s13+$0xFFFFFEF0]  }
0x188: {  	v51 =	vmul.f32 $8.000000000e+00, v54;
	v9 =	vadd.s32 v29, v38;
	[tilespmem:v57+s21+$0x0] =	vst.idx.msk $0xffff, v2;
	v0 =	vadd.f32 v3, v34;
	v3 =	vld [tilespmem:$0x1FEA0]  }
0x189: {  	v54 =	vadd.f32 v59, v33;
	[tilespmem:v43+s21+$0x0] =	vst.idx.msk $0xffff, v55;
	v43 =	vadd.s32 v15, v38;
	v2 =	vmul.f32 $8.000000000e+00, v53;
	v63 =	vld [tilespmem:s13+$0xFFFFFF70]  }
0x18a: {  	p2 =	slt.u32 s16, $0x78;
	v41 =	vmovc v62;
	v62 =	vld [tilespmem:s13+$0xFFFFFF30];
	v11 =	vmul.f32 $8.000000000e+00, v52;
	v52 =	vadd.f32 v7, v33;
	v7 =	vmul.f32 $8.000000000e+00, v61  }
.Ltmp3:
0x18b: {  	v55 =	vadd.s32 v23, v38;
	v53 =	vadd.f32 v51, v33;
	v2 =	vadd.f32 v2, v34;
	(pc) =	sbr.rel @p2 .LBB2_8-.Ltmp3, $4  }
0x18c: {  	v6 =	vmul.f32 $8.000000000e+00, v6;
	v51 =	vadd.f32 v11, v33;
	v59 =	vadd.f32 v7, v34  }
0x18d: {  	v61 =	vmul.f32 $8.000000000e+00, v56;
	v58 =	vld [tilespmem:s13+$0xFFFFFFB0];
	[tilespmem:v9+s21+$0x0] =	vst.idx.msk $0xffff, v2;
	v44 =	vadd.s32 v3, v38;
	v3 =	vmul.f32 $8.000000000e+00, v60  }
0x18e: {  	v56 =	vadd.s32 v27, v38;
	v45 =	vadd.f32 v6, v33;
	[tilespmem:v8+s21+$0x0] =	vst.idx.msk $0xffff, v59;
	v59 =	vld [tilespmem:s13+$0x0];
	v63 =	vmul.f32 $8.000000000e+00, v63  }
0x18f: {  	s6 =	smov.u32 s13;
	v57 =	vld [tilespmem:s13+$0xFFFFFE40];
	[tilespmem:v10+s21+$0x0] =	vst.idx.msk $0xffff, v0;
	v60 =	vadd.f32 v61, v34;
	v61 =	vmul.f32 $8.000000000e+00, v62;
	v62 =	vadd.f32 v3, v34  }
0x190: {  	_ =	sdelay $0x3  }
0x191: {  	[tilespmem:v47+s21+$0x0] =	vst.idx.msk $0xffff, v60  }
0x192: {  	[tilespmem:v46+s21+$0x0] =	vst.idx.msk $0xffff, v62  }
0x193: {  	v14 =	vld [tilespmem:$0x1FE20]  }
0x194: {  	v3 =	vadd.f32 v63, v34;
	_ =	sdelay $0x1  }
0x195: {  	[tilespmem:v49+s21+$0x0] =	vst.idx.msk $0xffff, v3  }
0x196: {  	v0 =	vadd.f32 v61, v34;
	v2 =	vmul.f32 $8.000000000e+00, v58;
	[tilespmem:v37+s21+$0x0] =	vst.idx.msk $0xffff, v54  }
0x197: {  	[tilespmem:v39+s21+$0x0] =	vst.idx.msk $0xffff, v52;
	v4 =	vadd.s32 v14, v38  }
0x198: {  	v5 =	vld [tilespmem:s13+$0xFFFFFE80];
	[tilespmem:v48+s21+$0x0] =	vst.idx.msk $0xffff, v0;
	v48 =	vmul.f32 $8.000000000e+00, v59;
	v47 =	vadd.f32 v2, v34  }
0x199: {  	v49 =	vld [tilespmem:s6+$0xFFFFFEC0];
	[tilespmem:v42+s21+$0x0] =	vst.idx.msk $0xffff, v53  }
0x19a: {  	v54 =	vld [tilespmem:s6+$0xFFFFFF00];
	v59 =	vmul.f32 $8.000000000e+00, v57;
	[tilespmem:v50+s21+$0x0] =	vst.idx.msk $0xffff, v47;
	v50 =	vadd.f32 v48, v33  }
0x19b: {  	[tilespmem:v41+s21+$0x0] =	vst.idx.msk $0xffff, v51;
	v6 =	vld [tilespmem:s6+$0xFFFFFF80]  }
0x19c: {  	v58 =	vld [tilespmem:s6+$0xFFFFFF40];
	[tilespmem:v4+s21+$0x0] =	vst.idx.msk $0xffff, v50;
	v4 =	vadd.f32 v59, v33  }
0x19d: {  	v17 =	vld [tilespmem:$0x1FDF0];
	[tilespmem:v40+s21+$0x0] =	vst.idx.msk $0xffff, v45  }
0x19e: {  	v19 =	vld [tilespmem:$0x1FE00];
	[tilespmem:v43+s21+$0x0] =	vst.idx.msk $0xffff, v4  }
0x19f: {  	v22 =	vld [tilespmem:$0x1FE10]  }
0x1a0: {  	v5 =	vmul.f32 $8.000000000e+00, v5;
	v7 =	vld [tilespmem:s6+$0xFFFFFFC0]  }
0x1a1: {  	v3 =	vmul.f32 $8.000000000e+00, v49  }
0x1a2: {  	v2 =	vmul.f32 $8.000000000e+00, v54;
	v5 =	vadd.f32 v5, v33;
	v8 =	vadd.s32 v17, v38  }
0x1a3: {  	v0 =	vmul.f32 $8.000000000e+00, v58;
	v3 =	vadd.f32 v3, v33;
	v9 =	vadd.s32 v19, v38  }
0x1a4: {  	v6 =	vmul.f32 $8.000000000e+00, v6;
	v2 =	vadd.f32 v2, v33;
	[tilespmem:v44+s21+$0x0] =	vst.idx.msk $0xffff, v5;
	v60 =	vadd.s32 v22, v38  }
0x1a5: {  	v0 =	vadd.f32 v0, v33;
	v61 =	vmul.f32 $8.000000000e+00, v7;
	[tilespmem:v55+s21+$0x0] =	vst.idx.msk $0xffff, v3  }
0x1a6: {  	s13 =	sshll.u32 s29, $0x15;
	v62 =	vadd.f32 v6, v33;
	[tilespmem:v56+s21+$0x0] =	vst.idx.msk $0xffff, v2  }
0x1a7: {  	s6 =	sor.u32 s10, s13;
	v63 =	vadd.f32 v61, v33;
	[tilespmem:v8+s21+$0x0] =	vst.idx.msk $0xffff, v0  }
0x1a8: {  	s6 =	sshrl.u32 s6, $0x3;
	[tilespmem:v9+s21+$0x0] =	vst.idx.msk $0xffff, v62  }
0x1a9: {  	s16 =	simm.s32 $0x13600;
	s13 =	sadd.s32 s2, s6;
	[tilespmem:v60+s21+$0x0] =	vst.idx.msk $0xffff, v63  }
0x1aa: {  	[hbm4b:s13+s3] =	stream.linear.scatter [tilespmem:s16], [sflag:$0x3], $0x80, $0x38;
	[tilespmem:$0x1BE00] =	vst v63  }
0x1ab: {  	s7 =	simm.s32 $0x13688;
	s8 =	sadd.s32 $0x10, s13  }
0x1ac: {  	[hbm4b:s8+s3] =	stream.linear.scatter [tilespmem:s7], [sflag:$0x3], $0x80, $0x38;
	[tilespmem:$0x1BE00] =	vst v63  }
0x1ad: {  	s12 =	sadd.s32 $0x20, s13;
	s8 =	simm.s32 $0x13710  }
0x1ae: {  	[hbm4b:s12+s3] =	stream.linear.scatter [tilespmem:s8], [sflag:$0x3], $0x80, $0x38;
	[tilespmem:$0x1BE00] =	vst v63  }
0x1af: {  	s16 =	simm.s32 $0x13798;
	s7 =	sadd.s32 $0x30, s13  }
0x1b0: {  	[hbm4b:s7+s3] =	stream.linear.scatter [tilespmem:s16], [sflag:$0x3], $0x80, $0x38;
	[tilespmem:$0x1BE00] =	vst v63  }
0x1b1: {  	s8 =	simm.s32 $0x13820;
	s12 =	sadd.s32 $0x40, s13  }
0x1b2: {  	[hbm4b:s12+s3] =	stream.linear.scatter [tilespmem:s8], [sflag:$0x3], $0x80, $0x38;
	[tilespmem:$0x1BE00] =	vst v63  }
0x1b3: {  	s6 =	simm.s32 $0x440;
	s16 =	simm.s32 $0x138A8;
	s7 =	sadd.s32 $0x50, s13  }
0x1b4: {  	[hbm4b:s7+s3] =	stream.linear.scatter [tilespmem:s16], [sflag:$0x3], $0x80, $0x38;
	[tilespmem:$0x1BE00] =	vst v63  }
0x1b5: {  	s12 =	simm.s32 $0x13930;
	s8 =	simm.s32 $0x139B8;
	s16 =	sadd.s32 $0x60, s13  }
0x1b6: {  	[hbm4b:s16+s3] =	stream.linear.scatter [tilespmem:s12], [sflag:$0x3], $0x80, $0x38;
	[tilespmem:$0x1BE00] =	vst v63  }
0x1b7: {  	s16 =	simm.s32 $0x2200;
	s12 =	sadd.s32 $0x70, s13;
	s13 =	sadd.s32 $0x1000, s13  }
.LBB2_10:
0x1b8: {  	[hbm4b:s12+s3] =	stream.linear.scatter [tilespmem:s8], [sflag:$0x3], $0x80, $0x38;
	[tilespmem:$0x1BE00] =	vst v63  }
0x1b9: {  	s8 =	smov.u32 s6;
	s6 =	smov.u32 s16  }
0x1ba: {  	s7 =	sadd.s32 $0x1100, s16;
	s6 =	sshra.s32 s6, $0x2;
	s12 =	sadd.s32 $0x13600, s8  }
0x1bb: {  	[hbm4b:s13+s3] =	stream.linear.scatter [tilespmem:s12], [sflag:$0x3], $0x80, $0x38;
	[tilespmem:$0x1BE00] =	vst v63  }
0x1bc: {  	p2 =	sne.s32 s16, $0xFF00;
	s16 =	sadd.s32 $0x10, s13;
	s12 =	sadd.s32 $0x13688, s8  }
0x1bd: {  	[hbm4b:s16+s3] =	stream.linear.scatter [tilespmem:s12], [sflag:$0x3], $0x80, $0x38;
	[tilespmem:$0x1BE00] =	vst v63  }
0x1be: {  	s12 =	sadd.s32 $0x13710, s8;
	s16 =	sadd.s32 $0x20, s13  }
0x1bf: {  	[hbm4b:s16+s3] =	stream.linear.scatter [tilespmem:s12], [sflag:$0x3], $0x80, $0x38;
	[tilespmem:$0x1BE00] =	vst v63  }
0x1c0: {  	s12 =	sadd.s32 $0x13798, s8;
	s16 =	sadd.s32 $0x30, s13  }
0x1c1: {  	[hbm4b:s16+s3] =	stream.linear.scatter [tilespmem:s12], [sflag:$0x3], $0x80, $0x38;
	[tilespmem:$0x1BE00] =	vst v63  }
0x1c2: {  	s12 =	sadd.s32 $0x13820, s8;
	s16 =	sadd.s32 $0x40, s13  }
0x1c3: {  	[hbm4b:s16+s3] =	stream.linear.scatter [tilespmem:s12], [sflag:$0x3], $0x80, $0x38;
	[tilespmem:$0x1BE00] =	vst v63  }
.Ltmp4:
0x1c4: {  	s12 =	sadd.s32 $0x138A8, s8;
	s16 =	sadd.s32 $0x50, s13;
	(pc) =	sbr.rel @p2 .LBB2_10-.Ltmp4, $4  }
0x1c5: {  	[hbm4b:s16+s3] =	stream.linear.scatter [tilespmem:s12], [sflag:$0x3], $0x80, $0x38;
	[tilespmem:$0x1BE00] =	vst v63  }
0x1c6: {  	s12 =	sadd.s32 $0x13930, s8;
	s16 =	sadd.s32 $0x60, s13;
	s8 =	sadd.s32 $0x139B8, s8  }
0x1c7: {  	[hbm4b:s16+s3] =	stream.linear.scatter [tilespmem:s12], [sflag:$0x3], $0x80, $0x38;
	[tilespmem:$0x1BE00] =	vst v63  }
0x1c8: {  	s12 =	sadd.s32 $0x70, s13;
	s13 =	sadd.s32 $0x1000, s13;
	s16 =	smov.u32 s7  }
0x1c9: {  	[hbm4b:s12+s3] =	stream.linear.scatter [tilespmem:s8], [sflag:$0x3], $0x80, $0x38;
	[tilespmem:$0x1BE00] =	vst v63  }
0x1ca: {  	s7 =	sadd.s32 $0x13600, s6  }
0x1cb: {  	[hbm4b:s13+s3] =	stream.linear.scatter [tilespmem:s7], [sflag:$0x3], $0x80, $0x38;
	[tilespmem:$0x1BE00] =	vst v63  }
0x1cc: {  	s12 =	sadd.s32 $0x13688, s6;
	s16 =	sadd.s32 $0x10, s13  }
0x1cd: {  	[hbm4b:s16+s3] =	stream.linear.scatter [tilespmem:s12], [sflag:$0x3], $0x80, $0x38;
	[tilespmem:$0x1BE00] =	vst v63  }
0x1ce: {  	s12 =	sadd.s32 $0x13710, s6;
	s16 =	sadd.s32 $0x20, s13  }
0x1cf: {  	[hbm4b:s16+s3] =	stream.linear.scatter [tilespmem:s12], [sflag:$0x3], $0x80, $0x38;
	[tilespmem:$0x1BE00] =	vst v63  }
0x1d0: {  	s12 =	sadd.s32 $0x13798, s6;
	s16 =	sadd.s32 $0x30, s13  }
0x1d1: {  	[hbm4b:s16+s3] =	stream.linear.scatter [tilespmem:s12], [sflag:$0x3], $0x80, $0x38;
	[tilespmem:$0x1BE00] =	vst v63  }
0x1d2: {  	s12 =	sadd.s32 $0x13820, s6;
	s16 =	sadd.s32 $0x40, s13  }
0x1d3: {  	[hbm4b:s16+s3] =	stream.linear.scatter [tilespmem:s12], [sflag:$0x3], $0x80, $0x38;
	[tilespmem:$0x1BE00] =	vst v63  }
0x1d4: {  	s12 =	sadd.s32 $0x138A8, s6;
	s16 =	sadd.s32 $0x50, s13  }
0x1d5: {  	[hbm4b:s16+s3] =	stream.linear.scatter [tilespmem:s12], [sflag:$0x3], $0x80, $0x38;
	[tilespmem:$0x1BE00] =	vst v63  }
0x1d6: {  	s12 =	sadd.s32 $0x13930, s6;
	s16 =	sadd.s32 $0x60, s13  }
0x1d7: {  	[hbm4b:s16+s3] =	stream.linear.scatter [tilespmem:s12], [sflag:$0x3], $0x80, $0x38;
	[tilespmem:$0x1BE00] =	vst v63  }
0x1d8: {  	s13 =	sadd.s32 $0x70, s13;
	s12 =	sadd.s32 $0x139B8, s6;
	s6 =	simm.s32 @!p1 $0x4  }
0x1d9: {  	[hbm4b:s13+s3] =	stream.linear.scatter [tilespmem:s12], [sflag:$0x3], $0x80, $0x38;
	[tilespmem:$0x1BE00] =	vst v63  }
0x1da: {  	_ =	swait.ge @!p1 [sflag:s6], $0x4000  }
0x1db: {  	v12 =	vld [tilespmem:$0x1FFD0]  }
0x1dc: {  	v21 =	vld [tilespmem:$0x1FE30]  }
0x1dd: {  	v52 =	vld [tilespmem:$0x1FE70]  }
0x1de: {  	[sflag:s6] =	ssyncset.done @!p1 $0x0;
	v55 =	vld [tilespmem:$0x1FEB0]  }
0x1df: {  	v56 =	vld [tilespmem:$0x1FEF0];
	[sflag:s6] =	ssyncadd.s32 @!p1 $0xFFFFC000;
	s6 =	simm.s32 $0x0  }
0x1e0: {  	s12 =	simm.s32 $0x7600;
	v58 =	vld [tilespmem:$0x1FF30];
	v0 =	vmov s6  }
0x1e1: {  	s16 =	sshll.u32 s1, $0x8;
	v2 =	vld [tilespmem:s12+$0x1C0];
	v0 =	vshrl.u32 v0, $0x3  }
0x1e2: {  	s7 =	sshra.s32 s16, $0x2;
	v3 =	vld [tilespmem:s12+$0x0];
	v0 =	vshll.u32 v0, $0x3  }
0x1e3: {  	v35 =	vld [tilespmem:s7+$0x400];
	v38 =	vbroadcast v0, $0x0  }
0x1e4: {  	v0 =	vld [tilespmem:s12+$0x40]  }
0x1e5: {  	v36 =	vld [tilespmem:s7+$0x410];
	v6 =	vadd.s32 v12, v38  }
0x1e6: {  	v4 =	vld [tilespmem:s12+$0x80];
	v7 =	vadd.s32 v21, v38;
	v2 =	vmul.f32 $8.000000000e+00, v2  }
0x1e7: {  	v5 =	vld [tilespmem:s12+$0xC0];
	v3 =	vmul.f32 $8.000000000e+00, v3  }
0x1e8: {  	v8 =	vld [tilespmem:s12+$0x100];
	v9 =	vadd.s32 v52, v38;
	v2 =	vadd.f32 v2, v35  }
0x1e9: {  	v34 =	vld [tilespmem:s7+$0x420];
	v3 =	vadd.f32 v3, v35;
	v0 =	vmul.f32 $8.000000000e+00, v0  }
0x1ea: {  	v33 =	vld [tilespmem:s7+$0x430];
	v10 =	vadd.s32 v55, v38;
	[tilespmem:v6+s22+$0x0] =	vst.idx.msk $0xffff, v2  }
0x1eb: {  	v37 =	vadd.s32 v56, v38;
	v4 =	vmul.f32 $8.000000000e+00, v4;
	v0 =	vadd.f32 v0, v35;
	[tilespmem:v7+s22+$0x0] =	vst.idx.msk $0xffff, v3  }
0x1ec: {  	v40 =	vadd.s32 v58, v38;
	v5 =	vmul.f32 $8.000000000e+00, v5;
	v16 =	vld [tilespmem:$0x1FF60]  }
0x1ed: {  	v11 =	vld [tilespmem:s12+$0x140];
	v2 =	vadd.f32 v4, v35;
	v3 =	vmul.f32 $8.000000000e+00, v8;
	[tilespmem:v9+s22+$0x0] =	vst.idx.msk $0xffff, v0  }
0x1ee: {  	v0 =	vadd.f32 v5, v35;
	v61 =	vld [tilespmem:$0x1FFA0]  }
0x1ef: {  	v39 =	vld [tilespmem:s12+$0x180];
	[tilespmem:v10+s22+$0x0] =	vst.idx.msk $0xffff, v2;
	v2 =	vadd.f32 v3, v35  }
0x1f0: {  	v51 =	vld [tilespmem:s12+$0x1D0];
	[tilespmem:v37+s22+$0x0] =	vst.idx.msk $0xffff, v0  }
0x1f1: {  	v7 =	vld [tilespmem:s12+$0x10];
	[tilespmem:v40+s22+$0x0] =	vst.idx.msk $0xffff, v2;
	v53 =	vadd.s32 v16, v38  }
0x1f2: {  	v57 =	vmul.f32 $8.000000000e+00, v11;
	v23 =	vld [tilespmem:$0x1FFE0]  }
0x1f3: {  	v31 =	vld [tilespmem:$0x1FE40];
	v54 =	vadd.s32 v61, v38  }
0x1f4: {  	v3 =	vmul.f32 $8.000000000e+00, v39;
	v0 =	vadd.f32 v57, v35;
	v63 =	vld [tilespmem:$0x1FE80]  }
0x1f5: {  	v9 =	vld [tilespmem:s12+$0x50]  }
0x1f6: {  	v10 =	vld [tilespmem:s12+$0x90];
	v3 =	vadd.f32 v3, v35;
	[tilespmem:v53+s22+$0x0] =	vst.idx.msk $0xffff, v0  }
0x1f7: {  	v2 =	vadd.s32 v23, v38;
	v15 =	vld [tilespmem:$0x1FEC0]  }
0x1f8: {  	v59 =	vld [tilespmem:s12+$0xD0];
	v4 =	vmul.f32 $8.000000000e+00, v51;
	v44 =	vadd.s32 v31, v38;
	[tilespmem:v54+s22+$0x0] =	vst.idx.msk $0xffff, v3  }
0x1f9: {  	v46 =	vadd.s32 v63, v38;
	v0 =	vmul.f32 $8.000000000e+00, v7;
	v60 =	vld [tilespmem:$0x1FF00]  }
0x1fa: {  	v4 =	vadd.f32 v4, v36;
	v3 =	vmul.f32 $8.000000000e+00, v9;
	v1 =	vld [tilespmem:$0x1FF40]  }
0x1fb: {  	v45 =	vld [tilespmem:s12+$0x110];
	v0 =	vadd.f32 v0, v36  }
0x1fc: {  	v3 =	vadd.f32 v3, v36;
	[tilespmem:v2+s22+$0x0] =	vst.idx.msk $0xffff, v4;
	v47 =	vadd.s32 v15, v38  }
0x1fd: {  	v10 =	vmul.f32 $8.000000000e+00, v10;
	v48 =	vld [tilespmem:s12+$0x150];
	[tilespmem:v44+s22+$0x0] =	vst.idx.msk $0xffff, v0  }
0x1fe: {  	v8 =	vmul.f32 $8.000000000e+00, v59;
	v59 =	vld [tilespmem:$0x1FF70];
	[tilespmem:v46+s22+$0x0] =	vst.idx.msk $0xffff, v3;
	v49 =	vadd.s32 v60, v38  }
0x1ff: {  	v0 =	vadd.f32 v10, v36;
	v13 =	vld [tilespmem:$0x1FFB0];
	v51 =	vadd.s32 v1, v38  }
0x200: {  	v50 =	vld [tilespmem:s12+$0x190];
	v2 =	vmul.f32 $8.000000000e+00, v45  }
0x201: {  	v4 =	vld [tilespmem:s12+$0x1E0];
	v3 =	vadd.f32 v8, v36;
	[tilespmem:v47+s22+$0x0] =	vst.idx.msk $0xffff, v0  }
0x202: {  	v0 =	vadd.f32 v2, v36;
	v32 =	vld [tilespmem:$0x1FE50]  }
0x203: {  	v10 =	vadd.s32 v59, v38;
	v62 =	vld [tilespmem:$0x1FE90];
	[tilespmem:v49+s22+$0x0] =	vst.idx.msk $0xffff, v3  }
0x204: {  	v11 =	vld [tilespmem:s12+$0x20];
	v7 =	vmul.f32 $8.000000000e+00, v48;
	v8 =	vadd.s32 v13, v38;
	[tilespmem:v51+s22+$0x0] =	vst.idx.msk $0xffff, v0  }
0x205: {  	v9 =	vmul.f32 $8.000000000e+00, v50;
	v28 =	vld [tilespmem:$0x1FFF0]  }
0x206: {  	v3 =	vadd.f32 v7, v36;
	v27 =	vld [tilespmem:$0x1FED0]  }
0x207: {  	v9 =	vadd.f32 v9, v36;
	v43 =	vld [tilespmem:$0x1FF10]  }
0x208: {  	v49 =	vld [tilespmem:$0x1FF50];
	[tilespmem:v10+s22+$0x0] =	vst.idx.msk $0xffff, v3  }
0x209: {  	v44 =	vld [tilespmem:$0x1FF80];
	[tilespmem:v8+s22+$0x0] =	vst.idx.msk $0xffff, v9  }
0x20a: {  	v20 =	vld [tilespmem:$0x1FE60]  }
0x20b: {  	v53 =	vld [tilespmem:s12+$0x60]  }
0x20c: {  	v54 =	vld [tilespmem:s12+$0xA0];
	v0 =	vadd.s32 v28, v38  }
0x20d: {  	v4 =	vmul.f32 $8.000000000e+00, v4;
	v5 =	vld [tilespmem:s12+$0xE0]  }
0x20e: {  	v40 =	vld [tilespmem:s12+$0x120]  }
0x20f: {  	v4 =	vadd.f32 v4, v34;
	v48 =	vld [tilespmem:s12+$0x160];
	v24 =	vadd.s32 v20, v38  }
0x210: {  	v41 =	vld [tilespmem:s12+$0x1A0];
	[tilespmem:$0x1FD20] =	vst v24  }
0x211: {  	v18 =	vld [tilespmem:$0x1FFC0];
	[tilespmem:v0+s22+$0x0] =	vst.idx.msk $0xffff, v4  }
0x212: {  	v0 =	vld [tilespmem:$0x1FEA0];
	_ =	sdelay $0x1  }
0x213: {  	v2 =	vadd.s32 v32, v38  }
0x214: {  	v3 =	vmul.f32 $8.000000000e+00, v11;
	v6 =	vadd.s32 v62, v38  }
0x215: {  	v50 =	vmul.f32 $8.000000000e+00, v53  }
0x216: {  	v3 =	vadd.f32 v3, v34;
	v0 =	vadd.s32 v0, v38  }
0x217: {  	v8 =	vadd.f32 v50, v34;
	v57 =	vadd.s32 v27, v38;
	[tilespmem:$0x1FD30] =	vst v0  }
0x218: {  	v51 =	vmul.f32 $8.000000000e+00, v54;
	[tilespmem:v2+s22+$0x0] =	vst.idx.msk $0xffff, v3  }
0x219: {  	v42 =	vadd.s32 v17, v38;
	v25 =	vadd.s32 v14, v38;
	v4 =	vld [tilespmem:$0x1FEE0];
	[tilespmem:v6+s22+$0x0] =	vst.idx.msk $0xffff, v8  }
0x21a: {  	s13 =	simm.s32 $0x7800;
	v45 =	vadd.s32 v43, v38;
	v46 =	vadd.s32 v49, v38;
	v0 =	vadd.f32 v51, v34;
	v6 =	vld [tilespmem:$0x1FF20]  }
0x21b: {  	s16 =	simm.s32 $0x8;
	v5 =	vmul.f32 $8.000000000e+00, v5;
	v10 =	vadd.s32 v44, v38;
	v2 =	vmul.f32 $8.000000000e+00, v40;
	v47 =	vld [tilespmem:s13+$0x1C0]  }
0x21c: {  	v54 =	vmul.f32 $8.000000000e+00, v48;
	v9 =	vadd.s32 v18, v38;
	v53 =	vld [tilespmem:s12+$0x30];
	[tilespmem:v57+s22+$0x0] =	vst.idx.msk $0xffff, v0;
	v57 =	vmov s16  }
0x21d: {  	v48 =	vld [tilespmem:s13+$0x0];
	v40 =	vadd.s32 v22, v38;
	v0 =	vadd.f32 v2, v34;
	v7 =	vshrl.u32 v57, $0x3  }
0x21e: {  	v3 =	vld [tilespmem:s12+$0x1F0];
	v2 =	vmul.f32 $8.000000000e+00, v41;
	v41 =	vadd.s32 v19, v38;
	v7 =	vshll.u32 v7, $0x3  }
0x21f: {  	v37 =	vadd.s32 v4, v38;
	v39 =	vadd.s32 v6, v38;
	v38 =	vbroadcast v7, $0x0;
	v7 =	vld [tilespmem:s13+$0x40]  }
0x220: {  	v5 =	vadd.f32 v5, v34;
	v50 =	vld [tilespmem:s13+$0x80];
	v47 =	vmul.f32 $8.000000000e+00, v47  }
0x221: {  	v4 =	vmul.f32 $8.000000000e+00, v53;
	v53 =	vld [tilespmem:s13+$0xC0];
	v6 =	vadd.f32 v54, v34;
	v54 =	vadd.s32 v12, v38  }
0x222: {  	[tilespmem:v45+s22+$0x0] =	vst.idx.msk $0xffff, v5;
	v57 =	vld [tilespmem:s13+$0x100];
	v2 =	vadd.f32 v2, v34;
	v5 =	vmul.f32 $8.000000000e+00, v48;
	v51 =	vadd.s32 v21, v38  }
0x223: {  	[tilespmem:v46+s22+$0x0] =	vst.idx.msk $0xffff, v0;
	v3 =	vmul.f32 $8.000000000e+00, v3;
	v48 =	vld [tilespmem:s13+$0x140];
	v47 =	vadd.f32 v47, v35;
	v52 =	vadd.s32 v52, v38  }
0x224: {  	[tilespmem:v9+s22+$0x0] =	vst.idx.msk $0xffff, v2;
	v5 =	vadd.f32 v5, v35;
	v55 =	vadd.s32 v55, v38;
	v0 =	vmul.f32 $8.000000000e+00, v7;
	v7 =	vld [tilespmem:s13+$0x180]  }
0x225: {  	v56 =	vadd.s32 v56, v38;
	v45 =	vadd.s32 v58, v38;
	[tilespmem:v10+s22+$0x0] =	vst.idx.msk $0xffff, v6;
	v10 =	vmul.f32 $8.000000000e+00, v50  }
0x226: {  	v58 =	vadd.s32 v16, v38;
	v50 =	vld [tilespmem:s12+$0xF0];
	v53 =	vmul.f32 $8.000000000e+00, v53;
	v0 =	vadd.f32 v0, v35;
	[tilespmem:v54+s22+$0x0] =	vst.idx.msk $0xffff, v47  }
0x227: {  	v46 =	vadd.s32 v61, v38;
	v61 =	vmul.f32 $8.000000000e+00, v57;
	[tilespmem:v51+s22+$0x0] =	vst.idx.msk $0xffff, v5;
	v5 =	vadd.f32 v10, v35;
	v51 =	vld [tilespmem:s13+$0x1D0]  }
0x228: {  	v48 =	vmul.f32 $8.000000000e+00, v48;
	v57 =	vld [tilespmem:s13+$0x10];
	[tilespmem:v52+s22+$0x0] =	vst.idx.msk $0xffff, v0;
	v0 =	vadd.f32 v53, v35  }
0x229: {  	v3 =	vadd.f32 v3, v33;
	v47 =	vadd.f32 v61, v35;
	[tilespmem:v55+s22+$0x0] =	vst.idx.msk $0xffff, v5;
	v53 =	vld [tilespmem:s13+$0x50];
	v7 =	vmul.f32 $8.000000000e+00, v7  }
0x22a: {  	v24 =	vmov v60;
	v52 =	vadd.s32 v60, v38;
	v60 =	vld [tilespmem:s13+$0x90];
	[tilespmem:v56+s22+$0x0] =	vst.idx.msk $0xffff, v0;
	v0 =	vadd.f32 v48, v35  }
0x22b: {  	[tilespmem:v45+s22+$0x0] =	vst.idx.msk $0xffff, v47;
	v61 =	vld [tilespmem:s13+$0xD0];
	v5 =	vadd.f32 v7, v35;
	v7 =	vadd.s32 v23, v38  }
0x22c: {  	v22 =	vmovc v63;
	v6 =	vadd.s32 v31, v38;
	v45 =	vmul.f32 $8.000000000e+00, v50;
	v50 =	vld [tilespmem:s13+$0x110];
	[tilespmem:v58+s22+$0x0] =	vst.idx.msk $0xffff, v0;
	v48 =	vmul.f32 $8.000000000e+00, v51  }
0x22d: {  	v63 =	vadd.s32 v63, v38;
	v10 =	vadd.s32 v15, v38;
	v51 =	vmul.f32 $8.000000000e+00, v57;
	[tilespmem:v46+s22+$0x0] =	vst.idx.msk $0xffff, v5;
	v5 =	vld [tilespmem:s13+$0x150]  }
0x22e: {  	v19 =	vmovc v43;
	v16 =	vmovc v59;
	v55 =	vadd.s32 v1, v38;
	v2 =	vmul.f32 $8.000000000e+00, v53;
	v9 =	vld [tilespmem:s13+$0x190];
	v53 =	vadd.f32 v48, v36  }
0x22f: {  	[tilespmem:v25+s22+$0x0] =	vst.idx.msk $0xffff, v3;
	v46 =	vadd.s32 v43, v38;
	v3 =	vadd.f32 v51, v36;
	v43 =	vmul.f32 $8.000000000e+00, v60  }
0x230: {  	v56 =	vadd.s32 v59, v38;
	v2 =	vadd.f32 v2, v36;
	v59 =	vmul.f32 $8.000000000e+00, v61;
	[tilespmem:v7+s22+$0x0] =	vst.idx.msk $0xffff, v53  }
0x231: {  	[tilespmem:v6+s22+$0x0] =	vst.idx.msk $0xffff, v3;
	v3 =	vadd.f32 v43, v36;
	v61 =	vmul.f32 $8.000000000e+00, v50  }
0x232: {  	v0 =	vadd.s32 v13, v38;
	[tilespmem:v63+s22+$0x0] =	vst.idx.msk $0xffff, v2;
	v43 =	vadd.f32 v59, v36;
	v5 =	vmul.f32 $8.000000000e+00, v5  }
0x233: {  	[tilespmem:v10+s22+$0x0] =	vst.idx.msk $0xffff, v3;
	v6 =	vadd.f32 v61, v36;
	v9 =	vmul.f32 $8.000000000e+00, v9  }
0x234: {  	[tilespmem:v52+s22+$0x0] =	vst.idx.msk $0xffff, v43;
	v5 =	vadd.f32 v5, v36  }
0x235: {  	[tilespmem:v55+s22+$0x0] =	vst.idx.msk $0xffff, v6;
	v9 =	vadd.f32 v9, v36  }
0x236: {  	[tilespmem:v56+s22+$0x0] =	vst.idx.msk $0xffff, v5  }
0x237: {  	[tilespmem:v0+s22+$0x0] =	vst.idx.msk $0xffff, v9  }
0x238: {  	v9 =	vld [tilespmem:$0x1FD20];
	_ =	sdelay $0x5  }
0x239: {  	v8 =	vld [tilespmem:s12+$0x70];
	v4 =	vadd.f32 v4, v33  }
0x23a: {  	v17 =	vmovc v31;
	v31 =	vmov v23;
	v23 =	vmov v62;
	v57 =	vadd.s32 v62, v38;
	v62 =	vld [tilespmem:s13+$0x1E0]  }
0x23b: {  	v2 =	vld [tilespmem:s13+$0x20];
	[tilespmem:v9+s22+$0x0] =	vst.idx.msk $0xffff, v4  }
0x23c: {  	v9 =	vld [tilespmem:$0x1FD30];
	_ =	sdelay $0x1  }
0x23d: {  	v61 =	vadd.s32 v28, v38  }
0x23e: {  	v62 =	vmul.f32 $8.000000000e+00, v62  }
0x23f: {  	v30 =	vmov v1;
	v11 =	vld [tilespmem:s12+$0xB0];
	v8 =	vmul.f32 $8.000000000e+00, v8;
	v1 =	vadd.s32 v32, v38  }
0x240: {  	v3 =	vld [tilespmem:s13+$0x60];
	v0 =	vmul.f32 $8.000000000e+00, v2;
	v63 =	vadd.f32 v62, v34  }
0x241: {  	v8 =	vadd.f32 v8, v33;
	v54 =	vld [tilespmem:s12+$0x130]  }
0x242: {  	v58 =	vld [tilespmem:s12+$0x170];
	v0 =	vadd.f32 v0, v34;
	[tilespmem:v61+s22+$0x0] =	vst.idx.msk $0xffff, v63  }
0x243: {  	v7 =	vld [tilespmem:s12+$0x1B0];
	[tilespmem:v9+s22+$0x0] =	vst.idx.msk $0xffff, v8  }
0x244: {  	v4 =	vld [tilespmem:$0x1FEA0];
	[tilespmem:v1+s22+$0x0] =	vst.idx.msk $0xffff, v0  }
0x245: {  	v3 =	vmul.f32 $8.000000000e+00, v3;
	v0 =	vld [tilespmem:$0x1FEE0]  }
0x246: {  	v10 =	vld [tilespmem:s13+$0xA0]  }
0x247: {  	v60 =	vld [tilespmem:s13+$0xE0];
	v3 =	vadd.f32 v3, v34  }
0x248: {  	v29 =	vmovc v44;
	v11 =	vmul.f32 $8.000000000e+00, v11;
	v25 =	vmov v49;
	v47 =	vadd.s32 v27, v38;
	v5 =	vld [tilespmem:s13+$0x120]  }
0x249: {  	v48 =	vadd.s32 v49, v38;
	v49 =	vadd.s32 v44, v38;
	v44 =	vmul.f32 $8.000000000e+00, v54;
	v2 =	vld [tilespmem:s13+$0x160];
	[tilespmem:v57+s22+$0x0] =	vst.idx.msk $0xffff, v3  }
0x24a: {  	v21 =	vmovc v18;
	v50 =	vadd.s32 v18, v38;
	v58 =	vmul.f32 $8.000000000e+00, v58;
	v18 =	vmovc v0;
	v55 =	vadd.s32 v0, v38;
	v0 =	vld [tilespmem:$0x1FF20]  }
0x24b: {  	v26 =	vmovc v15;
	v54 =	vadd.f32 v11, v33;
	v53 =	vadd.f32 v44, v33;
	v7 =	vmul.f32 $8.000000000e+00, v7  }
0x24c: {  	v12 =	vmovc v20;
	v15 =	vmovc v32;
	v51 =	vadd.f32 v58, v33;
	v10 =	vmul.f32 $8.000000000e+00, v10;
	v11 =	vmul.f32 $8.000000000e+00, v60;
	v1 =	vld [tilespmem:$0x1FF90]  }
0x24d: {  	v32 =	vmovc v13;
	v52 =	vadd.f32 v45, v33;
	v43 =	vadd.s32 v20, v38;
	v45 =	vadd.f32 v7, v33;
	v58 =	vld [tilespmem:s13+$0x1A0]  }
0x24e: {  	v13 =	vmovc v27;
	v27 =	vmovc v28;
	v60 =	vadd.f32 v10, v34;
	v62 =	vadd.f32 v11, v34;
	v61 =	vmul.f32 $8.000000000e+00, v5;
	v59 =	vld [tilespmem:s13+$0x1F0]  }
0x24f: {  	s6 =	simm.s32 $0x7800;
	v63 =	vmul.f32 $8.000000000e+00, v2;
	v57 =	vld [tilespmem:s13+$0x30];
	v28 =	vmovc v4;
	v44 =	vadd.s32 v4, v38;
	v20 =	vmovc v0;
	v56 =	vadd.s32 v0, v38  }
.LBB2_12:
0x250: {  	v0 =	vld [tilespmem:s13+$0x70]  }
0x251: {  	v3 =	vld [tilespmem:$0x1FDF0]  }
0x252: {  	v8 =	vld [tilespmem:$0x1FE00];
	s13 =	sadd.s32 $0x200, s13  }
0x253: {  	v10 =	vld [tilespmem:s13+$0x1C0]  }
0x254: {  	v11 =	vld [tilespmem:s13+$0x0]  }
0x255: {  	[tilespmem:v47+s22+$0x0] =	vst.idx.msk $0xffff, v60;
	v2 =	vadd.f32 v61, v34;
	v60 =	vld [tilespmem:$0x1FEF0]  }
0x256: {  	[tilespmem:v46+s22+$0x0] =	vst.idx.msk $0xffff, v62;
	v62 =	vld [tilespmem:$0x1FF30]  }
0x257: {  	s16 =	sadd.s32 $0x8, s16;
	[tilespmem:v48+s22+$0x0] =	vst.idx.msk $0xffff, v2;
	v48 =	vld [tilespmem:$0x1FE10]  }
0x258: {  	v5 =	vmov s16;
	v7 =	vadd.f32 v63, v34;
	v6 =	vld [tilespmem:s6+$0xB0]  }
0x259: {  	v9 =	vmovc v39;
	v39 =	vmovc v56;
	v5 =	vshrl.u32 v5, $0x3;
	v4 =	vmul.f32 $8.000000000e+00, v58;
	v56 =	vmul.f32 $8.000000000e+00, v57;
	v57 =	vld [tilespmem:$0x1FE70]  }
0x25a: {  	v63 =	vadd.s32 v14, v38;
	v5 =	vshll.u32 v5, $0x3;
	v58 =	vld [tilespmem:$0x1FFD0]  }
0x25b: {  	[tilespmem:v49+s22+$0x0] =	vst.idx.msk $0xffff, v7;
	v49 =	vmul.f32 $8.000000000e+00, v59;
	v59 =	vld [tilespmem:$0x1FEB0];
	v3 =	vadd.s32 v3, v38;
	v2 =	vadd.f32 v4, v34  }
0x25c: {  	v8 =	vadd.s32 v8, v38;
	v7 =	vadd.s32 v48, v38;
	v38 =	vbroadcast v5, $0x0;
	v5 =	vld [tilespmem:s13+$0x40]  }
0x25d: {  	[tilespmem:v50+s22+$0x0] =	vst.idx.msk $0xffff, v2;
	v2 =	vld [tilespmem:s13+$0x80]  }
0x25e: {  	v46 =	vadd.f32 v49, v33;
	[tilespmem:v37+s22+$0x0] =	vst.idx.msk $0xffff, v54;
	v37 =	vmov v55;
	v55 =	vld [tilespmem:$0x1FE30]  }
0x25f: {  	v49 =	vld [tilespmem:s13+$0xC0]  }
0x260: {  	v0 =	vmul.f32 $8.000000000e+00, v0;
	v10 =	vmul.f32 $8.000000000e+00, v10;
	[tilespmem:v63+s22+$0x0] =	vst.idx.msk $0xffff, v46;
	v46 =	vld [tilespmem:s13+$0x140]  }
0x261: {  	v61 =	vmul.f32 $8.000000000e+00, v11;
	v63 =	vld [tilespmem:$0x1FF60];
	v50 =	vadd.s32 v58, v38  }
0x262: {  	v0 =	vadd.f32 v0, v33;
	v10 =	vadd.f32 v10, v35;
	v48 =	vadd.s32 v57, v38;
	v57 =	vld [tilespmem:s13+$0x100]  }
0x263: {  	[tilespmem:v9+s22+$0x0] =	vst.idx.msk $0xffff, v52;
	v54 =	vadd.s32 v59, v38;
	v59 =	vld [tilespmem:$0x1FFA0];
	v47 =	vadd.s32 v55, v38;
	v5 =	vmul.f32 $8.000000000e+00, v5  }
0x264: {  	v4 =	vadd.f32 v61, v35;
	[tilespmem:v41+s22+$0x0] =	vst.idx.msk $0xffff, v51;
	v9 =	vld [tilespmem:s13+$0x180];
	v11 =	vadd.s32 v62, v38  }
0x265: {  	[tilespmem:v42+s22+$0x0] =	vst.idx.msk $0xffff, v53;
	v53 =	vadd.s32 v17, v38;
	v2 =	vmul.f32 $8.000000000e+00, v2;
	v5 =	vadd.f32 v5, v35  }
0x266: {  	v42 =	vld [tilespmem:s6+$0xF0];
	v51 =	vadd.s32 v22, v38;
	v55 =	vadd.s32 v60, v38;
	v60 =	vmul.f32 $8.000000000e+00, v49;
	[tilespmem:v50+s22+$0x0] =	vst.idx.msk $0xffff, v10  }
0x267: {  	v58 =	vadd.s32 v63, v38;
	v2 =	vadd.f32 v2, v35;
	v61 =	vmul.f32 $8.000000000e+00, v57;
	v49 =	vld [tilespmem:s13+$0x1D0];
	[tilespmem:v48+s22+$0x0] =	vst.idx.msk $0xffff, v5  }
0x268: {  	v63 =	vmul.f32 $8.000000000e+00, v46;
	v52 =	vadd.s32 v59, v38;
	v62 =	vadd.f32 v60, v35;
	[tilespmem:v47+s22+$0x0] =	vst.idx.msk $0xffff, v4;
	v46 =	vld [tilespmem:s13+$0x50]  }
0x269: {  	v9 =	vmul.f32 $8.000000000e+00, v9;
	v57 =	vadd.s32 v24, v38;
	[tilespmem:v54+s22+$0x0] =	vst.idx.msk $0xffff, v2;
	v2 =	vadd.f32 v61, v35;
	v50 =	vld [tilespmem:s13+$0x10]  }
0x26a: {  	v10 =	vld [tilespmem:s6+$0x130];
	v41 =	vadd.f32 v63, v35;
	v60 =	vadd.s32 v15, v38;
	v54 =	vadd.s32 v30, v38  }
0x26b: {  	v5 =	vadd.s32 v32, v38;
	v4 =	vadd.s32 v26, v38;
	v48 =	vld [tilespmem:s13+$0x90];
	[tilespmem:v11+s22+$0x0] =	vst.idx.msk $0xffff, v2  }
0x26c: {  	[tilespmem:v55+s22+$0x0] =	vst.idx.msk $0xffff, v62;
	v2 =	vadd.f32 v9, v35;
	v9 =	vadd.s32 v31, v38;
	v61 =	vld [tilespmem:s13+$0x110]  }
0x26d: {  	v55 =	vadd.s32 v16, v38;
	[tilespmem:v58+s22+$0x0] =	vst.idx.msk $0xffff, v41;
	v59 =	vld [tilespmem:s13+$0xD0];
	v11 =	vmul.f32 $8.000000000e+00, v42;
	v41 =	vmul.f32 $8.000000000e+00, v49  }
0x26e: {  	v62 =	vadd.s32 v23, v38;
	[tilespmem:v52+s22+$0x0] =	vst.idx.msk $0xffff, v2;
	v2 =	vmul.f32 $8.000000000e+00, v46;
	v42 =	vmul.f32 $8.000000000e+00, v50  }
0x26f: {  	v47 =	vadd.s32 v13, v38;
	v58 =	vld [tilespmem:s13+$0x150];
	v49 =	vadd.s32 v29, v38;
	v50 =	vadd.f32 v41, v36  }
0x270: {  	v52 =	vld [tilespmem:s13+$0x190];
	[tilespmem:v40+s22+$0x0] =	vst.idx.msk $0xffff, v45;
	v46 =	vadd.s32 v19, v38;
	v45 =	vmul.f32 $8.000000000e+00, v48;
	v2 =	vadd.f32 v2, v36  }
0x271: {  	v63 =	vld [tilespmem:s6+$0x170];
	v48 =	vadd.s32 v25, v38;
	v61 =	vmul.f32 $8.000000000e+00, v61;
	v40 =	vadd.f32 v42, v36;
	[tilespmem:v9+s22+$0x0] =	vst.idx.msk $0xffff, v50  }
0x272: {  	v41 =	vmovc v8;
	v8 =	vld [tilespmem:s6+$0x1B0];
	v9 =	vadd.f32 v45, v36;
	[tilespmem:v51+s22+$0x0] =	vst.idx.msk $0xffff, v2;
	v42 =	vmov v3;
	v3 =	vmul.f32 $8.000000000e+00, v59  }
0x273: {  	v6 =	vmul.f32 $8.000000000e+00, v6;
	v50 =	vadd.s32 v21, v38;
	v51 =	vadd.f32 v61, v36;
	[tilespmem:v53+s22+$0x0] =	vst.idx.msk $0xffff, v40;
	v53 =	vld [tilespmem:s13+$0x1E0]  }
0x274: {  	v45 =	vadd.f32 v56, v33;
	[tilespmem:v4+s22+$0x0] =	vst.idx.msk $0xffff, v9;
	v59 =	vld [tilespmem:s13+$0x20];
	v2 =	vadd.f32 v3, v36;
	v3 =	vmul.f32 $8.000000000e+00, v58  }
0x275: {  	v52 =	vmul.f32 $8.000000000e+00, v52;
	v9 =	vadd.s32 v27, v38;
	[tilespmem:v54+s22+$0x0] =	vst.idx.msk $0xffff, v51;
	v40 =	vmov v7;
	v7 =	vld [tilespmem:s13+$0x60]  }
0x276: {  	v10 =	vmul.f32 $8.000000000e+00, v10;
	v56 =	vld [tilespmem:s13+$0xA0];
	v54 =	vadd.f32 v6, v33;
	[tilespmem:v57+s22+$0x0] =	vst.idx.msk $0xffff, v2;
	v2 =	vadd.f32 v3, v36  }
0x277: {  	[tilespmem:v43+s22+$0x0] =	vst.idx.msk $0xffff, v45;
	v43 =	vadd.s32 v12, v38;
	v58 =	vadd.f32 v52, v36;
	v8 =	vmul.f32 $8.000000000e+00, v8;
	v57 =	vld [tilespmem:s13+$0xE0]  }
0x278: {  	v61 =	vld [tilespmem:s13+$0x120];
	v52 =	vadd.f32 v11, v33;
	v3 =	vmul.f32 $8.000000000e+00, v63;
	[tilespmem:v55+s22+$0x0] =	vst.idx.msk $0xffff, v2;
	v2 =	vmul.f32 $8.000000000e+00, v53  }
0x279: {  	p1 =	slt.u32 s16, $0x78;
	[tilespmem:v44+s22+$0x0] =	vst.idx.msk $0xffff, v0;
	v44 =	vadd.s32 v28, v38;
	v45 =	vadd.f32 v8, v33;
	v63 =	vmul.f32 $8.000000000e+00, v59;
	v11 =	vld [tilespmem:s13+$0x160]  }
.Ltmp5:
0x27a: {  	v51 =	vadd.f32 v3, v33;
	v3 =	vmul.f32 $8.000000000e+00, v7;
	v2 =	vadd.f32 v2, v34;
	(pc) =	sbr.rel @p1 .LBB2_12-.Ltmp5, $4  }
0x27b: {  	[tilespmem:v5+s22+$0x0] =	vst.idx.msk $0xffff, v58;
	v53 =	vadd.f32 v10, v33;
	v59 =	vadd.f32 v63, v34  }
0x27c: {  	v58 =	vld [tilespmem:s13+$0x1A0];
	v63 =	vmul.f32 $8.000000000e+00, v56;
	v0 =	vadd.f32 v3, v34;
	v3 =	vmul.f32 $8.000000000e+00, v57;
	[tilespmem:v9+s22+$0x0] =	vst.idx.msk $0xffff, v2  }
0x27d: {  	v55 =	vadd.s32 v18, v38;
	v61 =	vmul.f32 $8.000000000e+00, v61;
	v56 =	vadd.s32 v20, v38;
	[tilespmem:v60+s22+$0x0] =	vst.idx.msk $0xffff, v59;
	v59 =	vld [tilespmem:s13+$0x1F0]  }
0x27e: {  	s6 =	smov.u32 s13;
	v60 =	vadd.f32 v63, v34;
	v57 =	vld [tilespmem:s13+$0x30];
	[tilespmem:v62+s22+$0x0] =	vst.idx.msk $0xffff, v0;
	v62 =	vadd.f32 v3, v34;
	v63 =	vmul.f32 $8.000000000e+00, v11  }
0x27f: {  	_ =	sdelay $0x3  }
0x280: {  	[tilespmem:v37+s22+$0x0] =	vst.idx.msk $0xffff, v54  }
0x281: {  	[tilespmem:v39+s22+$0x0] =	vst.idx.msk $0xffff, v52  }
0x282: {  	[tilespmem:v42+s22+$0x0] =	vst.idx.msk $0xffff, v53  }
0x283: {  	v0 =	vadd.f32 v61, v34;
	[tilespmem:v47+s22+$0x0] =	vst.idx.msk $0xffff, v60;
	v2 =	vmul.f32 $8.000000000e+00, v58  }
0x284: {  	v4 =	vadd.s32 v14, v38;
	[tilespmem:v46+s22+$0x0] =	vst.idx.msk $0xffff, v62;
	v3 =	vadd.f32 v63, v34  }
0x285: {  	v5 =	vld [tilespmem:s13+$0x70];
	[tilespmem:v48+s22+$0x0] =	vst.idx.msk $0xffff, v0;
	v0 =	vadd.f32 v2, v34;
	v2 =	vmul.f32 $8.000000000e+00, v59  }
0x286: {  	[tilespmem:v49+s22+$0x0] =	vst.idx.msk $0xffff, v3;
	v3 =	vld [tilespmem:s6+$0xB0]  }
0x287: {  	v60 =	vmul.f32 $8.000000000e+00, v57;
	v6 =	vld [tilespmem:s6+$0x170];
	[tilespmem:v50+s22+$0x0] =	vst.idx.msk $0xffff, v0;
	v0 =	vadd.f32 v2, v33  }
0x288: {  	[tilespmem:v41+s22+$0x0] =	vst.idx.msk $0xffff, v51;
	v2 =	vld [tilespmem:s6+$0xF0]  }
0x289: {  	[tilespmem:v4+s22+$0x0] =	vst.idx.msk $0xffff, v0;
	v0 =	vld [tilespmem:s6+$0x130];
	v4 =	vadd.f32 v60, v33  }
0x28a: {  	v42 =	vld [tilespmem:$0x1FDF0];
	[tilespmem:v40+s22+$0x0] =	vst.idx.msk $0xffff, v45  }
0x28b: {  	v47 =	vld [tilespmem:$0x1FE00];
	[tilespmem:v43+s22+$0x0] =	vst.idx.msk $0xffff, v4  }
0x28c: {  	v50 =	vld [tilespmem:$0x1FE10]  }
0x28d: {  	v5 =	vmul.f32 $8.000000000e+00, v5;
	v7 =	vld [tilespmem:s6+$0x1B0]  }
0x28e: {  	v3 =	vmul.f32 $8.000000000e+00, v3  }
0x28f: {  	v5 =	vadd.f32 v5, v33;
	v2 =	vmul.f32 $8.000000000e+00, v2;
	v8 =	vadd.s32 v42, v38  }
0x290: {  	v3 =	vadd.f32 v3, v33;
	v0 =	vmul.f32 $8.000000000e+00, v0;
	v9 =	vadd.s32 v47, v38  }
0x291: {  	v6 =	vmul.f32 $8.000000000e+00, v6;
	[tilespmem:v44+s22+$0x0] =	vst.idx.msk $0xffff, v5;
	v2 =	vadd.f32 v2, v33;
	v61 =	vadd.s32 v50, v38  }
0x292: {  	v62 =	vmul.f32 $8.000000000e+00, v7;
	[tilespmem:v55+s22+$0x0] =	vst.idx.msk $0xffff, v3;
	v0 =	vadd.f32 v0, v33  }
0x293: {  	v3 =	vadd.f32 v6, v33;
	[tilespmem:v56+s22+$0x0] =	vst.idx.msk $0xffff, v2  }
0x294: {  	v2 =	vadd.f32 v62, v33;
	[tilespmem:v8+s22+$0x0] =	vst.idx.msk $0xffff, v0  }
0x295: {  	[tilespmem:v9+s22+$0x0] =	vst.idx.msk $0xffff, v3  }
0x296: {  	[tilespmem:v61+s22+$0x0] =	vst.idx.msk $0xffff, v2  }
0x297: {  	v35 =	vld [tilespmem:s0+$0x4C0]  }
0x298: {  	v36 =	vld [tilespmem:s0+$0x4D0]  }
0x299: {  	s16 =	simm.s32 $0x9600;
	v34 =	vld [tilespmem:s0+$0x4E0]  }
0x29a: {  	v2 =	vld [tilespmem:s16+$0x1C0]  }
0x29b: {  	s7 =	simm.s32 $0x0;
	v3 =	vld [tilespmem:s16+$0x0]  }
0x29c: {  	v0 =	vmov s7;
	v54 =	vld [tilespmem:$0x1FFD0]  }
0x29d: {  	v0 =	vshrl.u32 v0, $0x3;
	v51 =	vld [tilespmem:$0x1FE30]  }
0x29e: {  	v0 =	vshll.u32 v0, $0x3;
	v52 =	vld [tilespmem:$0x1FE70]  }
0x29f: {  	v38 =	vbroadcast v0, $0x0;
	v0 =	vld [tilespmem:s16+$0x40]  }
0x2a0: {  	v4 =	vld [tilespmem:s16+$0x80]  }
0x2a1: {  	v63 =	vld [tilespmem:s16+$0xC0];
	v44 =	vadd.s32 v54, v38  }
0x2a2: {  	v8 =	vld [tilespmem:s16+$0x100];
	v45 =	vadd.s32 v51, v38;
	v2 =	vmul.f32 $8.000000000e+00, v2  }
0x2a3: {  	v33 =	vld [tilespmem:s0+$0x4F0];
	v46 =	vadd.s32 v52, v38;
	v3 =	vmul.f32 $8.000000000e+00, v3  }
0x2a4: {  	v55 =	vld [tilespmem:$0x1FEB0];
	v0 =	vmul.f32 $8.000000000e+00, v0;
	v2 =	vadd.f32 v2, v35  }
0x2a5: {  	v56 =	vld [tilespmem:$0x1FEF0];
	v3 =	vadd.f32 v3, v35  }
0x2a6: {  	v58 =	vld [tilespmem:$0x1FF30];
	v0 =	vadd.f32 v0, v35;
	[tilespmem:v44+s23+$0x0] =	vst.idx.msk $0xffff, v2  }
0x2a7: {  	v11 =	vld [tilespmem:s16+$0x140];
	[tilespmem:v45+s23+$0x0] =	vst.idx.msk $0xffff, v3  }
0x2a8: {  	v59 =	vld [tilespmem:$0x1FF60];
	[tilespmem:v46+s23+$0x0] =	vst.idx.msk $0xffff, v0  }
0x2a9: {  	v10 =	vadd.s32 v55, v38;
	v60 =	vld [tilespmem:$0x1FFA0]  }
0x2aa: {  	v39 =	vld [tilespmem:s16+$0x180];
	v48 =	vadd.s32 v56, v38;
	v4 =	vmul.f32 $8.000000000e+00, v4  }
0x2ab: {  	v49 =	vadd.s32 v58, v38;
	v5 =	vmul.f32 $8.000000000e+00, v63  }
0x2ac: {  	v2 =	vadd.f32 v4, v35;
	v3 =	vmul.f32 $8.000000000e+00, v8;
	v53 =	vld [tilespmem:s16+$0x1D0]  }
0x2ad: {  	v7 =	vld [tilespmem:s16+$0x10];
	v0 =	vadd.f32 v5, v35;
	v57 =	vadd.s32 v59, v38  }
0x2ae: {  	v61 =	vmul.f32 $8.000000000e+00, v11;
	v9 =	vld [tilespmem:s16+$0x50];
	[tilespmem:v10+s23+$0x0] =	vst.idx.msk $0xffff, v2;
	v2 =	vadd.f32 v3, v35;
	v5 =	vadd.s32 v60, v38  }
0x2af: {  	v3 =	vmul.f32 $8.000000000e+00, v39;
	v10 =	vld [tilespmem:s16+$0x90];
	[tilespmem:v48+s23+$0x0] =	vst.idx.msk $0xffff, v0  }
0x2b0: {  	v0 =	vadd.f32 v61, v35;
	v62 =	vld [tilespmem:s16+$0xD0];
	[tilespmem:v49+s23+$0x0] =	vst.idx.msk $0xffff, v2;
	v2 =	vadd.s32 v31, v38  }
0x2b1: {  	v63 =	vadd.s32 v17, v38;
	v3 =	vadd.f32 v3, v35;
	v44 =	vld [tilespmem:s16+$0x110];
	v4 =	vmul.f32 $8.000000000e+00, v53  }
0x2b2: {  	v45 =	vadd.s32 v22, v38;
	[tilespmem:v57+s23+$0x0] =	vst.idx.msk $0xffff, v0;
	v0 =	vmul.f32 $8.000000000e+00, v7  }
0x2b3: {  	v46 =	vadd.s32 v26, v38;
	v4 =	vadd.f32 v4, v36;
	v48 =	vld [tilespmem:s16+$0x150];
	[tilespmem:v5+s23+$0x0] =	vst.idx.msk $0xffff, v3;
	v3 =	vmul.f32 $8.000000000e+00, v9  }
0x2b4: {  	v49 =	vadd.s32 v24, v38;
	v10 =	vmul.f32 $8.000000000e+00, v10;
	v57 =	vld [tilespmem:s16+$0x190];
	v0 =	vadd.f32 v0, v36  }
0x2b5: {  	v60 =	vadd.s32 v30, v38;
	v8 =	vmul.f32 $8.000000000e+00, v62;
	[tilespmem:v2+s23+$0x0] =	vst.idx.msk $0xffff, v4;
	v3 =	vadd.f32 v3, v36  }
0x2b6: {  	v2 =	vmul.f32 $8.000000000e+00, v44;
	v4 =	vld [tilespmem:s16+$0x1E0];
	[tilespmem:v63+s23+$0x0] =	vst.idx.msk $0xffff, v0;
	v0 =	vadd.f32 v10, v36  }
0x2b7: {  	v61 =	vadd.s32 v16, v38;
	[tilespmem:v45+s23+$0x0] =	vst.idx.msk $0xffff, v3;
	v3 =	vadd.f32 v8, v36  }
0x2b8: {  	v62 =	vadd.s32 v32, v38;
	v11 =	vld [tilespmem:s16+$0x20];
	v7 =	vmul.f32 $8.000000000e+00, v48;
	[tilespmem:v46+s23+$0x0] =	vst.idx.msk $0xffff, v0;
	v0 =	vadd.f32 v2, v36  }
0x2b9: {  	v63 =	vld [tilespmem:s16+$0x60];
	v9 =	vmul.f32 $8.000000000e+00, v57;
	[tilespmem:v49+s23+$0x0] =	vst.idx.msk $0xffff, v3  }
0x2ba: {  	v48 =	vld [tilespmem:s16+$0xA0];
	v3 =	vadd.f32 v7, v36;
	[tilespmem:v60+s23+$0x0] =	vst.idx.msk $0xffff, v0;
	v0 =	vadd.s32 v27, v38  }
0x2bb: {  	v4 =	vmul.f32 $8.000000000e+00, v4;
	v5 =	vld [tilespmem:s16+$0xE0];
	v9 =	vadd.f32 v9, v36  }
0x2bc: {  	v53 =	vadd.s32 v23, v38;
	v2 =	vadd.s32 v15, v38;
	v40 =	vld [tilespmem:s16+$0x120];
	[tilespmem:v61+s23+$0x0] =	vst.idx.msk $0xffff, v3  }
0x2bd: {  	v4 =	vadd.f32 v4, v34;
	v3 =	vmul.f32 $8.000000000e+00, v11;
	v57 =	vld [tilespmem:s16+$0x160];
	[tilespmem:v62+s23+$0x0] =	vst.idx.msk $0xffff, v9;
	v62 =	vadd.s32 v12, v38  }
0x2be: {  	v49 =	vadd.s32 v13, v38;
	v60 =	vmul.f32 $8.000000000e+00, v63;
	v41 =	vld [tilespmem:s16+$0x1A0];
	[tilespmem:$0x1FD00] =	vst v62  }
0x2bf: {  	v3 =	vadd.f32 v3, v34;
	v61 =	vmul.f32 $8.000000000e+00, v48;
	[tilespmem:v0+s23+$0x0] =	vst.idx.msk $0xffff, v4;
	v0 =	vadd.s32 v28, v38  }
0x2c0: {  	v8 =	vadd.f32 v60, v34;
	[tilespmem:$0x1FD10] =	vst v0  }
0x2c1: {  	v0 =	vadd.f32 v61, v34;
	[tilespmem:v2+s23+$0x0] =	vst.idx.msk $0xffff, v3  }
0x2c2: {  	[tilespmem:v53+s23+$0x0] =	vst.idx.msk $0xffff, v8  }
0x2c3: {  	[tilespmem:v49+s23+$0x0] =	vst.idx.msk $0xffff, v0  }
0x2c4: {  	v60 =	vld [tilespmem:$0x1FE20]  }
0x2c5: {  	s0 =	simm.s32 $0x9800;
	v37 =	vadd.s32 v18, v38;
	v3 =	vld [tilespmem:s16+$0x1F0]  }
0x2c6: {  	v42 =	vadd.s32 v42, v38;
	v39 =	vadd.s32 v20, v38;
	v2 =	vmul.f32 $8.000000000e+00, v40;
	v48 =	vld [tilespmem:s0+$0x0]  }
0x2c7: {  	s13 =	simm.s32 $0x8;
	v10 =	vadd.s32 v29, v38;
	v45 =	vadd.s32 v19, v38;
	v63 =	vld [tilespmem:s16+$0x30];
	v53 =	vmul.f32 $8.000000000e+00, v57  }
0x2c8: {  	v8 =	vld [tilespmem:s16+$0x70];
	v57 =	vmov s13;
	v0 =	vadd.f32 v2, v34;
	v2 =	vmul.f32 $8.000000000e+00, v41  }
0x2c9: {  	v41 =	vadd.s32 v47, v38;
	v7 =	vshrl.u32 v57, $0x3;
	v47 =	vld [tilespmem:s0+$0x1C0];
	v40 =	vadd.s32 v60, v38  }
0x2ca: {  	v46 =	vadd.s32 v25, v38;
	v5 =	vmul.f32 $8.000000000e+00, v5;
	v11 =	vld [tilespmem:s16+$0xB0];
	v7 =	vshll.u32 v7, $0x3;
	[tilespmem:$0x1FCF0] =	vst v40  }
0x2cb: {  	v9 =	vadd.s32 v21, v38;
	v40 =	vadd.s32 v50, v38;
	v38 =	vbroadcast v7, $0x0;
	v61 =	vld [tilespmem:s0+$0x40]  }
0x2cc: {  	v5 =	vadd.f32 v5, v34;
	v62 =	vld [tilespmem:s0+$0x80]  }
0x2cd: {  	v6 =	vadd.f32 v53, v34;
	v53 =	vld [tilespmem:s0+$0xC0];
	v54 =	vadd.s32 v54, v38  }
0x2ce: {  	v4 =	vmul.f32 $8.000000000e+00, v63;
	v47 =	vmul.f32 $8.000000000e+00, v47;
	v63 =	vld [tilespmem:s0+$0x100];
	[tilespmem:v45+s23+$0x0] =	vst.idx.msk $0xffff, v5;
	v51 =	vadd.s32 v51, v38  }
0x2cf: {  	v43 =	vmul.f32 $8.000000000e+00, v48;
	v48 =	vld [tilespmem:s0+$0x140];
	[tilespmem:v46+s23+$0x0] =	vst.idx.msk $0xffff, v0;
	v52 =	vadd.s32 v52, v38  }
0x2d0: {  	v47 =	vadd.f32 v47, v35;
	v55 =	vadd.s32 v55, v38;
	v46 =	vld [tilespmem:$0x1FFA0];
	v0 =	vmul.f32 $8.000000000e+00, v61  }
0x2d1: {  	v60 =	vld [tilespmem:s0+$0x180];
	v5 =	vadd.f32 v43, v35;
	v56 =	vadd.s32 v56, v38;
	[tilespmem:v10+s23+$0x0] =	vst.idx.msk $0xffff, v6;
	v61 =	vmul.f32 $8.000000000e+00, v62  }
0x2d2: {  	v45 =	vadd.s32 v58, v38;
	v53 =	vmul.f32 $8.000000000e+00, v53;
	[tilespmem:v54+s23+$0x0] =	vst.idx.msk $0xffff, v47;
	v0 =	vadd.f32 v0, v35  }
0x2d3: {  	v58 =	vadd.s32 v59, v38;
	v63 =	vmul.f32 $8.000000000e+00, v63;
	[tilespmem:v51+s23+$0x0] =	vst.idx.msk $0xffff, v5;
	v62 =	vadd.f32 v61, v35  }
0x2d4: {  	v48 =	vmul.f32 $8.000000000e+00, v48;
	v43 =	vld [tilespmem:s0+$0x1D0];
	[tilespmem:v52+s23+$0x0] =	vst.idx.msk $0xffff, v0;
	v0 =	vadd.f32 v53, v35  }
0x2d5: {  	v46 =	vadd.s32 v46, v38;
	v49 =	vadd.f32 v63, v35;
	v52 =	vld [tilespmem:$0x1FF00];
	[tilespmem:v55+s23+$0x0] =	vst.idx.msk $0xffff, v62  }
0x2d6: {  	v7 =	vmul.f32 $8.000000000e+00, v60;
	v62 =	vld [tilespmem:$0x1FF40];
	[tilespmem:v56+s23+$0x0] =	vst.idx.msk $0xffff, v0;
	v0 =	vadd.f32 v48, v35  }
0x2d7: {  	v53 =	vld [tilespmem:s0+$0x50];
	[tilespmem:v45+s23+$0x0] =	vst.idx.msk $0xffff, v49  }
0x2d8: {  	v5 =	vadd.f32 v7, v35;
	v63 =	vld [tilespmem:$0x1FFE0];
	[tilespmem:v58+s23+$0x0] =	vst.idx.msk $0xffff, v0  }
0x2d9: {  	v2 =	vadd.f32 v2, v34;
	v0 =	vld [tilespmem:$0x1FFB0]  }
0x2da: {  	v43 =	vmul.f32 $8.000000000e+00, v43;
	v49 =	vld [tilespmem:$0x1FE90];
	[tilespmem:v46+s23+$0x0] =	vst.idx.msk $0xffff, v5  }
0x2db: {  	v50 =	vld [tilespmem:s16+$0xF0];
	[tilespmem:v9+s23+$0x0] =	vst.idx.msk $0xffff, v2  }
0x2dc: {  	v2 =	vmul.f32 $8.000000000e+00, v53;
	v53 =	vadd.f32 v43, v36;
	v43 =	vld [tilespmem:$0x1FCF0]  }
0x2dd: {  	v57 =	vld [tilespmem:s0+$0x10]  }
0x2de: {  	v60 =	vld [tilespmem:s0+$0x90]  }
0x2df: {  	v61 =	vld [tilespmem:s0+$0xD0]  }
0x2e0: {  	v3 =	vmul.f32 $8.000000000e+00, v3;
	v7 =	vadd.s32 v63, v38  }
0x2e1: {  	v6 =	vadd.s32 v17, v38;
	v45 =	vmul.f32 $8.000000000e+00, v50;
	v50 =	vld [tilespmem:s0+$0x110]  }
0x2e2: {  	v3 =	vadd.f32 v3, v33;
	v59 =	vadd.s32 v22, v38;
	v5 =	vld [tilespmem:s0+$0x150];
	v63 =	vmul.f32 $8.000000000e+00, v57  }
0x2e3: {  	v10 =	vadd.s32 v26, v38;
	v52 =	vadd.s32 v52, v38;
	v9 =	vld [tilespmem:s0+$0x190]  }
0x2e4: {  	v51 =	vmul.f32 $8.000000000e+00, v60;
	v60 =	vmul.f32 $8.000000000e+00, v61;
	[tilespmem:v43+s23+$0x0] =	vst.idx.msk $0xffff, v3;
	v3 =	vadd.f32 v63, v36  }
0x2e5: {  	v55 =	vadd.s32 v62, v38;
	v2 =	vadd.f32 v2, v36;
	v43 =	vld [tilespmem:$0x1FF50];
	[tilespmem:v7+s23+$0x0] =	vst.idx.msk $0xffff, v53  }
0x2e6: {  	v56 =	vadd.s32 v16, v38;
	v61 =	vadd.f32 v60, v36;
	v7 =	vld [tilespmem:$0x1FF80];
	[tilespmem:v6+s23+$0x0] =	vst.idx.msk $0xffff, v3;
	v6 =	vmul.f32 $8.000000000e+00, v50  }
0x2e7: {  	v0 =	vadd.s32 v0, v38;
	v5 =	vmul.f32 $8.000000000e+00, v5;
	v3 =	vadd.f32 v51, v36;
	v53 =	vld [tilespmem:$0x1FFC0];
	[tilespmem:v59+s23+$0x0] =	vst.idx.msk $0xffff, v2  }
0x2e8: {  	v9 =	vmul.f32 $8.000000000e+00, v9;
	[tilespmem:v52+s23+$0x0] =	vst.idx.msk $0xffff, v61;
	v6 =	vadd.f32 v6, v36  }
0x2e9: {  	v5 =	vadd.f32 v5, v36;
	[tilespmem:v10+s23+$0x0] =	vst.idx.msk $0xffff, v3  }
0x2ea: {  	v9 =	vadd.f32 v9, v36;
	[tilespmem:v55+s23+$0x0] =	vst.idx.msk $0xffff, v6  }
0x2eb: {  	v55 =	vld [tilespmem:$0x1FFF0];
	[tilespmem:v56+s23+$0x0] =	vst.idx.msk $0xffff, v5  }
0x2ec: {  	[tilespmem:v0+s23+$0x0] =	vst.idx.msk $0xffff, v9  }
0x2ed: {  	v9 =	vld [tilespmem:$0x1FD00];
	_ =	sdelay $0x5  }
0x2ee: {  	v4 =	vadd.f32 v4, v33  }
0x2ef: {  	v54 =	vld [tilespmem:s16+$0x130]  }
0x2f0: {  	v51 =	vld [tilespmem:s0+$0x1E0];
	[tilespmem:v9+s23+$0x0] =	vst.idx.msk $0xffff, v4  }
0x2f1: {  	v9 =	vld [tilespmem:$0x1FD10]  }
0x2f2: {  	v2 =	vld [tilespmem:s0+$0x20]  }
0x2f3: {  	v57 =	vadd.s32 v49, v38;
	v49 =	vadd.s32 v7, v38;
	v7 =	vld [tilespmem:s16+$0x1B0];
	_ =	sdelay $0x1  }
0x2f4: {  	v8 =	vmul.f32 $8.000000000e+00, v8;
	v60 =	vadd.s32 v55, v38  }
0x2f5: {  	v62 =	vadd.s32 v15, v38;
	v63 =	vmul.f32 $8.000000000e+00, v54;
	v61 =	vmul.f32 $8.000000000e+00, v51  }
0x2f6: {  	v8 =	vadd.f32 v8, v33;
	v3 =	vld [tilespmem:s0+$0x60];
	v50 =	vadd.s32 v53, v38;
	v0 =	vmul.f32 $8.000000000e+00, v2  }
0x2f7: {  	v53 =	vadd.f32 v63, v33;
	v63 =	vadd.f32 v61, v34;
	v7 =	vmul.f32 $8.000000000e+00, v7  }
0x2f8: {  	v58 =	vld [tilespmem:s16+$0x170];
	v0 =	vadd.f32 v0, v34;
	[tilespmem:v9+s23+$0x0] =	vst.idx.msk $0xffff, v8  }
0x2f9: {  	v52 =	vadd.f32 v45, v33;
	v45 =	vadd.f32 v7, v33;
	v7 =	vld [tilespmem:$0x1FE60];
	[tilespmem:v60+s23+$0x0] =	vst.idx.msk $0xffff, v63  }
0x2fa: {  	v4 =	vld [tilespmem:$0x1FEA0];
	[tilespmem:v62+s23+$0x0] =	vst.idx.msk $0xffff, v0  }
0x2fb: {  	v3 =	vmul.f32 $8.000000000e+00, v3;
	v0 =	vld [tilespmem:$0x1FEE0]  }
0x2fc: {  	v10 =	vld [tilespmem:s0+$0xA0]  }
0x2fd: {  	v6 =	vld [tilespmem:s0+$0xE0];
	v3 =	vadd.f32 v3, v34  }
0x2fe: {  	v5 =	vld [tilespmem:s0+$0x120]  }
0x2ff: {  	v2 =	vld [tilespmem:s0+$0x160];
	[tilespmem:v57+s23+$0x0] =	vst.idx.msk $0xffff, v3  }
0x300: {  	v11 =	vmul.f32 $8.000000000e+00, v11;
	v55 =	vadd.s32 v0, v38;
	v0 =	vld [tilespmem:$0x1FF20]  }
0x301: {  	v47 =	vadd.s32 v13, v38;
	v46 =	vadd.s32 v19, v38;
	v58 =	vmul.f32 $8.000000000e+00, v58  }
0x302: {  	v54 =	vadd.f32 v11, v33;
	v10 =	vmul.f32 $8.000000000e+00, v10;
	v11 =	vmul.f32 $8.000000000e+00, v6  }
0x303: {  	v48 =	vadd.s32 v43, v38;
	v51 =	vadd.f32 v58, v33;
	v58 =	vld [tilespmem:s0+$0x1A0];
	v61 =	vmul.f32 $8.000000000e+00, v5  }
0x304: {  	v60 =	vadd.f32 v10, v34;
	v63 =	vmul.f32 $8.000000000e+00, v2;
	v59 =	vld [tilespmem:s0+$0x1F0];
	v62 =	vadd.f32 v11, v34  }
0x305: {  	s6 =	simm.s32 $0x9800;
	v57 =	vld [tilespmem:s0+$0x30];
	v43 =	vadd.s32 v7, v38;
	v44 =	vadd.s32 v4, v38;
	v56 =	vadd.s32 v0, v38  }
.LBB2_14:
0x306: {  	v0 =	vld [tilespmem:s0+$0x70]  }
0x307: {  	v3 =	vld [tilespmem:$0x1FDF0]  }
0x308: {  	v8 =	vld [tilespmem:$0x1FE00];
	s0 =	sadd.s32 $0x200, s0  }
0x309: {  	v10 =	vld [tilespmem:s0+$0x1C0]  }
0x30a: {  	v11 =	vld [tilespmem:s0+$0x0]  }
0x30b: {  	[tilespmem:v47+s23+$0x0] =	vst.idx.msk $0xffff, v60;
	v2 =	vadd.f32 v61, v34;
	v60 =	vld [tilespmem:$0x1FEF0]  }
0x30c: {  	[tilespmem:v46+s23+$0x0] =	vst.idx.msk $0xffff, v62;
	v62 =	vld [tilespmem:$0x1FF30]  }
0x30d: {  	s13 =	sadd.s32 $0x8, s13;
	[tilespmem:v48+s23+$0x0] =	vst.idx.msk $0xffff, v2;
	v48 =	vld [tilespmem:$0x1FE10]  }
0x30e: {  	v5 =	vmov s13;
	v7 =	vadd.f32 v63, v34;
	v6 =	vld [tilespmem:s6+$0xB0]  }
0x30f: {  	v9 =	vmovc v39;
	v39 =	vmovc v56;
	v5 =	vshrl.u32 v5, $0x3;
	v4 =	vmul.f32 $8.000000000e+00, v58;
	v56 =	vmul.f32 $8.000000000e+00, v57;
	v57 =	vld [tilespmem:$0x1FE70]  }
0x310: {  	v63 =	vadd.s32 v14, v38;
	v5 =	vshll.u32 v5, $0x3;
	v58 =	vld [tilespmem:$0x1FFD0]  }
0x311: {  	[tilespmem:v49+s23+$0x0] =	vst.idx.msk $0xffff, v7;
	v49 =	vmul.f32 $8.000000000e+00, v59;
	v59 =	vld [tilespmem:$0x1FEB0];
	v3 =	vadd.s32 v3, v38;
	v2 =	vadd.f32 v4, v34  }
0x312: {  	v8 =	vadd.s32 v8, v38;
	v7 =	vadd.s32 v48, v38;
	v38 =	vbroadcast v5, $0x0;
	v5 =	vld [tilespmem:s0+$0x40]  }
0x313: {  	[tilespmem:v50+s23+$0x0] =	vst.idx.msk $0xffff, v2;
	v2 =	vld [tilespmem:s0+$0x80]  }
0x314: {  	v46 =	vadd.f32 v49, v33;
	[tilespmem:v37+s23+$0x0] =	vst.idx.msk $0xffff, v54;
	v37 =	vmov v55;
	v55 =	vld [tilespmem:$0x1FE30]  }
0x315: {  	v49 =	vld [tilespmem:s0+$0xC0]  }
0x316: {  	v0 =	vmul.f32 $8.000000000e+00, v0;
	v10 =	vmul.f32 $8.000000000e+00, v10;
	[tilespmem:v63+s23+$0x0] =	vst.idx.msk $0xffff, v46;
	v46 =	vld [tilespmem:s0+$0x140]  }
0x317: {  	v61 =	vmul.f32 $8.000000000e+00, v11;
	v63 =	vld [tilespmem:$0x1FF60];
	v50 =	vadd.s32 v58, v38  }
0x318: {  	v0 =	vadd.f32 v0, v33;
	v10 =	vadd.f32 v10, v35;
	v48 =	vadd.s32 v57, v38;
	v57 =	vld [tilespmem:s0+$0x100]  }
0x319: {  	[tilespmem:v9+s23+$0x0] =	vst.idx.msk $0xffff, v52;
	v54 =	vadd.s32 v59, v38;
	v59 =	vld [tilespmem:$0x1FFA0];
	v47 =	vadd.s32 v55, v38;
	v5 =	vmul.f32 $8.000000000e+00, v5  }
0x31a: {  	v4 =	vadd.f32 v61, v35;
	[tilespmem:v41+s23+$0x0] =	vst.idx.msk $0xffff, v51;
	v9 =	vld [tilespmem:s0+$0x180];
	v11 =	vadd.s32 v62, v38  }
0x31b: {  	[tilespmem:v42+s23+$0x0] =	vst.idx.msk $0xffff, v53;
	v53 =	vadd.s32 v17, v38;
	v2 =	vmul.f32 $8.000000000e+00, v2;
	v5 =	vadd.f32 v5, v35  }
0x31c: {  	v42 =	vld [tilespmem:s6+$0xF0];
	v51 =	vadd.s32 v22, v38;
	v55 =	vadd.s32 v60, v38;
	v60 =	vmul.f32 $8.000000000e+00, v49;
	[tilespmem:v50+s23+$0x0] =	vst.idx.msk $0xffff, v10  }
0x31d: {  	v58 =	vadd.s32 v63, v38;
	v2 =	vadd.f32 v2, v35;
	v61 =	vmul.f32 $8.000000000e+00, v57;
	v49 =	vld [tilespmem:s0+$0x1D0];
	[tilespmem:v48+s23+$0x0] =	vst.idx.msk $0xffff, v5  }
0x31e: {  	v63 =	vmul.f32 $8.000000000e+00, v46;
	v52 =	vadd.s32 v59, v38;
	v62 =	vadd.f32 v60, v35;
	[tilespmem:v47+s23+$0x0] =	vst.idx.msk $0xffff, v4;
	v46 =	vld [tilespmem:s0+$0x50]  }
0x31f: {  	v9 =	vmul.f32 $8.000000000e+00, v9;
	v57 =	vadd.s32 v24, v38;
	[tilespmem:v54+s23+$0x0] =	vst.idx.msk $0xffff, v2;
	v2 =	vadd.f32 v61, v35;
	v50 =	vld [tilespmem:s0+$0x10]  }
0x320: {  	v10 =	vld [tilespmem:s6+$0x130];
	v41 =	vadd.f32 v63, v35;
	v60 =	vadd.s32 v15, v38;
	v54 =	vadd.s32 v30, v38  }
0x321: {  	v5 =	vadd.s32 v32, v38;
	v4 =	vadd.s32 v26, v38;
	v48 =	vld [tilespmem:s0+$0x90];
	[tilespmem:v11+s23+$0x0] =	vst.idx.msk $0xffff, v2  }
0x322: {  	[tilespmem:v55+s23+$0x0] =	vst.idx.msk $0xffff, v62;
	v2 =	vadd.f32 v9, v35;
	v9 =	vadd.s32 v31, v38;
	v61 =	vld [tilespmem:s0+$0x110]  }
0x323: {  	v55 =	vadd.s32 v16, v38;
	[tilespmem:v58+s23+$0x0] =	vst.idx.msk $0xffff, v41;
	v59 =	vld [tilespmem:s0+$0xD0];
	v11 =	vmul.f32 $8.000000000e+00, v42;
	v41 =	vmul.f32 $8.000000000e+00, v49  }
0x324: {  	v62 =	vadd.s32 v23, v38;
	[tilespmem:v52+s23+$0x0] =	vst.idx.msk $0xffff, v2;
	v2 =	vmul.f32 $8.000000000e+00, v46;
	v42 =	vmul.f32 $8.000000000e+00, v50  }
0x325: {  	v47 =	vadd.s32 v13, v38;
	v58 =	vld [tilespmem:s0+$0x150];
	v49 =	vadd.s32 v29, v38;
	v50 =	vadd.f32 v41, v36  }
0x326: {  	v52 =	vld [tilespmem:s0+$0x190];
	[tilespmem:v40+s23+$0x0] =	vst.idx.msk $0xffff, v45;
	v46 =	vadd.s32 v19, v38;
	v45 =	vmul.f32 $8.000000000e+00, v48;
	v2 =	vadd.f32 v2, v36  }
0x327: {  	v63 =	vld [tilespmem:s6+$0x170];
	v48 =	vadd.s32 v25, v38;
	v61 =	vmul.f32 $8.000000000e+00, v61;
	v40 =	vadd.f32 v42, v36;
	[tilespmem:v9+s23+$0x0] =	vst.idx.msk $0xffff, v50  }
0x328: {  	v41 =	vmovc v8;
	v8 =	vld [tilespmem:s6+$0x1B0];
	v9 =	vadd.f32 v45, v36;
	[tilespmem:v51+s23+$0x0] =	vst.idx.msk $0xffff, v2;
	v42 =	vmov v3;
	v3 =	vmul.f32 $8.000000000e+00, v59  }
0x329: {  	v6 =	vmul.f32 $8.000000000e+00, v6;
	v50 =	vadd.s32 v21, v38;
	v51 =	vadd.f32 v61, v36;
	[tilespmem:v53+s23+$0x0] =	vst.idx.msk $0xffff, v40;
	v53 =	vld [tilespmem:s0+$0x1E0]  }
0x32a: {  	v45 =	vadd.f32 v56, v33;
	[tilespmem:v4+s23+$0x0] =	vst.idx.msk $0xffff, v9;
	v59 =	vld [tilespmem:s0+$0x20];
	v2 =	vadd.f32 v3, v36;
	v3 =	vmul.f32 $8.000000000e+00, v58  }
0x32b: {  	v52 =	vmul.f32 $8.000000000e+00, v52;
	v9 =	vadd.s32 v27, v38;
	[tilespmem:v54+s23+$0x0] =	vst.idx.msk $0xffff, v51;
	v40 =	vmov v7;
	v7 =	vld [tilespmem:s0+$0x60]  }
0x32c: {  	v10 =	vmul.f32 $8.000000000e+00, v10;
	v56 =	vld [tilespmem:s0+$0xA0];
	v54 =	vadd.f32 v6, v33;
	[tilespmem:v57+s23+$0x0] =	vst.idx.msk $0xffff, v2;
	v2 =	vadd.f32 v3, v36  }
0x32d: {  	[tilespmem:v43+s23+$0x0] =	vst.idx.msk $0xffff, v45;
	v43 =	vadd.s32 v12, v38;
	v58 =	vadd.f32 v52, v36;
	v8 =	vmul.f32 $8.000000000e+00, v8;
	v57 =	vld [tilespmem:s0+$0xE0]  }
0x32e: {  	v61 =	vld [tilespmem:s0+$0x120];
	v52 =	vadd.f32 v11, v33;
	v3 =	vmul.f32 $8.000000000e+00, v63;
	[tilespmem:v55+s23+$0x0] =	vst.idx.msk $0xffff, v2;
	v2 =	vmul.f32 $8.000000000e+00, v53  }
0x32f: {  	p1 =	slt.u32 s13, $0x78;
	[tilespmem:v44+s23+$0x0] =	vst.idx.msk $0xffff, v0;
	v44 =	vadd.s32 v28, v38;
	v45 =	vadd.f32 v8, v33;
	v63 =	vmul.f32 $8.000000000e+00, v59;
	v11 =	vld [tilespmem:s0+$0x160]  }
.Ltmp6:
0x330: {  	v51 =	vadd.f32 v3, v33;
	v3 =	vmul.f32 $8.000000000e+00, v7;
	v2 =	vadd.f32 v2, v34;
	(pc) =	sbr.rel @p1 .LBB2_14-.Ltmp6, $4  }
0x331: {  	[tilespmem:v5+s23+$0x0] =	vst.idx.msk $0xffff, v58;
	v53 =	vadd.f32 v10, v33;
	v59 =	vadd.f32 v63, v34  }
0x332: {  	v58 =	vld [tilespmem:s0+$0x1A0];
	v63 =	vmul.f32 $8.000000000e+00, v56;
	v0 =	vadd.f32 v3, v34;
	v3 =	vmul.f32 $8.000000000e+00, v57;
	[tilespmem:v9+s23+$0x0] =	vst.idx.msk $0xffff, v2  }
0x333: {  	v55 =	vadd.s32 v18, v38;
	v61 =	vmul.f32 $8.000000000e+00, v61;
	v56 =	vadd.s32 v20, v38;
	[tilespmem:v60+s23+$0x0] =	vst.idx.msk $0xffff, v59;
	v59 =	vld [tilespmem:s0+$0x1F0]  }
0x334: {  	s6 =	smov.u32 s0;
	v60 =	vadd.f32 v63, v34;
	v57 =	vld [tilespmem:s0+$0x30];
	[tilespmem:v62+s23+$0x0] =	vst.idx.msk $0xffff, v0;
	v62 =	vadd.f32 v3, v34;
	v63 =	vmul.f32 $8.000000000e+00, v11  }
0x335: {  	_ =	sdelay $0x3  }
0x336: {  	[tilespmem:v37+s23+$0x0] =	vst.idx.msk $0xffff, v54  }
0x337: {  	[tilespmem:v39+s23+$0x0] =	vst.idx.msk $0xffff, v52  }
0x338: {  	[tilespmem:v42+s23+$0x0] =	vst.idx.msk $0xffff, v53  }
0x339: {  	v0 =	vadd.f32 v61, v34;
	[tilespmem:v47+s23+$0x0] =	vst.idx.msk $0xffff, v60;
	v2 =	vmul.f32 $8.000000000e+00, v58  }
0x33a: {  	v4 =	vadd.s32 v14, v38;
	[tilespmem:v46+s23+$0x0] =	vst.idx.msk $0xffff, v62;
	v3 =	vadd.f32 v63, v34  }
0x33b: {  	v5 =	vld [tilespmem:s0+$0x70];
	[tilespmem:v48+s23+$0x0] =	vst.idx.msk $0xffff, v0;
	v0 =	vadd.f32 v2, v34;
	v2 =	vmul.f32 $8.000000000e+00, v59  }
0x33c: {  	[tilespmem:v49+s23+$0x0] =	vst.idx.msk $0xffff, v3;
	v3 =	vld [tilespmem:s6+$0xB0]  }
0x33d: {  	v61 =	vmul.f32 $8.000000000e+00, v57;
	v6 =	vld [tilespmem:s6+$0x170];
	[tilespmem:v50+s23+$0x0] =	vst.idx.msk $0xffff, v0;
	v0 =	vadd.f32 v2, v33  }
0x33e: {  	[tilespmem:v41+s23+$0x0] =	vst.idx.msk $0xffff, v51;
	v2 =	vld [tilespmem:s6+$0xF0]  }
0x33f: {  	[tilespmem:v4+s23+$0x0] =	vst.idx.msk $0xffff, v0;
	v0 =	vld [tilespmem:s6+$0x130];
	v4 =	vadd.f32 v61, v33  }
0x340: {  	v31 =	vld [tilespmem:$0x1FDF0];
	[tilespmem:v40+s23+$0x0] =	vst.idx.msk $0xffff, v45  }
0x341: {  	v13 =	vmov v14;
	v14 =	vld [tilespmem:$0x1FE00];
	[tilespmem:v43+s23+$0x0] =	vst.idx.msk $0xffff, v4  }
0x342: {  	v26 =	vld [tilespmem:$0x1FE10]  }
0x343: {  	v5 =	vmul.f32 $8.000000000e+00, v5;
	v7 =	vld [tilespmem:s6+$0x1B0]  }
0x344: {  	v3 =	vmul.f32 $8.000000000e+00, v3  }
0x345: {  	v5 =	vadd.f32 v5, v33;
	v2 =	vmul.f32 $8.000000000e+00, v2;
	v8 =	vadd.s32 v31, v38  }
0x346: {  	v3 =	vadd.f32 v3, v33;
	v0 =	vmul.f32 $8.000000000e+00, v0;
	v9 =	vadd.s32 v14, v38  }
0x347: {  	v6 =	vmul.f32 $8.000000000e+00, v6;
	[tilespmem:v44+s23+$0x0] =	vst.idx.msk $0xffff, v5;
	v2 =	vadd.f32 v2, v33;
	v62 =	vadd.s32 v26, v38  }
0x348: {  	v63 =	vmul.f32 $8.000000000e+00, v7;
	[tilespmem:v55+s23+$0x0] =	vst.idx.msk $0xffff, v3;
	v0 =	vadd.f32 v0, v33  }
0x349: {  	s13 =	sshll.u32 s1, $0x12;
	v3 =	vadd.f32 v6, v33;
	[tilespmem:v56+s23+$0x0] =	vst.idx.msk $0xffff, v2  }
0x34a: {  	s0 =	sor.u32 s10, s13;
	v2 =	vadd.f32 v63, v33;
	[tilespmem:v8+s23+$0x0] =	vst.idx.msk $0xffff, v0  }
0x34b: {  	s0 =	sshrl.u32 s0, $0x3;
	[tilespmem:v9+s23+$0x0] =	vst.idx.msk $0xffff, v3  }
0x34c: {  	s16 =	simm.s32 $0x17A00;
	s1 =	sadd.s32 s2, s0;
	[tilespmem:v62+s23+$0x0] =	vst.idx.msk $0xffff, v2  }
0x34d: {  	[hbm4b:s1+s3] =	stream.linear.scatter [tilespmem:s16], [sflag:$0x4], $0x80, $0x38;
	[tilespmem:$0x1BE00] =	vst v63  }
0x34e: {  	s7 =	sadd.s32 $0x10, s1;
	s6 =	simm.s32 $0x17A88  }
0x34f: {  	[hbm4b:s7+s3] =	stream.linear.scatter [tilespmem:s6], [sflag:$0x4], $0x80, $0x38;
	[tilespmem:$0x1BE00] =	vst v63  }
0x350: {  	s8 =	simm.s32 $0x17B10;
	s13 =	simm.s32 $0x17B98;
	s12 =	sadd.s32 $0x20, s1  }
0x351: {  	[hbm4b:s12+s3] =	stream.linear.scatter [tilespmem:s8], [sflag:$0x4], $0x80, $0x38;
	[tilespmem:$0x1BE00] =	vst v63  }
0x352: {  	s0 =	simm.s32 $0x440;
	s16 =	sadd.s32 $0x30, s1;
	s6 =	simm.s32 $0x17C20  }
0x353: {  	[hbm4b:s16+s3] =	stream.linear.scatter [tilespmem:s13], [sflag:$0x4], $0x80, $0x38;
	[tilespmem:$0x1BE00] =	vst v63  }
0x354: {  	s7 =	sadd.s32 $0x40, s1;
	s8 =	simm.s32 $0x17CA8;
	s12 =	sadd.s32 $0x50, s1  }
0x355: {  	[hbm4b:s7+s3] =	stream.linear.scatter [tilespmem:s6], [sflag:$0x4], $0x80, $0x38;
	[tilespmem:$0x1BE00] =	vst v63  }
0x356: {  	s13 =	simm.s32 $0x17D30;
	s16 =	sadd.s32 $0x60, s1;
	s6 =	simm.s32 $0x2200  }
0x357: {  	[hbm4b:s12+s3] =	stream.linear.scatter [tilespmem:s8], [sflag:$0x4], $0x80, $0x38;
	[tilespmem:$0x1BE00] =	vst v63  }
0x358: {  	s8 =	simm.s32 $0x17DB8;
	s12 =	sadd.s32 $0x70, s1;
	s1 =	sadd.s32 $0x1000, s1  }
0x359: {  	[hbm4b:s16+s3] =	stream.linear.scatter [tilespmem:s13], [sflag:$0x4], $0x80, $0x38;
	[tilespmem:$0x1BE00] =	vst v63  }
.LBB2_16:
0x35a: {  	[hbm4b:s12+s3] =	stream.linear.scatter [tilespmem:s8], [sflag:$0x4], $0x80, $0x38;
	[tilespmem:$0x1BE00] =	vst v63  }
0x35b: {  	s7 =	smov.u32 s0;
	s0 =	smov.u32 s6  }
0x35c: {  	s13 =	sadd.s32 $0x1100, s6;
	s0 =	sshra.s32 s0, $0x2;
	s8 =	sadd.s32 $0x17A00, s7  }
0x35d: {  	[hbm4b:s1+s3] =	stream.linear.scatter [tilespmem:s8], [sflag:$0x4], $0x80, $0x38;
	[tilespmem:$0x1BE00] =	vst v63  }
0x35e: {  	p1 =	sne.s32 s6, $0xFF00;
	s6 =	sadd.s32 $0x17A88, s7;
	s8 =	sadd.s32 $0x10, s1  }
0x35f: {  	[hbm4b:s8+s3] =	stream.linear.scatter [tilespmem:s6], [sflag:$0x4], $0x80, $0x38;
	[tilespmem:$0x1BE00] =	vst v63  }
0x360: {  	s6 =	sadd.s32 $0x17B10, s7;
	s8 =	sadd.s32 $0x20, s1  }
0x361: {  	[hbm4b:s8+s3] =	stream.linear.scatter [tilespmem:s6], [sflag:$0x4], $0x80, $0x38;
	[tilespmem:$0x1BE00] =	vst v63  }
0x362: {  	s6 =	sadd.s32 $0x17B98, s7;
	s8 =	sadd.s32 $0x30, s1  }
0x363: {  	[hbm4b:s8+s3] =	stream.linear.scatter [tilespmem:s6], [sflag:$0x4], $0x80, $0x38;
	[tilespmem:$0x1BE00] =	vst v63  }
0x364: {  	s6 =	sadd.s32 $0x17C20, s7;
	s8 =	sadd.s32 $0x40, s1  }
0x365: {  	[hbm4b:s8+s3] =	stream.linear.scatter [tilespmem:s6], [sflag:$0x4], $0x80, $0x38;
	[tilespmem:$0x1BE00] =	vst v63  }
.Ltmp7:
0x366: {  	s6 =	sadd.s32 $0x17CA8, s7;
	s8 =	sadd.s32 $0x50, s1;
	(pc) =	sbr.rel @p1 .LBB2_16-.Ltmp7, $4  }
0x367: {  	[hbm4b:s8+s3] =	stream.linear.scatter [tilespmem:s6], [sflag:$0x4], $0x80, $0x38;
	[tilespmem:$0x1BE00] =	vst v63  }
0x368: {  	s12 =	sadd.s32 $0x70, s1;
	s6 =	sadd.s32 $0x17D30, s7;
	s8 =	sadd.s32 $0x60, s1  }
0x369: {  	[hbm4b:s8+s3] =	stream.linear.scatter [tilespmem:s6], [sflag:$0x4], $0x80, $0x38;
	[tilespmem:$0x1BE00] =	vst v63  }
0x36a: {  	s1 =	sadd.s32 $0x1000, s1;
	s8 =	sadd.s32 $0x17DB8, s7;
	s6 =	smov.u32 s13  }
0x36b: {  	[hbm4b:s12+s3] =	stream.linear.scatter [tilespmem:s8], [sflag:$0x4], $0x80, $0x38;
	[tilespmem:$0x1BE00] =	vst v63  }
0x36c: {  	s6 =	sadd.s32 $0x17A00, s0  }
0x36d: {  	[hbm4b:s1+s3] =	stream.linear.scatter [tilespmem:s6], [sflag:$0x4], $0x80, $0x38;
	[tilespmem:$0x1BE00] =	vst v63  }
0x36e: {  	s12 =	sadd.s32 $0x17A88, s0;
	s7 =	sadd.s32 $0x10, s1  }
0x36f: {  	[hbm4b:s7+s3] =	stream.linear.scatter [tilespmem:s12], [sflag:$0x4], $0x80, $0x38;
	[tilespmem:$0x1BE00] =	vst v63  }
0x370: {  	s13 =	sadd.s32 $0x17B10, s0;
	s16 =	sadd.s32 $0x20, s1  }
0x371: {  	[hbm4b:s16+s3] =	stream.linear.scatter [tilespmem:s13], [sflag:$0x4], $0x80, $0x38;
	[tilespmem:$0x1BE00] =	vst v63  }
0x372: {  	s8 =	sadd.s32 $0x17B98, s0;
	s12 =	sadd.s32 $0x30, s1  }
0x373: {  	[hbm4b:s12+s3] =	stream.linear.scatter [tilespmem:s8], [sflag:$0x4], $0x80, $0x38;
	[tilespmem:$0x1BE00] =	vst v63  }
0x374: {  	s13 =	sadd.s32 $0x17C20, s0;
	s16 =	sadd.s32 $0x40, s1  }
0x375: {  	[hbm4b:s16+s3] =	stream.linear.scatter [tilespmem:s13], [sflag:$0x4], $0x80, $0x38;
	[tilespmem:$0x1BE00] =	vst v63  }
0x376: {  	s8 =	sadd.s32 $0x17CA8, s0;
	s12 =	sadd.s32 $0x50, s1  }
0x377: {  	[hbm4b:s12+s3] =	stream.linear.scatter [tilespmem:s8], [sflag:$0x4], $0x80, $0x38;
	[tilespmem:$0x1BE00] =	vst v63  }
0x378: {  	s13 =	sadd.s32 $0x17D30, s0;
	s16 =	sadd.s32 $0x60, s1  }
0x379: {  	[hbm4b:s16+s3] =	stream.linear.scatter [tilespmem:s13], [sflag:$0x4], $0x80, $0x38;
	[tilespmem:$0x1BE00] =	vst v63  }
0x37a: {  	s7 =	sadd.s32 $0x17DB8, s0;
	s8 =	sadd.s32 $0x70, s1  }
0x37b: {  	[hbm4b:s8+s3] =	stream.linear.scatter [tilespmem:s7], [sflag:$0x4], $0x80, $0x38;
	[tilespmem:$0x1BE00] =	vst v63  }
0x37c: {  	_ =	swait.ge [sflag:s24], $0x8000  }
0x37d: {  	[sflag:s24] =	ssyncset.done $0x0  }
0x37e: {  	s0 =	simm.s32 @!p0 $0x5;
	[sflag:s24] =	ssyncadd.s32 $0xFFFF8000  }
0x37f: {  	_ =	swait.ge @!p0 [sflag:s0], $0x200  }
0x380: {  	s6 =	simm.s32 @!p0 $0x3600;
	[sflag:s0] =	ssyncset.done @!p0 $0x0  }
0x381: {  	s1 =	simm.s32 @!p0 $0x0;
	[sflag:s0] =	ssyncadd.s32 @!p0 $0xFFFFFE00;
	s0 =	simm.s32 @!p0 $0x200  }
0x382: {  	[tilespmem:s6], [sflag:$0x1] =	stream.indirect.gather @!p0 [hbm4b:s5+s0], $0x40, s1, s0, $0xb8;
	[tilespmem:$0x1BE00] =	vst v63  }
0x383: {  	s6 =	sadd.s32 @!p0 s31, s11  }
0x384: {  	s6 =	sshrl.u32 @!p0 s6, $0x3  }
0x385: {  	s6 =	sadd.s32 @!p0 s4, s6  }
0x386: {  	[tilespmem:s0], [sflag:$0x6] =	stream.linear.gather @!p0 [hbm4b:s6+s1], $0x200, $0x38;
	[tilespmem:$0x1BE00] =	vst v63  }
0x387: {  	_ =	swait.ge [sflag:s25], $0x4000  }
0x388: {  	v21 =	vld [tilespmem:$0x1FFD0]  }
0x389: {  	s12 =	simm.s32 $0x0;
	v20 =	vld [tilespmem:$0x1FE30]  }
0x38a: {  	v0 =	vmov s12;
	s12 =	simm.s32 $0x5;
	s13 =	simm.s32 $0x1;
	v25 =	vld [tilespmem:$0x1FE70]  }
0x38b: {  	s16 =	simm.s32 $0x2;
	s31 =	sshll.u32 s30, $0x8;
	[sflag:s25] =	ssyncset.done $0x0;
	v60 =	vld [tilespmem:$0x1FEB0]  }
0x38c: {  	v0 =	vshrl.u32 v0, $0x3;
	v6 =	vmov s12;
	v3 =	vmov s16;
	s16 =	simm.s32 $0x7;
	s0 =	sand.u32 $0x3FFFFF00, s31;
	v61 =	vld [tilespmem:$0x1FEF0];
	[sflag:s25] =	ssyncadd.s32 $0xFFFFC000  }
0x38d: {  	v2 =	vmov s13;
	v0 =	vshll.u32 v0, v1;
	s13 =	simm.s32 $0x6;
	v8 =	vmov s16;
	s1 =	simm.s32 $0xB700;
	v36 =	vld [tilespmem:s0+$0x400]  }
0x38e: {  	v6 =	vshrl.u32 v6, $0x3;
	v7 =	vmov s13;
	v8 =	vshrl.u32 v8, $0x3;
	v9 =	vld [tilespmem:s1+$0xC0]  }
0x38f: {  	v2 =	vshrl.u32 v2, $0x3;
	v43 =	vbroadcast v0, $0x0;
	v0 =	vshll.u32 v8, v1;
	v10 =	vld [tilespmem:s1+$0xFFFFFF00]  }
0x390: {  	v3 =	vshrl.u32 v3, $0x3;
	v6 =	vshll.u32 v6, v1;
	v45 =	vbroadcast v0, $0x0;
	v57 =	vld [tilespmem:s1+$0xFFFFFF40]  }
0x391: {  	v7 =	vshrl.u32 v7, $0x3;
	v2 =	vshll.u32 v2, v1;
	v3 =	vshll.u32 v3, v1;
	v63 =	vld [tilespmem:$0x1FF30]  }
0x392: {  	v40 =	vbroadcast v6, $0x0;
	v44 =	vbroadcast v2, $0x0;
	v35 =	vld [tilespmem:s0+$0x410];
	v58 =	vadd.s32 v21, v45  }
0x393: {  	v42 =	vbroadcast v3, $0x0;
	v34 =	vld [tilespmem:s0+$0x420];
	v59 =	vadd.s32 v20, v43;
	v49 =	vmul.f32 $8.000000000e+00, v9  }
0x394: {  	v2 =	vshll.u32 v7, v1;
	v0 =	vld [tilespmem:s1+$0xFFFFFF80];
	v51 =	vadd.s32 v25, v44;
	v50 =	vmul.f32 $8.000000000e+00, v10  }
0x395: {  	s7 =	simm.s32 $0x3;
	v38 =	vbroadcast v2, $0x0;
	v3 =	vld [tilespmem:s1+$0xFFFFFFC0];
	v2 =	vmul.f32 $8.000000000e+00, v57;
	v6 =	vadd.f32 v49, v36  }
0x396: {  	s8 =	simm.s32 $0x4;
	v4 =	vmov s7;
	v48 =	vld [tilespmem:s1+$0x0];
	v9 =	vadd.f32 v50, v36  }
0x397: {  	v5 =	vmov s8;
	v4 =	vshrl.u32 v4, $0x3;
	v33 =	vld [tilespmem:s0+$0x430];
	v2 =	vadd.f32 v2, v36;
	[tilespmem:v58+s20+$0x0] =	vst.idx.msk $0xffff, v6  }
0x398: {  	v5 =	vshrl.u32 v5, $0x3;
	v4 =	vshll.u32 v4, v1;
	v11 =	vld [tilespmem:s1+$0x40];
	[tilespmem:v59+s20+$0x0] =	vst.idx.msk $0xffff, v9  }
0x399: {  	v5 =	vshll.u32 v5, v1;
	v41 =	vbroadcast v4, $0x0;
	v57 =	vld [tilespmem:$0x1FF60];
	[tilespmem:v51+s20+$0x0] =	vst.idx.msk $0xffff, v2  }
0x39a: {  	v39 =	vbroadcast v5, $0x0;
	v52 =	vadd.s32 v60, v42;
	v59 =	vld [tilespmem:$0x1FFA0]  }
0x39b: {  	v37 =	vld [tilespmem:s1+$0x80];
	v46 =	vadd.s32 v61, v41;
	v0 =	vmul.f32 $8.000000000e+00, v0  }
0x39c: {  	v47 =	vadd.s32 v63, v39;
	v3 =	vmul.f32 $8.000000000e+00, v3  }
0x39d: {  	v53 =	vmul.f32 $8.000000000e+00, v48;
	v0 =	vadd.f32 v0, v36  }
0x39e: {  	v2 =	vadd.f32 v3, v36;
	v54 =	vadd.s32 v57, v40  }
0x39f: {  	v55 =	vld [tilespmem:s1+$0xFFFFFF10];
	v3 =	vmul.f32 $8.000000000e+00, v11;
	[tilespmem:v52+s20+$0x0] =	vst.idx.msk $0xffff, v0;
	v0 =	vadd.f32 v53, v36;
	v9 =	vadd.s32 v59, v38  }
0x3a0: {  	v51 =	vmul.f32 $8.000000000e+00, v37;
	[tilespmem:v46+s20+$0x0] =	vst.idx.msk $0xffff, v2  }
0x3a1: {  	v6 =	vld [tilespmem:s1+$0xD0];
	v2 =	vadd.f32 v3, v36;
	[tilespmem:v47+s20+$0x0] =	vst.idx.msk $0xffff, v0  }
0x3a2: {  	v0 =	vadd.f32 v51, v36;
	v62 =	vld [tilespmem:$0x1FFE0]  }
0x3a3: {  	v58 =	vld [tilespmem:$0x1FE40];
	[tilespmem:v54+s20+$0x0] =	vst.idx.msk $0xffff, v2  }
0x3a4: {  	v54 =	vmul.f32 $8.000000000e+00, v55;
	v55 =	vld [tilespmem:$0x1FE80];
	[tilespmem:v9+s20+$0x0] =	vst.idx.msk $0xffff, v0  }
0x3a5: {  	v12 =	vld [tilespmem:$0x1FF00]  }
0x3a6: {  	v11 =	vld [tilespmem:s1+$0xFFFFFF50]  }
0x3a7: {  	v52 =	vld [tilespmem:s1+$0xFFFFFF90]  }
0x3a8: {  	s31 =	simm.s32 $0x8;
	v4 =	vadd.s32 v62, v45;
	v9 =	vld [tilespmem:$0x1FEC0]  }
0x3a9: {  	v50 =	vmov s31;
	v53 =	vld [tilespmem:s1+$0xFFFFFFD0];
	v32 =	vadd.s32 v58, v43;
	v2 =	vmul.f32 $8.000000000e+00, v6  }
0x3aa: {  	v8 =	vshrl.u32 v50, $0x3;
	v7 =	vadd.s32 v55, v44;
	v50 =	vadd.s32 v12, v41;
	v12 =	vld [tilespmem:$0x1FF40]  }
0x3ab: {  	v48 =	vld [tilespmem:s1+$0x10];
	v0 =	vmul.f32 $8.000000000e+00, v11;
	v2 =	vadd.f32 v2, v35  }
0x3ac: {  	v6 =	vadd.f32 v54, v35  }
0x3ad: {  	v0 =	vadd.f32 v0, v35;
	v9 =	vadd.s32 v9, v42;
	[tilespmem:v4+s20+$0x0] =	vst.idx.msk $0xffff, v2  }
0x3ae: {  	v10 =	vmul.f32 $8.000000000e+00, v52;
	v49 =	vld [tilespmem:s1+$0x50];
	[tilespmem:v32+s20+$0x0] =	vst.idx.msk $0xffff, v6  }
0x3af: {  	v37 =	vmul.f32 $8.000000000e+00, v53;
	v6 =	vld [tilespmem:$0x1FF70];
	[tilespmem:v7+s20+$0x0] =	vst.idx.msk $0xffff, v0;
	v51 =	vadd.s32 v12, v39  }
0x3b0: {  	v56 =	vmul.f32 $8.000000000e+00, v48;
	v2 =	vadd.f32 v10, v35;
	v12 =	vld [tilespmem:$0x1FFB0]  }
0x3b1: {  	v0 =	vadd.f32 v37, v35  }
0x3b2: {  	[tilespmem:v9+s20+$0x0] =	vst.idx.msk $0xffff, v2;
	v2 =	vadd.f32 v56, v35  }
0x3b3: {  	[tilespmem:v50+s20+$0x0] =	vst.idx.msk $0xffff, v0  }
0x3b4: {  	v11 =	vld [tilespmem:s1+$0x90];
	v6 =	vadd.s32 v6, v40;
	[tilespmem:v51+s20+$0x0] =	vst.idx.msk $0xffff, v2  }
0x3b5: {  	v32 =	vmul.f32 $8.000000000e+00, v49;
	v48 =	vadd.s32 v12, v38;
	v12 =	vld [tilespmem:$0x1FE50];
	_ =	sdelay $0x1  }
0x3b6: {  	v0 =	vadd.f32 v32, v35;
	_ =	sdelay $0x1  }
0x3b7: {  	v55 =	vld [tilespmem:$0x1FFF0];
	[tilespmem:v6+s20+$0x0] =	vst.idx.msk $0xffff, v0  }
0x3b8: {  	v54 =	vmul.f32 $8.000000000e+00, v11;
	v56 =	vadd.s32 v12, v43;
	v12 =	vld [tilespmem:$0x1FE90]  }
0x3b9: {  	v10 =	vld [tilespmem:s1+$0xE0]  }
0x3ba: {  	v47 =	vld [tilespmem:s1+$0xFFFFFF20];
	v2 =	vadd.f32 v54, v35  }
0x3bb: {  	s8 =	simm.s32 $0xA  }
0x3bc: {  	v46 =	vmov s8;
	[tilespmem:v48+s20+$0x0] =	vst.idx.msk $0xffff, v2  }
0x3bd: {  	v6 =	vshrl.u32 v46, $0x3;
	v4 =	vadd.s32 v55, v45;
	v46 =	vadd.s32 v12, v44;
	v12 =	vld [tilespmem:$0x1FED0]  }
0x3be: {  	v52 =	vld [tilespmem:s1+$0xFFFFFF60];
	v0 =	vmul.f32 $8.000000000e+00, v10  }
0x3bf: {  	v9 =	vld [tilespmem:s1+$0xFFFFFFA0];
	v32 =	vmul.f32 $8.000000000e+00, v47  }
0x3c0: {  	v11 =	vld [tilespmem:s1+$0xFFFFFFE0];
	v0 =	vadd.f32 v0, v34  }
0x3c1: {  	v51 =	vld [tilespmem:s1+$0x20];
	v10 =	vadd.f32 v32, v34  }
0x3c2: {  	v48 =	vadd.s32 v12, v42;
	v12 =	vld [tilespmem:$0x1FF10];
	[tilespmem:v4+s20+$0x0] =	vst.idx.msk $0xffff, v0  }
0x3c3: {  	v30 =	vld [tilespmem:$0x1FF50];
	[tilespmem:v56+s20+$0x0] =	vst.idx.msk $0xffff, v10  }
0x3c4: {  	v2 =	vmul.f32 $8.000000000e+00, v52;
	v16 =	vld [tilespmem:$0x1FF80]  }
0x3c5: {  	v47 =	vld [tilespmem:s1+$0x60]  }
0x3c6: {  	s12 =	simm.s32 $0xB;
	v0 =	vadd.f32 v2, v34  }
0x3c7: {  	s13 =	simm.s32 $0xC;
	v5 =	vmov s12;
	v9 =	vmul.f32 $8.000000000e+00, v9;
	v53 =	vadd.s32 v12, v41  }
0x3c8: {  	v49 =	vmov s13;
	v52 =	vld [tilespmem:s1+$0xA0];
	v2 =	vmul.f32 $8.000000000e+00, v11;
	[tilespmem:v46+s20+$0x0] =	vst.idx.msk $0xffff, v0;
	v4 =	vadd.s32 v30, v39  }
0x3c9: {  	v9 =	vadd.f32 v9, v34;
	v56 =	vmul.f32 $8.000000000e+00, v51;
	v32 =	vld [tilespmem:$0x1FFC0];
	v11 =	vadd.s32 v16, v40  }
0x3ca: {  	s16 =	simm.s32 $0xD;
	v37 =	vshll.u32 v8, v1;
	v54 =	vmul.f32 $8.000000000e+00, v47;
	v50 =	vld [tilespmem:s1+$0xF0];
	v2 =	vadd.f32 v2, v34  }
0x3cb: {  	v8 =	vmov s16;
	v47 =	vshrl.u32 v49, $0x3;
	v0 =	vld [tilespmem:s1+$0xFFFFFF30];
	v55 =	vadd.f32 v56, v34;
	[tilespmem:v48+s20+$0x0] =	vst.idx.msk $0xffff, v9  }
0x3cc: {  	v49 =	vshrl.u32 v8, $0x3;
	v8 =	vadd.f32 v54, v34;
	v48 =	vshrl.u32 v5, $0x3;
	v5 =	vld [tilespmem:s1+$0xFFFFFF70];
	[tilespmem:v53+s20+$0x0] =	vst.idx.msk $0xffff, v2  }
0x3cd: {  	v2 =	vld [tilespmem:s1+$0xFFFFFFB0];
	[tilespmem:v4+s20+$0x0] =	vst.idx.msk $0xffff, v55  }
0x3ce: {  	v51 =	vadd.s32 v32, v38;
	v15 =	vld [tilespmem:$0x1FE60];
	[tilespmem:v11+s20+$0x0] =	vst.idx.msk $0xffff, v8  }
0x3cf: {  	s31 =	simm.s32 $0xE;
	v56 =	vmul.f32 $8.000000000e+00, v52;
	v19 =	vld [tilespmem:$0x1FEA0]  }
0x3d0: {  	s7 =	simm.s32 $0x9;
	v7 =	vmov s31;
	v4 =	vld [tilespmem:s1+$0xFFFFFFF0]  }
0x3d1: {  	v3 =	vmov s7;
	v46 =	vshrl.u32 v7, $0x3;
	v7 =	vadd.f32 v56, v34;
	v8 =	vld [tilespmem:s1+$0x30]  }
0x3d2: {  	v3 =	vshrl.u32 v3, $0x3;
	v9 =	vadd.s32 v13, v45;
	v23 =	vld [tilespmem:$0x1FEE0]  }
0x3d3: {  	v54 =	vshll.u32 v3, v1;
	v11 =	vld [tilespmem:s1+$0x70];
	[tilespmem:v51+s20+$0x0] =	vst.idx.msk $0xffff, v7;
	v3 =	vadd.s32 v15, v43;
	v43 =	vmul.f32 $8.000000000e+00, v50  }
0x3d4: {  	v0 =	vmul.f32 $8.000000000e+00, v0;
	v5 =	vmul.f32 $8.000000000e+00, v5;
	v27 =	vld [tilespmem:$0x1FF20];
	v45 =	vadd.s32 v19, v44  }
0x3d5: {  	v38 =	vadd.s32 v26, v38;
	v2 =	vmul.f32 $8.000000000e+00, v2;
	v10 =	vadd.f32 v43, v33  }
0x3d6: {  	v0 =	vadd.f32 v0, v33;
	v55 =	vshll.u32 v6, v1;
	v5 =	vadd.f32 v5, v33  }
0x3d7: {  	v4 =	vmul.f32 $8.000000000e+00, v4;
	v56 =	vadd.f32 v2, v33;
	v53 =	vadd.s32 v23, v42;
	[tilespmem:v9+s20+$0x0] =	vst.idx.msk $0xffff, v10  }
0x3d8: {  	v51 =	vmul.f32 $8.000000000e+00, v8;
	v42 =	vadd.s32 v31, v39;
	v39 =	vadd.s32 v14, v40;
	[tilespmem:v3+s20+$0x0] =	vst.idx.msk $0xffff, v0  }
0x3d9: {  	s6 =	simm.s32 $0xF;
	s13 =	simm.s32 $0x10;
	v52 =	vadd.f32 v4, v33;
	v40 =	vmul.f32 $8.000000000e+00, v11;
	v43 =	vadd.s32 v27, v41;
	v41 =	vld [tilespmem:s1+$0xB0];
	[tilespmem:v45+s20+$0x0] =	vst.idx.msk $0xffff, v5  }
.LBB2_18:
0x3da: {  	_ =	sdelay $0x1  }
0x3db: {  	v0 =	vmov s6;
	s1 =	sadd.s32 $0x200, s1;
	v4 =	vshll.u32 v48, v1;
	v8 =	vshll.u32 v47, v1  }
0x3dc: {  	v9 =	vshll.u32 v49, v1;
	v44 =	vbroadcast v54, $0x0;
	v5 =	vld [tilespmem:s1+$0xC0];
	v0 =	vshrl.u32 v0, $0x3  }
0x3dd: {  	[tilespmem:v53+s20+$0x0] =	vst.idx.msk $0xffff, v56;
	v2 =	vadd.f32 v51, v33;
	v7 =	vld [tilespmem:s1+$0xFFFFFF00];
	v0 =	vshll.u32 v0, v1;
	v3 =	vmul.f32 $8.000000000e+00, v41  }
0x3de: {  	[tilespmem:v43+s20+$0x0] =	vst.idx.msk $0xffff, v52;
	v6 =	vadd.f32 v40, v33;
	v43 =	vbroadcast v55, $0x0;
	v45 =	vbroadcast v0, $0x0;
	v0 =	vld [tilespmem:s1+$0xFFFFFF80]  }
0x3df: {  	v51 =	vshll.u32 v46, v1;
	[tilespmem:v42+s20+$0x0] =	vst.idx.msk $0xffff, v2;
	v41 =	vbroadcast v37, $0x0;
	v2 =	vadd.f32 v3, v33;
	v3 =	vld [tilespmem:s1+$0xFFFFFF40]  }
0x3e0: {  	v40 =	vbroadcast v8, $0x0;
	v54 =	vadd.s32 v25, v44;
	v10 =	vld [tilespmem:s1+$0x0];
	v52 =	vadd.s32 v21, v45  }
0x3e1: {  	v42 =	vbroadcast v4, $0x0;
	v53 =	vadd.s32 v20, v41;
	v5 =	vmul.f32 $8.000000000e+00, v5;
	[tilespmem:v38+s20+$0x0] =	vst.idx.msk $0xffff, v2;
	v2 =	vld [tilespmem:s1+$0xFFFFFFC0]  }
0x3e2: {  	[tilespmem:v39+s20+$0x0] =	vst.idx.msk $0xffff, v6;
	v7 =	vmul.f32 $8.000000000e+00, v7;
	v38 =	vbroadcast v51, $0x0;
	v51 =	vadd.s32 v60, v43  }
0x3e3: {  	v39 =	vbroadcast v9, $0x0;
	v11 =	vld [tilespmem:s1+$0x40];
	v5 =	vadd.f32 v5, v36;
	v0 =	vmul.f32 $8.000000000e+00, v0  }
0x3e4: {  	v12 =	vld [tilespmem:$0x1FF00];
	v50 =	vadd.s32 v63, v40;
	v7 =	vadd.f32 v7, v36;
	v3 =	vmul.f32 $8.000000000e+00, v3  }
0x3e5: {  	v49 =	vadd.s32 v61, v42;
	[tilespmem:v52+s20+$0x0] =	vst.idx.msk $0xffff, v5;
	v0 =	vadd.f32 v0, v36;
	v52 =	vmul.f32 $8.000000000e+00, v10  }
0x3e6: {  	[tilespmem:v53+s20+$0x0] =	vst.idx.msk $0xffff, v7;
	v3 =	vadd.f32 v3, v36;
	v2 =	vmul.f32 $8.000000000e+00, v2  }
0x3e7: {  	v55 =	vadd.s32 v57, v39;
	v48 =	vld [tilespmem:s1+$0x80];
	[tilespmem:v51+s20+$0x0] =	vst.idx.msk $0xffff, v0;
	v0 =	vadd.f32 v52, v36  }
0x3e8: {  	v56 =	vld [tilespmem:s1+$0xD0];
	[tilespmem:v54+s20+$0x0] =	vst.idx.msk $0xffff, v3;
	v2 =	vadd.f32 v2, v36;
	v3 =	vmul.f32 $8.000000000e+00, v11  }
0x3e9: {  	[tilespmem:v50+s20+$0x0] =	vst.idx.msk $0xffff, v0;
	v50 =	vadd.s32 v12, v42;
	v12 =	vld [tilespmem:$0x1FF40]  }
0x3ea: {  	v8 =	vld [tilespmem:s1+$0xFFFFFF10];
	[tilespmem:v49+s20+$0x0] =	vst.idx.msk $0xffff, v2;
	v2 =	vadd.f32 v3, v36  }
0x3eb: {  	v54 =	vld [tilespmem:s1+$0xFFFFFF50]  }
0x3ec: {  	v51 =	vmul.f32 $8.000000000e+00, v48;
	[tilespmem:v55+s20+$0x0] =	vst.idx.msk $0xffff, v2;
	v55 =	vld [tilespmem:$0x1FE80]  }
0x3ed: {  	v9 =	vadd.s32 v59, v38;
	v48 =	vld [tilespmem:s1+$0x10]  }
0x3ee: {  	v4 =	vadd.s32 v62, v45;
	v0 =	vadd.f32 v51, v36;
	v51 =	vadd.s32 v12, v40;
	v12 =	vld [tilespmem:$0x1FFB0]  }
0x3ef: {  	v53 =	vmov s13;
	v52 =	vld [tilespmem:s1+$0xFFFFFFD0];
	v2 =	vmul.f32 $8.000000000e+00, v56  }
0x3f0: {  	v6 =	vshrl.u32 v53, $0x3  }
0x3f1: {  	v53 =	vmul.f32 $8.000000000e+00, v8;
	v56 =	vld [tilespmem:s1+$0x50];
	v2 =	vadd.f32 v2, v35;
	v8 =	vadd.s32 v55, v44  }
0x3f2: {  	v47 =	vadd.s32 v58, v41;
	[tilespmem:v9+s20+$0x0] =	vst.idx.msk $0xffff, v0;
	v0 =	vmul.f32 $8.000000000e+00, v54;
	v55 =	vld [tilespmem:$0x1FF70]  }
0x3f3: {  	[tilespmem:v4+s20+$0x0] =	vst.idx.msk $0xffff, v2;
	v4 =	vmul.f32 $8.000000000e+00, v48;
	v48 =	vadd.s32 v12, v38;
	v12 =	vld [tilespmem:$0x1FE50]  }
0x3f4: {  	v54 =	vld [tilespmem:$0x1FEC0];
	v0 =	vadd.f32 v0, v35;
	v37 =	vmul.f32 $8.000000000e+00, v52  }
0x3f5: {  	v10 =	vld [tilespmem:s1+$0xFFFFFF90];
	v7 =	vadd.f32 v53, v35  }
0x3f6: {  	[tilespmem:v8+s20+$0x0] =	vst.idx.msk $0xffff, v0;
	v0 =	vadd.f32 v37, v35  }
0x3f7: {  	[tilespmem:v47+s20+$0x0] =	vst.idx.msk $0xffff, v7  }
0x3f8: {  	v7 =	vadd.s32 v55, v39;
	[tilespmem:v50+s20+$0x0] =	vst.idx.msk $0xffff, v0;
	v50 =	vadd.s32 v12, v41;
	v12 =	vld [tilespmem:$0x1FE90]  }
0x3f9: {  	v11 =	vld [tilespmem:s1+$0x90];
	v56 =	vmul.f32 $8.000000000e+00, v56;
	v9 =	vadd.s32 v54, v43  }
0x3fa: {  	v10 =	vmul.f32 $8.000000000e+00, v10  }
0x3fb: {  	s7 =	sadd.s32 $0x2, s13;
	v0 =	vadd.f32 v56, v35  }
0x3fc: {  	v46 =	vmov s7;
	v2 =	vadd.f32 v10, v35;
	v52 =	vld [tilespmem:s1+$0xFFFFFF60]  }
0x3fd: {  	[tilespmem:v7+s20+$0x0] =	vst.idx.msk $0xffff, v0;
	v7 =	vshrl.u32 v46, $0x3;
	v46 =	vadd.s32 v12, v44;
	v12 =	vld [tilespmem:$0x1FED0]  }
0x3fe: {  	v47 =	vld [tilespmem:s1+$0xFFFFFF20];
	v54 =	vmul.f32 $8.000000000e+00, v11;
	[tilespmem:v9+s20+$0x0] =	vst.idx.msk $0xffff, v2;
	v2 =	vadd.f32 v4, v35  }
0x3ff: {  	v55 =	vld [tilespmem:$0x1FFF0]  }
0x400: {  	v10 =	vld [tilespmem:s1+$0xE0];
	[tilespmem:v51+s20+$0x0] =	vst.idx.msk $0xffff, v2;
	v2 =	vadd.f32 v54, v35  }
0x401: {  	v9 =	vld [tilespmem:s1+$0xFFFFFFA0]  }
0x402: {  	s31 =	sadd.s32 $0x1, s13;
	s8 =	sadd.s32 $0x3, s13;
	s12 =	sadd.s32 $0x4, s13;
	[tilespmem:v48+s20+$0x0] =	vst.idx.msk $0xffff, v2;
	v2 =	vmul.f32 $8.000000000e+00, v52;
	v52 =	vadd.s32 v12, v43;
	v12 =	vld [tilespmem:$0x1FF10]  }
0x403: {  	v5 =	vmov s8;
	v3 =	vmov s31;
	v49 =	vmov s12;
	v11 =	vld [tilespmem:s1+$0xFFFFFFE0]  }
0x404: {  	s16 =	sadd.s32 $0x5, s13;
	v3 =	vshrl.u32 v3, $0x3;
	v56 =	vmul.f32 $8.000000000e+00, v47;
	v4 =	vadd.s32 v55, v45;
	v51 =	vld [tilespmem:s1+$0x20]  }
0x405: {  	s31 =	sadd.s32 $0x6, s13;
	v37 =	vshll.u32 v6, v1;
	v6 =	vmov s16;
	v0 =	vmul.f32 $8.000000000e+00, v10;
	v47 =	vld [tilespmem:s1+$0x60]  }
0x406: {  	v8 =	vmov s31;
	v10 =	vadd.f32 v56, v34;
	v55 =	vadd.s32 v30, v40  }
0x407: {  	v53 =	vld [tilespmem:s1+$0xA0];
	v0 =	vadd.f32 v0, v34;
	v9 =	vmul.f32 $8.000000000e+00, v9;
	v54 =	vadd.s32 v12, v42  }
0x408: {  	v48 =	vshrl.u32 v5, $0x3;
	[tilespmem:v50+s20+$0x0] =	vst.idx.msk $0xffff, v10;
	v2 =	vadd.f32 v2, v34;
	v11 =	vmul.f32 $8.000000000e+00, v11  }
0x409: {  	v50 =	vld [tilespmem:s1+$0xFFFFFF30];
	[tilespmem:v4+s20+$0x0] =	vst.idx.msk $0xffff, v0;
	v0 =	vadd.f32 v9, v34;
	v56 =	vmul.f32 $8.000000000e+00, v51;
	v9 =	vadd.s32 v16, v39  }
0x40a: {  	v51 =	vadd.s32 v32, v38;
	v10 =	vld [tilespmem:s1+$0xF0];
	[tilespmem:v46+s20+$0x0] =	vst.idx.msk $0xffff, v2;
	v2 =	vadd.f32 v11, v34;
	v11 =	vmul.f32 $8.000000000e+00, v47  }
0x40b: {  	v4 =	vadd.s32 v13, v45;
	v47 =	vshrl.u32 v49, $0x3;
	v5 =	vld [tilespmem:s1+$0xFFFFFF70];
	[tilespmem:v52+s20+$0x0] =	vst.idx.msk $0xffff, v0;
	v0 =	vadd.f32 v56, v34  }
0x40c: {  	v49 =	vshrl.u32 v6, $0x3;
	v56 =	vmul.f32 $8.000000000e+00, v53;
	v6 =	vld [tilespmem:s1+$0xFFFFFFB0];
	[tilespmem:v54+s20+$0x0] =	vst.idx.msk $0xffff, v2;
	v2 =	vadd.f32 v11, v34  }
0x40d: {  	v46 =	vshrl.u32 v8, $0x3;
	[tilespmem:v55+s20+$0x0] =	vst.idx.msk $0xffff, v0;
	v54 =	vshll.u32 v3, v1;
	v3 =	vadd.s32 v15, v41;
	v8 =	vld [tilespmem:s1+$0xFFFFFFF0]  }
0x40e: {  	v39 =	vadd.s32 v14, v39;
	v50 =	vmul.f32 $8.000000000e+00, v50;
	v0 =	vadd.f32 v56, v34;
	v11 =	vld [tilespmem:s1+$0x30];
	[tilespmem:v9+s20+$0x0] =	vst.idx.msk $0xffff, v2  }
0x40f: {  	p0 =	slt.u32 s13, $0x78;
	v38 =	vadd.s32 v26, v38;
	v2 =	vmul.f32 $8.000000000e+00, v10;
	v9 =	vadd.s32 v19, v44;
	v10 =	vld [tilespmem:s1+$0x70]  }
.Ltmp8:
0x410: {  	v53 =	vadd.s32 v23, v43;
	v56 =	vadd.f32 v50, v33;
	[tilespmem:v51+s20+$0x0] =	vst.idx.msk $0xffff, v0;
	v0 =	vmul.f32 $8.000000000e+00, v5;
	(pc) =	sbr.rel @p0 .LBB2_18-.Ltmp8, $4  }
0x411: {  	v43 =	vadd.s32 v27, v42;
	v6 =	vmul.f32 $8.000000000e+00, v6;
	v2 =	vadd.f32 v2, v33  }
0x412: {  	v42 =	vadd.s32 v31, v40;
	v0 =	vadd.f32 v0, v33;
	[tilespmem:v3+s20+$0x0] =	vst.idx.msk $0xffff, v56;
	v45 =	vmul.f32 $8.000000000e+00, v8  }
0x413: {  	v55 =	vshll.u32 v7, v1;
	v56 =	vadd.f32 v6, v33;
	[tilespmem:v4+s20+$0x0] =	vst.idx.msk $0xffff, v2  }
0x414: {  	s6 =	sadd.s32 $0x7, s13;
	s13 =	sadd.s32 $0x8, s13;
	v41 =	vld [tilespmem:s1+$0xB0];
	v51 =	vmul.f32 $8.000000000e+00, v11;
	[tilespmem:v9+s20+$0x0] =	vst.idx.msk $0xffff, v0;
	v52 =	vadd.f32 v45, v33;
	v40 =	vmul.f32 $8.000000000e+00, v10  }
0x415: {  	v0 =	vmov s6;
	s1 =	sadd.s32 $0x200, s1  }
0x416: {  	v2 =	vld [tilespmem:s1+$0xC0];
	v0 =	vshrl.u32 v0, $0x3  }
0x417: {  	v3 =	vshll.u32 v48, v1;
	v48 =	vbroadcast v37, $0x0;
	v4 =	vld [tilespmem:s1+$0xFFFFFF00];
	v0 =	vshll.u32 v0, v1  }
0x418: {  	v6 =	vshll.u32 v47, v1;
	v7 =	vshll.u32 v49, v1;
	v5 =	vld [tilespmem:s1+$0xFFFFFF40];
	v50 =	vbroadcast v0, $0x0  }
0x419: {  	v49 =	vbroadcast v54, $0x0;
	v47 =	vbroadcast v55, $0x0;
	v8 =	vshll.u32 v46, v1;
	v0 =	vld [tilespmem:s1+$0xFFFFFF80]  }
0x41a: {  	v9 =	vld [tilespmem:s1+$0xFFFFFFC0];
	v46 =	vbroadcast v3, $0x0;
	v44 =	vbroadcast v6, $0x0;
	v3 =	vadd.s32 v21, v50  }
0x41b: {  	v10 =	vld [tilespmem:s1+$0x0];
	v37 =	vbroadcast v7, $0x0;
	v6 =	vadd.s32 v20, v48;
	v2 =	vmul.f32 $8.000000000e+00, v2  }
0x41c: {  	v11 =	vld [tilespmem:s1+$0x40];
	v45 =	vbroadcast v8, $0x0;
	v7 =	vadd.s32 v25, v49;
	v4 =	vmul.f32 $8.000000000e+00, v4  }
0x41d: {  	v8 =	vadd.s32 v60, v47;
	v5 =	vmul.f32 $8.000000000e+00, v5;
	v2 =	vadd.f32 v2, v36  }
0x41e: {  	v54 =	vld [tilespmem:s1+$0x80];
	v55 =	vadd.s32 v61, v46;
	v4 =	vadd.f32 v4, v36;
	v0 =	vmul.f32 $8.000000000e+00, v0  }
0x41f: {  	v12 =	vadd.s32 v63, v44;
	v9 =	vmul.f32 $8.000000000e+00, v9;
	v5 =	vadd.f32 v5, v36;
	[tilespmem:v3+s20+$0x0] =	vst.idx.msk $0xffff, v2  }
0x420: {  	[tilespmem:v6+s20+$0x0] =	vst.idx.msk $0xffff, v4;
	v0 =	vadd.f32 v0, v36;
	v2 =	vmul.f32 $8.000000000e+00, v10;
	v3 =	vadd.s32 v57, v37  }
0x421: {  	[tilespmem:v7+s20+$0x0] =	vst.idx.msk $0xffff, v5;
	v5 =	vadd.f32 v9, v36;
	v7 =	vmul.f32 $8.000000000e+00, v11  }
0x422: {  	[tilespmem:v8+s20+$0x0] =	vst.idx.msk $0xffff, v0;
	v0 =	vadd.f32 v2, v36  }
0x423: {  	v2 =	vmul.f32 $8.000000000e+00, v54;
	[tilespmem:v55+s20+$0x0] =	vst.idx.msk $0xffff, v5;
	v54 =	vadd.f32 v7, v36  }
0x424: {  	v4 =	vld [tilespmem:s1+$0xD0];
	[tilespmem:v12+s20+$0x0] =	vst.idx.msk $0xffff, v0  }
0x425: {  	v9 =	vadd.s32 v59, v45;
	v6 =	vld [tilespmem:s1+$0xFFFFFF10];
	[tilespmem:v3+s20+$0x0] =	vst.idx.msk $0xffff, v54  }
0x426: {  	v29 =	vld [tilespmem:$0x1FE80]  }
0x427: {  	v10 =	vld [tilespmem:s1+$0xFFFFFF50]  }
0x428: {  	v0 =	vadd.f32 v2, v36;
	v2 =	vadd.s32 v62, v50  }
0x429: {  	v11 =	vadd.s32 v58, v48;
	v8 =	vld [tilespmem:s1+$0xFFFFFF90];
	v3 =	vmul.f32 $8.000000000e+00, v4  }
0x42a: {  	v7 =	vld [tilespmem:s1+$0xFFFFFFD0];
	v55 =	vmul.f32 $8.000000000e+00, v6;
	[tilespmem:v9+s20+$0x0] =	vst.idx.msk $0xffff, v0  }
0x42b: {  	v24 =	vld [tilespmem:$0x1FEC0];
	[tilespmem:v53+s20+$0x0] =	vst.idx.msk $0xffff, v56;
	v3 =	vadd.f32 v3, v35;
	v5 =	vadd.s32 v29, v49  }
0x42c: {  	v0 =	vmul.f32 $8.000000000e+00, v10;
	v4 =	vadd.f32 v55, v35;
	v28 =	vld [tilespmem:$0x1FF00]  }
0x42d: {  	v18 =	vld [tilespmem:$0x1FF40];
	[tilespmem:v2+s20+$0x0] =	vst.idx.msk $0xffff, v3  }
0x42e: {  	v36 =	vld [tilespmem:s1+$0x10];
	v0 =	vadd.f32 v0, v35;
	[tilespmem:v11+s20+$0x0] =	vst.idx.msk $0xffff, v4  }
0x42f: {  	v22 =	vld [tilespmem:$0x1FF70]  }
0x430: {  	v6 =	vld [tilespmem:s1+$0x50];
	v9 =	vadd.s32 v24, v47;
	[tilespmem:v5+s20+$0x0] =	vst.idx.msk $0xffff, v0  }
0x431: {  	v8 =	vmul.f32 $8.000000000e+00, v8;
	v53 =	vadd.s32 v28, v46;
	v17 =	vld [tilespmem:$0x1FFB0]  }
0x432: {  	v10 =	vld [tilespmem:s1+$0x90];
	v7 =	vmul.f32 $8.000000000e+00, v7;
	v54 =	vadd.s32 v18, v44  }
0x433: {  	v2 =	vadd.f32 v8, v35;
	v3 =	vmul.f32 $8.000000000e+00, v36  }
0x434: {  	v4 =	vadd.s32 v22, v37;
	v0 =	vadd.f32 v7, v35  }
0x435: {  	v56 =	vld [tilespmem:s1+$0xE0];
	v36 =	vmul.f32 $8.000000000e+00, v6;
	[tilespmem:v9+s20+$0x0] =	vst.idx.msk $0xffff, v2;
	v2 =	vadd.f32 v3, v35  }
0x436: {  	v11 =	vld [tilespmem:s1+$0xFFFFFF20];
	[tilespmem:v53+s20+$0x0] =	vst.idx.msk $0xffff, v0;
	v6 =	vadd.s32 v17, v45  }
0x437: {  	v7 =	vld [tilespmem:s1+$0xFFFFFF60];
	v3 =	vmul.f32 $8.000000000e+00, v10;
	v0 =	vadd.f32 v36, v35;
	[tilespmem:v54+s20+$0x0] =	vst.idx.msk $0xffff, v2  }
0x438: {  	v12 =	vld [tilespmem:$0x1FFF0]  }
0x439: {  	v2 =	vadd.f32 v3, v35;
	v53 =	vld [tilespmem:$0x1FE50];
	[tilespmem:v4+s20+$0x0] =	vst.idx.msk $0xffff, v0  }
0x43a: {  	v55 =	vadd.f32 v51, v33;
	v51 =	vld [tilespmem:$0x1FE90];
	[tilespmem:v43+s20+$0x0] =	vst.idx.msk $0xffff, v52  }
0x43b: {  	v9 =	vld [tilespmem:s1+$0xFFFFFFA0];
	[tilespmem:v6+s20+$0x0] =	vst.idx.msk $0xffff, v2  }
0x43c: {  	v43 =	vld [tilespmem:$0x1FED0];
	[tilespmem:v42+s20+$0x0] =	vst.idx.msk $0xffff, v55  }
0x43d: {  	v54 =	vld [tilespmem:$0x1FF10]  }
0x43e: {  	v5 =	vld [tilespmem:s1+$0xFFFFFFE0];
	v3 =	vadd.s32 v12, v50  }
0x43f: {  	v35 =	vld [tilespmem:s1+$0x20];
	v0 =	vmul.f32 $8.000000000e+00, v56;
	v10 =	vadd.s32 v53, v48  }
0x440: {  	v56 =	vmul.f32 $8.000000000e+00, v11;
	v36 =	vld [tilespmem:s1+$0x60];
	v11 =	vadd.s32 v51, v49  }
0x441: {  	v0 =	vadd.f32 v0, v34;
	v2 =	vmul.f32 $8.000000000e+00, v7;
	v7 =	vld [tilespmem:s1+$0xA0];
	v6 =	vadd.s32 v43, v47  }
0x442: {  	v4 =	vadd.f32 v56, v34;
	v8 =	vmul.f32 $8.000000000e+00, v9;
	v9 =	vadd.s32 v54, v46  }
0x443: {  	v52 =	vadd.s32 v30, v44;
	v5 =	vmul.f32 $8.000000000e+00, v5;
	v2 =	vadd.f32 v2, v34;
	[tilespmem:v3+s20+$0x0] =	vst.idx.msk $0xffff, v0  }
0x444: {  	v55 =	vadd.s32 v16, v37;
	[tilespmem:v10+s20+$0x0] =	vst.idx.msk $0xffff, v4;
	v0 =	vadd.f32 v8, v34;
	v3 =	vmul.f32 $8.000000000e+00, v35;
	v56 =	vld [tilespmem:s1+$0xF0]  }
0x445: {  	v36 =	vmul.f32 $8.000000000e+00, v36;
	v10 =	vld [tilespmem:s1+$0xFFFFFF30];
	[tilespmem:v11+s20+$0x0] =	vst.idx.msk $0xffff, v2;
	v2 =	vadd.f32 v5, v34;
	v11 =	vadd.s32 v32, v45  }
0x446: {  	v35 =	vld [tilespmem:s1+$0xFFFFFF70];
	[tilespmem:v6+s20+$0x0] =	vst.idx.msk $0xffff, v0;
	v0 =	vadd.f32 v3, v34;
	v3 =	vmul.f32 $8.000000000e+00, v7  }
0x447: {  	v6 =	vld [tilespmem:s1+$0xFFFFFFB0];
	[tilespmem:v9+s20+$0x0] =	vst.idx.msk $0xffff, v2;
	v2 =	vadd.f32 v36, v34  }
0x448: {  	v41 =	vmul.f32 $8.000000000e+00, v41;
	v7 =	vld [tilespmem:s1+$0xFFFFFFF0];
	[tilespmem:v52+s20+$0x0] =	vst.idx.msk $0xffff, v0;
	v0 =	vadd.f32 v3, v34;
	v3 =	vadd.s32 v13, v50  }
0x449: {  	v42 =	vadd.f32 v40, v33;
	v34 =	vadd.s32 v15, v48;
	v48 =	vld [tilespmem:s1+$0x30];
	[tilespmem:v55+s20+$0x0] =	vst.idx.msk $0xffff, v2;
	v2 =	vmul.f32 $8.000000000e+00, v56  }
0x44a: {  	v50 =	vadd.f32 v41, v33;
	v52 =	vmul.f32 $8.000000000e+00, v10;
	v55 =	vadd.s32 v19, v49;
	v56 =	vld [tilespmem:s1+$0x70];
	[tilespmem:v11+s20+$0x0] =	vst.idx.msk $0xffff, v0  }
0x44b: {  	[tilespmem:v39+s20+$0x0] =	vst.idx.msk $0xffff, v42;
	v39 =	vadd.s32 v23, v47;
	v0 =	vmul.f32 $8.000000000e+00, v35;
	v11 =	vld [tilespmem:s1+$0xB0];
	v2 =	vadd.f32 v2, v33  }
0x44c: {  	v42 =	vadd.s32 v27, v46;
	[tilespmem:v38+s20+$0x0] =	vst.idx.msk $0xffff, v50;
	v40 =	vadd.f32 v52, v33;
	v41 =	vmul.f32 $8.000000000e+00, v6  }
0x44d: {  	v44 =	vadd.s32 v31, v44;
	v0 =	vadd.f32 v0, v33;
	v7 =	vmul.f32 $8.000000000e+00, v7;
	[tilespmem:v3+s20+$0x0] =	vst.idx.msk $0xffff, v2  }
0x44e: {  	v46 =	vadd.s32 v14, v37;
	[tilespmem:v34+s20+$0x0] =	vst.idx.msk $0xffff, v40;
	v2 =	vadd.f32 v41, v33;
	v3 =	vmul.f32 $8.000000000e+00, v48  }
0x44f: {  	[tilespmem:v55+s20+$0x0] =	vst.idx.msk $0xffff, v0;
	v48 =	vadd.s32 v26, v45;
	v0 =	vadd.f32 v7, v33;
	v47 =	vmul.f32 $8.000000000e+00, v56  }
0x450: {  	[tilespmem:v39+s20+$0x0] =	vst.idx.msk $0xffff, v2;
	v2 =	vadd.f32 v3, v33;
	v3 =	vmul.f32 $8.000000000e+00, v11  }
0x451: {  	[tilespmem:v42+s20+$0x0] =	vst.idx.msk $0xffff, v0;
	v0 =	vadd.f32 v47, v33  }
0x452: {  	[tilespmem:v44+s20+$0x0] =	vst.idx.msk $0xffff, v2;
	v2 =	vadd.f32 v3, v33  }
0x453: {  	[tilespmem:v46+s20+$0x0] =	vst.idx.msk $0xffff, v0  }
0x454: {  	[tilespmem:v48+s20+$0x0] =	vst.idx.msk $0xffff, v2  }
0x455: {  	s16 =	simm.s32 $0x0;
	v35 =	vld [tilespmem:s0+$0x440]  }
0x456: {  	s31 =	simm.s32 $0xD7F0;
	v0 =	vmov s16;
	v36 =	vld [tilespmem:s0+$0x450]  }
0x457: {  	v0 =	vshrl.u32 v0, $0x3;
	v2 =	vld [tilespmem:s31+$0xFFFFFFD0]  }
0x458: {  	v3 =	vld [tilespmem:s31+$0xFFFFFE10];
	v0 =	vshll.u32 v0, $0x3  }
0x459: {  	v38 =	vbroadcast v0, $0x0;
	v0 =	vld [tilespmem:s31+$0xFFFFFE50]  }
0x45a: {  	v4 =	vld [tilespmem:s31+$0xFFFFFE90]  }
0x45b: {  	v49 =	vld [tilespmem:s31+$0xFFFFFED0];
	v50 =	vadd.s32 v21, v38  }
0x45c: {  	v8 =	vld [tilespmem:s31+$0xFFFFFF10];
	v52 =	vadd.s32 v20, v38;
	v2 =	vmul.f32 $8.000000000e+00, v2  }
0x45d: {  	v34 =	vld [tilespmem:s0+$0x460];
	v55 =	vadd.s32 v25, v38;
	v3 =	vmul.f32 $8.000000000e+00, v3  }
0x45e: {  	v44 =	vld [tilespmem:s31+$0xFFFFFF50];
	v56 =	vadd.s32 v60, v38;
	v0 =	vmul.f32 $8.000000000e+00, v0;
	v2 =	vadd.f32 v2, v35  }
0x45f: {  	v39 =	vld [tilespmem:s31+$0xFFFFFF90];
	v45 =	vadd.s32 v61, v38;
	v4 =	vmul.f32 $8.000000000e+00, v4;
	v3 =	vadd.f32 v3, v35  }
0x460: {  	v33 =	vld [tilespmem:s0+$0x470];
	v46 =	vadd.s32 v63, v38;
	v5 =	vmul.f32 $8.000000000e+00, v49;
	v0 =	vadd.f32 v0, v35;
	[tilespmem:v50+s21+$0x0] =	vst.idx.msk $0xffff, v2  }
0x461: {  	[tilespmem:v52+s21+$0x0] =	vst.idx.msk $0xffff, v3;
	v2 =	vadd.f32 v4, v35;
	v3 =	vmul.f32 $8.000000000e+00, v8;
	v47 =	vld [tilespmem:s31+$0xFFFFFFE0]  }
0x462: {  	v48 =	vadd.s32 v57, v38;
	v7 =	vld [tilespmem:s31+$0xFFFFFE20];
	[tilespmem:v55+s21+$0x0] =	vst.idx.msk $0xffff, v0;
	v0 =	vadd.f32 v5, v35  }
0x463: {  	v49 =	vadd.s32 v59, v38;
	v50 =	vmul.f32 $8.000000000e+00, v44;
	v9 =	vld [tilespmem:s31+$0xFFFFFE60];
	[tilespmem:v56+s21+$0x0] =	vst.idx.msk $0xffff, v2;
	v2 =	vadd.f32 v3, v35  }
0x464: {  	v3 =	vmul.f32 $8.000000000e+00, v39;
	v10 =	vld [tilespmem:s31+$0xFFFFFEA0];
	[tilespmem:v45+s21+$0x0] =	vst.idx.msk $0xffff, v0  }
0x465: {  	v0 =	vadd.f32 v50, v35;
	v52 =	vld [tilespmem:s31+$0xFFFFFEE0];
	[tilespmem:v46+s21+$0x0] =	vst.idx.msk $0xffff, v2;
	v2 =	vadd.s32 v62, v38  }
0x466: {  	v55 =	vadd.s32 v58, v38;
	v3 =	vadd.f32 v3, v35;
	v56 =	vld [tilespmem:s31+$0xFFFFFF20];
	v4 =	vmul.f32 $8.000000000e+00, v47  }
0x467: {  	v44 =	vadd.s32 v29, v38;
	[tilespmem:v48+s21+$0x0] =	vst.idx.msk $0xffff, v0;
	v0 =	vmul.f32 $8.000000000e+00, v7  }
0x468: {  	v45 =	vadd.s32 v24, v38;
	v46 =	vld [tilespmem:s31+$0xFFFFFF60];
	[tilespmem:v49+s21+$0x0] =	vst.idx.msk $0xffff, v3;
	v3 =	vmul.f32 $8.000000000e+00, v9;
	v4 =	vadd.f32 v4, v36  }
0x469: {  	v47 =	vadd.s32 v28, v38;
	v48 =	vld [tilespmem:s31+$0xFFFFFFA0];
	v0 =	vadd.f32 v0, v36;
	v10 =	vmul.f32 $8.000000000e+00, v10  }
0x46a: {  	v49 =	vadd.s32 v18, v38;
	v3 =	vadd.f32 v3, v36;
	v8 =	vmul.f32 $8.000000000e+00, v52;
	[tilespmem:v2+s21+$0x0] =	vst.idx.msk $0xffff, v4  }
0x46b: {  	[tilespmem:v55+s21+$0x0] =	vst.idx.msk $0xffff, v0;
	v0 =	vadd.f32 v10, v36;
	v2 =	vmul.f32 $8.000000000e+00, v56;
	v4 =	vld [tilespmem:s31+$0xFFFFFFF0]  }
0x46c: {  	v50 =	vadd.s32 v22, v38;
	[tilespmem:v44+s21+$0x0] =	vst.idx.msk $0xffff, v3;
	v3 =	vadd.f32 v8, v36  }
0x46d: {  	v52 =	vadd.s32 v17, v38;
	v11 =	vld [tilespmem:s31+$0xFFFFFE30];
	v7 =	vmul.f32 $8.000000000e+00, v46;
	[tilespmem:v45+s21+$0x0] =	vst.idx.msk $0xffff, v0;
	v0 =	vadd.f32 v2, v36  }
0x46e: {  	v37 =	vadd.s32 v23, v38;
	v42 =	vadd.s32 v31, v38;
	v55 =	vld [tilespmem:s31+$0xFFFFFE70];
	v9 =	vmul.f32 $8.000000000e+00, v48;
	[tilespmem:v47+s21+$0x0] =	vst.idx.msk $0xffff, v3  }
0x46f: {  	v48 =	vld [tilespmem:s31+$0xFFFFFEB0];
	v3 =	vadd.f32 v7, v36;
	[tilespmem:v49+s21+$0x0] =	vst.idx.msk $0xffff, v0;
	v0 =	vadd.s32 v12, v38  }
0x470: {  	v41 =	vadd.s32 v14, v38;
	v5 =	vld [tilespmem:s31+$0xFFFFFEF0];
	v9 =	vadd.f32 v9, v36;
	v4 =	vmul.f32 $8.000000000e+00, v4  }
0x471: {  	v56 =	vadd.s32 v51, v38;
	v2 =	vadd.s32 v53, v38;
	v40 =	vld [tilespmem:s31+$0xFFFFFF30];
	[tilespmem:v50+s21+$0x0] =	vst.idx.msk $0xffff, v3  }
0x472: {  	v12 =	vadd.s32 v15, v38;
	v3 =	vmul.f32 $8.000000000e+00, v11;
	v50 =	vld [tilespmem:s31+$0xFFFFFF70];
	[tilespmem:v52+s21+$0x0] =	vst.idx.msk $0xffff, v9;
	v4 =	vadd.f32 v4, v34  }
0x473: {  	v39 =	vadd.s32 v27, v38;
	v10 =	vadd.s32 v16, v38;
	v51 =	vmul.f32 $8.000000000e+00, v55;
	v52 =	vld [tilespmem:s31+$0xFFFFFFB0];
	[tilespmem:$0x1FCD0] =	vst v12  }
0x474: {  	v3 =	vadd.f32 v3, v34;
	[tilespmem:v0+s21+$0x0] =	vst.idx.msk $0xffff, v4;
	v0 =	vadd.s32 v19, v38  }
0x475: {  	v49 =	vadd.s32 v43, v38;
	v53 =	vmul.f32 $8.000000000e+00, v48;
	v8 =	vadd.f32 v51, v34;
	[tilespmem:$0x1FCE0] =	vst v0  }
0x476: {  	s13 =	simm.s32 $0x8;
	s1 =	simm.s32 $0xD9F0;
	v46 =	vadd.s32 v30, v38;
	v45 =	vadd.s32 v54, v38;
	v5 =	vmul.f32 $8.000000000e+00, v5;
	[tilespmem:v2+s21+$0x0] =	vst.idx.msk $0xffff, v3  }
0x477: {  	v9 =	vadd.s32 v32, v38;
	v0 =	vadd.f32 v53, v34;
	[tilespmem:v56+s21+$0x0] =	vst.idx.msk $0xffff, v8;
	v56 =	vmov s13;
	v48 =	vld [tilespmem:s1+$0xFFFFFE10]  }
0x478: {  	v44 =	vmovc v54;
	v5 =	vadd.f32 v5, v34;
	v55 =	vmul.f32 $8.000000000e+00, v50;
	v54 =	vld [tilespmem:s31+$0xFFFFFE40];
	v7 =	vshrl.u32 v56, $0x3  }
0x479: {  	v2 =	vmul.f32 $8.000000000e+00, v40;
	v47 =	vld [tilespmem:s1+$0xFFFFFFD0];
	v40 =	vadd.s32 v26, v38;
	v7 =	vshll.u32 v7, $0x3  }
0x47a: {  	[tilespmem:v49+s21+$0x0] =	vst.idx.msk $0xffff, v0;
	v6 =	vadd.f32 v55, v34;
	v49 =	vadd.s32 v13, v38;
	v38 =	vbroadcast v7, $0x0;
	v7 =	vld [tilespmem:s1+$0xFFFFFE50]  }
0x47b: {  	[tilespmem:v45+s21+$0x0] =	vst.idx.msk $0xffff, v5;
	v0 =	vadd.f32 v2, v34  }
0x47c: {  	v50 =	vld [tilespmem:s1+$0xFFFFFE90];
	v2 =	vmul.f32 $8.000000000e+00, v52;
	[tilespmem:v10+s21+$0x0] =	vst.idx.msk $0xffff, v6;
	v51 =	vadd.s32 v20, v38  }
0x47d: {  	[tilespmem:v46+s21+$0x0] =	vst.idx.msk $0xffff, v0;
	v5 =	vmul.f32 $8.000000000e+00, v48;
	v4 =	vmul.f32 $8.000000000e+00, v54;
	v54 =	vadd.s32 v21, v38  }
0x47e: {  	v28 =	vmovc v61;
	v52 =	vadd.s32 v25, v38;
	v56 =	vadd.s32 v61, v38;
	v47 =	vmul.f32 $8.000000000e+00, v47;
	v61 =	vld [tilespmem:$0x1FE80]  }
0x47f: {  	v29 =	vmovc v20;
	v20 =	vmov v21;
	v21 =	vld [tilespmem:s1+$0xFFFFFF10];
	v5 =	vadd.f32 v5, v35;
	v0 =	vmul.f32 $8.000000000e+00, v7  }
0x480: {  	v12 =	vmov v60;
	v47 =	vadd.f32 v47, v35  }
0x481: {  	v55 =	vadd.s32 v60, v38;
	v60 =	vmul.f32 $8.000000000e+00, v50;
	v0 =	vadd.f32 v0, v35;
	[tilespmem:v51+s21+$0x0] =	vst.idx.msk $0xffff, v5  }
0x482: {  	v53 =	vld [tilespmem:s1+$0xFFFFFED0];
	[tilespmem:v54+s21+$0x0] =	vst.idx.msk $0xffff, v47  }
0x483: {  	v5 =	vadd.f32 v60, v35;
	v60 =	vld [tilespmem:$0x1FEC0];
	[tilespmem:v52+s21+$0x0] =	vst.idx.msk $0xffff, v0  }
0x484: {  	v18 =	vmovc v59;
	v46 =	vadd.s32 v59, v38;
	v59 =	vadd.s32 v61, v38;
	v61 =	vmul.f32 $8.000000000e+00, v21;
	v21 =	vld [tilespmem:$0x1FF00];
	_ =	sdelay $0x2  }
0x485: {  	v3 =	vld [tilespmem:s31+$0x0]  }
0x486: {  	v48 =	vld [tilespmem:s1+$0xFFFFFF50];
	[tilespmem:v55+s21+$0x0] =	vst.idx.msk $0xffff, v5  }
0x487: {  	v53 =	vmul.f32 $8.000000000e+00, v53;
	v52 =	vadd.s32 v21, v38;
	v21 =	vld [tilespmem:$0x1FF40]  }
0x488: {  	v50 =	vld [tilespmem:s31+$0xFFFFFF00]  }
0x489: {  	v24 =	vmov v25;
	v7 =	vld [tilespmem:s1+$0xFFFFFF90];
	v0 =	vadd.f32 v53, v35  }
0x48a: {  	v17 =	vmovc v63;
	v45 =	vadd.s32 v63, v38;
	v25 =	vmovc v14;
	v14 =	vmov v57;
	v63 =	vadd.s32 v57, v38;
	v57 =	vld [tilespmem:s1+$0xFFFFFE20]  }
0x48b: {  	v51 =	vld [tilespmem:s1+$0xFFFFFFE0];
	[tilespmem:v56+s21+$0x0] =	vst.idx.msk $0xffff, v0  }
0x48c: {  	v55 =	vadd.s32 v21, v38;
	v21 =	vmov v13;
	v13 =	vld [tilespmem:$0x1FF70]  }
0x48d: {  	v48 =	vmul.f32 $8.000000000e+00, v48;
	v53 =	vld [tilespmem:s1+$0xFFFFFE60];
	v47 =	vadd.f32 v61, v35  }
0x48e: {  	v7 =	vmul.f32 $8.000000000e+00, v7;
	v61 =	vld [tilespmem:s1+$0xFFFFFEE0]  }
0x48f: {  	v10 =	vadd.s32 v60, v38;
	v60 =	vld [tilespmem:s1+$0xFFFFFEA0];
	v0 =	vadd.f32 v48, v35;
	[tilespmem:v45+s21+$0x0] =	vst.idx.msk $0xffff, v47  }
0x490: {  	v5 =	vadd.f32 v7, v35;
	v45 =	vmul.f32 $8.000000000e+00, v50;
	v50 =	vld [tilespmem:s1+$0xFFFFFF20]  }
0x491: {  	v7 =	vadd.s32 v62, v38;
	v56 =	vadd.s32 v13, v38;
	v13 =	vmov v62;
	v62 =	vld [tilespmem:$0x1FE50];
	[tilespmem:v63+s21+$0x0] =	vst.idx.msk $0xffff, v0  }
0x492: {  	v2 =	vadd.f32 v2, v34;
	v3 =	vmul.f32 $8.000000000e+00, v3;
	v0 =	vld [tilespmem:$0x1FFB0]  }
0x493: {  	v6 =	vadd.s32 v58, v38;
	v47 =	vadd.s32 v43, v38;
	v43 =	vmul.f32 $8.000000000e+00, v61;
	v63 =	vld [tilespmem:$0x1FE90]  }
0x494: {  	v3 =	vadd.f32 v3, v33;
	v48 =	vmul.f32 $8.000000000e+00, v51;
	v51 =	vmul.f32 $8.000000000e+00, v57;
	[tilespmem:v46+s21+$0x0] =	vst.idx.msk $0xffff, v5;
	v5 =	vld [tilespmem:s1+$0xFFFFFF60]  }
0x495: {  	v61 =	vadd.f32 v43, v36;
	[tilespmem:v9+s21+$0x0] =	vst.idx.msk $0xffff, v2;
	v2 =	vmul.f32 $8.000000000e+00, v53;
	v9 =	vld [tilespmem:s1+$0xFFFFFFA0]  }
0x496: {  	v46 =	vadd.s32 v44, v38;
	[tilespmem:v49+s21+$0x0] =	vst.idx.msk $0xffff, v3;
	v3 =	vadd.f32 v51, v36;
	v44 =	vmul.f32 $8.000000000e+00, v60  }
0x497: {  	v53 =	vadd.f32 v48, v36;
	[tilespmem:v52+s21+$0x0] =	vst.idx.msk $0xffff, v61  }
0x498: {  	v2 =	vadd.f32 v2, v36;
	[tilespmem:v6+s21+$0x0] =	vst.idx.msk $0xffff, v3;
	v3 =	vadd.f32 v44, v36;
	v44 =	vmul.f32 $8.000000000e+00, v50  }
0x499: {  	[tilespmem:v7+s21+$0x0] =	vst.idx.msk $0xffff, v53;
	v0 =	vadd.s32 v0, v38;
	v5 =	vmul.f32 $8.000000000e+00, v5  }
0x49a: {  	[tilespmem:v59+s21+$0x0] =	vst.idx.msk $0xffff, v2;
	v6 =	vadd.f32 v44, v36;
	v9 =	vmul.f32 $8.000000000e+00, v9  }
0x49b: {  	[tilespmem:v10+s21+$0x0] =	vst.idx.msk $0xffff, v3;
	v5 =	vadd.f32 v5, v36  }
0x49c: {  	[tilespmem:v55+s21+$0x0] =	vst.idx.msk $0xffff, v6;
	v9 =	vadd.f32 v9, v36  }
0x49d: {  	v55 =	vld [tilespmem:$0x1FFF0];
	[tilespmem:v56+s21+$0x0] =	vst.idx.msk $0xffff, v5  }
0x49e: {  	v8 =	vld [tilespmem:s31+$0xFFFFFE80];
	[tilespmem:v0+s21+$0x0] =	vst.idx.msk $0xffff, v9  }
0x49f: {  	v9 =	vld [tilespmem:$0x1FCD0]  }
0x4a0: {  	v11 =	vld [tilespmem:s31+$0xFFFFFEC0]  }
0x4a1: {  	v22 =	vmov v58;
	v58 =	vld [tilespmem:s31+$0xFFFFFF80]  }
0x4a2: {  	v54 =	vld [tilespmem:s31+$0xFFFFFF40]  }
0x4a3: {  	v7 =	vld [tilespmem:s31+$0xFFFFFFC0]  }
0x4a4: {  	v8 =	vmul.f32 $8.000000000e+00, v8;
	v51 =	vld [tilespmem:s1+$0xFFFFFFF0]  }
0x4a5: {  	v4 =	vadd.f32 v4, v33;
	v2 =	vld [tilespmem:s1+$0xFFFFFE30]  }
0x4a6: {  	v11 =	vmul.f32 $8.000000000e+00, v11;
	v8 =	vadd.f32 v8, v33;
	v43 =	vadd.s32 v15, v38;
	v3 =	vld [tilespmem:s1+$0xFFFFFE70]  }
0x4a7: {  	v58 =	vmul.f32 $8.000000000e+00, v58;
	v48 =	vadd.s32 v30, v38;
	v49 =	vadd.s32 v16, v38;
	v10 =	vld [tilespmem:s1+$0xFFFFFEB0];
	[tilespmem:v9+s21+$0x0] =	vst.idx.msk $0xffff, v4  }
0x4a8: {  	v52 =	vadd.f32 v45, v33;
	v62 =	vadd.s32 v62, v38;
	v60 =	vadd.s32 v55, v38;
	v9 =	vld [tilespmem:$0x1FCE0]  }
0x4a9: {  	v57 =	vadd.s32 v63, v38;
	v63 =	vmul.f32 $8.000000000e+00, v54;
	v6 =	vld [tilespmem:s1+$0xFFFFFEF0];
	v61 =	vmul.f32 $8.000000000e+00, v51  }
0x4aa: {  	v50 =	vadd.s32 v32, v38;
	v44 =	vadd.s32 v19, v38;
	v5 =	vld [tilespmem:s1+$0xFFFFFF30];
	v0 =	vmul.f32 $8.000000000e+00, v2  }
0x4ab: {  	v53 =	vadd.f32 v63, v33;
	v2 =	vld [tilespmem:s1+$0xFFFFFF70];
	v3 =	vmul.f32 $8.000000000e+00, v3;
	v63 =	vadd.f32 v61, v34  }
0x4ac: {  	v54 =	vadd.f32 v11, v33;
	v7 =	vmul.f32 $8.000000000e+00, v7;
	v0 =	vadd.f32 v0, v34  }
0x4ad: {  	v51 =	vadd.f32 v58, v33;
	v3 =	vadd.f32 v3, v34;
	[tilespmem:v60+s21+$0x0] =	vst.idx.msk $0xffff, v63  }
0x4ae: {  	v45 =	vadd.f32 v7, v33;
	v10 =	vmul.f32 $8.000000000e+00, v10;
	v58 =	vld [tilespmem:s1+$0xFFFFFFB0];
	v11 =	vmul.f32 $8.000000000e+00, v6;
	[tilespmem:v62+s21+$0x0] =	vst.idx.msk $0xffff, v0  }
0x4af: {  	v56 =	vadd.s32 v27, v38;
	v55 =	vadd.s32 v23, v38;
	v61 =	vmul.f32 $8.000000000e+00, v5;
	[tilespmem:v57+s21+$0x0] =	vst.idx.msk $0xffff, v3;
	v59 =	vld [tilespmem:s1+$0x0]  }
0x4b0: {  	s6 =	simm.s32 $0xD9F0;
	v60 =	vadd.f32 v10, v34;
	v62 =	vadd.f32 v11, v34;
	v63 =	vmul.f32 $8.000000000e+00, v2;
	v57 =	vld [tilespmem:s1+$0xFFFFFE40];
	[tilespmem:v9+s21+$0x0] =	vst.idx.msk $0xffff, v8  }
.LBB2_20:
0x4b1: {  	v0 =	vld [tilespmem:s1+$0xFFFFFE80];
	s1 =	sadd.s32 $0x200, s1  }
0x4b2: {  	v9 =	vmov v39;
	v10 =	vld [tilespmem:s1+$0xFFFFFFD0]  }
0x4b3: {  	s13 =	sadd.s32 $0x8, s13;
	[tilespmem:v47+s21+$0x0] =	vst.idx.msk $0xffff, v60;
	v2 =	vadd.f32 v61, v34;
	v11 =	vld [tilespmem:s1+$0xFFFFFE10]  }
0x4b4: {  	v3 =	vadd.s32 v31, v38;
	v5 =	vmov s13;
	[tilespmem:v46+s21+$0x0] =	vst.idx.msk $0xffff, v62;
	v7 =	vadd.f32 v63, v34;
	v60 =	vld [tilespmem:s1+$0xFFFFFE50]  }
0x4b5: {  	v8 =	vadd.s32 v25, v38;
	v63 =	vadd.s32 v21, v38;
	v6 =	vld [tilespmem:s6+$0xFFFFFEC0];
	v5 =	vshrl.u32 v5, $0x3;
	[tilespmem:v48+s21+$0x0] =	vst.idx.msk $0xffff, v2  }
0x4b6: {  	v61 =	vld [tilespmem:s1+$0xFFFFFED0];
	v5 =	vshll.u32 v5, $0x3;
	[tilespmem:v49+s21+$0x0] =	vst.idx.msk $0xffff, v7;
	v4 =	vmul.f32 $8.000000000e+00, v58;
	v49 =	vmul.f32 $8.000000000e+00, v59  }
0x4b7: {  	v39 =	vmovc v56;
	v7 =	vadd.s32 v26, v38;
	v38 =	vbroadcast v5, $0x0;
	v56 =	vmul.f32 $8.000000000e+00, v57;
	v57 =	vld [tilespmem:s1+$0xFFFFFF10];
	[tilespmem:v9+s21+$0x0] =	vst.idx.msk $0xffff, v52  }
0x4b8: {  	[tilespmem:v42+s21+$0x0] =	vst.idx.msk $0xffff, v53;
	v2 =	vadd.f32 v4, v34;
	v42 =	vld [tilespmem:s6+$0xFFFFFF00]  }
0x4b9: {  	v46 =	vadd.f32 v49, v33;
	v62 =	vadd.s32 v20, v38;
	v5 =	vmul.f32 $8.000000000e+00, v60;
	v60 =	vld [tilespmem:$0x1FE80]  }
0x4ba: {  	v10 =	vmul.f32 $8.000000000e+00, v10;
	[tilespmem:v50+s21+$0x0] =	vst.idx.msk $0xffff, v2;
	v2 =	vld [tilespmem:s1+$0xFFFFFE90]  }
0x4bb: {  	[tilespmem:v63+s21+$0x0] =	vst.idx.msk $0xffff, v46;
	v46 =	vld [tilespmem:s1+$0xFFFFFF50]  }
0x4bc: {  	v47 =	vadd.s32 v29, v38;
	v10 =	vadd.f32 v10, v35;
	[tilespmem:v41+s21+$0x0] =	vst.idx.msk $0xffff, v51;
	v41 =	vld [tilespmem:$0x1FFB0]  }
0x4bd: {  	[tilespmem:v37+s21+$0x0] =	vst.idx.msk $0xffff, v54;
	v37 =	vmov v55;
	v55 =	vadd.s32 v28, v38;
	v63 =	vmul.f32 $8.000000000e+00, v11;
	v9 =	vld [tilespmem:s1+$0xFFFFFF90]  }
0x4be: {  	v48 =	vadd.s32 v24, v38;
	v61 =	vmul.f32 $8.000000000e+00, v61;
	[tilespmem:v62+s21+$0x0] =	vst.idx.msk $0xffff, v10;
	v10 =	vld [tilespmem:s6+$0xFFFFFF40]  }
0x4bf: {  	v4 =	vadd.f32 v63, v35;
	v62 =	vld [tilespmem:$0x1FEC0]  }
0x4c0: {  	v54 =	vadd.s32 v12, v38;
	v51 =	vadd.s32 v60, v38;
	v60 =	vadd.f32 v61, v35;
	v61 =	vld [tilespmem:$0x1FF00]  }
0x4c1: {  	v5 =	vadd.f32 v5, v35;
	[tilespmem:v47+s21+$0x0] =	vst.idx.msk $0xffff, v4;
	v49 =	vld [tilespmem:s1+$0xFFFFFFE0];
	v2 =	vmul.f32 $8.000000000e+00, v2  }
0x4c2: {  	v50 =	vld [tilespmem:s1+$0xFFFFFE20];
	[tilespmem:v55+s21+$0x0] =	vst.idx.msk $0xffff, v60  }
0x4c3: {  	v11 =	vadd.s32 v17, v38;
	v63 =	vmul.f32 $8.000000000e+00, v57;
	[tilespmem:v48+s21+$0x0] =	vst.idx.msk $0xffff, v5;
	v59 =	vld [tilespmem:s1+$0xFFFFFEE0];
	v2 =	vadd.f32 v2, v35  }
0x4c4: {  	v4 =	vadd.s32 v62, v38;
	v62 =	vmul.f32 $8.000000000e+00, v46;
	v46 =	vld [tilespmem:s1+$0xFFFFFE60]  }
0x4c5: {  	v52 =	vadd.s32 v18, v38;
	[tilespmem:v54+s21+$0x0] =	vst.idx.msk $0xffff, v2;
	v2 =	vadd.f32 v63, v35;
	v63 =	vld [tilespmem:$0x1FF40]  }
0x4c6: {  	v9 =	vmul.f32 $8.000000000e+00, v9;
	v47 =	vadd.f32 v62, v35;
	v62 =	vld [tilespmem:$0x1FF70]  }
0x4c7: {  	v5 =	vadd.s32 v41, v38;
	v41 =	vmul.f32 $8.000000000e+00, v49;
	v49 =	vmul.f32 $8.000000000e+00, v50;
	v50 =	vld [tilespmem:$0x1FED0]  }
0x4c8: {  	v58 =	vadd.s32 v14, v38;
	[tilespmem:v11+s21+$0x0] =	vst.idx.msk $0xffff, v2;
	v2 =	vadd.f32 v9, v35;
	v11 =	vmul.f32 $8.000000000e+00, v42;
	v42 =	vld [tilespmem:$0x1FE90]  }
0x4c9: {  	v57 =	vadd.s32 v61, v38;
	v61 =	vld [tilespmem:s1+$0xFFFFFF20]  }
0x4ca: {  	v9 =	vadd.s32 v13, v38;
	[tilespmem:v52+s21+$0x0] =	vst.idx.msk $0xffff, v2;
	v52 =	vld [tilespmem:$0x1FF10]  }
0x4cb: {  	v54 =	vadd.s32 v63, v38;
	v63 =	vld [tilespmem:$0x1FE50]  }
0x4cc: {  	v53 =	vadd.s32 v22, v38;
	v48 =	vld [tilespmem:s1+$0xFFFFFEA0];
	v2 =	vmul.f32 $8.000000000e+00, v46  }
0x4cd: {  	[tilespmem:v58+s21+$0x0] =	vst.idx.msk $0xffff, v47;
	v47 =	vadd.s32 v50, v38;
	v50 =	vadd.f32 v41, v36  }
0x4ce: {  	v58 =	vld [tilespmem:s1+$0xFFFFFF60];
	v55 =	vadd.s32 v62, v38;
	v2 =	vadd.f32 v2, v36;
	v62 =	vadd.s32 v42, v38  }
0x4cf: {  	v0 =	vmul.f32 $8.000000000e+00, v0;
	v42 =	vmovc v3;
	v3 =	vmul.f32 $8.000000000e+00, v59;
	[tilespmem:v9+s21+$0x0] =	vst.idx.msk $0xffff, v50;
	v46 =	vadd.s32 v52, v38;
	v52 =	vld [tilespmem:s1+$0xFFFFFFA0]  }
0x4d0: {  	v61 =	vmul.f32 $8.000000000e+00, v61;
	[tilespmem:v40+s21+$0x0] =	vst.idx.msk $0xffff, v45;
	v40 =	vadd.f32 v49, v36;
	v60 =	vadd.s32 v63, v38;
	v63 =	vld [tilespmem:s6+$0xFFFFFF80]  }
0x4d1: {  	v41 =	vmov v8;
	[tilespmem:v51+s21+$0x0] =	vst.idx.msk $0xffff, v2;
	v45 =	vmul.f32 $8.000000000e+00, v48;
	v2 =	vadd.f32 v3, v36;
	v8 =	vld [tilespmem:s6+$0xFFFFFFC0]  }
0x4d2: {  	v0 =	vadd.f32 v0, v33;
	v51 =	vadd.f32 v61, v36;
	v61 =	vld [tilespmem:$0x1FFF0];
	[tilespmem:v53+s21+$0x0] =	vst.idx.msk $0xffff, v40  }
0x4d3: {  	v50 =	vadd.s32 v32, v38;
	v3 =	vmul.f32 $8.000000000e+00, v58;
	v9 =	vadd.f32 v45, v36;
	v53 =	vld [tilespmem:s1+$0xFFFFFFF0];
	[tilespmem:v57+s21+$0x0] =	vst.idx.msk $0xffff, v2  }
0x4d4: {  	v6 =	vmul.f32 $8.000000000e+00, v6;
	v48 =	vadd.s32 v30, v38;
	v45 =	vadd.f32 v56, v33;
	v59 =	vld [tilespmem:s1+$0xFFFFFE30];
	[tilespmem:v54+s21+$0x0] =	vst.idx.msk $0xffff, v51  }
0x4d5: {  	v49 =	vadd.s32 v16, v38;
	v2 =	vadd.f32 v3, v36;
	v40 =	vmov v7;
	v7 =	vld [tilespmem:s1+$0xFFFFFE70];
	[tilespmem:v4+s21+$0x0] =	vst.idx.msk $0xffff, v9  }
0x4d6: {  	v10 =	vmul.f32 $8.000000000e+00, v10;
	v57 =	vld [tilespmem:s1+$0xFFFFFEF0];
	v54 =	vadd.f32 v6, v33;
	[tilespmem:v43+s21+$0x0] =	vst.idx.msk $0xffff, v45;
	v43 =	vadd.s32 v15, v38  }
0x4d7: {  	[tilespmem:v44+s21+$0x0] =	vst.idx.msk $0xffff, v0;
	v44 =	vadd.s32 v19, v38;
	v52 =	vmul.f32 $8.000000000e+00, v52;
	v56 =	vld [tilespmem:s1+$0xFFFFFEB0];
	v9 =	vadd.s32 v61, v38  }
0x4d8: {  	[tilespmem:v55+s21+$0x0] =	vst.idx.msk $0xffff, v2;
	v55 =	vadd.s32 v23, v38;
	v3 =	vmul.f32 $8.000000000e+00, v63;
	v61 =	vld [tilespmem:s1+$0xFFFFFF30];
	v2 =	vmul.f32 $8.000000000e+00, v53  }
0x4d9: {  	p0 =	slt.u32 s13, $0x78;
	v58 =	vadd.f32 v52, v36;
	v52 =	vadd.f32 v11, v33;
	v11 =	vld [tilespmem:s1+$0xFFFFFF70];
	v63 =	vmul.f32 $8.000000000e+00, v59  }
.Ltmp9:
0x4da: {  	v51 =	vadd.f32 v3, v33;
	v3 =	vmul.f32 $8.000000000e+00, v7;
	v2 =	vadd.f32 v2, v34;
	(pc) =	sbr.rel @p0 .LBB2_20-.Ltmp9, $4  }
0x4db: {  	v8 =	vmul.f32 $8.000000000e+00, v8;
	v53 =	vadd.f32 v10, v33;
	[tilespmem:v5+s21+$0x0] =	vst.idx.msk $0xffff, v58;
	v59 =	vadd.f32 v63, v34  }
0x4dc: {  	v58 =	vld [tilespmem:s1+$0xFFFFFFB0];
	v63 =	vmul.f32 $8.000000000e+00, v56;
	v0 =	vadd.f32 v3, v34;
	v3 =	vmul.f32 $8.000000000e+00, v57;
	[tilespmem:v9+s21+$0x0] =	vst.idx.msk $0xffff, v2  }
0x4dd: {  	v45 =	vadd.f32 v8, v33;
	v56 =	vadd.s32 v27, v38;
	v61 =	vmul.f32 $8.000000000e+00, v61;
	[tilespmem:v60+s21+$0x0] =	vst.idx.msk $0xffff, v59;
	v59 =	vld [tilespmem:s1+$0x0]  }
0x4de: {  	s6 =	smov.u32 s1;
	v60 =	vadd.f32 v63, v34;
	v63 =	vmul.f32 $8.000000000e+00, v11;
	v57 =	vld [tilespmem:s1+$0xFFFFFE40];
	[tilespmem:v62+s21+$0x0] =	vst.idx.msk $0xffff, v0;
	v62 =	vadd.f32 v3, v34  }
0x4df: {  	_ =	sdelay $0x3  }
0x4e0: {  	v0 =	vadd.f32 v61, v34;
	[tilespmem:v37+s21+$0x0] =	vst.idx.msk $0xffff, v54  }
0x4e1: {  	[tilespmem:v47+s21+$0x0] =	vst.idx.msk $0xffff, v60;
	v3 =	vadd.f32 v63, v34;
	v2 =	vmul.f32 $8.000000000e+00, v58  }
0x4e2: {  	v4 =	vadd.s32 v21, v38;
	v5 =	vld [tilespmem:s1+$0xFFFFFE80];
	[tilespmem:v48+s21+$0x0] =	vst.idx.msk $0xffff, v0  }
0x4e3: {  	[tilespmem:v49+s21+$0x0] =	vst.idx.msk $0xffff, v3;
	v3 =	vld [tilespmem:s6+$0xFFFFFEC0];
	v0 =	vadd.f32 v2, v34;
	v2 =	vmul.f32 $8.000000000e+00, v59  }
0x4e4: {  	[tilespmem:v46+s21+$0x0] =	vst.idx.msk $0xffff, v62  }
0x4e5: {  	v6 =	vld [tilespmem:s6+$0xFFFFFF80];
	[tilespmem:v50+s21+$0x0] =	vst.idx.msk $0xffff, v0;
	v0 =	vadd.f32 v2, v33  }
0x4e6: {  	[tilespmem:v39+s21+$0x0] =	vst.idx.msk $0xffff, v52;
	v2 =	vld [tilespmem:s6+$0xFFFFFF00]  }
0x4e7: {  	v5 =	vmul.f32 $8.000000000e+00, v5;
	[tilespmem:v4+s21+$0x0] =	vst.idx.msk $0xffff, v0;
	v0 =	vld [tilespmem:s6+$0xFFFFFF40]  }
0x4e8: {  	[tilespmem:v42+s21+$0x0] =	vst.idx.msk $0xffff, v53;
	v7 =	vld [tilespmem:s6+$0xFFFFFFC0];
	v3 =	vmul.f32 $8.000000000e+00, v3  }
0x4e9: {  	[tilespmem:v41+s21+$0x0] =	vst.idx.msk $0xffff, v51;
	v9 =	vadd.s32 v25, v38;
	v61 =	vmul.f32 $8.000000000e+00, v57;
	v5 =	vadd.f32 v5, v33  }
0x4ea: {  	[tilespmem:v40+s21+$0x0] =	vst.idx.msk $0xffff, v45;
	v6 =	vmul.f32 $8.000000000e+00, v6;
	v3 =	vadd.f32 v3, v33  }
0x4eb: {  	v8 =	vadd.s32 v31, v38;
	v4 =	vadd.f32 v61, v33;
	[tilespmem:v44+s21+$0x0] =	vst.idx.msk $0xffff, v5;
	v2 =	vmul.f32 $8.000000000e+00, v2  }
0x4ec: {  	v62 =	vadd.s32 v26, v38;
	[tilespmem:v55+s21+$0x0] =	vst.idx.msk $0xffff, v3;
	v3 =	vadd.f32 v6, v33;
	v0 =	vmul.f32 $8.000000000e+00, v0  }
0x4ed: {  	[tilespmem:v43+s21+$0x0] =	vst.idx.msk $0xffff, v4;
	v63 =	vmul.f32 $8.000000000e+00, v7;
	v2 =	vadd.f32 v2, v33  }
0x4ee: {  	s6 =	sshll.u32 s30, $0x14;
	[tilespmem:v9+s21+$0x0] =	vst.idx.msk $0xffff, v3;
	v0 =	vadd.f32 v0, v33  }
0x4ef: {  	s1 =	sor.u32 s10, s6;
	[tilespmem:v56+s21+$0x0] =	vst.idx.msk $0xffff, v2;
	v2 =	vadd.f32 v63, v33  }
0x4f0: {  	s1 =	sshrl.u32 s1, $0x3;
	[tilespmem:v8+s21+$0x0] =	vst.idx.msk $0xffff, v0  }
0x4f1: {  	s7 =	simm.s32 $0x13600;
	s6 =	sadd.s32 s2, s1;
	[tilespmem:v62+s21+$0x0] =	vst.idx.msk $0xffff, v2  }
0x4f2: {  	[hbm4b:s6+s3] =	stream.linear.scatter [tilespmem:s7], [sflag:$0x3], $0x80, $0x38;
	[tilespmem:$0x1BE00] =	vst v63  }
0x4f3: {  	s8 =	simm.s32 $0x13688;
	s7 =	sadd.s32 $0x10, s6  }
0x4f4: {  	[hbm4b:s7+s3] =	stream.linear.scatter [tilespmem:s8], [sflag:$0x3], $0x80, $0x38;
	[tilespmem:$0x1BE00] =	vst v63  }
0x4f5: {  	s12 =	simm.s32 $0x13710;
	s16 =	simm.s32 $0x13798;
	s13 =	sadd.s32 $0x20, s6  }
0x4f6: {  	[hbm4b:s13+s3] =	stream.linear.scatter [tilespmem:s12], [sflag:$0x3], $0x80, $0x38;
	[tilespmem:$0x1BE00] =	vst v63  }
0x4f7: {  	s1 =	simm.s32 $0x440;
	s31 =	sadd.s32 $0x30, s6;
	s7 =	simm.s32 $0x13820  }
0x4f8: {  	[hbm4b:s31+s3] =	stream.linear.scatter [tilespmem:s16], [sflag:$0x3], $0x80, $0x38;
	[tilespmem:$0x1BE00] =	vst v63  }
0x4f9: {  	s8 =	sadd.s32 $0x40, s6;
	s12 =	simm.s32 $0x138A8;
	s13 =	sadd.s32 $0x50, s6  }
0x4fa: {  	[hbm4b:s8+s3] =	stream.linear.scatter [tilespmem:s7], [sflag:$0x3], $0x80, $0x38;
	[tilespmem:$0x1BE00] =	vst v63  }
0x4fb: {  	s16 =	simm.s32 $0x13930;
	s31 =	sadd.s32 $0x60, s6;
	s8 =	simm.s32 $0x139B8  }
0x4fc: {  	[hbm4b:s13+s3] =	stream.linear.scatter [tilespmem:s12], [sflag:$0x3], $0x80, $0x38;
	[tilespmem:$0x1BE00] =	vst v63  }
0x4fd: {  	s13 =	simm.s32 $0x2200;
	s12 =	sadd.s32 $0x70, s6;
	s6 =	sadd.s32 $0x1000, s6  }
0x4fe: {  	v15 =	vmov v26;
	v26 =	vmov v21;
	[hbm4b:s31+s3] =	stream.linear.scatter [tilespmem:s16], [sflag:$0x3], $0x80, $0x38;
	[tilespmem:$0x1BE00] =	vst v63  }
.LBB2_22:
0x4ff: {  	[hbm4b:s12+s3] =	stream.linear.scatter [tilespmem:s8], [sflag:$0x3], $0x80, $0x38;
	[tilespmem:$0x1BE00] =	vst v63  }
0x500: {  	s7 =	smov.u32 s1;
	s1 =	smov.u32 s13  }
0x501: {  	s16 =	sadd.s32 $0x1100, s13;
	s1 =	sshra.s32 s1, $0x2;
	s8 =	sadd.s32 $0x13600, s7  }
0x502: {  	[hbm4b:s6+s3] =	stream.linear.scatter [tilespmem:s8], [sflag:$0x3], $0x80, $0x38;
	[tilespmem:$0x1BE00] =	vst v63  }
0x503: {  	p0 =	sne.s32 s13, $0xFF00;
	s12 =	sadd.s32 $0x10, s6;
	s8 =	sadd.s32 $0x13688, s7  }
0x504: {  	[hbm4b:s12+s3] =	stream.linear.scatter [tilespmem:s8], [sflag:$0x3], $0x80, $0x38;
	[tilespmem:$0x1BE00] =	vst v63  }
0x505: {  	s8 =	sadd.s32 $0x13710, s7;
	s12 =	sadd.s32 $0x20, s6  }
0x506: {  	[hbm4b:s12+s3] =	stream.linear.scatter [tilespmem:s8], [sflag:$0x3], $0x80, $0x38;
	[tilespmem:$0x1BE00] =	vst v63  }
0x507: {  	s8 =	sadd.s32 $0x13798, s7;
	s12 =	sadd.s32 $0x30, s6  }
0x508: {  	[hbm4b:s12+s3] =	stream.linear.scatter [tilespmem:s8], [sflag:$0x3], $0x80, $0x38;
	[tilespmem:$0x1BE00] =	vst v63  }
0x509: {  	s8 =	sadd.s32 $0x13820, s7;
	s12 =	sadd.s32 $0x40, s6  }
0x50a: {  	[hbm4b:s12+s3] =	stream.linear.scatter [tilespmem:s8], [sflag:$0x3], $0x80, $0x38;
	[tilespmem:$0x1BE00] =	vst v63  }
.Ltmp10:
0x50b: {  	s8 =	sadd.s32 $0x138A8, s7;
	s12 =	sadd.s32 $0x50, s6;
	(pc) =	sbr.rel @p0 .LBB2_22-.Ltmp10, $4  }
0x50c: {  	[hbm4b:s12+s3] =	stream.linear.scatter [tilespmem:s8], [sflag:$0x3], $0x80, $0x38;
	[tilespmem:$0x1BE00] =	vst v63  }
0x50d: {  	s13 =	smov.u32 s16;
	s8 =	sadd.s32 $0x13930, s7;
	s12 =	sadd.s32 $0x60, s6  }
0x50e: {  	[hbm4b:s12+s3] =	stream.linear.scatter [tilespmem:s8], [sflag:$0x3], $0x80, $0x38;
	[tilespmem:$0x1BE00] =	vst v63  }
0x50f: {  	s8 =	sadd.s32 $0x139B8, s7;
	s12 =	sadd.s32 $0x70, s6;
	s6 =	sadd.s32 $0x1000, s6  }
0x510: {  	[hbm4b:s12+s3] =	stream.linear.scatter [tilespmem:s8], [sflag:$0x3], $0x80, $0x38;
	[tilespmem:$0x1BE00] =	vst v63  }
0x511: {  	s7 =	sadd.s32 $0x13600, s1  }
0x512: {  	[hbm4b:s6+s3] =	stream.linear.scatter [tilespmem:s7], [sflag:$0x3], $0x80, $0x38;
	[tilespmem:$0x1BE00] =	vst v63  }
0x513: {  	s12 =	sadd.s32 $0x13688, s1;
	s13 =	sadd.s32 $0x10, s6  }
0x514: {  	[hbm4b:s13+s3] =	stream.linear.scatter [tilespmem:s12], [sflag:$0x3], $0x80, $0x38;
	[tilespmem:$0x1BE00] =	vst v63  }
0x515: {  	s16 =	sadd.s32 $0x13710, s1;
	s31 =	sadd.s32 $0x20, s6  }
0x516: {  	[hbm4b:s31+s3] =	stream.linear.scatter [tilespmem:s16], [sflag:$0x3], $0x80, $0x38;
	[tilespmem:$0x1BE00] =	vst v63  }
0x517: {  	s12 =	sadd.s32 $0x13798, s1;
	s13 =	sadd.s32 $0x30, s6  }
0x518: {  	[hbm4b:s13+s3] =	stream.linear.scatter [tilespmem:s12], [sflag:$0x3], $0x80, $0x38;
	[tilespmem:$0x1BE00] =	vst v63  }
0x519: {  	s16 =	sadd.s32 $0x13820, s1;
	s31 =	sadd.s32 $0x40, s6  }
0x51a: {  	[hbm4b:s31+s3] =	stream.linear.scatter [tilespmem:s16], [sflag:$0x3], $0x80, $0x38;
	[tilespmem:$0x1BE00] =	vst v63  }
0x51b: {  	s12 =	sadd.s32 $0x138A8, s1;
	s13 =	sadd.s32 $0x50, s6  }
0x51c: {  	[hbm4b:s13+s3] =	stream.linear.scatter [tilespmem:s12], [sflag:$0x3], $0x80, $0x38;
	[tilespmem:$0x1BE00] =	vst v63  }
0x51d: {  	s16 =	sadd.s32 $0x13930, s1;
	s31 =	sadd.s32 $0x60, s6  }
0x51e: {  	[hbm4b:s31+s3] =	stream.linear.scatter [tilespmem:s16], [sflag:$0x3], $0x80, $0x38;
	[tilespmem:$0x1BE00] =	vst v63  }
0x51f: {  	s8 =	sadd.s32 $0x70, s6;
	s7 =	sadd.s32 $0x139B8, s1  }
0x520: {  	[hbm4b:s8+s3] =	stream.linear.scatter [tilespmem:s7], [sflag:$0x3], $0x80, $0x38;
	[tilespmem:$0x1BE00] =	vst v63  }
0x521: {  	_ =	swait.ge [sflag:s26], $0x4000  }
0x522: {  	v54 =	vld [tilespmem:$0x1FFD0]  }
0x523: {  	v21 =	vld [tilespmem:$0x1FE30]  }
0x524: {  	v52 =	vld [tilespmem:$0x1FE70]  }
0x525: {  	v55 =	vld [tilespmem:$0x1FEB0]  }
0x526: {  	s12 =	sshll.u32 s30, $0x2;
	s30 =	simm.s32 $0x0;
	[sflag:s26] =	ssyncset.done $0x0;
	v56 =	vld [tilespmem:$0x1FEF0]  }
0x527: {  	s1 =	sor.u32 $0x2, s12;
	v0 =	vmov s30;
	s31 =	simm.s32 $0xF600;
	v58 =	vld [tilespmem:$0x1FF30];
	[sflag:s26] =	ssyncadd.s32 $0xFFFFC000  }
0x528: {  	s13 =	sshll.u32 s1, $0x6;
	v0 =	vshrl.u32 v0, $0x3;
	v2 =	vld [tilespmem:s31+$0x1C0]  }
0x529: {  	s16 =	sand.u32 $0x3FFFFF80, s13;
	v0 =	vshll.u32 v0, $0x3;
	v3 =	vld [tilespmem:s31+$0x0]  }
0x52a: {  	v38 =	vbroadcast v0, $0x0;
	v35 =	vld [tilespmem:s16+$0x400]  }
0x52b: {  	v0 =	vld [tilespmem:s31+$0x40]  }
0x52c: {  	v36 =	vld [tilespmem:s16+$0x410];
	v6 =	vadd.s32 v54, v38  }
0x52d: {  	v4 =	vld [tilespmem:s31+$0x80];
	v7 =	vadd.s32 v21, v38;
	v2 =	vmul.f32 $8.000000000e+00, v2  }
0x52e: {  	v5 =	vld [tilespmem:s31+$0xC0];
	v3 =	vmul.f32 $8.000000000e+00, v3  }
0x52f: {  	v8 =	vld [tilespmem:s31+$0x100];
	v9 =	vadd.s32 v52, v38;
	v2 =	vadd.f32 v2, v35  }
0x530: {  	v34 =	vld [tilespmem:s16+$0x420];
	v0 =	vmul.f32 $8.000000000e+00, v0;
	v3 =	vadd.f32 v3, v35  }
0x531: {  	v33 =	vld [tilespmem:s16+$0x430];
	v10 =	vadd.s32 v55, v38;
	[tilespmem:v6+s22+$0x0] =	vst.idx.msk $0xffff, v2  }
0x532: {  	v37 =	vadd.s32 v56, v38;
	v4 =	vmul.f32 $8.000000000e+00, v4;
	v0 =	vadd.f32 v0, v35;
	[tilespmem:v7+s22+$0x0] =	vst.idx.msk $0xffff, v3  }
0x533: {  	v40 =	vadd.s32 v58, v38;
	v5 =	vmul.f32 $8.000000000e+00, v5;
	v13 =	vld [tilespmem:$0x1FF60]  }
0x534: {  	v11 =	vld [tilespmem:s31+$0x140];
	v2 =	vadd.f32 v4, v35;
	v3 =	vmul.f32 $8.000000000e+00, v8;
	[tilespmem:v9+s22+$0x0] =	vst.idx.msk $0xffff, v0  }
0x535: {  	v0 =	vadd.f32 v5, v35;
	v60 =	vld [tilespmem:$0x1FFA0]  }
0x536: {  	v39 =	vld [tilespmem:s31+$0x180];
	[tilespmem:v10+s22+$0x0] =	vst.idx.msk $0xffff, v2;
	v2 =	vadd.f32 v3, v35  }
0x537: {  	v59 =	vld [tilespmem:s31+$0x1D0];
	[tilespmem:v37+s22+$0x0] =	vst.idx.msk $0xffff, v0  }
0x538: {  	v7 =	vld [tilespmem:s31+$0x10];
	[tilespmem:v40+s22+$0x0] =	vst.idx.msk $0xffff, v2;
	v32 =	vadd.s32 v13, v38  }
0x539: {  	v43 =	vmul.f32 $8.000000000e+00, v11;
	v27 =	vld [tilespmem:$0x1FFE0]  }
0x53a: {  	v22 =	vld [tilespmem:$0x1FE40];
	v42 =	vadd.s32 v60, v38  }
0x53b: {  	v3 =	vmul.f32 $8.000000000e+00, v39;
	v0 =	vadd.f32 v43, v35;
	v61 =	vld [tilespmem:$0x1FE80]  }
0x53c: {  	v9 =	vld [tilespmem:s31+$0x50]  }
0x53d: {  	v10 =	vld [tilespmem:s31+$0x90];
	v3 =	vadd.f32 v3, v35;
	[tilespmem:v32+s22+$0x0] =	vst.idx.msk $0xffff, v0  }
0x53e: {  	v2 =	vadd.s32 v27, v38;
	v63 =	vld [tilespmem:$0x1FEC0]  }
0x53f: {  	v44 =	vld [tilespmem:s31+$0xD0];
	v4 =	vmul.f32 $8.000000000e+00, v59;
	v45 =	vadd.s32 v22, v38;
	[tilespmem:v42+s22+$0x0] =	vst.idx.msk $0xffff, v3  }
0x540: {  	v47 =	vadd.s32 v61, v38;
	v0 =	vmul.f32 $8.000000000e+00, v7;
	v17 =	vld [tilespmem:$0x1FF00]  }
0x541: {  	v4 =	vadd.f32 v4, v36;
	v3 =	vmul.f32 $8.000000000e+00, v9;
	v19 =	vld [tilespmem:$0x1FF40]  }
0x542: {  	v46 =	vld [tilespmem:s31+$0x110];
	v0 =	vadd.f32 v0, v36  }
0x543: {  	v3 =	vadd.f32 v3, v36;
	[tilespmem:v2+s22+$0x0] =	vst.idx.msk $0xffff, v4;
	v48 =	vadd.s32 v63, v38  }
0x544: {  	v10 =	vmul.f32 $8.000000000e+00, v10;
	v49 =	vld [tilespmem:s31+$0x150];
	[tilespmem:v45+s22+$0x0] =	vst.idx.msk $0xffff, v0  }
0x545: {  	v43 =	vld [tilespmem:$0x1FF70];
	[tilespmem:v47+s22+$0x0] =	vst.idx.msk $0xffff, v3;
	v50 =	vadd.s32 v17, v38  }
0x546: {  	v8 =	vmul.f32 $8.000000000e+00, v44;
	v0 =	vadd.f32 v10, v36;
	v24 =	vld [tilespmem:$0x1FFB0];
	v57 =	vadd.s32 v19, v38  }
0x547: {  	v51 =	vld [tilespmem:s31+$0x190];
	v2 =	vmul.f32 $8.000000000e+00, v46  }
0x548: {  	v4 =	vld [tilespmem:s31+$0x1E0];
	v3 =	vadd.f32 v8, v36;
	[tilespmem:v48+s22+$0x0] =	vst.idx.msk $0xffff, v0  }
0x549: {  	v0 =	vadd.f32 v2, v36;
	v23 =	vld [tilespmem:$0x1FE50]  }
0x54a: {  	v59 =	vadd.s32 v43, v38;
	v62 =	vld [tilespmem:$0x1FE90];
	[tilespmem:v50+s22+$0x0] =	vst.idx.msk $0xffff, v3  }
0x54b: {  	v11 =	vld [tilespmem:s31+$0x20];
	v7 =	vmul.f32 $8.000000000e+00, v49;
	v8 =	vadd.s32 v24, v38;
	[tilespmem:v57+s22+$0x0] =	vst.idx.msk $0xffff, v0  }
0x54c: {  	v9 =	vmul.f32 $8.000000000e+00, v51;
	v14 =	vld [tilespmem:$0x1FFF0]  }
0x54d: {  	v3 =	vadd.f32 v7, v36;
	v20 =	vld [tilespmem:$0x1FED0]  }
0x54e: {  	v9 =	vadd.f32 v9, v36;
	v44 =	vld [tilespmem:$0x1FF10]  }
0x54f: {  	v49 =	vld [tilespmem:$0x1FF50];
	[tilespmem:v59+s22+$0x0] =	vst.idx.msk $0xffff, v3  }
0x550: {  	v59 =	vld [tilespmem:$0x1FF80];
	[tilespmem:v8+s22+$0x0] =	vst.idx.msk $0xffff, v9  }
0x551: {  	v28 =	vld [tilespmem:$0x1FE60]  }
0x552: {  	v53 =	vld [tilespmem:s31+$0x60]  }
0x553: {  	v32 =	vld [tilespmem:s31+$0xA0];
	v0 =	vadd.s32 v14, v38  }
0x554: {  	v4 =	vmul.f32 $8.000000000e+00, v4;
	v5 =	vld [tilespmem:s31+$0xE0]  }
0x555: {  	v40 =	vld [tilespmem:s31+$0x120]  }
0x556: {  	v4 =	vadd.f32 v4, v34;
	v51 =	vld [tilespmem:s31+$0x160];
	v16 =	vadd.s32 v28, v38  }
0x557: {  	v41 =	vld [tilespmem:s31+$0x1A0];
	[tilespmem:$0x1FCB0] =	vst v16  }
0x558: {  	v12 =	vld [tilespmem:$0x1FFC0];
	[tilespmem:v0+s22+$0x0] =	vst.idx.msk $0xffff, v4  }
0x559: {  	v18 =	vld [tilespmem:$0x1FEA0];
	_ =	sdelay $0x1  }
0x55a: {  	v2 =	vadd.s32 v23, v38  }
0x55b: {  	v3 =	vmul.f32 $8.000000000e+00, v11;
	_ =	sdelay $0x1  }
0x55c: {  	v6 =	vadd.s32 v62, v38;
	v3 =	vadd.f32 v3, v34;
	v0 =	vadd.s32 v18, v38  }
0x55d: {  	v53 =	vmul.f32 $8.000000000e+00, v53;
	[tilespmem:$0x1FCC0] =	vst v0  }
0x55e: {  	v29 =	vadd.s32 v26, v38;
	v42 =	vadd.s32 v31, v38;
	[tilespmem:v2+s22+$0x0] =	vst.idx.msk $0xffff, v3;
	v3 =	vld [tilespmem:s31+$0x1F0]  }
0x55f: {  	v8 =	vadd.f32 v53, v34;
	v5 =	vmul.f32 $8.000000000e+00, v5;
	v7 =	vadd.s32 v20, v38;
	v4 =	vld [tilespmem:$0x1FEE0]  }
0x560: {  	s13 =	simm.s32 $0xF800;
	v57 =	vmul.f32 $8.000000000e+00, v32;
	v45 =	vadd.s32 v44, v38;
	v46 =	vadd.s32 v49, v38;
	v32 =	vld [tilespmem:s31+$0x30]  }
0x561: {  	v5 =	vadd.f32 v5, v34;
	v10 =	vadd.s32 v59, v38;
	v47 =	vld [tilespmem:s13+$0x1C0];
	[tilespmem:v6+s22+$0x0] =	vst.idx.msk $0xffff, v8  }
0x562: {  	s16 =	simm.s32 $0x8;
	v53 =	vmul.f32 $8.000000000e+00, v51;
	v0 =	vadd.f32 v57, v34;
	v2 =	vmul.f32 $8.000000000e+00, v40;
	v6 =	vld [tilespmem:$0x1FF20]  }
0x563: {  	v9 =	vadd.s32 v12, v38;
	v57 =	vmov s16;
	v40 =	vadd.s32 v15, v38  }
0x564: {  	v48 =	vld [tilespmem:s13+$0x0];
	[tilespmem:v7+s22+$0x0] =	vst.idx.msk $0xffff, v0;
	v0 =	vadd.f32 v2, v34;
	v2 =	vmul.f32 $8.000000000e+00, v41;
	v41 =	vadd.s32 v25, v38  }
0x565: {  	v8 =	vld [tilespmem:s31+$0x70];
	v7 =	vshrl.u32 v57, $0x3;
	v37 =	vadd.s32 v4, v38;
	v4 =	vmul.f32 $8.000000000e+00, v32  }
0x566: {  	v11 =	vld [tilespmem:s31+$0xB0];
	v7 =	vshll.u32 v7, $0x3;
	v2 =	vadd.f32 v2, v34;
	v3 =	vmul.f32 $8.000000000e+00, v3  }
0x567: {  	v47 =	vmul.f32 $8.000000000e+00, v47;
	v39 =	vadd.s32 v6, v38;
	v38 =	vbroadcast v7, $0x0;
	v7 =	vld [tilespmem:s13+$0x40];
	[tilespmem:$0x1FCA0] =	vst v4  }
0x568: {  	v6 =	vadd.f32 v53, v34;
	v3 =	vadd.f32 v3, v33;
	v50 =	vld [tilespmem:s13+$0x80]  }
0x569: {  	v30 =	vmov v61;
	v47 =	vadd.f32 v47, v35;
	v53 =	vld [tilespmem:s13+$0xC0];
	v54 =	vadd.s32 v54, v38;
	[tilespmem:v45+s22+$0x0] =	vst.idx.msk $0xffff, v5  }
0x56a: {  	v16 =	vmov v63;
	v51 =	vadd.s32 v21, v38;
	v52 =	vadd.s32 v52, v38;
	v57 =	vld [tilespmem:s13+$0x100];
	[tilespmem:v46+s22+$0x0] =	vst.idx.msk $0xffff, v0  }
0x56b: {  	v32 =	vmul.f32 $8.000000000e+00, v48;
	v55 =	vadd.s32 v55, v38;
	v56 =	vadd.s32 v56, v38;
	v48 =	vld [tilespmem:s13+$0x140];
	[tilespmem:v10+s22+$0x0] =	vst.idx.msk $0xffff, v6  }
0x56c: {  	v45 =	vadd.s32 v58, v38;
	v58 =	vadd.s32 v13, v38;
	[tilespmem:v9+s22+$0x0] =	vst.idx.msk $0xffff, v2;
	v0 =	vmul.f32 $8.000000000e+00, v7;
	v7 =	vld [tilespmem:s13+$0x180]  }
0x56d: {  	v46 =	vadd.s32 v60, v38;
	v5 =	vadd.f32 v32, v35;
	[tilespmem:v29+s22+$0x0] =	vst.idx.msk $0xffff, v3;
	v60 =	vmul.f32 $8.000000000e+00, v50  }
0x56e: {  	v4 =	vadd.s32 v61, v38;
	v50 =	vld [tilespmem:s31+$0xF0];
	v0 =	vadd.f32 v0, v35;
	v53 =	vmul.f32 $8.000000000e+00, v53;
	[tilespmem:v54+s22+$0x0] =	vst.idx.msk $0xffff, v47  }
0x56f: {  	v10 =	vadd.s32 v63, v38;
	[tilespmem:v51+s22+$0x0] =	vst.idx.msk $0xffff, v5;
	v63 =	vmul.f32 $8.000000000e+00, v57;
	v51 =	vld [tilespmem:s13+$0x1D0];
	v61 =	vadd.f32 v60, v35  }
0x570: {  	v48 =	vmul.f32 $8.000000000e+00, v48;
	v57 =	vld [tilespmem:s13+$0x10];
	[tilespmem:v52+s22+$0x0] =	vst.idx.msk $0xffff, v0;
	v0 =	vadd.f32 v53, v35  }
0x571: {  	v6 =	vadd.s32 v22, v38;
	v47 =	vadd.f32 v63, v35;
	v53 =	vld [tilespmem:s13+$0x50];
	v7 =	vmul.f32 $8.000000000e+00, v7;
	[tilespmem:v55+s22+$0x0] =	vst.idx.msk $0xffff, v61  }
0x572: {  	v52 =	vadd.s32 v17, v38;
	[tilespmem:v56+s22+$0x0] =	vst.idx.msk $0xffff, v0;
	v0 =	vadd.f32 v48, v35;
	v60 =	vld [tilespmem:s13+$0x90]  }
0x573: {  	v15 =	vmov v19;
	[tilespmem:v45+s22+$0x0] =	vst.idx.msk $0xffff, v47;
	v61 =	vld [tilespmem:s13+$0xD0];
	v5 =	vadd.f32 v7, v35;
	v7 =	vadd.s32 v27, v38  }
0x574: {  	v13 =	vmovc v26;
	v55 =	vadd.s32 v19, v38;
	v45 =	vmul.f32 $8.000000000e+00, v50;
	v50 =	vld [tilespmem:s13+$0x110];
	[tilespmem:v58+s22+$0x0] =	vst.idx.msk $0xffff, v0;
	v48 =	vmul.f32 $8.000000000e+00, v51  }
0x575: {  	v26 =	vmovc v22;
	v19 =	vmov v43;
	v56 =	vadd.s32 v43, v38;
	v43 =	vmul.f32 $8.000000000e+00, v57;
	[tilespmem:v46+s22+$0x0] =	vst.idx.msk $0xffff, v5;
	v5 =	vld [tilespmem:s13+$0x150]  }
0x576: {  	v22 =	vmovc v27;
	v63 =	vadd.s32 v23, v38;
	v27 =	vmovc v23;
	v2 =	vmul.f32 $8.000000000e+00, v53;
	v9 =	vld [tilespmem:s13+$0x190];
	v53 =	vadd.f32 v48, v36  }
0x577: {  	v23 =	vmovc v24;
	v0 =	vadd.s32 v24, v38;
	v24 =	vmovc v44;
	v3 =	vadd.f32 v43, v36;
	v43 =	vmul.f32 $8.000000000e+00, v60  }
0x578: {  	v46 =	vadd.s32 v44, v38;
	v2 =	vadd.f32 v2, v36;
	v44 =	vmul.f32 $8.000000000e+00, v61;
	[tilespmem:v7+s22+$0x0] =	vst.idx.msk $0xffff, v53  }
0x579: {  	[tilespmem:v6+s22+$0x0] =	vst.idx.msk $0xffff, v3;
	v61 =	vmul.f32 $8.000000000e+00, v50;
	v3 =	vadd.f32 v43, v36  }
0x57a: {  	[tilespmem:v4+s22+$0x0] =	vst.idx.msk $0xffff, v2;
	v43 =	vadd.f32 v44, v36;
	v5 =	vmul.f32 $8.000000000e+00, v5  }
0x57b: {  	v6 =	vadd.f32 v61, v36;
	v9 =	vmul.f32 $8.000000000e+00, v9;
	[tilespmem:v10+s22+$0x0] =	vst.idx.msk $0xffff, v3  }
0x57c: {  	v5 =	vadd.f32 v5, v36;
	v4 =	vld [tilespmem:$0x1FCA0];
	[tilespmem:v52+s22+$0x0] =	vst.idx.msk $0xffff, v43  }
0x57d: {  	[tilespmem:v55+s22+$0x0] =	vst.idx.msk $0xffff, v6;
	v9 =	vadd.f32 v9, v36  }
0x57e: {  	[tilespmem:v56+s22+$0x0] =	vst.idx.msk $0xffff, v5  }
0x57f: {  	[tilespmem:v0+s22+$0x0] =	vst.idx.msk $0xffff, v9  }
0x580: {  	v9 =	vld [tilespmem:$0x1FCB0];
	_ =	sdelay $0x5  }
0x581: {  	v25 =	vmov v62;
	v57 =	vadd.s32 v62, v38;
	v62 =	vld [tilespmem:s13+$0x1E0];
	v4 =	vadd.f32 v4, v33  }
0x582: {  	v2 =	vld [tilespmem:s13+$0x20]  }
0x583: {  	[tilespmem:v9+s22+$0x0] =	vst.idx.msk $0xffff, v4  }
0x584: {  	v9 =	vld [tilespmem:$0x1FCC0]  }
0x585: {  	v60 =	vadd.s32 v14, v38  }
0x586: {  	v61 =	vmul.f32 $8.000000000e+00, v62  }
0x587: {  	v0 =	vmul.f32 $8.000000000e+00, v2  }
0x588: {  	v8 =	vmul.f32 $8.000000000e+00, v8;
	v3 =	vld [tilespmem:s13+$0x60];
	v62 =	vadd.f32 v61, v34  }
0x589: {  	v0 =	vadd.f32 v0, v34  }
0x58a: {  	v8 =	vadd.f32 v8, v33;
	v54 =	vld [tilespmem:s31+$0x130];
	[tilespmem:v60+s22+$0x0] =	vst.idx.msk $0xffff, v62  }
0x58b: {  	v58 =	vld [tilespmem:s31+$0x170];
	[tilespmem:v63+s22+$0x0] =	vst.idx.msk $0xffff, v0  }
0x58c: {  	v7 =	vld [tilespmem:s31+$0x1B0];
	[tilespmem:v9+s22+$0x0] =	vst.idx.msk $0xffff, v8  }
0x58d: {  	v3 =	vmul.f32 $8.000000000e+00, v3;
	v0 =	vld [tilespmem:$0x1FEE0]  }
0x58e: {  	v10 =	vld [tilespmem:s13+$0xA0]  }
0x58f: {  	v6 =	vld [tilespmem:s13+$0xE0];
	v3 =	vadd.f32 v3, v34  }
0x590: {  	v31 =	vmovc v20;
	v11 =	vmul.f32 $8.000000000e+00, v11;
	v47 =	vadd.s32 v20, v38;
	v44 =	vmul.f32 $8.000000000e+00, v54;
	v5 =	vld [tilespmem:s13+$0x120]  }
0x591: {  	v20 =	vmovc v14;
	v48 =	vadd.s32 v49, v38;
	v14 =	vmov v18;
	v58 =	vmul.f32 $8.000000000e+00, v58;
	v2 =	vld [tilespmem:s13+$0x160];
	[tilespmem:v57+s22+$0x0] =	vst.idx.msk $0xffff, v3  }
0x592: {  	v53 =	vadd.f32 v44, v33;
	v44 =	vadd.s32 v18, v38;
	v18 =	vmovc v0;
	v55 =	vadd.s32 v0, v38;
	v0 =	vld [tilespmem:$0x1FF20]  }
0x593: {  	v29 =	vmovc v49;
	v49 =	vadd.s32 v59, v38;
	v50 =	vadd.s32 v12, v38;
	v54 =	vadd.f32 v11, v33  }
0x594: {  	v51 =	vadd.f32 v58, v33;
	v7 =	vmul.f32 $8.000000000e+00, v7;
	v10 =	vmul.f32 $8.000000000e+00, v10  }
0x595: {  	v52 =	vadd.f32 v45, v33;
	v43 =	vadd.s32 v28, v38;
	v58 =	vld [tilespmem:s13+$0x1A0];
	v11 =	vmul.f32 $8.000000000e+00, v6  }
0x596: {  	v21 =	vmovc v59;
	v32 =	vmovc v17;
	v45 =	vadd.f32 v7, v33;
	v61 =	vmul.f32 $8.000000000e+00, v5;
	v60 =	vadd.f32 v10, v34;
	v59 =	vld [tilespmem:s13+$0x1F0]  }
0x597: {  	s6 =	simm.s32 $0xF800;
	v17 =	vmovc v13;
	v62 =	vadd.f32 v11, v34;
	v63 =	vmul.f32 $8.000000000e+00, v2;
	v57 =	vld [tilespmem:s13+$0x30];
	v13 =	vmovc v0;
	v56 =	vadd.s32 v0, v38  }
.LBB2_24:
0x598: {  	v0 =	vld [tilespmem:s13+$0x70]  }
0x599: {  	v3 =	vld [tilespmem:$0x1FDF0]  }
0x59a: {  	v8 =	vld [tilespmem:$0x1FE00];
	s13 =	sadd.s32 $0x200, s13  }
0x59b: {  	v10 =	vld [tilespmem:s13+$0x1C0]  }
0x59c: {  	v11 =	vld [tilespmem:s13+$0x0]  }
0x59d: {  	[tilespmem:v47+s22+$0x0] =	vst.idx.msk $0xffff, v60;
	v2 =	vadd.f32 v61, v34;
	v60 =	vld [tilespmem:$0x1FEF0]  }
0x59e: {  	[tilespmem:v46+s22+$0x0] =	vst.idx.msk $0xffff, v62;
	v62 =	vld [tilespmem:$0x1FF30]  }
0x59f: {  	s16 =	sadd.s32 $0x8, s16;
	[tilespmem:v48+s22+$0x0] =	vst.idx.msk $0xffff, v2;
	v48 =	vld [tilespmem:$0x1FE10]  }
0x5a0: {  	v5 =	vmov s16;
	v7 =	vadd.f32 v63, v34;
	v6 =	vld [tilespmem:s6+$0xB0]  }
0x5a1: {  	v9 =	vmovc v39;
	v39 =	vmovc v56;
	v5 =	vshrl.u32 v5, $0x3;
	v4 =	vmul.f32 $8.000000000e+00, v58;
	v56 =	vmul.f32 $8.000000000e+00, v57;
	v57 =	vld [tilespmem:$0x1FE70]  }
0x5a2: {  	v63 =	vadd.s32 v17, v38;
	v5 =	vshll.u32 v5, $0x3;
	v58 =	vld [tilespmem:$0x1FFD0]  }
0x5a3: {  	[tilespmem:v49+s22+$0x0] =	vst.idx.msk $0xffff, v7;
	v49 =	vmul.f32 $8.000000000e+00, v59;
	v59 =	vld [tilespmem:$0x1FEB0];
	v3 =	vadd.s32 v3, v38;
	v2 =	vadd.f32 v4, v34  }
0x5a4: {  	v8 =	vadd.s32 v8, v38;
	v7 =	vadd.s32 v48, v38;
	v38 =	vbroadcast v5, $0x0;
	v5 =	vld [tilespmem:s13+$0x40]  }
0x5a5: {  	[tilespmem:v50+s22+$0x0] =	vst.idx.msk $0xffff, v2;
	v2 =	vld [tilespmem:s13+$0x80]  }
0x5a6: {  	v46 =	vadd.f32 v49, v33;
	[tilespmem:v37+s22+$0x0] =	vst.idx.msk $0xffff, v54;
	v37 =	vmov v55;
	v55 =	vld [tilespmem:$0x1FE30]  }
0x5a7: {  	v49 =	vld [tilespmem:s13+$0xC0]  }
0x5a8: {  	v0 =	vmul.f32 $8.000000000e+00, v0;
	v10 =	vmul.f32 $8.000000000e+00, v10;
	[tilespmem:v63+s22+$0x0] =	vst.idx.msk $0xffff, v46;
	v46 =	vld [tilespmem:s13+$0x140]  }
0x5a9: {  	v61 =	vmul.f32 $8.000000000e+00, v11;
	v63 =	vld [tilespmem:$0x1FF60];
	v50 =	vadd.s32 v58, v38  }
0x5aa: {  	v0 =	vadd.f32 v0, v33;
	v10 =	vadd.f32 v10, v35;
	v48 =	vadd.s32 v57, v38;
	v57 =	vld [tilespmem:s13+$0x100]  }
0x5ab: {  	[tilespmem:v9+s22+$0x0] =	vst.idx.msk $0xffff, v52;
	v54 =	vadd.s32 v59, v38;
	v59 =	vld [tilespmem:$0x1FFA0];
	v47 =	vadd.s32 v55, v38;
	v5 =	vmul.f32 $8.000000000e+00, v5  }
0x5ac: {  	v4 =	vadd.f32 v61, v35;
	[tilespmem:v41+s22+$0x0] =	vst.idx.msk $0xffff, v51;
	v9 =	vld [tilespmem:s13+$0x180];
	v11 =	vadd.s32 v62, v38  }
0x5ad: {  	[tilespmem:v42+s22+$0x0] =	vst.idx.msk $0xffff, v53;
	v53 =	vadd.s32 v26, v38;
	v2 =	vmul.f32 $8.000000000e+00, v2;
	v5 =	vadd.f32 v5, v35  }
0x5ae: {  	v42 =	vld [tilespmem:s6+$0xF0];
	v51 =	vadd.s32 v30, v38;
	v55 =	vadd.s32 v60, v38;
	v60 =	vmul.f32 $8.000000000e+00, v49;
	[tilespmem:v50+s22+$0x0] =	vst.idx.msk $0xffff, v10  }
0x5af: {  	v58 =	vadd.s32 v63, v38;
	v2 =	vadd.f32 v2, v35;
	v61 =	vmul.f32 $8.000000000e+00, v57;
	v49 =	vld [tilespmem:s13+$0x1D0];
	[tilespmem:v48+s22+$0x0] =	vst.idx.msk $0xffff, v5  }
0x5b0: {  	v63 =	vmul.f32 $8.000000000e+00, v46;
	v52 =	vadd.s32 v59, v38;
	v62 =	vadd.f32 v60, v35;
	[tilespmem:v47+s22+$0x0] =	vst.idx.msk $0xffff, v4;
	v46 =	vld [tilespmem:s13+$0x50]  }
0x5b1: {  	v9 =	vmul.f32 $8.000000000e+00, v9;
	v57 =	vadd.s32 v32, v38;
	[tilespmem:v54+s22+$0x0] =	vst.idx.msk $0xffff, v2;
	v2 =	vadd.f32 v61, v35;
	v50 =	vld [tilespmem:s13+$0x10]  }
0x5b2: {  	v10 =	vld [tilespmem:s6+$0x130];
	v41 =	vadd.f32 v63, v35;
	v60 =	vadd.s32 v27, v38;
	v54 =	vadd.s32 v15, v38  }
0x5b3: {  	v5 =	vadd.s32 v23, v38;
	v4 =	vadd.s32 v16, v38;
	v48 =	vld [tilespmem:s13+$0x90];
	[tilespmem:v11+s22+$0x0] =	vst.idx.msk $0xffff, v2  }
0x5b4: {  	[tilespmem:v55+s22+$0x0] =	vst.idx.msk $0xffff, v62;
	v2 =	vadd.f32 v9, v35;
	v9 =	vadd.s32 v22, v38;
	v61 =	vld [tilespmem:s13+$0x110]  }
0x5b5: {  	v55 =	vadd.s32 v19, v38;
	[tilespmem:v58+s22+$0x0] =	vst.idx.msk $0xffff, v41;
	v59 =	vld [tilespmem:s13+$0xD0];
	v11 =	vmul.f32 $8.000000000e+00, v42;
	v41 =	vmul.f32 $8.000000000e+00, v49  }
0x5b6: {  	v62 =	vadd.s32 v25, v38;
	[tilespmem:v52+s22+$0x0] =	vst.idx.msk $0xffff, v2;
	v2 =	vmul.f32 $8.000000000e+00, v46;
	v42 =	vmul.f32 $8.000000000e+00, v50  }
0x5b7: {  	v47 =	vadd.s32 v31, v38;
	v58 =	vld [tilespmem:s13+$0x150];
	v49 =	vadd.s32 v21, v38;
	v50 =	vadd.f32 v41, v36  }
0x5b8: {  	v52 =	vld [tilespmem:s13+$0x190];
	[tilespmem:v40+s22+$0x0] =	vst.idx.msk $0xffff, v45;
	v46 =	vadd.s32 v24, v38;
	v45 =	vmul.f32 $8.000000000e+00, v48;
	v2 =	vadd.f32 v2, v36  }
0x5b9: {  	v63 =	vld [tilespmem:s6+$0x170];
	v48 =	vadd.s32 v29, v38;
	v61 =	vmul.f32 $8.000000000e+00, v61;
	v40 =	vadd.f32 v42, v36;
	[tilespmem:v9+s22+$0x0] =	vst.idx.msk $0xffff, v50  }
0x5ba: {  	v41 =	vmovc v8;
	v8 =	vld [tilespmem:s6+$0x1B0];
	v9 =	vadd.f32 v45, v36;
	[tilespmem:v51+s22+$0x0] =	vst.idx.msk $0xffff, v2;
	v42 =	vmov v3;
	v3 =	vmul.f32 $8.000000000e+00, v59  }
0x5bb: {  	v6 =	vmul.f32 $8.000000000e+00, v6;
	v50 =	vadd.s32 v12, v38;
	v51 =	vadd.f32 v61, v36;
	[tilespmem:v53+s22+$0x0] =	vst.idx.msk $0xffff, v40;
	v53 =	vld [tilespmem:s13+$0x1E0]  }
0x5bc: {  	v45 =	vadd.f32 v56, v33;
	[tilespmem:v4+s22+$0x0] =	vst.idx.msk $0xffff, v9;
	v59 =	vld [tilespmem:s13+$0x20];
	v2 =	vadd.f32 v3, v36;
	v3 =	vmul.f32 $8.000000000e+00, v58  }
0x5bd: {  	v52 =	vmul.f32 $8.000000000e+00, v52;
	v9 =	vadd.s32 v20, v38;
	[tilespmem:v54+s22+$0x0] =	vst.idx.msk $0xffff, v51;
	v40 =	vmov v7;
	v7 =	vld [tilespmem:s13+$0x60]  }
0x5be: {  	v10 =	vmul.f32 $8.000000000e+00, v10;
	v56 =	vld [tilespmem:s13+$0xA0];
	v54 =	vadd.f32 v6, v33;
	[tilespmem:v57+s22+$0x0] =	vst.idx.msk $0xffff, v2;
	v2 =	vadd.f32 v3, v36  }
0x5bf: {  	[tilespmem:v43+s22+$0x0] =	vst.idx.msk $0xffff, v45;
	v43 =	vadd.s32 v28, v38;
	v58 =	vadd.f32 v52, v36;
	v8 =	vmul.f32 $8.000000000e+00, v8;
	v57 =	vld [tilespmem:s13+$0xE0]  }
0x5c0: {  	v61 =	vld [tilespmem:s13+$0x120];
	v52 =	vadd.f32 v11, v33;
	v3 =	vmul.f32 $8.000000000e+00, v63;
	[tilespmem:v55+s22+$0x0] =	vst.idx.msk $0xffff, v2;
	v2 =	vmul.f32 $8.000000000e+00, v53  }
0x5c1: {  	p0 =	slt.u32 s16, $0x78;
	[tilespmem:v44+s22+$0x0] =	vst.idx.msk $0xffff, v0;
	v44 =	vadd.s32 v14, v38;
	v45 =	vadd.f32 v8, v33;
	v63 =	vmul.f32 $8.000000000e+00, v59;
	v11 =	vld [tilespmem:s13+$0x160]  }
.Ltmp11:
0x5c2: {  	v51 =	vadd.f32 v3, v33;
	v3 =	vmul.f32 $8.000000000e+00, v7;
	v2 =	vadd.f32 v2, v34;
	(pc) =	sbr.rel @p0 .LBB2_24-.Ltmp11, $4  }
0x5c3: {  	[tilespmem:v5+s22+$0x0] =	vst.idx.msk $0xffff, v58;
	v53 =	vadd.f32 v10, v33;
	v59 =	vadd.f32 v63, v34  }
0x5c4: {  	v58 =	vld [tilespmem:s13+$0x1A0];
	v63 =	vmul.f32 $8.000000000e+00, v56;
	v0 =	vadd.f32 v3, v34;
	v3 =	vmul.f32 $8.000000000e+00, v57;
	[tilespmem:v9+s22+$0x0] =	vst.idx.msk $0xffff, v2  }
0x5c5: {  	v55 =	vadd.s32 v18, v38;
	v61 =	vmul.f32 $8.000000000e+00, v61;
	v56 =	vadd.s32 v13, v38;
	[tilespmem:v60+s22+$0x0] =	vst.idx.msk $0xffff, v59;
	v59 =	vld [tilespmem:s13+$0x1F0]  }
0x5c6: {  	s6 =	smov.u32 s13;
	v60 =	vadd.f32 v63, v34;
	v57 =	vld [tilespmem:s13+$0x30];
	[tilespmem:v62+s22+$0x0] =	vst.idx.msk $0xffff, v0;
	v62 =	vadd.f32 v3, v34;
	v63 =	vmul.f32 $8.000000000e+00, v11  }
0x5c7: {  	_ =	sdelay $0x3  }
0x5c8: {  	[tilespmem:v37+s22+$0x0] =	vst.idx.msk $0xffff, v54  }
0x5c9: {  	[tilespmem:v39+s22+$0x0] =	vst.idx.msk $0xffff, v52  }
0x5ca: {  	[tilespmem:v42+s22+$0x0] =	vst.idx.msk $0xffff, v53  }
0x5cb: {  	v0 =	vadd.f32 v61, v34;
	[tilespmem:v47+s22+$0x0] =	vst.idx.msk $0xffff, v60;
	v2 =	vmul.f32 $8.000000000e+00, v58  }
0x5cc: {  	v4 =	vadd.s32 v17, v38;
	[tilespmem:v46+s22+$0x0] =	vst.idx.msk $0xffff, v62;
	v3 =	vadd.f32 v63, v34  }
0x5cd: {  	v5 =	vld [tilespmem:s13+$0x70];
	[tilespmem:v48+s22+$0x0] =	vst.idx.msk $0xffff, v0;
	v0 =	vadd.f32 v2, v34;
	v2 =	vmul.f32 $8.000000000e+00, v59  }
0x5ce: {  	[tilespmem:v49+s22+$0x0] =	vst.idx.msk $0xffff, v3;
	v3 =	vld [tilespmem:s6+$0xB0]  }
0x5cf: {  	v60 =	vmul.f32 $8.000000000e+00, v57;
	v6 =	vld [tilespmem:s6+$0x170];
	[tilespmem:v50+s22+$0x0] =	vst.idx.msk $0xffff, v0;
	v0 =	vadd.f32 v2, v33  }
0x5d0: {  	[tilespmem:v41+s22+$0x0] =	vst.idx.msk $0xffff, v51;
	v2 =	vld [tilespmem:s6+$0xF0]  }
0x5d1: {  	[tilespmem:v4+s22+$0x0] =	vst.idx.msk $0xffff, v0;
	v0 =	vld [tilespmem:s6+$0x130];
	v4 =	vadd.f32 v60, v33  }
0x5d2: {  	v42 =	vld [tilespmem:$0x1FDF0];
	[tilespmem:v40+s22+$0x0] =	vst.idx.msk $0xffff, v45  }
0x5d3: {  	v47 =	vld [tilespmem:$0x1FE00];
	[tilespmem:v43+s22+$0x0] =	vst.idx.msk $0xffff, v4  }
0x5d4: {  	v50 =	vld [tilespmem:$0x1FE10]  }
0x5d5: {  	v5 =	vmul.f32 $8.000000000e+00, v5;
	v7 =	vld [tilespmem:s6+$0x1B0]  }
0x5d6: {  	v3 =	vmul.f32 $8.000000000e+00, v3  }
0x5d7: {  	v5 =	vadd.f32 v5, v33;
	v2 =	vmul.f32 $8.000000000e+00, v2;
	v8 =	vadd.s32 v42, v38  }
0x5d8: {  	v3 =	vadd.f32 v3, v33;
	v0 =	vmul.f32 $8.000000000e+00, v0;
	v9 =	vadd.s32 v47, v38  }
0x5d9: {  	v6 =	vmul.f32 $8.000000000e+00, v6;
	[tilespmem:v44+s22+$0x0] =	vst.idx.msk $0xffff, v5;
	v2 =	vadd.f32 v2, v33;
	v61 =	vadd.s32 v50, v38  }
0x5da: {  	v62 =	vmul.f32 $8.000000000e+00, v7;
	[tilespmem:v55+s22+$0x0] =	vst.idx.msk $0xffff, v3;
	v0 =	vadd.f32 v0, v33  }
0x5db: {  	v3 =	vadd.f32 v6, v33;
	[tilespmem:v56+s22+$0x0] =	vst.idx.msk $0xffff, v2  }
0x5dc: {  	v2 =	vadd.f32 v62, v33;
	[tilespmem:v8+s22+$0x0] =	vst.idx.msk $0xffff, v0  }
0x5dd: {  	[tilespmem:v9+s22+$0x0] =	vst.idx.msk $0xffff, v3  }
0x5de: {  	[tilespmem:v61+s22+$0x0] =	vst.idx.msk $0xffff, v2  }
0x5df: {  	v35 =	vld [tilespmem:s0+$0x4C0]  }
0x5e0: {  	v36 =	vld [tilespmem:s0+$0x4D0]  }
0x5e1: {  	s31 =	simm.s32 $0x11600;
	v34 =	vld [tilespmem:s0+$0x4E0]  }
0x5e2: {  	v2 =	vld [tilespmem:s31+$0x1C0]  }
0x5e3: {  	s7 =	simm.s32 $0x0;
	v3 =	vld [tilespmem:s31+$0x0]  }
0x5e4: {  	v0 =	vmov s7;
	v54 =	vld [tilespmem:$0x1FFD0]  }
0x5e5: {  	v0 =	vshrl.u32 v0, $0x3;
	v51 =	vld [tilespmem:$0x1FE30]  }
0x5e6: {  	v0 =	vshll.u32 v0, $0x3;
	v52 =	vld [tilespmem:$0x1FE70]  }
0x5e7: {  	v38 =	vbroadcast v0, $0x0;
	v0 =	vld [tilespmem:s31+$0x40]  }
0x5e8: {  	v4 =	vld [tilespmem:s31+$0x80]  }
0x5e9: {  	v63 =	vld [tilespmem:s31+$0xC0];
	v44 =	vadd.s32 v54, v38  }
0x5ea: {  	v8 =	vld [tilespmem:s31+$0x100];
	v45 =	vadd.s32 v51, v38;
	v2 =	vmul.f32 $8.000000000e+00, v2  }
0x5eb: {  	v33 =	vld [tilespmem:s0+$0x4F0];
	v46 =	vadd.s32 v52, v38;
	v3 =	vmul.f32 $8.000000000e+00, v3  }
0x5ec: {  	v55 =	vld [tilespmem:$0x1FEB0];
	v0 =	vmul.f32 $8.000000000e+00, v0;
	v2 =	vadd.f32 v2, v35  }
0x5ed: {  	v56 =	vld [tilespmem:$0x1FEF0];
	v3 =	vadd.f32 v3, v35  }
0x5ee: {  	v58 =	vld [tilespmem:$0x1FF30];
	v0 =	vadd.f32 v0, v35;
	[tilespmem:v44+s23+$0x0] =	vst.idx.msk $0xffff, v2  }
0x5ef: {  	v11 =	vld [tilespmem:s31+$0x140];
	[tilespmem:v45+s23+$0x0] =	vst.idx.msk $0xffff, v3  }
0x5f0: {  	v59 =	vld [tilespmem:$0x1FF60];
	[tilespmem:v46+s23+$0x0] =	vst.idx.msk $0xffff, v0  }
0x5f1: {  	v10 =	vadd.s32 v55, v38;
	v60 =	vld [tilespmem:$0x1FFA0]  }
0x5f2: {  	v39 =	vld [tilespmem:s31+$0x180];
	v48 =	vadd.s32 v56, v38;
	v4 =	vmul.f32 $8.000000000e+00, v4  }
0x5f3: {  	v49 =	vadd.s32 v58, v38;
	v5 =	vmul.f32 $8.000000000e+00, v63  }
0x5f4: {  	v2 =	vadd.f32 v4, v35;
	v3 =	vmul.f32 $8.000000000e+00, v8;
	v53 =	vld [tilespmem:s31+$0x1D0]  }
0x5f5: {  	v7 =	vld [tilespmem:s31+$0x10];
	v0 =	vadd.f32 v5, v35;
	v57 =	vadd.s32 v59, v38  }
0x5f6: {  	v61 =	vmul.f32 $8.000000000e+00, v11;
	v9 =	vld [tilespmem:s31+$0x50];
	[tilespmem:v10+s23+$0x0] =	vst.idx.msk $0xffff, v2;
	v2 =	vadd.f32 v3, v35;
	v5 =	vadd.s32 v60, v38  }
0x5f7: {  	v3 =	vmul.f32 $8.000000000e+00, v39;
	v10 =	vld [tilespmem:s31+$0x90];
	[tilespmem:v48+s23+$0x0] =	vst.idx.msk $0xffff, v0  }
0x5f8: {  	v0 =	vadd.f32 v61, v35;
	v62 =	vld [tilespmem:s31+$0xD0];
	[tilespmem:v49+s23+$0x0] =	vst.idx.msk $0xffff, v2;
	v2 =	vadd.s32 v22, v38  }
0x5f9: {  	v63 =	vadd.s32 v26, v38;
	v3 =	vadd.f32 v3, v35;
	v44 =	vld [tilespmem:s31+$0x110];
	v4 =	vmul.f32 $8.000000000e+00, v53  }
0x5fa: {  	v45 =	vadd.s32 v30, v38;
	[tilespmem:v57+s23+$0x0] =	vst.idx.msk $0xffff, v0;
	v0 =	vmul.f32 $8.000000000e+00, v7  }
0x5fb: {  	v46 =	vadd.s32 v16, v38;
	v4 =	vadd.f32 v4, v36;
	v48 =	vld [tilespmem:s31+$0x150];
	[tilespmem:v5+s23+$0x0] =	vst.idx.msk $0xffff, v3;
	v3 =	vmul.f32 $8.000000000e+00, v9  }
0x5fc: {  	v49 =	vadd.s32 v32, v38;
	v10 =	vmul.f32 $8.000000000e+00, v10;
	v57 =	vld [tilespmem:s31+$0x190];
	v0 =	vadd.f32 v0, v36  }
0x5fd: {  	v60 =	vadd.s32 v15, v38;
	v8 =	vmul.f32 $8.000000000e+00, v62;
	[tilespmem:v2+s23+$0x0] =	vst.idx.msk $0xffff, v4;
	v3 =	vadd.f32 v3, v36  }
0x5fe: {  	v2 =	vmul.f32 $8.000000000e+00, v44;
	v4 =	vld [tilespmem:s31+$0x1E0];
	[tilespmem:v63+s23+$0x0] =	vst.idx.msk $0xffff, v0;
	v0 =	vadd.f32 v10, v36  }
0x5ff: {  	v61 =	vadd.s32 v19, v38;
	[tilespmem:v45+s23+$0x0] =	vst.idx.msk $0xffff, v3;
	v3 =	vadd.f32 v8, v36  }
0x600: {  	v62 =	vadd.s32 v23, v38;
	v11 =	vld [tilespmem:s31+$0x20];
	v7 =	vmul.f32 $8.000000000e+00, v48;
	[tilespmem:v46+s23+$0x0] =	vst.idx.msk $0xffff, v0;
	v0 =	vadd.f32 v2, v36  }
0x601: {  	v63 =	vld [tilespmem:s31+$0x60];
	v9 =	vmul.f32 $8.000000000e+00, v57;
	[tilespmem:v49+s23+$0x0] =	vst.idx.msk $0xffff, v3  }
0x602: {  	v48 =	vld [tilespmem:s31+$0xA0];
	v3 =	vadd.f32 v7, v36;
	[tilespmem:v60+s23+$0x0] =	vst.idx.msk $0xffff, v0;
	v0 =	vadd.s32 v20, v38  }
0x603: {  	v4 =	vmul.f32 $8.000000000e+00, v4;
	v5 =	vld [tilespmem:s31+$0xE0];
	v9 =	vadd.f32 v9, v36  }
0x604: {  	v2 =	vadd.s32 v27, v38;
	v40 =	vld [tilespmem:s31+$0x120];
	[tilespmem:v61+s23+$0x0] =	vst.idx.msk $0xffff, v3  }
0x605: {  	v4 =	vadd.f32 v4, v34;
	v3 =	vmul.f32 $8.000000000e+00, v11;
	v57 =	vld [tilespmem:s31+$0x160];
	[tilespmem:v62+s23+$0x0] =	vst.idx.msk $0xffff, v9;
	v62 =	vadd.s32 v28, v38  }
0x606: {  	v53 =	vadd.s32 v25, v38;
	v49 =	vadd.s32 v31, v38;
	v41 =	vld [tilespmem:s31+$0x1A0];
	[tilespmem:$0x1FC80] =	vst v62  }
0x607: {  	v60 =	vmul.f32 $8.000000000e+00, v63;
	v3 =	vadd.f32 v3, v34;
	[tilespmem:v0+s23+$0x0] =	vst.idx.msk $0xffff, v4;
	v0 =	vadd.s32 v14, v38  }
0x608: {  	v37 =	vadd.s32 v18, v38;
	v42 =	vadd.s32 v42, v38;
	v61 =	vmul.f32 $8.000000000e+00, v48;
	[tilespmem:$0x1FC90] =	vst v0  }
0x609: {  	s0 =	simm.s32 $0x11800;
	v39 =	vadd.s32 v13, v38;
	v8 =	vadd.f32 v60, v34;
	[tilespmem:v2+s23+$0x0] =	vst.idx.msk $0xffff, v3;
	v3 =	vld [tilespmem:s31+$0x1F0]  }
0x60a: {  	v10 =	vadd.s32 v21, v38;
	v0 =	vadd.f32 v61, v34;
	v2 =	vmul.f32 $8.000000000e+00, v40;
	v48 =	vld [tilespmem:s0+$0x0]  }
0x60b: {  	s13 =	simm.s32 $0x8;
	v45 =	vadd.s32 v24, v38;
	v60 =	vadd.s32 v17, v38;
	[tilespmem:v53+s23+$0x0] =	vst.idx.msk $0xffff, v8;
	v63 =	vld [tilespmem:s31+$0x30]  }
0x60c: {  	v53 =	vmul.f32 $8.000000000e+00, v57;
	v8 =	vld [tilespmem:s31+$0x70];
	[tilespmem:v49+s23+$0x0] =	vst.idx.msk $0xffff, v0;
	v57 =	vmov s13;
	v0 =	vadd.f32 v2, v34  }
0x60d: {  	v2 =	vmul.f32 $8.000000000e+00, v41;
	v41 =	vadd.s32 v47, v38;
	v7 =	vshrl.u32 v57, $0x3;
	v47 =	vld [tilespmem:s0+$0x1C0]  }
0x60e: {  	v46 =	vadd.s32 v29, v38;
	v5 =	vmul.f32 $8.000000000e+00, v5;
	v11 =	vld [tilespmem:s31+$0xB0];
	[tilespmem:$0x1FC70] =	vst v60;
	v7 =	vshll.u32 v7, $0x3  }
0x60f: {  	v9 =	vadd.s32 v12, v38;
	v40 =	vadd.s32 v50, v38;
	v61 =	vld [tilespmem:s0+$0x40];
	v38 =	vbroadcast v7, $0x0  }
0x610: {  	v5 =	vadd.f32 v5, v34;
	v62 =	vld [tilespmem:s0+$0x80]  }
0x611: {  	v6 =	vadd.f32 v53, v34;
	v53 =	vld [tilespmem:s0+$0xC0];
	v54 =	vadd.s32 v54, v38  }
0x612: {  	[tilespmem:v45+s23+$0x0] =	vst.idx.msk $0xffff, v5;
	v4 =	vmul.f32 $8.000000000e+00, v63;
	v51 =	vadd.s32 v51, v38;
	v63 =	vld [tilespmem:s0+$0x100];
	v47 =	vmul.f32 $8.000000000e+00, v47  }
0x613: {  	[tilespmem:v46+s23+$0x0] =	vst.idx.msk $0xffff, v0;
	v43 =	vmul.f32 $8.000000000e+00, v48;
	v48 =	vld [tilespmem:s0+$0x140];
	v52 =	vadd.s32 v52, v38  }
0x614: {  	v46 =	vld [tilespmem:$0x1FFA0];
	v55 =	vadd.s32 v55, v38;
	v0 =	vmul.f32 $8.000000000e+00, v61;
	v47 =	vadd.f32 v47, v35  }
0x615: {  	v60 =	vld [tilespmem:s0+$0x180];
	[tilespmem:v10+s23+$0x0] =	vst.idx.msk $0xffff, v6;
	v56 =	vadd.s32 v56, v38;
	v5 =	vadd.f32 v43, v35;
	v61 =	vmul.f32 $8.000000000e+00, v62  }
0x616: {  	v45 =	vadd.s32 v58, v38;
	v53 =	vmul.f32 $8.000000000e+00, v53;
	v0 =	vadd.f32 v0, v35;
	[tilespmem:v54+s23+$0x0] =	vst.idx.msk $0xffff, v47  }
0x617: {  	v58 =	vadd.s32 v59, v38;
	v62 =	vadd.f32 v61, v35;
	[tilespmem:v51+s23+$0x0] =	vst.idx.msk $0xffff, v5;
	v63 =	vmul.f32 $8.000000000e+00, v63  }
0x618: {  	v48 =	vmul.f32 $8.000000000e+00, v48;
	v43 =	vld [tilespmem:s0+$0x1D0];
	[tilespmem:v52+s23+$0x0] =	vst.idx.msk $0xffff, v0;
	v0 =	vadd.f32 v53, v35  }
0x619: {  	v46 =	vadd.s32 v46, v38;
	v52 =	vld [tilespmem:$0x1FF00];
	[tilespmem:v55+s23+$0x0] =	vst.idx.msk $0xffff, v62;
	v49 =	vadd.f32 v63, v35  }
0x61a: {  	v7 =	vmul.f32 $8.000000000e+00, v60;
	v62 =	vld [tilespmem:$0x1FF40];
	[tilespmem:v56+s23+$0x0] =	vst.idx.msk $0xffff, v0;
	v0 =	vadd.f32 v48, v35  }
0x61b: {  	v53 =	vld [tilespmem:s0+$0x50];
	[tilespmem:v45+s23+$0x0] =	vst.idx.msk $0xffff, v49  }
0x61c: {  	v5 =	vadd.f32 v7, v35;
	v63 =	vld [tilespmem:$0x1FFE0];
	[tilespmem:v58+s23+$0x0] =	vst.idx.msk $0xffff, v0  }
0x61d: {  	v2 =	vadd.f32 v2, v34;
	v0 =	vld [tilespmem:$0x1FFB0]  }
0x61e: {  	v43 =	vmul.f32 $8.000000000e+00, v43;
	v49 =	vld [tilespmem:$0x1FE90];
	[tilespmem:v46+s23+$0x0] =	vst.idx.msk $0xffff, v5  }
0x61f: {  	v50 =	vld [tilespmem:s31+$0xF0];
	[tilespmem:v9+s23+$0x0] =	vst.idx.msk $0xffff, v2  }
0x620: {  	v2 =	vmul.f32 $8.000000000e+00, v53;
	v53 =	vadd.f32 v43, v36;
	v43 =	vld [tilespmem:$0x1FC70]  }
0x621: {  	v57 =	vld [tilespmem:s0+$0x10]  }
0x622: {  	v60 =	vld [tilespmem:s0+$0x90]  }
0x623: {  	v61 =	vld [tilespmem:s0+$0xD0]  }
0x624: {  	v3 =	vmul.f32 $8.000000000e+00, v3;
	v7 =	vadd.s32 v63, v38  }
0x625: {  	v6 =	vadd.s32 v26, v38;
	v45 =	vmul.f32 $8.000000000e+00, v50;
	v50 =	vld [tilespmem:s0+$0x110]  }
0x626: {  	v59 =	vadd.s32 v30, v38;
	v3 =	vadd.f32 v3, v33;
	v5 =	vld [tilespmem:s0+$0x150];
	v63 =	vmul.f32 $8.000000000e+00, v57  }
0x627: {  	v10 =	vadd.s32 v16, v38;
	v52 =	vadd.s32 v52, v38;
	v9 =	vld [tilespmem:s0+$0x190]  }
0x628: {  	v51 =	vmul.f32 $8.000000000e+00, v60;
	v60 =	vmul.f32 $8.000000000e+00, v61;
	[tilespmem:v43+s23+$0x0] =	vst.idx.msk $0xffff, v3;
	v3 =	vadd.f32 v63, v36  }
0x629: {  	v55 =	vadd.s32 v62, v38;
	v2 =	vadd.f32 v2, v36;
	v43 =	vld [tilespmem:$0x1FF50];
	[tilespmem:v7+s23+$0x0] =	vst.idx.msk $0xffff, v53  }
0x62a: {  	v56 =	vadd.s32 v19, v38;
	v61 =	vadd.f32 v60, v36;
	v7 =	vld [tilespmem:$0x1FF80];
	[tilespmem:v6+s23+$0x0] =	vst.idx.msk $0xffff, v3;
	v6 =	vmul.f32 $8.000000000e+00, v50  }
0x62b: {  	v0 =	vadd.s32 v0, v38;
	v5 =	vmul.f32 $8.000000000e+00, v5;
	v3 =	vadd.f32 v51, v36;
	v53 =	vld [tilespmem:$0x1FFC0];
	[tilespmem:v59+s23+$0x0] =	vst.idx.msk $0xffff, v2  }
0x62c: {  	v9 =	vmul.f32 $8.000000000e+00, v9;
	[tilespmem:v52+s23+$0x0] =	vst.idx.msk $0xffff, v61;
	v6 =	vadd.f32 v6, v36  }
0x62d: {  	v5 =	vadd.f32 v5, v36;
	[tilespmem:v10+s23+$0x0] =	vst.idx.msk $0xffff, v3  }
0x62e: {  	v9 =	vadd.f32 v9, v36;
	[tilespmem:v55+s23+$0x0] =	vst.idx.msk $0xffff, v6  }
0x62f: {  	v55 =	vld [tilespmem:$0x1FFF0];
	[tilespmem:v56+s23+$0x0] =	vst.idx.msk $0xffff, v5  }
0x630: {  	[tilespmem:v0+s23+$0x0] =	vst.idx.msk $0xffff, v9  }
0x631: {  	v9 =	vld [tilespmem:$0x1FC80];
	_ =	sdelay $0x5  }
0x632: {  	v4 =	vadd.f32 v4, v33  }
0x633: {  	v54 =	vld [tilespmem:s31+$0x130]  }
0x634: {  	v51 =	vld [tilespmem:s0+$0x1E0];
	[tilespmem:v9+s23+$0x0] =	vst.idx.msk $0xffff, v4  }
0x635: {  	v9 =	vld [tilespmem:$0x1FC90]  }
0x636: {  	v2 =	vld [tilespmem:s0+$0x20]  }
0x637: {  	v57 =	vadd.s32 v49, v38;
	v49 =	vadd.s32 v7, v38;
	v7 =	vld [tilespmem:s31+$0x1B0];
	_ =	sdelay $0x1  }
0x638: {  	v8 =	vmul.f32 $8.000000000e+00, v8;
	v60 =	vadd.s32 v55, v38  }
0x639: {  	v62 =	vadd.s32 v27, v38;
	v63 =	vmul.f32 $8.000000000e+00, v54;
	v61 =	vmul.f32 $8.000000000e+00, v51  }
0x63a: {  	v8 =	vadd.f32 v8, v33;
	v3 =	vld [tilespmem:s0+$0x60];
	v50 =	vadd.s32 v53, v38;
	v0 =	vmul.f32 $8.000000000e+00, v2  }
0x63b: {  	v53 =	vadd.f32 v63, v33;
	v63 =	vadd.f32 v61, v34;
	v7 =	vmul.f32 $8.000000000e+00, v7  }
0x63c: {  	v58 =	vld [tilespmem:s31+$0x170];
	v0 =	vadd.f32 v0, v34;
	[tilespmem:v9+s23+$0x0] =	vst.idx.msk $0xffff, v8  }
0x63d: {  	v52 =	vadd.f32 v45, v33;
	v45 =	vadd.f32 v7, v33;
	v7 =	vld [tilespmem:$0x1FE60];
	[tilespmem:v60+s23+$0x0] =	vst.idx.msk $0xffff, v63  }
0x63e: {  	v4 =	vld [tilespmem:$0x1FEA0];
	[tilespmem:v62+s23+$0x0] =	vst.idx.msk $0xffff, v0  }
0x63f: {  	v3 =	vmul.f32 $8.000000000e+00, v3;
	v0 =	vld [tilespmem:$0x1FEE0]  }
0x640: {  	v10 =	vld [tilespmem:s0+$0xA0]  }
0x641: {  	v6 =	vld [tilespmem:s0+$0xE0];
	v3 =	vadd.f32 v3, v34  }
0x642: {  	v5 =	vld [tilespmem:s0+$0x120]  }
0x643: {  	v2 =	vld [tilespmem:s0+$0x160];
	[tilespmem:v57+s23+$0x0] =	vst.idx.msk $0xffff, v3  }
0x644: {  	v11 =	vmul.f32 $8.000000000e+00, v11;
	v55 =	vadd.s32 v0, v38;
	v0 =	vld [tilespmem:$0x1FF20]  }
0x645: {  	v47 =	vadd.s32 v31, v38;
	v46 =	vadd.s32 v24, v38;
	v58 =	vmul.f32 $8.000000000e+00, v58  }
0x646: {  	v54 =	vadd.f32 v11, v33;
	v10 =	vmul.f32 $8.000000000e+00, v10;
	v11 =	vmul.f32 $8.000000000e+00, v6  }
0x647: {  	v48 =	vadd.s32 v43, v38;
	v51 =	vadd.f32 v58, v33;
	v58 =	vld [tilespmem:s0+$0x1A0];
	v61 =	vmul.f32 $8.000000000e+00, v5  }
0x648: {  	v60 =	vadd.f32 v10, v34;
	v63 =	vmul.f32 $8.000000000e+00, v2;
	v59 =	vld [tilespmem:s0+$0x1F0];
	v62 =	vadd.f32 v11, v34  }
0x649: {  	s6 =	simm.s32 $0x11800;
	v57 =	vld [tilespmem:s0+$0x30];
	v43 =	vadd.s32 v7, v38;
	v44 =	vadd.s32 v4, v38;
	v56 =	vadd.s32 v0, v38  }
.LBB2_26:
0x64a: {  	v0 =	vld [tilespmem:s0+$0x70]  }
0x64b: {  	v3 =	vld [tilespmem:$0x1FDF0]  }
0x64c: {  	v8 =	vld [tilespmem:$0x1FE00];
	s0 =	sadd.s32 $0x200, s0  }
0x64d: {  	v10 =	vld [tilespmem:s0+$0x1C0]  }
0x64e: {  	v11 =	vld [tilespmem:s0+$0x0]  }
0x64f: {  	[tilespmem:v47+s23+$0x0] =	vst.idx.msk $0xffff, v60;
	v2 =	vadd.f32 v61, v34;
	v60 =	vld [tilespmem:$0x1FEF0]  }
0x650: {  	[tilespmem:v46+s23+$0x0] =	vst.idx.msk $0xffff, v62;
	v62 =	vld [tilespmem:$0x1FF30]  }
0x651: {  	s13 =	sadd.s32 $0x8, s13;
	[tilespmem:v48+s23+$0x0] =	vst.idx.msk $0xffff, v2;
	v48 =	vld [tilespmem:$0x1FE10]  }
0x652: {  	v5 =	vmov s13;
	v7 =	vadd.f32 v63, v34;
	v6 =	vld [tilespmem:s6+$0xB0]  }
0x653: {  	v9 =	vmovc v39;
	v39 =	vmovc v56;
	v5 =	vshrl.u32 v5, $0x3;
	v4 =	vmul.f32 $8.000000000e+00, v58;
	v56 =	vmul.f32 $8.000000000e+00, v57;
	v57 =	vld [tilespmem:$0x1FE70]  }
0x654: {  	v63 =	vadd.s32 v17, v38;
	v5 =	vshll.u32 v5, $0x3;
	v58 =	vld [tilespmem:$0x1FFD0]  }
0x655: {  	[tilespmem:v49+s23+$0x0] =	vst.idx.msk $0xffff, v7;
	v49 =	vmul.f32 $8.000000000e+00, v59;
	v59 =	vld [tilespmem:$0x1FEB0];
	v3 =	vadd.s32 v3, v38;
	v2 =	vadd.f32 v4, v34  }
0x656: {  	v8 =	vadd.s32 v8, v38;
	v7 =	vadd.s32 v48, v38;
	v38 =	vbroadcast v5, $0x0;
	v5 =	vld [tilespmem:s0+$0x40]  }
0x657: {  	[tilespmem:v50+s23+$0x0] =	vst.idx.msk $0xffff, v2;
	v2 =	vld [tilespmem:s0+$0x80]  }
0x658: {  	v46 =	vadd.f32 v49, v33;
	[tilespmem:v37+s23+$0x0] =	vst.idx.msk $0xffff, v54;
	v37 =	vmov v55;
	v55 =	vld [tilespmem:$0x1FE30]  }
0x659: {  	v49 =	vld [tilespmem:s0+$0xC0]  }
0x65a: {  	v0 =	vmul.f32 $8.000000000e+00, v0;
	v10 =	vmul.f32 $8.000000000e+00, v10;
	[tilespmem:v63+s23+$0x0] =	vst.idx.msk $0xffff, v46;
	v46 =	vld [tilespmem:s0+$0x140]  }
0x65b: {  	v61 =	vmul.f32 $8.000000000e+00, v11;
	v63 =	vld [tilespmem:$0x1FF60];
	v50 =	vadd.s32 v58, v38  }
0x65c: {  	v0 =	vadd.f32 v0, v33;
	v10 =	vadd.f32 v10, v35;
	v48 =	vadd.s32 v57, v38;
	v57 =	vld [tilespmem:s0+$0x100]  }
0x65d: {  	[tilespmem:v9+s23+$0x0] =	vst.idx.msk $0xffff, v52;
	v54 =	vadd.s32 v59, v38;
	v59 =	vld [tilespmem:$0x1FFA0];
	v47 =	vadd.s32 v55, v38;
	v5 =	vmul.f32 $8.000000000e+00, v5  }
0x65e: {  	v4 =	vadd.f32 v61, v35;
	[tilespmem:v41+s23+$0x0] =	vst.idx.msk $0xffff, v51;
	v9 =	vld [tilespmem:s0+$0x180];
	v11 =	vadd.s32 v62, v38  }
0x65f: {  	[tilespmem:v42+s23+$0x0] =	vst.idx.msk $0xffff, v53;
	v53 =	vadd.s32 v26, v38;
	v2 =	vmul.f32 $8.000000000e+00, v2;
	v5 =	vadd.f32 v5, v35  }
0x660: {  	v42 =	vld [tilespmem:s6+$0xF0];
	v51 =	vadd.s32 v30, v38;
	v55 =	vadd.s32 v60, v38;
	v60 =	vmul.f32 $8.000000000e+00, v49;
	[tilespmem:v50+s23+$0x0] =	vst.idx.msk $0xffff, v10  }
0x661: {  	v58 =	vadd.s32 v63, v38;
	v2 =	vadd.f32 v2, v35;
	v61 =	vmul.f32 $8.000000000e+00, v57;
	v49 =	vld [tilespmem:s0+$0x1D0];
	[tilespmem:v48+s23+$0x0] =	vst.idx.msk $0xffff, v5  }
0x662: {  	v63 =	vmul.f32 $8.000000000e+00, v46;
	v52 =	vadd.s32 v59, v38;
	v62 =	vadd.f32 v60, v35;
	[tilespmem:v47+s23+$0x0] =	vst.idx.msk $0xffff, v4;
	v46 =	vld [tilespmem:s0+$0x50]  }
0x663: {  	v9 =	vmul.f32 $8.000000000e+00, v9;
	v57 =	vadd.s32 v32, v38;
	[tilespmem:v54+s23+$0x0] =	vst.idx.msk $0xffff, v2;
	v2 =	vadd.f32 v61, v35;
	v50 =	vld [tilespmem:s0+$0x10]  }
0x664: {  	v10 =	vld [tilespmem:s6+$0x130];
	v41 =	vadd.f32 v63, v35;
	v60 =	vadd.s32 v27, v38;
	v54 =	vadd.s32 v15, v38  }
0x665: {  	v5 =	vadd.s32 v23, v38;
	v4 =	vadd.s32 v16, v38;
	v48 =	vld [tilespmem:s0+$0x90];
	[tilespmem:v11+s23+$0x0] =	vst.idx.msk $0xffff, v2  }
0x666: {  	[tilespmem:v55+s23+$0x0] =	vst.idx.msk $0xffff, v62;
	v2 =	vadd.f32 v9, v35;
	v9 =	vadd.s32 v22, v38;
	v61 =	vld [tilespmem:s0+$0x110]  }
0x667: {  	v55 =	vadd.s32 v19, v38;
	[tilespmem:v58+s23+$0x0] =	vst.idx.msk $0xffff, v41;
	v59 =	vld [tilespmem:s0+$0xD0];
	v11 =	vmul.f32 $8.000000000e+00, v42;
	v41 =	vmul.f32 $8.000000000e+00, v49  }
0x668: {  	v62 =	vadd.s32 v25, v38;
	[tilespmem:v52+s23+$0x0] =	vst.idx.msk $0xffff, v2;
	v2 =	vmul.f32 $8.000000000e+00, v46;
	v42 =	vmul.f32 $8.000000000e+00, v50  }
0x669: {  	v47 =	vadd.s32 v31, v38;
	v58 =	vld [tilespmem:s0+$0x150];
	v49 =	vadd.s32 v21, v38;
	v50 =	vadd.f32 v41, v36  }
0x66a: {  	v52 =	vld [tilespmem:s0+$0x190];
	[tilespmem:v40+s23+$0x0] =	vst.idx.msk $0xffff, v45;
	v46 =	vadd.s32 v24, v38;
	v45 =	vmul.f32 $8.000000000e+00, v48;
	v2 =	vadd.f32 v2, v36  }
0x66b: {  	v63 =	vld [tilespmem:s6+$0x170];
	v48 =	vadd.s32 v29, v38;
	v61 =	vmul.f32 $8.000000000e+00, v61;
	v40 =	vadd.f32 v42, v36;
	[tilespmem:v9+s23+$0x0] =	vst.idx.msk $0xffff, v50  }
0x66c: {  	v41 =	vmovc v8;
	v8 =	vld [tilespmem:s6+$0x1B0];
	v9 =	vadd.f32 v45, v36;
	[tilespmem:v51+s23+$0x0] =	vst.idx.msk $0xffff, v2;
	v42 =	vmov v3;
	v3 =	vmul.f32 $8.000000000e+00, v59  }
0x66d: {  	v6 =	vmul.f32 $8.000000000e+00, v6;
	v50 =	vadd.s32 v12, v38;
	v51 =	vadd.f32 v61, v36;
	[tilespmem:v53+s23+$0x0] =	vst.idx.msk $0xffff, v40;
	v53 =	vld [tilespmem:s0+$0x1E0]  }
0x66e: {  	v45 =	vadd.f32 v56, v33;
	[tilespmem:v4+s23+$0x0] =	vst.idx.msk $0xffff, v9;
	v59 =	vld [tilespmem:s0+$0x20];
	v2 =	vadd.f32 v3, v36;
	v3 =	vmul.f32 $8.000000000e+00, v58  }
0x66f: {  	v52 =	vmul.f32 $8.000000000e+00, v52;
	v9 =	vadd.s32 v20, v38;
	[tilespmem:v54+s23+$0x0] =	vst.idx.msk $0xffff, v51;
	v40 =	vmov v7;
	v7 =	vld [tilespmem:s0+$0x60]  }
0x670: {  	v10 =	vmul.f32 $8.000000000e+00, v10;
	v56 =	vld [tilespmem:s0+$0xA0];
	v54 =	vadd.f32 v6, v33;
	[tilespmem:v57+s23+$0x0] =	vst.idx.msk $0xffff, v2;
	v2 =	vadd.f32 v3, v36  }
0x671: {  	[tilespmem:v43+s23+$0x0] =	vst.idx.msk $0xffff, v45;
	v43 =	vadd.s32 v28, v38;
	v58 =	vadd.f32 v52, v36;
	v8 =	vmul.f32 $8.000000000e+00, v8;
	v57 =	vld [tilespmem:s0+$0xE0]  }
0x672: {  	v61 =	vld [tilespmem:s0+$0x120];
	v52 =	vadd.f32 v11, v33;
	v3 =	vmul.f32 $8.000000000e+00, v63;
	[tilespmem:v55+s23+$0x0] =	vst.idx.msk $0xffff, v2;
	v2 =	vmul.f32 $8.000000000e+00, v53  }
0x673: {  	p0 =	slt.u32 s13, $0x78;
	[tilespmem:v44+s23+$0x0] =	vst.idx.msk $0xffff, v0;
	v44 =	vadd.s32 v14, v38;
	v45 =	vadd.f32 v8, v33;
	v63 =	vmul.f32 $8.000000000e+00, v59;
	v11 =	vld [tilespmem:s0+$0x160]  }
.Ltmp12:
0x674: {  	v51 =	vadd.f32 v3, v33;
	v3 =	vmul.f32 $8.000000000e+00, v7;
	v2 =	vadd.f32 v2, v34;
	(pc) =	sbr.rel @p0 .LBB2_26-.Ltmp12, $4  }
0x675: {  	[tilespmem:v5+s23+$0x0] =	vst.idx.msk $0xffff, v58;
	v53 =	vadd.f32 v10, v33;
	v59 =	vadd.f32 v63, v34  }
0x676: {  	v58 =	vld [tilespmem:s0+$0x1A0];
	v63 =	vmul.f32 $8.000000000e+00, v56;
	v0 =	vadd.f32 v3, v34;
	v3 =	vmul.f32 $8.000000000e+00, v57;
	[tilespmem:v9+s23+$0x0] =	vst.idx.msk $0xffff, v2  }
0x677: {  	v55 =	vadd.s32 v18, v38;
	v61 =	vmul.f32 $8.000000000e+00, v61;
	v56 =	vadd.s32 v13, v38;
	[tilespmem:v60+s23+$0x0] =	vst.idx.msk $0xffff, v59;
	v59 =	vld [tilespmem:s0+$0x1F0]  }
0x678: {  	s6 =	smov.u32 s0;
	v60 =	vadd.f32 v63, v34;
	v57 =	vld [tilespmem:s0+$0x30];
	[tilespmem:v62+s23+$0x0] =	vst.idx.msk $0xffff, v0;
	v62 =	vadd.f32 v3, v34;
	v63 =	vmul.f32 $8.000000000e+00, v11  }
0x679: {  	_ =	sdelay $0x3  }
0x67a: {  	[tilespmem:v37+s23+$0x0] =	vst.idx.msk $0xffff, v54  }
0x67b: {  	[tilespmem:v39+s23+$0x0] =	vst.idx.msk $0xffff, v52  }
0x67c: {  	[tilespmem:v42+s23+$0x0] =	vst.idx.msk $0xffff, v53  }
0x67d: {  	v0 =	vadd.f32 v61, v34;
	[tilespmem:v47+s23+$0x0] =	vst.idx.msk $0xffff, v60;
	v2 =	vmul.f32 $8.000000000e+00, v58  }
0x67e: {  	v4 =	vadd.s32 v17, v38;
	[tilespmem:v46+s23+$0x0] =	vst.idx.msk $0xffff, v62;
	v3 =	vadd.f32 v63, v34  }
0x67f: {  	v5 =	vld [tilespmem:s0+$0x70];
	[tilespmem:v48+s23+$0x0] =	vst.idx.msk $0xffff, v0;
	v0 =	vadd.f32 v2, v34;
	v2 =	vmul.f32 $8.000000000e+00, v59  }
0x680: {  	[tilespmem:v49+s23+$0x0] =	vst.idx.msk $0xffff, v3;
	v3 =	vld [tilespmem:s6+$0xB0]  }
0x681: {  	v62 =	vmul.f32 $8.000000000e+00, v57;
	v6 =	vld [tilespmem:s6+$0x170];
	[tilespmem:v50+s23+$0x0] =	vst.idx.msk $0xffff, v0;
	v0 =	vadd.f32 v2, v33  }
0x682: {  	[tilespmem:v41+s23+$0x0] =	vst.idx.msk $0xffff, v51;
	v2 =	vld [tilespmem:s6+$0xF0]  }
0x683: {  	[tilespmem:v4+s23+$0x0] =	vst.idx.msk $0xffff, v0;
	v0 =	vld [tilespmem:s6+$0x130];
	v4 =	vadd.f32 v62, v33  }
0x684: {  	v8 =	vld [tilespmem:$0x1FDF0];
	[tilespmem:v40+s23+$0x0] =	vst.idx.msk $0xffff, v45  }
0x685: {  	v9 =	vld [tilespmem:$0x1FE00];
	[tilespmem:v43+s23+$0x0] =	vst.idx.msk $0xffff, v4  }
0x686: {  	v4 =	vld [tilespmem:$0x1FE10]  }
0x687: {  	v5 =	vmul.f32 $8.000000000e+00, v5;
	v7 =	vld [tilespmem:s6+$0x1B0]  }
0x688: {  	v3 =	vmul.f32 $8.000000000e+00, v3  }
0x689: {  	v5 =	vadd.f32 v5, v33;
	v2 =	vmul.f32 $8.000000000e+00, v2;
	v8 =	vadd.s32 v8, v38  }
0x68a: {  	v3 =	vadd.f32 v3, v33;
	v0 =	vmul.f32 $8.000000000e+00, v0;
	v9 =	vadd.s32 v9, v38  }
0x68b: {  	v6 =	vmul.f32 $8.000000000e+00, v6;
	[tilespmem:v44+s23+$0x0] =	vst.idx.msk $0xffff, v5;
	v2 =	vadd.f32 v2, v33;
	v4 =	vadd.s32 v4, v38  }
0x68c: {  	v63 =	vmul.f32 $8.000000000e+00, v7;
	[tilespmem:v55+s23+$0x0] =	vst.idx.msk $0xffff, v3;
	v0 =	vadd.f32 v0, v33  }
0x68d: {  	s8 =	sshll.u32 s1, $0x12;
	v3 =	vadd.f32 v6, v33;
	[tilespmem:v56+s23+$0x0] =	vst.idx.msk $0xffff, v2  }
0x68e: {  	s0 =	sor.u32 s10, s8;
	v2 =	vadd.f32 v63, v33;
	[tilespmem:v8+s23+$0x0] =	vst.idx.msk $0xffff, v0  }
0x68f: {  	s0 =	sshrl.u32 s0, $0x3;
	[tilespmem:v9+s23+$0x0] =	vst.idx.msk $0xffff, v3  }
0x690: {  	s12 =	simm.s32 $0x17A00;
	s1 =	sadd.s32 s2, s0;
	[tilespmem:v4+s23+$0x0] =	vst.idx.msk $0xffff, v2  }
0x691: {  	[hbm4b:s1+s3] =	stream.linear.scatter [tilespmem:s12], [sflag:$0x4], $0x80, $0x38;
	[tilespmem:$0x1BE00] =	vst v63  }
0x692: {  	s13 =	simm.s32 $0x17A88;
	s16 =	sadd.s32 $0x10, s1  }
0x693: {  	[hbm4b:s16+s3] =	stream.linear.scatter [tilespmem:s13], [sflag:$0x4], $0x80, $0x38;
	[tilespmem:$0x1BE00] =	vst v63  }
0x694: {  	s30 =	simm.s32 $0x17B10;
	s8 =	simm.s32 $0x17C20;
	s31 =	sadd.s32 $0x20, s1  }
0x695: {  	[hbm4b:s31+s3] =	stream.linear.scatter [tilespmem:s30], [sflag:$0x4], $0x80, $0x38;
	[tilespmem:$0x1BE00] =	vst v63  }
0x696: {  	s0 =	simm.s32 $0x440;
	s7 =	sadd.s32 $0x30, s1;
	s6 =	simm.s32 $0x17B98  }
0x697: {  	[hbm4b:s7+s3] =	stream.linear.scatter [tilespmem:s6], [sflag:$0x4], $0x80, $0x38;
	[tilespmem:$0x1BE00] =	vst v63  }
0x698: {  	s12 =	sadd.s32 $0x40, s1;
	s13 =	simm.s32 $0x17CA8;
	s16 =	sadd.s32 $0x50, s1  }
0x699: {  	[hbm4b:s12+s3] =	stream.linear.scatter [tilespmem:s8], [sflag:$0x4], $0x80, $0x38;
	[tilespmem:$0x1BE00] =	vst v63  }
0x69a: {  	s30 =	simm.s32 $0x17D30;
	s31 =	sadd.s32 $0x60, s1;
	s6 =	simm.s32 $0x2200  }
0x69b: {  	[hbm4b:s16+s3] =	stream.linear.scatter [tilespmem:s13], [sflag:$0x4], $0x80, $0x38;
	[tilespmem:$0x1BE00] =	vst v63  }
0x69c: {  	s8 =	simm.s32 $0x17DB8;
	s12 =	sadd.s32 $0x70, s1;
	s1 =	sadd.s32 $0x1000, s1  }
0x69d: {  	[hbm4b:s31+s3] =	stream.linear.scatter [tilespmem:s30], [sflag:$0x4], $0x80, $0x38;
	[tilespmem:$0x1BE00] =	vst v63  }
.LBB2_28:
0x69e: {  	[hbm4b:s12+s3] =	stream.linear.scatter [tilespmem:s8], [sflag:$0x4], $0x80, $0x38;
	[tilespmem:$0x1BE00] =	vst v63  }
0x69f: {  	s7 =	smov.u32 s0;
	s0 =	smov.u32 s6  }
0x6a0: {  	s13 =	sadd.s32 $0x1100, s6;
	s0 =	sshra.s32 s0, $0x2;
	s8 =	sadd.s32 $0x17A00, s7  }
0x6a1: {  	[hbm4b:s1+s3] =	stream.linear.scatter [tilespmem:s8], [sflag:$0x4], $0x80, $0x38;
	[tilespmem:$0x1BE00] =	vst v63  }
0x6a2: {  	p0 =	sne.s32 s6, $0xFF00;
	s6 =	sadd.s32 $0x17A88, s7;
	s8 =	sadd.s32 $0x10, s1  }
0x6a3: {  	[hbm4b:s8+s3] =	stream.linear.scatter [tilespmem:s6], [sflag:$0x4], $0x80, $0x38;
	[tilespmem:$0x1BE00] =	vst v63  }
0x6a4: {  	s6 =	sadd.s32 $0x17B10, s7;
	s8 =	sadd.s32 $0x20, s1  }
0x6a5: {  	[hbm4b:s8+s3] =	stream.linear.scatter [tilespmem:s6], [sflag:$0x4], $0x80, $0x38;
	[tilespmem:$0x1BE00] =	vst v63  }
0x6a6: {  	s6 =	sadd.s32 $0x17B98, s7;
	s8 =	sadd.s32 $0x30, s1  }
0x6a7: {  	[hbm4b:s8+s3] =	stream.linear.scatter [tilespmem:s6], [sflag:$0x4], $0x80, $0x38;
	[tilespmem:$0x1BE00] =	vst v63  }
0x6a8: {  	s6 =	sadd.s32 $0x17C20, s7;
	s8 =	sadd.s32 $0x40, s1  }
0x6a9: {  	[hbm4b:s8+s3] =	stream.linear.scatter [tilespmem:s6], [sflag:$0x4], $0x80, $0x38;
	[tilespmem:$0x1BE00] =	vst v63  }
.Ltmp13:
0x6aa: {  	s6 =	sadd.s32 $0x17CA8, s7;
	s8 =	sadd.s32 $0x50, s1;
	(pc) =	sbr.rel @p0 .LBB2_28-.Ltmp13, $4  }
0x6ab: {  	[hbm4b:s8+s3] =	stream.linear.scatter [tilespmem:s6], [sflag:$0x4], $0x80, $0x38;
	[tilespmem:$0x1BE00] =	vst v63  }
0x6ac: {  	s12 =	sadd.s32 $0x70, s1;
	s6 =	sadd.s32 $0x17D30, s7;
	s8 =	sadd.s32 $0x60, s1  }
0x6ad: {  	[hbm4b:s8+s3] =	stream.linear.scatter [tilespmem:s6], [sflag:$0x4], $0x80, $0x38;
	[tilespmem:$0x1BE00] =	vst v63  }
0x6ae: {  	s1 =	sadd.s32 $0x1000, s1;
	s8 =	sadd.s32 $0x17DB8, s7;
	s6 =	smov.u32 s13  }
0x6af: {  	v3 =	vld [tilespmem:$0x1FE30]  }
0x6b0: {  	v4 =	vld [tilespmem:$0x1FE40]  }
0x6b1: {  	v5 =	vld [tilespmem:$0x1FE50]  }
0x6b2: {  	v6 =	vld [tilespmem:$0x1FE60]  }
0x6b3: {  	v7 =	vld [tilespmem:$0x1FE70]  }
0x6b4: {  	v8 =	vld [tilespmem:$0x1FE80]  }
0x6b5: {  	v9 =	vld [tilespmem:$0x1FE90]  }
0x6b6: {  	v10 =	vld [tilespmem:$0x1FEA0]  }
0x6b7: {  	v11 =	vld [tilespmem:$0x1FEB0]  }
0x6b8: {  	v27 =	vld [tilespmem:$0x1FEC0]  }
0x6b9: {  	[hbm4b:s12+s3] =	stream.linear.scatter [tilespmem:s8], [sflag:$0x4], $0x80, $0x38;
	v13 =	vld [tilespmem:$0x1FED0]  }
0x6ba: {  	s6 =	sadd.s32 $0x17A00, s0;
	v14 =	vld [tilespmem:$0x1FEE0]  }
0x6bb: {  	v16 =	vld [tilespmem:$0x1FEF0];
	[hbm4b:s1+s3] =	stream.linear.scatter [tilespmem:s6], [sflag:$0x4], $0x80, $0x38  }
0x6bc: {  	s31 =	sadd.s32 $0x17A88, s0;
	s7 =	sadd.s32 $0x10, s1;
	v17 =	vld [tilespmem:$0x1FF00]  }
0x6bd: {  	v18 =	vld [tilespmem:$0x1FF10];
	[hbm4b:s7+s3] =	stream.linear.scatter [tilespmem:s31], [sflag:$0x4], $0x80, $0x38  }
0x6be: {  	s8 =	sadd.s32 $0x17B10, s0;
	s12 =	sadd.s32 $0x20, s1;
	v15 =	vld [tilespmem:$0x1FF20]  }
0x6bf: {  	v20 =	vld [tilespmem:$0x1FF30];
	[hbm4b:s12+s3] =	stream.linear.scatter [tilespmem:s8], [sflag:$0x4], $0x80, $0x38  }
0x6c0: {  	s13 =	sadd.s32 $0x17B98, s0;
	s16 =	sadd.s32 $0x30, s1;
	v21 =	vld [tilespmem:$0x1FF40]  }
0x6c1: {  	v22 =	vld [tilespmem:$0x1FF50];
	[hbm4b:s16+s3] =	stream.linear.scatter [tilespmem:s13], [sflag:$0x4], $0x80, $0x38  }
0x6c2: {  	s30 =	sadd.s32 $0x17C20, s0;
	s29 =	sadd.s32 $0x1, s29;
	v24 =	vld [tilespmem:$0x1FF60];
	s31 =	sadd.s32 $0x40, s1  }
0x6c3: {  	v25 =	vld [tilespmem:$0x1FF70];
	[hbm4b:s31+s3] =	stream.linear.scatter [tilespmem:s30], [sflag:$0x4], $0x80, $0x38  }
0x6c4: {  	v26 =	vld [tilespmem:$0x1FF80];
	p0 =	sne.s32 s29, $0x19;
	s8 =	sadd.s32 $0x17CA8, s0;
	s12 =	sadd.s32 $0x50, s1  }
0x6c5: {  	v23 =	vld [tilespmem:$0x1FFA0];
	[hbm4b:s12+s3] =	stream.linear.scatter [tilespmem:s8], [sflag:$0x4], $0x80, $0x38  }
.Ltmp14:
0x6c6: {  	v12 =	vld [tilespmem:$0x1FFB0];
	(pc) =	sbr.rel @p0 .LBB2_2-.Ltmp14, $4  }
0x6c7: {  	v28 =	vld [tilespmem:$0x1FFC0];
	s13 =	sadd.s32 $0x17D30, s0;
	s16 =	sadd.s32 $0x60, s1  }
0x6c8: {  	v31 =	vld [tilespmem:$0x1FFD0];
	[hbm4b:s16+s3] =	stream.linear.scatter [tilespmem:s13], [sflag:$0x4], $0x80, $0x38  }
0x6c9: {  	v0 =	vld [tilespmem:$0x1FFE0];
	s30 =	sadd.s32 $0x17DB8, s0;
	s31 =	sadd.s32 $0x70, s1  }
0x6ca: {  	v29 =	vld [tilespmem:$0x1FFF0];
	[hbm4b:s31+s3] =	stream.linear.scatter [tilespmem:s30], [sflag:$0x4], $0x80, $0x38  }
0x6cb: {  	_ =	swait.ge [sflag:s25], $0x4000  }
0x6cc: {  	[sflag:s25] =	ssyncset.done $0x0  }
0x6cd: {  	[sflag:s25] =	ssyncadd.s32 $0xFFFFC000  }
0x6ce: {  	_ =	swait.ge [sflag:s26], $0x4000  }
0x6cf: {  	s28 =	sadd.s32 $0x1, s28;
	s0 =	rddreg [dreg:$0x6]  }
0x6d0: {  	p0 =	sne.s32 s28, s0  }
.Ltmp15:
0x6d1: {  	_ = 	snop;
	(pc) =	sbr.rel @p0 .LBB2_1-.Ltmp15, $3  }
0x6d2: {  	_ =	sdelay $0x1  }
0x6d3: {  	[sflag:s26] =	ssyncset.done $0x0  }
0x6d4: {  	[sflag:s26] =	ssyncadd.s32 $0xFFFFC000  }
0x6d5: {  	_ =	sfence.sel $0x180000  }
0x6d6: {  	[bflag:$0x0] =	sbarrier.arrive $0xFFFF  }
0x6d7: {  	_ =	strace $0x90000047  }
0x6d8: {  	s0 =	stileid.u32;
	[bflag:$0x2] =	sbarrier.arrive $0xFFFF  }
0x6d9: {  	p0 =	sne.s32 s0, $0x0;
	s0 =	rddreg [dreg:$0x2]  }
0x6da: {  	s0 =	sadd.s32 @!p0 $0x100000, s0  }
0x6db: {  	[sflag:s0] =	ssyncadd.tile.s32 @!p0 $0x1;
	_ =	shalt  }
.Lfunc_end2:
_tile_overlayer_lowered:
.L_overlay_start_2:
0x6dc: {  	(tag) =	ssettag $0x2  }
0x6dd: {  	s0 =	rddreg [dreg:$0x0];
	s2 =	stileid.u32  }
0x6de: {  	s1 =	rddreg [dreg:$0x1];
	p0 =	sne.s32 s2, $0x0  }
0x6df: {  	s3 =	rddreg [dreg:$0x2];
	[bflag:$0x3] =	sbarrier.arrive $0xFFFF;
	s2 =	simm.s32 @!p0 $0x1C07  }
0x6e0: {  	[timem:s3], [sflag:s2] =	dma.local @!p0 [hbm:s0], s1  }
0x6e1: {  	s0 =	simm.s32 @!p0 $0x7  }
0x6e2: {  	_ =	swait.ge @!p0 [sflag:s0], s1  }
0x6e3: {  	s1 =	ssub.s32 @!p0 $0x0, s1;
	[sflag:s0] =	ssyncset.done @!p0 $0x0  }
0x6e4: {  	[sflag:s0] =	ssyncadd.s32 @!p0 s1  }
0x6e5: {  	[bflag:$0x3] =	sbarrier.arrive $0xFFFF  }
0x6e6: {  	_ =	shalt  }

</sc_bundles>
